<compile_context>
chip_gen: v7x
topology: tpu7x:2x2x1
jax: 0.10.2.dev20260603
libtpu: 0.0.44.dev20260713+nightly
codegen_flags: <defaults>
</compile_context>

<pallas_src>
import functools

import jax
import jax.numpy as jnp
from jax import lax
from jax.experimental import pallas as pl
from jax.experimental.pallas import tpu as pltpu
from jax.experimental.pallas import tpu_sc as plsc

B = 4
S = 4096
D = 2048
K = S // 2
OUT_ROWS = K + 1
IDX_STRIDE = 2176
NC, NS = 2, 16
WPB = 8
RPW = K // WPB
CH = 16
NCHUNK = RPW // CH


def _topk_body(v_ref, out_ref):
    V = v_ref[...]
    ir = lax.broadcasted_iota(jnp.int32, (B, 32, 128), 1)
    ic = lax.broadcasted_iota(jnp.int32, (B, 32, 128), 2)
    I = ir * 128 + ic
    idx = I
    for ks in range(1, 13):
        kbit = 1 << ks
        for j in reversed(range(ks)):
            d = 1 << j
            ax = 1 if d >= 128 else 2
            sh = d // 128 if d >= 128 else d
            n_ax = 32 if ax == 1 else 128
            lo = (I & d) == 0
            asc = (I & kbit) != 0
            want_min = lo == asc
            Pv = jnp.where(lo, pltpu.roll(V, n_ax - sh, axis=ax),
                           pltpu.roll(V, sh, axis=ax))
            Pi = jnp.where(lo, pltpu.roll(idx, n_ax - sh, axis=ax),
                           pltpu.roll(idx, sh, axis=ax))
            a_gt = (V > Pv) | ((V == Pv) & (idx < Pi))
            sel = a_gt ^ want_min
            V = jnp.where(sel, V, Pv)
            idx = jnp.where(sel, idx, Pi)
    kept = idx[:, :K // 128, :].reshape(B, K) + 1
    out_ref[...] = jnp.concatenate(
        [jnp.zeros((B, 1), jnp.int32), kept,
         jnp.zeros((B, IDX_STRIDE - OUT_ROWS), jnp.int32)], axis=1)


_topk = pl.pallas_call(
    _topk_body,
    out_shape=jax.ShapeDtypeStruct((B, IDX_STRIDE), jnp.int32),
)


NBUF = 3


def _gather_body(x_hbm, lidx_hbm, out_hbm, idx_v, buf0, buf1, buf2, buf_t,
                 sem0, sem1, sem2, wsem0, wsem1, wsem2):
    w = lax.axis_index("s") * NC + lax.axis_index("c")
    b = w // WPB
    j = w % WPB
    base = j * RPW
    pltpu.sync_copy(lidx_hbm.at[b].at[pl.ds(base, RPW)], idx_v)
    bufs = (buf0, buf1, buf2)
    sems = (sem0, sem1, sem2)
    wsems = (wsem0, wsem1, wsem2)
    copies = [None] * NBUF
    wcopies = [None] * NBUF

    def start(ci):
        slot = ci % NBUF
        if wcopies[slot] is not None:
            wcopies[slot].wait()
            wcopies[slot] = None
        copies[slot] = pltpu.async_copy(
            x_hbm.at[:, :, b].at[idx_v.at[pl.ds(ci * CH, CH)]],
            bufs[slot], sems[slot])

    for ci in range(NBUF - 1):
        start(ci)
    for ci in range(NCHUNK):
        slot = ci % NBUF
        if ci + NBUF - 1 < NCHUNK:
            start(ci + NBUF - 1)
        copies[slot].wait()
        wcopies[slot] = pltpu.async_copy(
            bufs[slot], out_hbm.at[pl.ds(base + ci * CH, CH), :, b],
            wsems[slot])
    for wc in wcopies:
        if wc is not None:
            wc.wait()

    @pl.when(j == WPB - 1)
    def _():
        pltpu.sync_copy(lidx_hbm.at[b].at[pl.ds(K, 8)],
                        idx_v.at[pl.ds(0, 8)])
        pltpu.async_copy(
            x_hbm.at[:, :, b].at[idx_v.at[pl.ds(0, 1)]], buf_t, sem0).wait()
        pltpu.sync_copy(buf_t, out_hbm.at[pl.ds(K, 1), :, b])


_gather = functools.partial(
    pl.kernel,
    out_type=jax.ShapeDtypeStruct((OUT_ROWS, D // 128, B, 128), jnp.float32),
    mesh=plsc.VectorSubcoreMesh(core_axis_name="c", subcore_axis_name="s"),
    scratch_types=[
        pltpu.VMEM((RPW,), jnp.int32),
        pltpu.VMEM((CH, D // 128, 128), jnp.float32),
        pltpu.VMEM((CH, D // 128, 128), jnp.float32),
        pltpu.VMEM((CH, D // 128, 128), jnp.float32),
        pltpu.VMEM((1, D // 128, 128), jnp.float32),
        pltpu.SemaphoreType.DMA,
        pltpu.SemaphoreType.DMA,
        pltpu.SemaphoreType.DMA,
        pltpu.SemaphoreType.DMA,
        pltpu.SemaphoreType.DMA,
        pltpu.SemaphoreType.DMA,
    ],
)(_gather_body)


def kernel(x, mask):
    lidx = _topk(mask.reshape(B, S // 128, 128))
    xv = jnp.transpose(x.reshape(B, S + 1, D // 128, 128), (1, 2, 0, 3))
    out4 = _gather(xv, lidx)
    return jnp.transpose(out4, (2, 0, 1, 3)).reshape(B, OUT_ROWS, D)

# --- scband reference (transcript-rebuilt; emitter-appended) ---
"""Pipeline reference for scband-saliency-dropout-57913339019362 (READ-ONLY COPY).

The authoritative reference and input builder live on the scoring server;
editing this copy changes nothing except your own understanding.
"""

import jax, jax.numpy as jnp
import numpy as np

DROPOUT_RATE = 0.5

def setup_inputs(seed: int = 0) -> dict:
    key = jax.random.key(seed)
    k1, k2 = jax.random.split(key)
    x = jax.random.normal(k1, (4, 4097, 2048), dtype=jnp.float32)
    mask = jax.random.uniform(k2, (4, 4096), dtype=jnp.float32)
    return {"x": x, "mask": mask}

def reference(x, mask):
    # set_mask: top-k over saliency scores (largest=True, sorted=True by value)
    S = mask.shape[1]
    after_dropout = int(S * (1.0 - DROPOUT_RATE))
    _, idx = jax.lax.top_k(mask, after_dropout)  # [B, after_dropout] int32 indices into tokens 1..S
    # forward: keep cls token, gather selected tokens per batch element
    cls_tok = x[:, 0:1, :]
    rest = x[:, 1:, :]
    sel = jnp.take_along_axis(rest, idx[:, :, None], axis=1)
    out = jnp.concatenate([cls_tok, sel], axis=1)
    return out

if __name__ == "__main__":
    import jax
    _d = setup_inputs()
    print(jax.jit(kernel)(*tuple(_d.values())))

</pallas_src>

<mosaic_0001>
#map = affine_map<(d0, d1) -> (0, 0, 0, 0)>
#map1 = affine_map<(d0, d1) -> (0, 0)>
module attributes {stable_mosaic.version = 14 : i64} {
  func.func @_gather_body(%arg0: i32, %arg1: i32, %arg2: memref<4097x16x4x128xf32, #tpu.memory_space<hbm>>, %arg3: memref<4x2176xi32, #tpu.memory_space<hbm>>, %arg4: memref<2049x16x4x128xf32, #tpu.memory_space<hbm>>, %arg5: memref<256xi32, #tpu.memory_space<vmem>>, %arg6: memref<16x16x128xf32, #tpu.memory_space<vmem>>, %arg7: memref<16x16x128xf32, #tpu.memory_space<vmem>>, %arg8: memref<16x16x128xf32, #tpu.memory_space<vmem>>, %arg9: memref<1x16x128xf32, #tpu.memory_space<vmem>>, %arg10: memref<!tpu.dma_semaphore, #tpu.memory_space<semaphore_mem>>, %arg11: memref<!tpu.dma_semaphore, #tpu.memory_space<semaphore_mem>>, %arg12: memref<!tpu.dma_semaphore, #tpu.memory_space<semaphore_mem>>, %arg13: memref<!tpu.dma_semaphore, #tpu.memory_space<semaphore_mem>>, %arg14: memref<!tpu.dma_semaphore, #tpu.memory_space<semaphore_mem>>, %arg15: memref<!tpu.dma_semaphore, #tpu.memory_space<semaphore_mem>>) attributes {dimension_semantics = [#tpu.dimension_semantics<core_parallel>, #tpu.dimension_semantics<subcore_parallel>], iteration_bounds = array<i64: 2, 16>, scalar_prefetch = 0 : i64, scratch_operands = 11 : i64, tpu.core_type = #tpu.core_type<sc_vector_subcore>, window_params = [{transform_indices = #map}, {transform_indices = #map1}, {transform_indices = #map}]} {
    %mul3A = arith.constant 2 : i32
    %mul3A_0 = arith.muli %arg1, %mul3A : i32
    %add3A = arith.addi %mul3A_0, %arg0 : i32
    %jit3A = arith.constant 8 : i32
    %div3A = arith.divsi %add3A, %jit3A : i32
    %sign3A = arith.constant 0 : i32
    %sign3A_1 = arith.cmpi sgt, %add3A, %sign3A : i32
    %sign3A_2 = arith.extui %sign3A_1 : i1 to i32
    %sign3A_3 = arith.constant 0 : i32
    %sign3A_4 = arith.cmpi slt, %add3A, %sign3A_3 : i32
    %sign3A_5 = arith.extui %sign3A_4 : i1 to i32
    %sign3A_6 = arith.subi %sign3A_2, %sign3A_5 : i32
    %sign3A_7 = arith.constant 0 : i32
    %sign3A_8 = arith.cmpi sgt, %jit3A, %sign3A_7 : i32
    %sign3A_9 = arith.extui %sign3A_8 : i1 to i32
    %sign3A_10 = arith.constant 0 : i32
    %sign3A_11 = arith.cmpi slt, %jit3A, %sign3A_10 : i32
    %sign3A_12 = arith.extui %sign3A_11 : i1 to i32
    %sign3A_13 = arith.subi %sign3A_9, %sign3A_12 : i32
    %ne3A = arith.cmpi ne, %sign3A_6, %sign3A_13 : i32
    %rem3A = arith.remsi %add3A, %jit3A : i32
    %ne3A_14 = arith.constant 0 : i32
    %ne3A_15 = arith.cmpi ne, %rem3A, %ne3A_14 : i32
    %and3A = arith.andi %ne3A, %ne3A_15 : i1
    %sub3A = arith.constant 1 : i32
    %sub3A_16 = arith.subi %div3A, %sub3A : i32
    %select_n3A = arith.select %and3A, %sub3A_16, %div3A : i32
    %jit3A_17 = arith.constant 8 : i32
    %eq3A = arith.constant 0 : i32
    %eq3A_18 = arith.cmpi eq, %jit3A_17, %eq3A : i32
    %jit3A_19 = arith.constant 1 : i32
    %select_n3A_20 = arith.select %eq3A_18, %jit3A_19, %jit3A_17 : i32
    %rem3A_21 = arith.remsi %add3A, %select_n3A_20 : i32
    %ne3A_22 = arith.constant 0 : i32
    %ne3A_23 = arith.cmpi ne, %rem3A_21, %ne3A_22 : i32
    %lt3A = arith.constant 0 : i32
    %lt3A_24 = arith.cmpi slt, %rem3A_21, %lt3A : i32
    %lt3A_25 = arith.constant 0 : i32
    %lt3A_26 = arith.cmpi slt, %select_n3A_20, %lt3A_25 : i32
    %ne3A_27 = arith.xori %lt3A_24, %lt3A_26 : i1
    %and3A_28 = arith.andi %ne3A_27, %ne3A_23 : i1
    %add3A_29 = arith.addi %rem3A_21, %select_n3A_20 : i32
    %select_n3A_30 = arith.select %and3A_28, %add3A_29, %rem3A_21 : i32
    %mul3A_31 = arith.constant 256 : i32
    %mul3A_32 = arith.muli %select_n3A_30, %mul3A_31 : i32
    "tpu.region"() ({
      %run_scoped3A = tpu.sem_alloc : memref<!tpu.dma_semaphore, #tpu.memory_space<semaphore_mem>>
      %dma_start3A_674 = arith.constant 0 : i32
      %dma_start3A_675 = tpu.memref_slice %arg3[%select_n3A, %dma_start3A_674] : memref<4x2176xi32, #tpu.memory_space<hbm>> -> memref<1x2176xi32, #tpu.memory_space<hbm>>
      %dma_start3A_676 = tpu.memref_squeeze %dma_start3A_675 : memref<1x2176xi32, #tpu.memory_space<hbm>> -> memref<2176xi32, #tpu.memory_space<hbm>>
      %dma_start3A_677 = tpu.memref_slice %dma_start3A_676[%mul3A_32] : memref<2176xi32, #tpu.memory_space<hbm>> -> memref<256xi32, #tpu.memory_space<hbm>>
      %dma_start3A_678 = arith.constant 0 : i32
      %dma_start3A_679 = tpu.memref_slice %arg3[%select_n3A, %dma_start3A_678] : memref<4x2176xi32, #tpu.memory_space<hbm>> -> memref<1x2176xi32, #tpu.memory_space<hbm>>
      %dma_start3A_680 = tpu.memref_squeeze %dma_start3A_679 : memref<1x2176xi32, #tpu.memory_space<hbm>> -> memref<2176xi32, #tpu.memory_space<hbm>>
      %dma_start3A_681 = tpu.memref_slice %dma_start3A_680[%mul3A_32] : memref<2176xi32, #tpu.memory_space<hbm>> -> memref<256xi32, #tpu.memory_space<hbm>>
      tpu.enqueue_dma source(%dma_start3A_681 : memref<256xi32, #tpu.memory_space<hbm>>) target(%arg5 : memref<256xi32, #tpu.memory_space<vmem>>) target_semaphore(%run_scoped3A : memref<!tpu.dma_semaphore, #tpu.memory_space<semaphore_mem>>)
      %dma_wait3A_682 = arith.constant 0 : i32
      %dma_wait3A_683 = tpu.memref_slice %arg3[%select_n3A, %dma_wait3A_682] : memref<4x2176xi32, #tpu.memory_space<hbm>> -> memref<1x2176xi32, #tpu.memory_space<hbm>>
      %dma_wait3A_684 = tpu.memref_squeeze %dma_wait3A_683 : memref<1x2176xi32, #tpu.memory_space<hbm>> -> memref<2176xi32, #tpu.memory_space<hbm>>
      %dma_wait3A_685 = tpu.memref_slice %dma_wait3A_684[%mul3A_32] : memref<2176xi32, #tpu.memory_space<hbm>> -> memref<256xi32, #tpu.memory_space<hbm>>
      %dma_wait3A_686 = arith.constant 0 : i32
      %dma_wait3A_687 = tpu.memref_slice %arg3[%select_n3A, %dma_wait3A_686] : memref<4x2176xi32, #tpu.memory_space<hbm>> -> memref<1x2176xi32, #tpu.memory_space<hbm>>
      %dma_wait3A_688 = tpu.memref_squeeze %dma_wait3A_687 : memref<1x2176xi32, #tpu.memory_space<hbm>> -> memref<2176xi32, #tpu.memory_space<hbm>>
      %dma_wait3A_689 = tpu.memref_slice %dma_wait3A_688[%mul3A_32] : memref<2176xi32, #tpu.memory_space<hbm>> -> memref<256xi32, #tpu.memory_space<hbm>>
      tpu.wait_dma2 semaphore(%run_scoped3A : memref<!tpu.dma_semaphore, #tpu.memory_space<semaphore_mem>>) src(%dma_wait3A_689 : memref<256xi32, #tpu.memory_space<hbm>>) dst(%arg5 : memref<256xi32, #tpu.memory_space<vmem>>)
      tpu.yield
    }) : () -> ()
    %dma_start3A = arith.constant 0 : i32
    %dma_start3A_33 = tpu.memref_slice %arg5[%dma_start3A] : memref<256xi32, #tpu.memory_space<vmem>> -> memref<16xi32, #tpu.memory_space<vmem>>
    %dma_start3A_34 = arith.constant 0 : i32
    %dma_start3A_35 = arith.constant 0 : i32
    %dma_start3A_36 = arith.constant 0 : i32
    %dma_start3A_37 = tpu.memref_slice %arg2[%dma_start3A_34, %dma_start3A_35, %select_n3A, %dma_start3A_36] : memref<4097x16x4x128xf32, #tpu.memory_space<hbm>> -> memref<4097x16x1x128xf32, #tpu.memory_space<hbm>>
    %dma_start3A_38 = tpu.memref_squeeze %dma_start3A_37 : memref<4097x16x1x128xf32, #tpu.memory_space<hbm>> -> memref<4097x16x128xf32, #tpu.memory_space<hbm>>
    %dma_start3A_39 = arith.constant 0 : i32
    %dma_start3A_40 = arith.constant 0 : i32
    %dma_start3A_41 = arith.constant 0 : i32
    %dma_start3A_42 = tpu.memref_slice %dma_start3A_38[%dma_start3A_39, %dma_start3A_40, %dma_start3A_41] : memref<4097x16x128xf32, #tpu.memory_space<hbm>> -> memref<4097x16x128xf32, #tpu.memory_space<hbm>>
    tpu.enqueue_indirect_dma source(%dma_start3A_42 : memref<4097x16x128xf32, #tpu.memory_space<hbm>>) target(%arg6 : memref<16x16x128xf32, #tpu.memory_space<vmem>>) offsets(%dma_start3A_33 : memref<16xi32, #tpu.memory_space<vmem>>) semaphore(%arg10 : memref<!tpu.dma_semaphore, #tpu.memory_space<semaphore_mem>>)
    %dma_start3A_43 = arith.constant 16 : i32
    %dma_start3A_44 = tpu.memref_slice %arg5[%dma_start3A_43] : memref<256xi32, #tpu.memory_space<vmem>> -> memref<16xi32, #tpu.memory_space<vmem>>
    %dma_start3A_45 = arith.constant 0 : i32
    %dma_start3A_46 = arith.constant 0 : i32
    %dma_start3A_47 = arith.constant 0 : i32
    %dma_start3A_48 = tpu.memref_slice %arg2[%dma_start3A_45, %dma_start3A_46, %select_n3A, %dma_start3A_47] : memref<4097x16x4x128xf32, #tpu.memory_space<hbm>> -> memref<4097x16x1x128xf32, #tpu.memory_space<hbm>>
    %dma_start3A_49 = tpu.memref_squeeze %dma_start3A_48 : memref<4097x16x1x128xf32, #tpu.memory_space<hbm>> -> memref<4097x16x128xf32, #tpu.memory_space<hbm>>
    %dma_start3A_50 = arith.constant 0 : i32
    %dma_start3A_51 = arith.constant 0 : i32
    %dma_start3A_52 = arith.constant 0 : i32
    %dma_start3A_53 = tpu.memref_slice %dma_start3A_49[%dma_start3A_50, %dma_start3A_51, %dma_start3A_52] : memref<4097x16x128xf32, #tpu.memory_space<hbm>> -> memref<4097x16x128xf32, #tpu.memory_space<hbm>>
    tpu.enqueue_indirect_dma source(%dma_start3A_53 : memref<4097x16x128xf32, #tpu.memory_space<hbm>>) target(%arg7 : memref<16x16x128xf32, #tpu.memory_space<vmem>>) offsets(%dma_start3A_44 : memref<16xi32, #tpu.memory_space<vmem>>) semaphore(%arg11 : memref<!tpu.dma_semaphore, #tpu.memory_space<semaphore_mem>>)
    %dma_start3A_54 = arith.constant 32 : i32
    %dma_start3A_55 = tpu.memref_slice %arg5[%dma_start3A_54] : memref<256xi32, #tpu.memory_space<vmem>> -> memref<16xi32, #tpu.memory_space<vmem>>
    %dma_start3A_56 = arith.constant 0 : i32
    %dma_start3A_57 = arith.constant 0 : i32
    %dma_start3A_58 = arith.constant 0 : i32
    %dma_start3A_59 = tpu.memref_slice %arg2[%dma_start3A_56, %dma_start3A_57, %select_n3A, %dma_start3A_58] : memref<4097x16x4x128xf32, #tpu.memory_space<hbm>> -> memref<4097x16x1x128xf32, #tpu.memory_space<hbm>>
    %dma_start3A_60 = tpu.memref_squeeze %dma_start3A_59 : memref<4097x16x1x128xf32, #tpu.memory_space<hbm>> -> memref<4097x16x128xf32, #tpu.memory_space<hbm>>
    %dma_start3A_61 = arith.constant 0 : i32
    %dma_start3A_62 = arith.constant 0 : i32
    %dma_start3A_63 = arith.constant 0 : i32
    %dma_start3A_64 = tpu.memref_slice %dma_start3A_60[%dma_start3A_61, %dma_start3A_62, %dma_start3A_63] : memref<4097x16x128xf32, #tpu.memory_space<hbm>> -> memref<4097x16x128xf32, #tpu.memory_space<hbm>>
    tpu.enqueue_indirect_dma source(%dma_start3A_64 : memref<4097x16x128xf32, #tpu.memory_space<hbm>>) target(%arg8 : memref<16x16x128xf32, #tpu.memory_space<vmem>>) offsets(%dma_start3A_55 : memref<16xi32, #tpu.memory_space<vmem>>) semaphore(%arg12 : memref<!tpu.dma_semaphore, #tpu.memory_space<semaphore_mem>>)
    %dma_wait3A = arith.constant 0 : i32
    %dma_wait3A_65 = tpu.memref_slice %arg5[%dma_wait3A] : memref<256xi32, #tpu.memory_space<vmem>> -> memref<16xi32, #tpu.memory_space<vmem>>
    %dma_wait3A_66 = arith.constant 0 : i32
    %dma_wait3A_67 = arith.constant 0 : i32
    %dma_wait3A_68 = arith.constant 0 : i32
    %dma_wait3A_69 = tpu.memref_slice %arg2[%dma_wait3A_66, %dma_wait3A_67, %select_n3A, %dma_wait3A_68] : memref<4097x16x4x128xf32, #tpu.memory_space<hbm>> -> memref<4097x16x1x128xf32, #tpu.memory_space<hbm>>
    %dma_wait3A_70 = tpu.memref_squeeze %dma_wait3A_69 : memref<4097x16x1x128xf32, #tpu.memory_space<hbm>> -> memref<4097x16x128xf32, #tpu.memory_space<hbm>>
    %dma_wait3A_71 = arith.constant 0 : i32
    %dma_wait3A_72 = arith.constant 0 : i32
    %dma_wait3A_73 = arith.constant 0 : i32
    %dma_wait3A_74 = tpu.memref_slice %dma_wait3A_70[%dma_wait3A_71, %dma_wait3A_72, %dma_wait3A_73] : memref<4097x16x128xf32, #tpu.memory_space<hbm>> -> memref<4097x16x128xf32, #tpu.memory_space<hbm>>
    tpu.wait_indirect_dma semaphore(%arg10 : memref<!tpu.dma_semaphore, #tpu.memory_space<semaphore_mem>>) src(%dma_wait3A_74 : memref<4097x16x128xf32, #tpu.memory_space<hbm>>) dst(%arg6 : memref<16x16x128xf32, #tpu.memory_space<vmem>>)
    %add3A_75 = arith.constant 0 : i32
    %add3A_76 = arith.addi %mul3A_32, %add3A_75 : i32
    %dma_start3A_77 = arith.constant 0 : i32
    %dma_start3A_78 = arith.constant 0 : i32
    %dma_start3A_79 = tpu.memref_slice %arg4[%add3A_76, %dma_start3A_77, %select_n3A, %dma_start3A_78] : memref<2049x16x4x128xf32, #tpu.memory_space<hbm>> -> memref<16x16x1x128xf32, #tpu.memory_space<hbm>>
    %dma_start3A_80 = tpu.memref_squeeze %dma_start3A_79 : memref<16x16x1x128xf32, #tpu.memory_space<hbm>> -> memref<16x16x128xf32, #tpu.memory_space<hbm>>
    %dma_start3A_81 = arith.constant 0 : i32
    %dma_start3A_82 = arith.constant 0 : i32
    %dma_start3A_83 = tpu.memref_slice %arg4[%add3A_76, %dma_start3A_81, %select_n3A, %dma_start3A_82] : memref<2049x16x4x128xf32, #tpu.memory_space<hbm>> -> memref<16x16x1x128xf32, #tpu.memory_space<hbm>>
    %dma_start3A_84 = tpu.memref_squeeze %dma_start3A_83 : memref<16x16x1x128xf32, #tpu.memory_space<hbm>> -> memref<16x16x128xf32, #tpu.memory_space<hbm>>
    tpu.enqueue_dma source(%arg6 : memref<16x16x128xf32, #tpu.memory_space<vmem>>) target(%dma_start3A_84 : memref<16x16x128xf32, #tpu.memory_space<hbm>>) target_semaphore(%arg13 : memref<!tpu.dma_semaphore, #tpu.memory_space<semaphore_mem>>)
    %dma_wait3A_85 = arith.constant 0 : i32
    %dma_wait3A_86 = arith.constant 0 : i32
    %dma_wait3A_87 = tpu.memref_slice %arg4[%add3A_76, %dma_wait3A_85, %select_n3A, %dma_wait3A_86] : memref<2049x16x4x128xf32, #tpu.memory_space<hbm>> -> memref<16x16x1x128xf32, #tpu.memory_space<hbm>>
    %dma_wait3A_88 = tpu.memref_squeeze %dma_wait3A_87 : memref<16x16x1x128xf32, #tpu.memory_space<hbm>> -> memref<16x16x128xf32, #tpu.memory_space<hbm>>
    %dma_wait3A_89 = arith.constant 0 : i32
    %dma_wait3A_90 = arith.constant 0 : i32
    %dma_wait3A_91 = tpu.memref_slice %arg4[%add3A_76, %dma_wait3A_89, %select_n3A, %dma_wait3A_90] : memref<2049x16x4x128xf32, #tpu.memory_space<hbm>> -> memref<16x16x1x128xf32, #tpu.memory_space<hbm>>
    %dma_wait3A_92 = tpu.memref_squeeze %dma_wait3A_91 : memref<16x16x1x128xf32, #tpu.memory_space<hbm>> -> memref<16x16x128xf32, #tpu.memory_space<hbm>>
    tpu.wait_dma2 semaphore(%arg13 : memref<!tpu.dma_semaphore, #tpu.memory_space<semaphore_mem>>) src(%arg6 : memref<16x16x128xf32, #tpu.memory_space<vmem>>) dst(%dma_wait3A_92 : memref<16x16x128xf32, #tpu.memory_space<hbm>>)
    %dma_start3A_93 = arith.constant 48 : i32
    %dma_start3A_94 = tpu.memref_slice %arg5[%dma_start3A_93] : memref<256xi32, #tpu.memory_space<vmem>> -> memref<16xi32, #tpu.memory_space<vmem>>
    %dma_start3A_95 = arith.constant 0 : i32
    %dma_start3A_96 = arith.constant 0 : i32
    %dma_start3A_97 = arith.constant 0 : i32
    %dma_start3A_98 = tpu.memref_slice %arg2[%dma_start3A_95, %dma_start3A_96, %select_n3A, %dma_start3A_97] : memref<4097x16x4x128xf32, #tpu.memory_space<hbm>> -> memref<4097x16x1x128xf32, #tpu.memory_space<hbm>>
    %dma_start3A_99 = tpu.memref_squeeze %dma_start3A_98 : memref<4097x16x1x128xf32, #tpu.memory_space<hbm>> -> memref<4097x16x128xf32, #tpu.memory_space<hbm>>
    %dma_start3A_100 = arith.constant 0 : i32
    %dma_start3A_101 = arith.constant 0 : i32
    %dma_start3A_102 = arith.constant 0 : i32
    %dma_start3A_103 = tpu.memref_slice %dma_start3A_99[%dma_start3A_100, %dma_start3A_101, %dma_start3A_102] : memref<4097x16x128xf32, #tpu.memory_space<hbm>> -> memref<4097x16x128xf32, #tpu.memory_space<hbm>>
    tpu.enqueue_indirect_dma source(%dma_start3A_103 : memref<4097x16x128xf32, #tpu.memory_space<hbm>>) target(%arg6 : memref<16x16x128xf32, #tpu.memory_space<vmem>>) offsets(%dma_start3A_94 : memref<16xi32, #tpu.memory_space<vmem>>) semaphore(%arg10 : memref<!tpu.dma_semaphore, #tpu.memory_space<semaphore_mem>>)
    %dma_wait3A_104 = arith.constant 16 : i32
    %dma_wait3A_105 = tpu.memref_slice %arg5[%dma_wait3A_104] : memref<256xi32, #tpu.memory_space<vmem>> -> memref<16xi32, #tpu.memory_space<vmem>>
    %dma_wait3A_106 = arith.constant 0 : i32
    %dma_wait3A_107 = arith.constant 0 : i32
    %dma_wait3A_108 = arith.constant 0 : i32
    %dma_wait3A_109 = tpu.memref_slice %arg2[%dma_wait3A_106, %dma_wait3A_107, %select_n3A, %dma_wait3A_108] : memref<4097x16x4x128xf32, #tpu.memory_space<hbm>> -> memref<4097x16x1x128xf32, #tpu.memory_space<hbm>>
    %dma_wait3A_110 = tpu.memref_squeeze %dma_wait3A_109 : memref<4097x16x1x128xf32, #tpu.memory_space<hbm>> -> memref<4097x16x128xf32, #tpu.memory_space<hbm>>
    %dma_wait3A_111 = arith.constant 0 : i32
    %dma_wait3A_112 = arith.constant 0 : i32
    %dma_wait3A_113 = arith.constant 0 : i32
    %dma_wait3A_114 = tpu.memref_slice %dma_wait3A_110[%dma_wait3A_111, %dma_wait3A_112, %dma_wait3A_113] : memref<4097x16x128xf32, #tpu.memory_space<hbm>> -> memref<4097x16x128xf32, #tpu.memory_space<hbm>>
    tpu.wait_indirect_dma semaphore(%arg11 : memref<!tpu.dma_semaphore, #tpu.memory_space<semaphore_mem>>) src(%dma_wait3A_114 : memref<4097x16x128xf32, #tpu.memory_space<hbm>>) dst(%arg7 : memref<16x16x128xf32, #tpu.memory_space<vmem>>)
    %add3A_115 = arith.constant 16 : i32
    %add3A_116 = arith.addi %mul3A_32, %add3A_115 : i32
    %dma_start3A_117 = arith.constant 0 : i32
    %dma_start3A_118 = arith.constant 0 : i32
    %dma_start3A_119 = tpu.memref_slice %arg4[%add3A_116, %dma_start3A_117, %select_n3A, %dma_start3A_118] : memref<2049x16x4x128xf32, #tpu.memory_space<hbm>> -> memref<16x16x1x128xf32, #tpu.memory_space<hbm>>
    %dma_start3A_120 = tpu.memref_squeeze %dma_start3A_119 : memref<16x16x1x128xf32, #tpu.memory_space<hbm>> -> memref<16x16x128xf32, #tpu.memory_space<hbm>>
    %dma_start3A_121 = arith.constant 0 : i32
    %dma_start3A_122 = arith.constant 0 : i32
    %dma_start3A_123 = tpu.memref_slice %arg4[%add3A_116, %dma_start3A_121, %select_n3A, %dma_start3A_122] : memref<2049x16x4x128xf32, #tpu.memory_space<hbm>> -> memref<16x16x1x128xf32, #tpu.memory_space<hbm>>
    %dma_start3A_124 = tpu.memref_squeeze %dma_start3A_123 : memref<16x16x1x128xf32, #tpu.memory_space<hbm>> -> memref<16x16x128xf32, #tpu.memory_space<hbm>>
    tpu.enqueue_dma source(%arg7 : memref<16x16x128xf32, #tpu.memory_space<vmem>>) target(%dma_start3A_124 : memref<16x16x128xf32, #tpu.memory_space<hbm>>) target_semaphore(%arg14 : memref<!tpu.dma_semaphore, #tpu.memory_space<semaphore_mem>>)
    %dma_wait3A_125 = arith.constant 0 : i32
    %dma_wait3A_126 = arith.constant 0 : i32
    %dma_wait3A_127 = tpu.memref_slice %arg4[%add3A_116, %dma_wait3A_125, %select_n3A, %dma_wait3A_126] : memref<2049x16x4x128xf32, #tpu.memory_space<hbm>> -> memref<16x16x1x128xf32, #tpu.memory_space<hbm>>
    %dma_wait3A_128 = tpu.memref_squeeze %dma_wait3A_127 : memref<16x16x1x128xf32, #tpu.memory_space<hbm>> -> memref<16x16x128xf32, #tpu.memory_space<hbm>>
    %dma_wait3A_129 = arith.constant 0 : i32
    %dma_wait3A_130 = arith.constant 0 : i32
    %dma_wait3A_131 = tpu.memref_slice %arg4[%add3A_116, %dma_wait3A_129, %select_n3A, %dma_wait3A_130] : memref<2049x16x4x128xf32, #tpu.memory_space<hbm>> -> memref<16x16x1x128xf32, #tpu.memory_space<hbm>>
    %dma_wait3A_132 = tpu.memref_squeeze %dma_wait3A_131 : memref<16x16x1x128xf32, #tpu.memory_space<hbm>> -> memref<16x16x128xf32, #tpu.memory_space<hbm>>
    tpu.wait_dma2 semaphore(%arg14 : memref<!tpu.dma_semaphore, #tpu.memory_space<semaphore_mem>>) src(%arg7 : memref<16x16x128xf32, #tpu.memory_space<vmem>>) dst(%dma_wait3A_132 : memref<16x16x128xf32, #tpu.memory_space<hbm>>)
    %dma_start3A_133 = arith.constant 64 : i32
    %dma_start3A_134 = tpu.memref_slice %arg5[%dma_start3A_133] : memref<256xi32, #tpu.memory_space<vmem>> -> memref<16xi32, #tpu.memory_space<vmem>>
    %dma_start3A_135 = arith.constant 0 : i32
    %dma_start3A_136 = arith.constant 0 : i32
    %dma_start3A_137 = arith.constant 0 : i32
    %dma_start3A_138 = tpu.memref_slice %arg2[%dma_start3A_135, %dma_start3A_136, %select_n3A, %dma_start3A_137] : memref<4097x16x4x128xf32, #tpu.memory_space<hbm>> -> memref<4097x16x1x128xf32, #tpu.memory_space<hbm>>
    %dma_start3A_139 = tpu.memref_squeeze %dma_start3A_138 : memref<4097x16x1x128xf32, #tpu.memory_space<hbm>> -> memref<4097x16x128xf32, #tpu.memory_space<hbm>>
    %dma_start3A_140 = arith.constant 0 : i32
    %dma_start3A_141 = arith.constant 0 : i32
    %dma_start3A_142 = arith.constant 0 : i32
    %dma_start3A_143 = tpu.memref_slice %dma_start3A_139[%dma_start3A_140, %dma_start3A_141, %dma_start3A_142] : memref<4097x16x128xf32, #tpu.memory_space<hbm>> -> memref<4097x16x128xf32, #tpu.memory_space<hbm>>
    tpu.enqueue_indirect_dma source(%dma_start3A_143 : memref<4097x16x128xf32, #tpu.memory_space<hbm>>) target(%arg7 : memref<16x16x128xf32, #tpu.memory_space<vmem>>) offsets(%dma_start3A_134 : memref<16xi32, #tpu.memory_space<vmem>>) semaphore(%arg11 : memref<!tpu.dma_semaphore, #tpu.memory_space<semaphore_mem>>)
    %dma_wait3A_144 = arith.constant 32 : i32
    %dma_wait3A_145 = tpu.memref_slice %arg5[%dma_wait3A_144] : memref<256xi32, #tpu.memory_space<vmem>> -> memref<16xi32, #tpu.memory_space<vmem>>
    %dma_wait3A_146 = arith.constant 0 : i32
    %dma_wait3A_147 = arith.constant 0 : i32
    %dma_wait3A_148 = arith.constant 0 : i32
    %dma_wait3A_149 = tpu.memref_slice %arg2[%dma_wait3A_146, %dma_wait3A_147, %select_n3A, %dma_wait3A_148] : memref<4097x16x4x128xf32, #tpu.memory_space<hbm>> -> memref<4097x16x1x128xf32, #tpu.memory_space<hbm>>
    %dma_wait3A_150 = tpu.memref_squeeze %dma_wait3A_149 : memref<4097x16x1x128xf32, #tpu.memory_space<hbm>> -> memref<4097x16x128xf32, #tpu.memory_space<hbm>>
    %dma_wait3A_151 = arith.constant 0 : i32
    %dma_wait3A_152 = arith.constant 0 : i32
    %dma_wait3A_153 = arith.constant 0 : i32
    %dma_wait3A_154 = tpu.memref_slice %dma_wait3A_150[%dma_wait3A_151, %dma_wait3A_152, %dma_wait3A_153] : memref<4097x16x128xf32, #tpu.memory_space<hbm>> -> memref<4097x16x128xf32, #tpu.memory_space<hbm>>
    tpu.wait_indirect_dma semaphore(%arg12 : memref<!tpu.dma_semaphore, #tpu.memory_space<semaphore_mem>>) src(%dma_wait3A_154 : memref<4097x16x128xf32, #tpu.memory_space<hbm>>) dst(%arg8 : memref<16x16x128xf32, #tpu.memory_space<vmem>>)
    %add3A_155 = arith.constant 32 : i32
    %add3A_156 = arith.addi %mul3A_32, %add3A_155 : i32
    %dma_start3A_157 = arith.constant 0 : i32
    %dma_start3A_158 = arith.constant 0 : i32
    %dma_start3A_159 = tpu.memref_slice %arg4[%add3A_156, %dma_start3A_157, %select_n3A, %dma_start3A_158] : memref<2049x16x4x128xf32, #tpu.memory_space<hbm>> -> memref<16x16x1x128xf32, #tpu.memory_space<hbm>>
    %dma_start3A_160 = tpu.memref_squeeze %dma_start3A_159 : memref<16x16x1x128xf32, #tpu.memory_space<hbm>> -> memref<16x16x128xf32, #tpu.memory_space<hbm>>
    %dma_start3A_161 = arith.constant 0 : i32
    %dma_start3A_162 = arith.constant 0 : i32
    %dma_start3A_163 = tpu.memref_slice %arg4[%add3A_156, %dma_start3A_161, %select_n3A, %dma_start3A_162] : memref<2049x16x4x128xf32, #tpu.memory_space<hbm>> -> memref<16x16x1x128xf32, #tpu.memory_space<hbm>>
    %dma_start3A_164 = tpu.memref_squeeze %dma_start3A_163 : memref<16x16x1x128xf32, #tpu.memory_space<hbm>> -> memref<16x16x128xf32, #tpu.memory_space<hbm>>
    tpu.enqueue_dma source(%arg8 : memref<16x16x128xf32, #tpu.memory_space<vmem>>) target(%dma_start3A_164 : memref<16x16x128xf32, #tpu.memory_space<hbm>>) target_semaphore(%arg15 : memref<!tpu.dma_semaphore, #tpu.memory_space<semaphore_mem>>)
    %dma_wait3A_165 = arith.constant 0 : i32
    %dma_wait3A_166 = arith.constant 0 : i32
    %dma_wait3A_167 = tpu.memref_slice %arg4[%add3A_156, %dma_wait3A_165, %select_n3A, %dma_wait3A_166] : memref<2049x16x4x128xf32, #tpu.memory_space<hbm>> -> memref<16x16x1x128xf32, #tpu.memory_space<hbm>>
    %dma_wait3A_168 = tpu.memref_squeeze %dma_wait3A_167 : memref<16x16x1x128xf32, #tpu.memory_space<hbm>> -> memref<16x16x128xf32, #tpu.memory_space<hbm>>
    %dma_wait3A_169 = arith.constant 0 : i32
    %dma_wait3A_170 = arith.constant 0 : i32
    %dma_wait3A_171 = tpu.memref_slice %arg4[%add3A_156, %dma_wait3A_169, %select_n3A, %dma_wait3A_170] : memref<2049x16x4x128xf32, #tpu.memory_space<hbm>> -> memref<16x16x1x128xf32, #tpu.memory_space<hbm>>
    %dma_wait3A_172 = tpu.memref_squeeze %dma_wait3A_171 : memref<16x16x1x128xf32, #tpu.memory_space<hbm>> -> memref<16x16x128xf32, #tpu.memory_space<hbm>>
    tpu.wait_dma2 semaphore(%arg15 : memref<!tpu.dma_semaphore, #tpu.memory_space<semaphore_mem>>) src(%arg8 : memref<16x16x128xf32, #tpu.memory_space<vmem>>) dst(%dma_wait3A_172 : memref<16x16x128xf32, #tpu.memory_space<hbm>>)
    %dma_start3A_173 = arith.constant 80 : i32
    %dma_start3A_174 = tpu.memref_slice %arg5[%dma_start3A_173] : memref<256xi32, #tpu.memory_space<vmem>> -> memref<16xi32, #tpu.memory_space<vmem>>
    %dma_start3A_175 = arith.constant 0 : i32
    %dma_start3A_176 = arith.constant 0 : i32
    %dma_start3A_177 = arith.constant 0 : i32
    %dma_start3A_178 = tpu.memref_slice %arg2[%dma_start3A_175, %dma_start3A_176, %select_n3A, %dma_start3A_177] : memref<4097x16x4x128xf32, #tpu.memory_space<hbm>> -> memref<4097x16x1x128xf32, #tpu.memory_space<hbm>>
    %dma_start3A_179 = tpu.memref_squeeze %dma_start3A_178 : memref<4097x16x1x128xf32, #tpu.memory_space<hbm>> -> memref<4097x16x128xf32, #tpu.memory_space<hbm>>
    %dma_start3A_180 = arith.constant 0 : i32
    %dma_start3A_181 = arith.constant 0 : i32
    %dma_start3A_182 = arith.constant 0 : i32
    %dma_start3A_183 = tpu.memref_slice %dma_start3A_179[%dma_start3A_180, %dma_start3A_181, %dma_start3A_182] : memref<4097x16x128xf32, #tpu.memory_space<hbm>> -> memref<4097x16x128xf32, #tpu.memory_space<hbm>>
    tpu.enqueue_indirect_dma source(%dma_start3A_183 : memref<4097x16x128xf32, #tpu.memory_space<hbm>>) target(%arg8 : memref<16x16x128xf32, #tpu.memory_space<vmem>>) offsets(%dma_start3A_174 : memref<16xi32, #tpu.memory_space<vmem>>) semaphore(%arg12 : memref<!tpu.dma_semaphore, #tpu.memory_space<semaphore_mem>>)
    %dma_wait3A_184 = arith.constant 48 : i32
    %dma_wait3A_185 = tpu.memref_slice %arg5[%dma_wait3A_184] : memref<256xi32, #tpu.memory_space<vmem>> -> memref<16xi32, #tpu.memory_space<vmem>>
    %dma_wait3A_186 = arith.constant 0 : i32
    %dma_wait3A_187 = arith.constant 0 : i32
    %dma_wait3A_188 = arith.constant 0 : i32
    %dma_wait3A_189 = tpu.memref_slice %arg2[%dma_wait3A_186, %dma_wait3A_187, %select_n3A, %dma_wait3A_188] : memref<4097x16x4x128xf32, #tpu.memory_space<hbm>> -> memref<4097x16x1x128xf32, #tpu.memory_space<hbm>>
    %dma_wait3A_190 = tpu.memref_squeeze %dma_wait3A_189 : memref<4097x16x1x128xf32, #tpu.memory_space<hbm>> -> memref<4097x16x128xf32, #tpu.memory_space<hbm>>
    %dma_wait3A_191 = arith.constant 0 : i32
    %dma_wait3A_192 = arith.constant 0 : i32
    %dma_wait3A_193 = arith.constant 0 : i32
    %dma_wait3A_194 = tpu.memref_slice %dma_wait3A_190[%dma_wait3A_191, %dma_wait3A_192, %dma_wait3A_193] : memref<4097x16x128xf32, #tpu.memory_space<hbm>> -> memref<4097x16x128xf32, #tpu.memory_space<hbm>>
    tpu.wait_indirect_dma semaphore(%arg10 : memref<!tpu.dma_semaphore, #tpu.memory_space<semaphore_mem>>) src(%dma_wait3A_194 : memref<4097x16x128xf32, #tpu.memory_space<hbm>>) dst(%arg6 : memref<16x16x128xf32, #tpu.memory_space<vmem>>)
    %add3A_195 = arith.constant 48 : i32
    %add3A_196 = arith.addi %mul3A_32, %add3A_195 : i32
    %dma_start3A_197 = arith.constant 0 : i32
    %dma_start3A_198 = arith.constant 0 : i32
    %dma_start3A_199 = tpu.memref_slice %arg4[%add3A_196, %dma_start3A_197, %select_n3A, %dma_start3A_198] : memref<2049x16x4x128xf32, #tpu.memory_space<hbm>> -> memref<16x16x1x128xf32, #tpu.memory_space<hbm>>
    %dma_start3A_200 = tpu.memref_squeeze %dma_start3A_199 : memref<16x16x1x128xf32, #tpu.memory_space<hbm>> -> memref<16x16x128xf32, #tpu.memory_space<hbm>>
    %dma_start3A_201 = arith.constant 0 : i32
    %dma_start3A_202 = arith.constant 0 : i32
    %dma_start3A_203 = tpu.memref_slice %arg4[%add3A_196, %dma_start3A_201, %select_n3A, %dma_start3A_202] : memref<2049x16x4x128xf32, #tpu.memory_space<hbm>> -> memref<16x16x1x128xf32, #tpu.memory_space<hbm>>
    %dma_start3A_204 = tpu.memref_squeeze %dma_start3A_203 : memref<16x16x1x128xf32, #tpu.memory_space<hbm>> -> memref<16x16x128xf32, #tpu.memory_space<hbm>>
    tpu.enqueue_dma source(%arg6 : memref<16x16x128xf32, #tpu.memory_space<vmem>>) target(%dma_start3A_204 : memref<16x16x128xf32, #tpu.memory_space<hbm>>) target_semaphore(%arg13 : memref<!tpu.dma_semaphore, #tpu.memory_space<semaphore_mem>>)
    %dma_wait3A_205 = arith.constant 0 : i32
    %dma_wait3A_206 = arith.constant 0 : i32
    %dma_wait3A_207 = tpu.memref_slice %arg4[%add3A_196, %dma_wait3A_205, %select_n3A, %dma_wait3A_206] : memref<2049x16x4x128xf32, #tpu.memory_space<hbm>> -> memref<16x16x1x128xf32, #tpu.memory_space<hbm>>
    %dma_wait3A_208 = tpu.memref_squeeze %dma_wait3A_207 : memref<16x16x1x128xf32, #tpu.memory_space<hbm>> -> memref<16x16x128xf32, #tpu.memory_space<hbm>>
    %dma_wait3A_209 = arith.constant 0 : i32
    %dma_wait3A_210 = arith.constant 0 : i32
    %dma_wait3A_211 = tpu.memref_slice %arg4[%add3A_196, %dma_wait3A_209, %select_n3A, %dma_wait3A_210] : memref<2049x16x4x128xf32, #tpu.memory_space<hbm>> -> memref<16x16x1x128xf32, #tpu.memory_space<hbm>>
    %dma_wait3A_212 = tpu.memref_squeeze %dma_wait3A_211 : memref<16x16x1x128xf32, #tpu.memory_space<hbm>> -> memref<16x16x128xf32, #tpu.memory_space<hbm>>
    tpu.wait_dma2 semaphore(%arg13 : memref<!tpu.dma_semaphore, #tpu.memory_space<semaphore_mem>>) src(%arg6 : memref<16x16x128xf32, #tpu.memory_space<vmem>>) dst(%dma_wait3A_212 : memref<16x16x128xf32, #tpu.memory_space<hbm>>)
    %dma_start3A_213 = arith.constant 96 : i32
    %dma_start3A_214 = tpu.memref_slice %arg5[%dma_start3A_213] : memref<256xi32, #tpu.memory_space<vmem>> -> memref<16xi32, #tpu.memory_space<vmem>>
    %dma_start3A_215 = arith.constant 0 : i32
    %dma_start3A_216 = arith.constant 0 : i32
    %dma_start3A_217 = arith.constant 0 : i32
    %dma_start3A_218 = tpu.memref_slice %arg2[%dma_start3A_215, %dma_start3A_216, %select_n3A, %dma_start3A_217] : memref<4097x16x4x128xf32, #tpu.memory_space<hbm>> -> memref<4097x16x1x128xf32, #tpu.memory_space<hbm>>
    %dma_start3A_219 = tpu.memref_squeeze %dma_start3A_218 : memref<4097x16x1x128xf32, #tpu.memory_space<hbm>> -> memref<4097x16x128xf32, #tpu.memory_space<hbm>>
    %dma_start3A_220 = arith.constant 0 : i32
    %dma_start3A_221 = arith.constant 0 : i32
    %dma_start3A_222 = arith.constant 0 : i32
    %dma_start3A_223 = tpu.memref_slice %dma_start3A_219[%dma_start3A_220, %dma_start3A_221, %dma_start3A_222] : memref<4097x16x128xf32, #tpu.memory_space<hbm>> -> memref<4097x16x128xf32, #tpu.memory_space<hbm>>
    tpu.enqueue_indirect_dma source(%dma_start3A_223 : memref<4097x16x128xf32, #tpu.memory_space<hbm>>) target(%arg6 : memref<16x16x128xf32, #tpu.memory_space<vmem>>) offsets(%dma_start3A_214 : memref<16xi32, #tpu.memory_space<vmem>>) semaphore(%arg10 : memref<!tpu.dma_semaphore, #tpu.memory_space<semaphore_mem>>)
    %dma_wait3A_224 = arith.constant 64 : i32
    %dma_wait3A_225 = tpu.memref_slice %arg5[%dma_wait3A_224] : memref<256xi32, #tpu.memory_space<vmem>> -> memref<16xi32, #tpu.memory_space<vmem>>
    %dma_wait3A_226 = arith.constant 0 : i32
    %dma_wait3A_227 = arith.constant 0 : i32
    %dma_wait3A_228 = arith.constant 0 : i32
    %dma_wait3A_229 = tpu.memref_slice %arg2[%dma_wait3A_226, %dma_wait3A_227, %select_n3A, %dma_wait3A_228] : memref<4097x16x4x128xf32, #tpu.memory_space<hbm>> -> memref<4097x16x1x128xf32, #tpu.memory_space<hbm>>
    %dma_wait3A_230 = tpu.memref_squeeze %dma_wait3A_229 : memref<4097x16x1x128xf32, #tpu.memory_space<hbm>> -> memref<4097x16x128xf32, #tpu.memory_space<hbm>>
    %dma_wait3A_231 = arith.constant 0 : i32
    %dma_wait3A_232 = arith.constant 0 : i32
    %dma_wait3A_233 = arith.constant 0 : i32
    %dma_wait3A_234 = tpu.memref_slice %dma_wait3A_230[%dma_wait3A_231, %dma_wait3A_232, %dma_wait3A_233] : memref<4097x16x128xf32, #tpu.memory_space<hbm>> -> memref<4097x16x128xf32, #tpu.memory_space<hbm>>
    tpu.wait_indirect_dma semaphore(%arg11 : memref<!tpu.dma_semaphore, #tpu.memory_space<semaphore_mem>>) src(%dma_wait3A_234 : memref<4097x16x128xf32, #tpu.memory_space<hbm>>) dst(%arg7 : memref<16x16x128xf32, #tpu.memory_space<vmem>>)
    %add3A_235 = arith.constant 64 : i32
    %add3A_236 = arith.addi %mul3A_32, %add3A_235 : i32
    %dma_start3A_237 = arith.constant 0 : i32
    %dma_start3A_238 = arith.constant 0 : i32
    %dma_start3A_239 = tpu.memref_slice %arg4[%add3A_236, %dma_start3A_237, %select_n3A, %dma_start3A_238] : memref<2049x16x4x128xf32, #tpu.memory_space<hbm>> -> memref<16x16x1x128xf32, #tpu.memory_space<hbm>>
    %dma_start3A_240 = tpu.memref_squeeze %dma_start3A_239 : memref<16x16x1x128xf32, #tpu.memory_space<hbm>> -> memref<16x16x128xf32, #tpu.memory_space<hbm>>
    %dma_start3A_241 = arith.constant 0 : i32
    %dma_start3A_242 = arith.constant 0 : i32
    %dma_start3A_243 = tpu.memref_slice %arg4[%add3A_236, %dma_start3A_241, %select_n3A, %dma_start3A_242] : memref<2049x16x4x128xf32, #tpu.memory_space<hbm>> -> memref<16x16x1x128xf32, #tpu.memory_space<hbm>>
    %dma_start3A_244 = tpu.memref_squeeze %dma_start3A_243 : memref<16x16x1x128xf32, #tpu.memory_space<hbm>> -> memref<16x16x128xf32, #tpu.memory_space<hbm>>
    tpu.enqueue_dma source(%arg7 : memref<16x16x128xf32, #tpu.memory_space<vmem>>) target(%dma_start3A_244 : memref<16x16x128xf32, #tpu.memory_space<hbm>>) target_semaphore(%arg14 : memref<!tpu.dma_semaphore, #tpu.memory_space<semaphore_mem>>)
    %dma_wait3A_245 = arith.constant 0 : i32
    %dma_wait3A_246 = arith.constant 0 : i32
    %dma_wait3A_247 = tpu.memref_slice %arg4[%add3A_236, %dma_wait3A_245, %select_n3A, %dma_wait3A_246] : memref<2049x16x4x128xf32, #tpu.memory_space<hbm>> -> memref<16x16x1x128xf32, #tpu.memory_space<hbm>>
    %dma_wait3A_248 = tpu.memref_squeeze %dma_wait3A_247 : memref<16x16x1x128xf32, #tpu.memory_space<hbm>> -> memref<16x16x128xf32, #tpu.memory_space<hbm>>
    %dma_wait3A_249 = arith.constant 0 : i32
    %dma_wait3A_250 = arith.constant 0 : i32
    %dma_wait3A_251 = tpu.memref_slice %arg4[%add3A_236, %dma_wait3A_249, %select_n3A, %dma_wait3A_250] : memref<2049x16x4x128xf32, #tpu.memory_space<hbm>> -> memref<16x16x1x128xf32, #tpu.memory_space<hbm>>
    %dma_wait3A_252 = tpu.memref_squeeze %dma_wait3A_251 : memref<16x16x1x128xf32, #tpu.memory_space<hbm>> -> memref<16x16x128xf32, #tpu.memory_space<hbm>>
    tpu.wait_dma2 semaphore(%arg14 : memref<!tpu.dma_semaphore, #tpu.memory_space<semaphore_mem>>) src(%arg7 : memref<16x16x128xf32, #tpu.memory_space<vmem>>) dst(%dma_wait3A_252 : memref<16x16x128xf32, #tpu.memory_space<hbm>>)
    %dma_start3A_253 = arith.constant 112 : i32
    %dma_start3A_254 = tpu.memref_slice %arg5[%dma_start3A_253] : memref<256xi32, #tpu.memory_space<vmem>> -> memref<16xi32, #tpu.memory_space<vmem>>
    %dma_start3A_255 = arith.constant 0 : i32
    %dma_start3A_256 = arith.constant 0 : i32
    %dma_start3A_257 = arith.constant 0 : i32
    %dma_start3A_258 = tpu.memref_slice %arg2[%dma_start3A_255, %dma_start3A_256, %select_n3A, %dma_start3A_257] : memref<4097x16x4x128xf32, #tpu.memory_space<hbm>> -> memref<4097x16x1x128xf32, #tpu.memory_space<hbm>>
    %dma_start3A_259 = tpu.memref_squeeze %dma_start3A_258 : memref<4097x16x1x128xf32, #tpu.memory_space<hbm>> -> memref<4097x16x128xf32, #tpu.memory_space<hbm>>
    %dma_start3A_260 = arith.constant 0 : i32
    %dma_start3A_261 = arith.constant 0 : i32
    %dma_start3A_262 = arith.constant 0 : i32
    %dma_start3A_263 = tpu.memref_slice %dma_start3A_259[%dma_start3A_260, %dma_start3A_261, %dma_start3A_262] : memref<4097x16x128xf32, #tpu.memory_space<hbm>> -> memref<4097x16x128xf32, #tpu.memory_space<hbm>>
    tpu.enqueue_indirect_dma source(%dma_start3A_263 : memref<4097x16x128xf32, #tpu.memory_space<hbm>>) target(%arg7 : memref<16x16x128xf32, #tpu.memory_space<vmem>>) offsets(%dma_start3A_254 : memref<16xi32, #tpu.memory_space<vmem>>) semaphore(%arg11 : memref<!tpu.dma_semaphore, #tpu.memory_space<semaphore_mem>>)
    %dma_wait3A_264 = arith.constant 80 : i32
    %dma_wait3A_265 = tpu.memref_slice %arg5[%dma_wait3A_264] : memref<256xi32, #tpu.memory_space<vmem>> -> memref<16xi32, #tpu.memory_space<vmem>>
    %dma_wait3A_266 = arith.constant 0 : i32
    %dma_wait3A_267 = arith.constant 0 : i32
    %dma_wait3A_268 = arith.constant 0 : i32
    %dma_wait3A_269 = tpu.memref_slice %arg2[%dma_wait3A_266, %dma_wait3A_267, %select_n3A, %dma_wait3A_268] : memref<4097x16x4x128xf32, #tpu.memory_space<hbm>> -> memref<4097x16x1x128xf32, #tpu.memory_space<hbm>>
    %dma_wait3A_270 = tpu.memref_squeeze %dma_wait3A_269 : memref<4097x16x1x128xf32, #tpu.memory_space<hbm>> -> memref<4097x16x128xf32, #tpu.memory_space<hbm>>
    %dma_wait3A_271 = arith.constant 0 : i32
    %dma_wait3A_272 = arith.constant 0 : i32
    %dma_wait3A_273 = arith.constant 0 : i32
    %dma_wait3A_274 = tpu.memref_slice %dma_wait3A_270[%dma_wait3A_271, %dma_wait3A_272, %dma_wait3A_273] : memref<4097x16x128xf32, #tpu.memory_space<hbm>> -> memref<4097x16x128xf32, #tpu.memory_space<hbm>>
    tpu.wait_indirect_dma semaphore(%arg12 : memref<!tpu.dma_semaphore, #tpu.memory_space<semaphore_mem>>) src(%dma_wait3A_274 : memref<4097x16x128xf32, #tpu.memory_space<hbm>>) dst(%arg8 : memref<16x16x128xf32, #tpu.memory_space<vmem>>)
    %add3A_275 = arith.constant 80 : i32
    %add3A_276 = arith.addi %mul3A_32, %add3A_275 : i32
    %dma_start3A_277 = arith.constant 0 : i32
    %dma_start3A_278 = arith.constant 0 : i32
    %dma_start3A_279 = tpu.memref_slice %arg4[%add3A_276, %dma_start3A_277, %select_n3A, %dma_start3A_278] : memref<2049x16x4x128xf32, #tpu.memory_space<hbm>> -> memref<16x16x1x128xf32, #tpu.memory_space<hbm>>
    %dma_start3A_280 = tpu.memref_squeeze %dma_start3A_279 : memref<16x16x1x128xf32, #tpu.memory_space<hbm>> -> memref<16x16x128xf32, #tpu.memory_space<hbm>>
    %dma_start3A_281 = arith.constant 0 : i32
    %dma_start3A_282 = arith.constant 0 : i32
    %dma_start3A_283 = tpu.memref_slice %arg4[%add3A_276, %dma_start3A_281, %select_n3A, %dma_start3A_282] : memref<2049x16x4x128xf32, #tpu.memory_space<hbm>> -> memref<16x16x1x128xf32, #tpu.memory_space<hbm>>
    %dma_start3A_284 = tpu.memref_squeeze %dma_start3A_283 : memref<16x16x1x128xf32, #tpu.memory_space<hbm>> -> memref<16x16x128xf32, #tpu.memory_space<hbm>>
    tpu.enqueue_dma source(%arg8 : memref<16x16x128xf32, #tpu.memory_space<vmem>>) target(%dma_start3A_284 : memref<16x16x128xf32, #tpu.memory_space<hbm>>) target_semaphore(%arg15 : memref<!tpu.dma_semaphore, #tpu.memory_space<semaphore_mem>>)
    %dma_wait3A_285 = arith.constant 0 : i32
    %dma_wait3A_286 = arith.constant 0 : i32
    %dma_wait3A_287 = tpu.memref_slice %arg4[%add3A_276, %dma_wait3A_285, %select_n3A, %dma_wait3A_286] : memref<2049x16x4x128xf32, #tpu.memory_space<hbm>> -> memref<16x16x1x128xf32, #tpu.memory_space<hbm>>
    %dma_wait3A_288 = tpu.memref_squeeze %dma_wait3A_287 : memref<16x16x1x128xf32, #tpu.memory_space<hbm>> -> memref<16x16x128xf32, #tpu.memory_space<hbm>>
    %dma_wait3A_289 = arith.constant 0 : i32
    %dma_wait3A_290 = arith.constant 0 : i32
    %dma_wait3A_291 = tpu.memref_slice %arg4[%add3A_276, %dma_wait3A_289, %select_n3A, %dma_wait3A_290] : memref<2049x16x4x128xf32, #tpu.memory_space<hbm>> -> memref<16x16x1x128xf32, #tpu.memory_space<hbm>>
    %dma_wait3A_292 = tpu.memref_squeeze %dma_wait3A_291 : memref<16x16x1x128xf32, #tpu.memory_space<hbm>> -> memref<16x16x128xf32, #tpu.memory_space<hbm>>
    tpu.wait_dma2 semaphore(%arg15 : memref<!tpu.dma_semaphore, #tpu.memory_space<semaphore_mem>>) src(%arg8 : memref<16x16x128xf32, #tpu.memory_space<vmem>>) dst(%dma_wait3A_292 : memref<16x16x128xf32, #tpu.memory_space<hbm>>)
    %dma_start3A_293 = arith.constant 128 : i32
    %dma_start3A_294 = tpu.memref_slice %arg5[%dma_start3A_293] : memref<256xi32, #tpu.memory_space<vmem>> -> memref<16xi32, #tpu.memory_space<vmem>>
    %dma_start3A_295 = arith.constant 0 : i32
    %dma_start3A_296 = arith.constant 0 : i32
    %dma_start3A_297 = arith.constant 0 : i32
    %dma_start3A_298 = tpu.memref_slice %arg2[%dma_start3A_295, %dma_start3A_296, %select_n3A, %dma_start3A_297] : memref<4097x16x4x128xf32, #tpu.memory_space<hbm>> -> memref<4097x16x1x128xf32, #tpu.memory_space<hbm>>
    %dma_start3A_299 = tpu.memref_squeeze %dma_start3A_298 : memref<4097x16x1x128xf32, #tpu.memory_space<hbm>> -> memref<4097x16x128xf32, #tpu.memory_space<hbm>>
    %dma_start3A_300 = arith.constant 0 : i32
    %dma_start3A_301 = arith.constant 0 : i32
    %dma_start3A_302 = arith.constant 0 : i32
    %dma_start3A_303 = tpu.memref_slice %dma_start3A_299[%dma_start3A_300, %dma_start3A_301, %dma_start3A_302] : memref<4097x16x128xf32, #tpu.memory_space<hbm>> -> memref<4097x16x128xf32, #tpu.memory_space<hbm>>
    tpu.enqueue_indirect_dma source(%dma_start3A_303 : memref<4097x16x128xf32, #tpu.memory_space<hbm>>) target(%arg8 : memref<16x16x128xf32, #tpu.memory_space<vmem>>) offsets(%dma_start3A_294 : memref<16xi32, #tpu.memory_space<vmem>>) semaphore(%arg12 : memref<!tpu.dma_semaphore, #tpu.memory_space<semaphore_mem>>)
    %dma_wait3A_304 = arith.constant 96 : i32
    %dma_wait3A_305 = tpu.memref_slice %arg5[%dma_wait3A_304] : memref<256xi32, #tpu.memory_space<vmem>> -> memref<16xi32, #tpu.memory_space<vmem>>
    %dma_wait3A_306 = arith.constant 0 : i32
    %dma_wait3A_307 = arith.constant 0 : i32
    %dma_wait3A_308 = arith.constant 0 : i32
    %dma_wait3A_309 = tpu.memref_slice %arg2[%dma_wait3A_306, %dma_wait3A_307, %select_n3A, %dma_wait3A_308] : memref<4097x16x4x128xf32, #tpu.memory_space<hbm>> -> memref<4097x16x1x128xf32, #tpu.memory_space<hbm>>
    %dma_wait3A_310 = tpu.memref_squeeze %dma_wait3A_309 : memref<4097x16x1x128xf32, #tpu.memory_space<hbm>> -> memref<4097x16x128xf32, #tpu.memory_space<hbm>>
    %dma_wait3A_311 = arith.constant 0 : i32
    %dma_wait3A_312 = arith.constant 0 : i32
    %dma_wait3A_313 = arith.constant 0 : i32
    %dma_wait3A_314 = tpu.memref_slice %dma_wait3A_310[%dma_wait3A_311, %dma_wait3A_312, %dma_wait3A_313] : memref<4097x16x128xf32, #tpu.memory_space<hbm>> -> memref<4097x16x128xf32, #tpu.memory_space<hbm>>
    tpu.wait_indirect_dma semaphore(%arg10 : memref<!tpu.dma_semaphore, #tpu.memory_space<semaphore_mem>>) src(%dma_wait3A_314 : memref<4097x16x128xf32, #tpu.memory_space<hbm>>) dst(%arg6 : memref<16x16x128xf32, #tpu.memory_space<vmem>>)
    %add3A_315 = arith.constant 96 : i32
    %add3A_316 = arith.addi %mul3A_32, %add3A_315 : i32
    %dma_start3A_317 = arith.constant 0 : i32
    %dma_start3A_318 = arith.constant 0 : i32
    %dma_start3A_319 = tpu.memref_slice %arg4[%add3A_316, %dma_start3A_317, %select_n3A, %dma_start3A_318] : memref<2049x16x4x128xf32, #tpu.memory_space<hbm>> -> memref<16x16x1x128xf32, #tpu.memory_space<hbm>>
    %dma_start3A_320 = tpu.memref_squeeze %dma_start3A_319 : memref<16x16x1x128xf32, #tpu.memory_space<hbm>> -> memref<16x16x128xf32, #tpu.memory_space<hbm>>
    %dma_start3A_321 = arith.constant 0 : i32
    %dma_start3A_322 = arith.constant 0 : i32
    %dma_start3A_323 = tpu.memref_slice %arg4[%add3A_316, %dma_start3A_321, %select_n3A, %dma_start3A_322] : memref<2049x16x4x128xf32, #tpu.memory_space<hbm>> -> memref<16x16x1x128xf32, #tpu.memory_space<hbm>>
    %dma_start3A_324 = tpu.memref_squeeze %dma_start3A_323 : memref<16x16x1x128xf32, #tpu.memory_space<hbm>> -> memref<16x16x128xf32, #tpu.memory_space<hbm>>
    tpu.enqueue_dma source(%arg6 : memref<16x16x128xf32, #tpu.memory_space<vmem>>) target(%dma_start3A_324 : memref<16x16x128xf32, #tpu.memory_space<hbm>>) target_semaphore(%arg13 : memref<!tpu.dma_semaphore, #tpu.memory_space<semaphore_mem>>)
    %dma_wait3A_325 = arith.constant 0 : i32
    %dma_wait3A_326 = arith.constant 0 : i32
    %dma_wait3A_327 = tpu.memref_slice %arg4[%add3A_316, %dma_wait3A_325, %select_n3A, %dma_wait3A_326] : memref<2049x16x4x128xf32, #tpu.memory_space<hbm>> -> memref<16x16x1x128xf32, #tpu.memory_space<hbm>>
    %dma_wait3A_328 = tpu.memref_squeeze %dma_wait3A_327 : memref<16x16x1x128xf32, #tpu.memory_space<hbm>> -> memref<16x16x128xf32, #tpu.memory_space<hbm>>
    %dma_wait3A_329 = arith.constant 0 : i32
    %dma_wait3A_330 = arith.constant 0 : i32
    %dma_wait3A_331 = tpu.memref_slice %arg4[%add3A_316, %dma_wait3A_329, %select_n3A, %dma_wait3A_330] : memref<2049x16x4x128xf32, #tpu.memory_space<hbm>> -> memref<16x16x1x128xf32, #tpu.memory_space<hbm>>
    %dma_wait3A_332 = tpu.memref_squeeze %dma_wait3A_331 : memref<16x16x1x128xf32, #tpu.memory_space<hbm>> -> memref<16x16x128xf32, #tpu.memory_space<hbm>>
    tpu.wait_dma2 semaphore(%arg13 : memref<!tpu.dma_semaphore, #tpu.memory_space<semaphore_mem>>) src(%arg6 : memref<16x16x128xf32, #tpu.memory_space<vmem>>) dst(%dma_wait3A_332 : memref<16x16x128xf32, #tpu.memory_space<hbm>>)
    %dma_start3A_333 = arith.constant 144 : i32
    %dma_start3A_334 = tpu.memref_slice %arg5[%dma_start3A_333] : memref<256xi32, #tpu.memory_space<vmem>> -> memref<16xi32, #tpu.memory_space<vmem>>
    %dma_start3A_335 = arith.constant 0 : i32
    %dma_start3A_336 = arith.constant 0 : i32
    %dma_start3A_337 = arith.constant 0 : i32
    %dma_start3A_338 = tpu.memref_slice %arg2[%dma_start3A_335, %dma_start3A_336, %select_n3A, %dma_start3A_337] : memref<4097x16x4x128xf32, #tpu.memory_space<hbm>> -> memref<4097x16x1x128xf32, #tpu.memory_space<hbm>>
    %dma_start3A_339 = tpu.memref_squeeze %dma_start3A_338 : memref<4097x16x1x128xf32, #tpu.memory_space<hbm>> -> memref<4097x16x128xf32, #tpu.memory_space<hbm>>
    %dma_start3A_340 = arith.constant 0 : i32
    %dma_start3A_341 = arith.constant 0 : i32
    %dma_start3A_342 = arith.constant 0 : i32
    %dma_start3A_343 = tpu.memref_slice %dma_start3A_339[%dma_start3A_340, %dma_start3A_341, %dma_start3A_342] : memref<4097x16x128xf32, #tpu.memory_space<hbm>> -> memref<4097x16x128xf32, #tpu.memory_space<hbm>>
    tpu.enqueue_indirect_dma source(%dma_start3A_343 : memref<4097x16x128xf32, #tpu.memory_space<hbm>>) target(%arg6 : memref<16x16x128xf32, #tpu.memory_space<vmem>>) offsets(%dma_start3A_334 : memref<16xi32, #tpu.memory_space<vmem>>) semaphore(%arg10 : memref<!tpu.dma_semaphore, #tpu.memory_space<semaphore_mem>>)
    %dma_wait3A_344 = arith.constant 112 : i32
    %dma_wait3A_345 = tpu.memref_slice %arg5[%dma_wait3A_344] : memref<256xi32, #tpu.memory_space<vmem>> -> memref<16xi32, #tpu.memory_space<vmem>>
    %dma_wait3A_346 = arith.constant 0 : i32
    %dma_wait3A_347 = arith.constant 0 : i32
    %dma_wait3A_348 = arith.constant 0 : i32
    %dma_wait3A_349 = tpu.memref_slice %arg2[%dma_wait3A_346, %dma_wait3A_347, %select_n3A, %dma_wait3A_348] : memref<4097x16x4x128xf32, #tpu.memory_space<hbm>> -> memref<4097x16x1x128xf32, #tpu.memory_space<hbm>>
    %dma_wait3A_350 = tpu.memref_squeeze %dma_wait3A_349 : memref<4097x16x1x128xf32, #tpu.memory_space<hbm>> -> memref<4097x16x128xf32, #tpu.memory_space<hbm>>
    %dma_wait3A_351 = arith.constant 0 : i32
    %dma_wait3A_352 = arith.constant 0 : i32
    %dma_wait3A_353 = arith.constant 0 : i32
    %dma_wait3A_354 = tpu.memref_slice %dma_wait3A_350[%dma_wait3A_351, %dma_wait3A_352, %dma_wait3A_353] : memref<4097x16x128xf32, #tpu.memory_space<hbm>> -> memref<4097x16x128xf32, #tpu.memory_space<hbm>>
    tpu.wait_indirect_dma semaphore(%arg11 : memref<!tpu.dma_semaphore, #tpu.memory_space<semaphore_mem>>) src(%dma_wait3A_354 : memref<4097x16x128xf32, #tpu.memory_space<hbm>>) dst(%arg7 : memref<16x16x128xf32, #tpu.memory_space<vmem>>)
    %add3A_355 = arith.constant 112 : i32
    %add3A_356 = arith.addi %mul3A_32, %add3A_355 : i32
    %dma_start3A_357 = arith.constant 0 : i32
    %dma_start3A_358 = arith.constant 0 : i32
    %dma_start3A_359 = tpu.memref_slice %arg4[%add3A_356, %dma_start3A_357, %select_n3A, %dma_start3A_358] : memref<2049x16x4x128xf32, #tpu.memory_space<hbm>> -> memref<16x16x1x128xf32, #tpu.memory_space<hbm>>
    %dma_start3A_360 = tpu.memref_squeeze %dma_start3A_359 : memref<16x16x1x128xf32, #tpu.memory_space<hbm>> -> memref<16x16x128xf32, #tpu.memory_space<hbm>>
    %dma_start3A_361 = arith.constant 0 : i32
    %dma_start3A_362 = arith.constant 0 : i32
    %dma_start3A_363 = tpu.memref_slice %arg4[%add3A_356, %dma_start3A_361, %select_n3A, %dma_start3A_362] : memref<2049x16x4x128xf32, #tpu.memory_space<hbm>> -> memref<16x16x1x128xf32, #tpu.memory_space<hbm>>
    %dma_start3A_364 = tpu.memref_squeeze %dma_start3A_363 : memref<16x16x1x128xf32, #tpu.memory_space<hbm>> -> memref<16x16x128xf32, #tpu.memory_space<hbm>>
    tpu.enqueue_dma source(%arg7 : memref<16x16x128xf32, #tpu.memory_space<vmem>>) target(%dma_start3A_364 : memref<16x16x128xf32, #tpu.memory_space<hbm>>) target_semaphore(%arg14 : memref<!tpu.dma_semaphore, #tpu.memory_space<semaphore_mem>>)
    %dma_wait3A_365 = arith.constant 0 : i32
    %dma_wait3A_366 = arith.constant 0 : i32
    %dma_wait3A_367 = tpu.memref_slice %arg4[%add3A_356, %dma_wait3A_365, %select_n3A, %dma_wait3A_366] : memref<2049x16x4x128xf32, #tpu.memory_space<hbm>> -> memref<16x16x1x128xf32, #tpu.memory_space<hbm>>
    %dma_wait3A_368 = tpu.memref_squeeze %dma_wait3A_367 : memref<16x16x1x128xf32, #tpu.memory_space<hbm>> -> memref<16x16x128xf32, #tpu.memory_space<hbm>>
    %dma_wait3A_369 = arith.constant 0 : i32
    %dma_wait3A_370 = arith.constant 0 : i32
    %dma_wait3A_371 = tpu.memref_slice %arg4[%add3A_356, %dma_wait3A_369, %select_n3A, %dma_wait3A_370] : memref<2049x16x4x128xf32, #tpu.memory_space<hbm>> -> memref<16x16x1x128xf32, #tpu.memory_space<hbm>>
    %dma_wait3A_372 = tpu.memref_squeeze %dma_wait3A_371 : memref<16x16x1x128xf32, #tpu.memory_space<hbm>> -> memref<16x16x128xf32, #tpu.memory_space<hbm>>
    tpu.wait_dma2 semaphore(%arg14 : memref<!tpu.dma_semaphore, #tpu.memory_space<semaphore_mem>>) src(%arg7 : memref<16x16x128xf32, #tpu.memory_space<vmem>>) dst(%dma_wait3A_372 : memref<16x16x128xf32, #tpu.memory_space<hbm>>)
    %dma_start3A_373 = arith.constant 160 : i32
    %dma_start3A_374 = tpu.memref_slice %arg5[%dma_start3A_373] : memref<256xi32, #tpu.memory_space<vmem>> -> memref<16xi32, #tpu.memory_space<vmem>>
    %dma_start3A_375 = arith.constant 0 : i32
    %dma_start3A_376 = arith.constant 0 : i32
    %dma_start3A_377 = arith.constant 0 : i32
    %dma_start3A_378 = tpu.memref_slice %arg2[%dma_start3A_375, %dma_start3A_376, %select_n3A, %dma_start3A_377] : memref<4097x16x4x128xf32, #tpu.memory_space<hbm>> -> memref<4097x16x1x128xf32, #tpu.memory_space<hbm>>
    %dma_start3A_379 = tpu.memref_squeeze %dma_start3A_378 : memref<4097x16x1x128xf32, #tpu.memory_space<hbm>> -> memref<4097x16x128xf32, #tpu.memory_space<hbm>>
    %dma_start3A_380 = arith.constant 0 : i32
    %dma_start3A_381 = arith.constant 0 : i32
    %dma_start3A_382 = arith.constant 0 : i32
    %dma_start3A_383 = tpu.memref_slice %dma_start3A_379[%dma_start3A_380, %dma_start3A_381, %dma_start3A_382] : memref<4097x16x128xf32, #tpu.memory_space<hbm>> -> memref<4097x16x128xf32, #tpu.memory_space<hbm>>
    tpu.enqueue_indirect_dma source(%dma_start3A_383 : memref<4097x16x128xf32, #tpu.memory_space<hbm>>) target(%arg7 : memref<16x16x128xf32, #tpu.memory_space<vmem>>) offsets(%dma_start3A_374 : memref<16xi32, #tpu.memory_space<vmem>>) semaphore(%arg11 : memref<!tpu.dma_semaphore, #tpu.memory_space<semaphore_mem>>)
    %dma_wait3A_384 = arith.constant 128 : i32
    %dma_wait3A_385 = tpu.memref_slice %arg5[%dma_wait3A_384] : memref<256xi32, #tpu.memory_space<vmem>> -> memref<16xi32, #tpu.memory_space<vmem>>
    %dma_wait3A_386 = arith.constant 0 : i32
    %dma_wait3A_387 = arith.constant 0 : i32
    %dma_wait3A_388 = arith.constant 0 : i32
    %dma_wait3A_389 = tpu.memref_slice %arg2[%dma_wait3A_386, %dma_wait3A_387, %select_n3A, %dma_wait3A_388] : memref<4097x16x4x128xf32, #tpu.memory_space<hbm>> -> memref<4097x16x1x128xf32, #tpu.memory_space<hbm>>
    %dma_wait3A_390 = tpu.memref_squeeze %dma_wait3A_389 : memref<4097x16x1x128xf32, #tpu.memory_space<hbm>> -> memref<4097x16x128xf32, #tpu.memory_space<hbm>>
    %dma_wait3A_391 = arith.constant 0 : i32
    %dma_wait3A_392 = arith.constant 0 : i32
    %dma_wait3A_393 = arith.constant 0 : i32
    %dma_wait3A_394 = tpu.memref_slice %dma_wait3A_390[%dma_wait3A_391, %dma_wait3A_392, %dma_wait3A_393] : memref<4097x16x128xf32, #tpu.memory_space<hbm>> -> memref<4097x16x128xf32, #tpu.memory_space<hbm>>
    tpu.wait_indirect_dma semaphore(%arg12 : memref<!tpu.dma_semaphore, #tpu.memory_space<semaphore_mem>>) src(%dma_wait3A_394 : memref<4097x16x128xf32, #tpu.memory_space<hbm>>) dst(%arg8 : memref<16x16x128xf32, #tpu.memory_space<vmem>>)
    %add3A_395 = arith.constant 128 : i32
    %add3A_396 = arith.addi %mul3A_32, %add3A_395 : i32
    %dma_start3A_397 = arith.constant 0 : i32
    %dma_start3A_398 = arith.constant 0 : i32
    %dma_start3A_399 = tpu.memref_slice %arg4[%add3A_396, %dma_start3A_397, %select_n3A, %dma_start3A_398] : memref<2049x16x4x128xf32, #tpu.memory_space<hbm>> -> memref<16x16x1x128xf32, #tpu.memory_space<hbm>>
    %dma_start3A_400 = tpu.memref_squeeze %dma_start3A_399 : memref<16x16x1x128xf32, #tpu.memory_space<hbm>> -> memref<16x16x128xf32, #tpu.memory_space<hbm>>
    %dma_start3A_401 = arith.constant 0 : i32
    %dma_start3A_402 = arith.constant 0 : i32
    %dma_start3A_403 = tpu.memref_slice %arg4[%add3A_396, %dma_start3A_401, %select_n3A, %dma_start3A_402] : memref<2049x16x4x128xf32, #tpu.memory_space<hbm>> -> memref<16x16x1x128xf32, #tpu.memory_space<hbm>>
    %dma_start3A_404 = tpu.memref_squeeze %dma_start3A_403 : memref<16x16x1x128xf32, #tpu.memory_space<hbm>> -> memref<16x16x128xf32, #tpu.memory_space<hbm>>
    tpu.enqueue_dma source(%arg8 : memref<16x16x128xf32, #tpu.memory_space<vmem>>) target(%dma_start3A_404 : memref<16x16x128xf32, #tpu.memory_space<hbm>>) target_semaphore(%arg15 : memref<!tpu.dma_semaphore, #tpu.memory_space<semaphore_mem>>)
    %dma_wait3A_405 = arith.constant 0 : i32
    %dma_wait3A_406 = arith.constant 0 : i32
    %dma_wait3A_407 = tpu.memref_slice %arg4[%add3A_396, %dma_wait3A_405, %select_n3A, %dma_wait3A_406] : memref<2049x16x4x128xf32, #tpu.memory_space<hbm>> -> memref<16x16x1x128xf32, #tpu.memory_space<hbm>>
    %dma_wait3A_408 = tpu.memref_squeeze %dma_wait3A_407 : memref<16x16x1x128xf32, #tpu.memory_space<hbm>> -> memref<16x16x128xf32, #tpu.memory_space<hbm>>
    %dma_wait3A_409 = arith.constant 0 : i32
    %dma_wait3A_410 = arith.constant 0 : i32
    %dma_wait3A_411 = tpu.memref_slice %arg4[%add3A_396, %dma_wait3A_409, %select_n3A, %dma_wait3A_410] : memref<2049x16x4x128xf32, #tpu.memory_space<hbm>> -> memref<16x16x1x128xf32, #tpu.memory_space<hbm>>
    %dma_wait3A_412 = tpu.memref_squeeze %dma_wait3A_411 : memref<16x16x1x128xf32, #tpu.memory_space<hbm>> -> memref<16x16x128xf32, #tpu.memory_space<hbm>>
    tpu.wait_dma2 semaphore(%arg15 : memref<!tpu.dma_semaphore, #tpu.memory_space<semaphore_mem>>) src(%arg8 : memref<16x16x128xf32, #tpu.memory_space<vmem>>) dst(%dma_wait3A_412 : memref<16x16x128xf32, #tpu.memory_space<hbm>>)
    %dma_start3A_413 = arith.constant 176 : i32
    %dma_start3A_414 = tpu.memref_slice %arg5[%dma_start3A_413] : memref<256xi32, #tpu.memory_space<vmem>> -> memref<16xi32, #tpu.memory_space<vmem>>
    %dma_start3A_415 = arith.constant 0 : i32
    %dma_start3A_416 = arith.constant 0 : i32
    %dma_start3A_417 = arith.constant 0 : i32
    %dma_start3A_418 = tpu.memref_slice %arg2[%dma_start3A_415, %dma_start3A_416, %select_n3A, %dma_start3A_417] : memref<4097x16x4x128xf32, #tpu.memory_space<hbm>> -> memref<4097x16x1x128xf32, #tpu.memory_space<hbm>>
    %dma_start3A_419 = tpu.memref_squeeze %dma_start3A_418 : memref<4097x16x1x128xf32, #tpu.memory_space<hbm>> -> memref<4097x16x128xf32, #tpu.memory_space<hbm>>
    %dma_start3A_420 = arith.constant 0 : i32
    %dma_start3A_421 = arith.constant 0 : i32
    %dma_start3A_422 = arith.constant 0 : i32
    %dma_start3A_423 = tpu.memref_slice %dma_start3A_419[%dma_start3A_420, %dma_start3A_421, %dma_start3A_422] : memref<4097x16x128xf32, #tpu.memory_space<hbm>> -> memref<4097x16x128xf32, #tpu.memory_space<hbm>>
    tpu.enqueue_indirect_dma source(%dma_start3A_423 : memref<4097x16x128xf32, #tpu.memory_space<hbm>>) target(%arg8 : memref<16x16x128xf32, #tpu.memory_space<vmem>>) offsets(%dma_start3A_414 : memref<16xi32, #tpu.memory_space<vmem>>) semaphore(%arg12 : memref<!tpu.dma_semaphore, #tpu.memory_space<semaphore_mem>>)
    %dma_wait3A_424 = arith.constant 144 : i32
    %dma_wait3A_425 = tpu.memref_slice %arg5[%dma_wait3A_424] : memref<256xi32, #tpu.memory_space<vmem>> -> memref<16xi32, #tpu.memory_space<vmem>>
    %dma_wait3A_426 = arith.constant 0 : i32
    %dma_wait3A_427 = arith.constant 0 : i32
    %dma_wait3A_428 = arith.constant 0 : i32
    %dma_wait3A_429 = tpu.memref_slice %arg2[%dma_wait3A_426, %dma_wait3A_427, %select_n3A, %dma_wait3A_428] : memref<4097x16x4x128xf32, #tpu.memory_space<hbm>> -> memref<4097x16x1x128xf32, #tpu.memory_space<hbm>>
    %dma_wait3A_430 = tpu.memref_squeeze %dma_wait3A_429 : memref<4097x16x1x128xf32, #tpu.memory_space<hbm>> -> memref<4097x16x128xf32, #tpu.memory_space<hbm>>
    %dma_wait3A_431 = arith.constant 0 : i32
    %dma_wait3A_432 = arith.constant 0 : i32
    %dma_wait3A_433 = arith.constant 0 : i32
    %dma_wait3A_434 = tpu.memref_slice %dma_wait3A_430[%dma_wait3A_431, %dma_wait3A_432, %dma_wait3A_433] : memref<4097x16x128xf32, #tpu.memory_space<hbm>> -> memref<4097x16x128xf32, #tpu.memory_space<hbm>>
    tpu.wait_indirect_dma semaphore(%arg10 : memref<!tpu.dma_semaphore, #tpu.memory_space<semaphore_mem>>) src(%dma_wait3A_434 : memref<4097x16x128xf32, #tpu.memory_space<hbm>>) dst(%arg6 : memref<16x16x128xf32, #tpu.memory_space<vmem>>)
    %add3A_435 = arith.constant 144 : i32
    %add3A_436 = arith.addi %mul3A_32, %add3A_435 : i32
    %dma_start3A_437 = arith.constant 0 : i32
    %dma_start3A_438 = arith.constant 0 : i32
    %dma_start3A_439 = tpu.memref_slice %arg4[%add3A_436, %dma_start3A_437, %select_n3A, %dma_start3A_438] : memref<2049x16x4x128xf32, #tpu.memory_space<hbm>> -> memref<16x16x1x128xf32, #tpu.memory_space<hbm>>
    %dma_start3A_440 = tpu.memref_squeeze %dma_start3A_439 : memref<16x16x1x128xf32, #tpu.memory_space<hbm>> -> memref<16x16x128xf32, #tpu.memory_space<hbm>>
    %dma_start3A_441 = arith.constant 0 : i32
    %dma_start3A_442 = arith.constant 0 : i32
    %dma_start3A_443 = tpu.memref_slice %arg4[%add3A_436, %dma_start3A_441, %select_n3A, %dma_start3A_442] : memref<2049x16x4x128xf32, #tpu.memory_space<hbm>> -> memref<16x16x1x128xf32, #tpu.memory_space<hbm>>
    %dma_start3A_444 = tpu.memref_squeeze %dma_start3A_443 : memref<16x16x1x128xf32, #tpu.memory_space<hbm>> -> memref<16x16x128xf32, #tpu.memory_space<hbm>>
    tpu.enqueue_dma source(%arg6 : memref<16x16x128xf32, #tpu.memory_space<vmem>>) target(%dma_start3A_444 : memref<16x16x128xf32, #tpu.memory_space<hbm>>) target_semaphore(%arg13 : memref<!tpu.dma_semaphore, #tpu.memory_space<semaphore_mem>>)
    %dma_wait3A_445 = arith.constant 0 : i32
    %dma_wait3A_446 = arith.constant 0 : i32
    %dma_wait3A_447 = tpu.memref_slice %arg4[%add3A_436, %dma_wait3A_445, %select_n3A, %dma_wait3A_446] : memref<2049x16x4x128xf32, #tpu.memory_space<hbm>> -> memref<16x16x1x128xf32, #tpu.memory_space<hbm>>
    %dma_wait3A_448 = tpu.memref_squeeze %dma_wait3A_447 : memref<16x16x1x128xf32, #tpu.memory_space<hbm>> -> memref<16x16x128xf32, #tpu.memory_space<hbm>>
    %dma_wait3A_449 = arith.constant 0 : i32
    %dma_wait3A_450 = arith.constant 0 : i32
    %dma_wait3A_451 = tpu.memref_slice %arg4[%add3A_436, %dma_wait3A_449, %select_n3A, %dma_wait3A_450] : memref<2049x16x4x128xf32, #tpu.memory_space<hbm>> -> memref<16x16x1x128xf32, #tpu.memory_space<hbm>>
    %dma_wait3A_452 = tpu.memref_squeeze %dma_wait3A_451 : memref<16x16x1x128xf32, #tpu.memory_space<hbm>> -> memref<16x16x128xf32, #tpu.memory_space<hbm>>
    tpu.wait_dma2 semaphore(%arg13 : memref<!tpu.dma_semaphore, #tpu.memory_space<semaphore_mem>>) src(%arg6 : memref<16x16x128xf32, #tpu.memory_space<vmem>>) dst(%dma_wait3A_452 : memref<16x16x128xf32, #tpu.memory_space<hbm>>)
    %dma_start3A_453 = arith.constant 192 : i32
    %dma_start3A_454 = tpu.memref_slice %arg5[%dma_start3A_453] : memref<256xi32, #tpu.memory_space<vmem>> -> memref<16xi32, #tpu.memory_space<vmem>>
    %dma_start3A_455 = arith.constant 0 : i32
    %dma_start3A_456 = arith.constant 0 : i32
    %dma_start3A_457 = arith.constant 0 : i32
    %dma_start3A_458 = tpu.memref_slice %arg2[%dma_start3A_455, %dma_start3A_456, %select_n3A, %dma_start3A_457] : memref<4097x16x4x128xf32, #tpu.memory_space<hbm>> -> memref<4097x16x1x128xf32, #tpu.memory_space<hbm>>
    %dma_start3A_459 = tpu.memref_squeeze %dma_start3A_458 : memref<4097x16x1x128xf32, #tpu.memory_space<hbm>> -> memref<4097x16x128xf32, #tpu.memory_space<hbm>>
    %dma_start3A_460 = arith.constant 0 : i32
    %dma_start3A_461 = arith.constant 0 : i32
    %dma_start3A_462 = arith.constant 0 : i32
    %dma_start3A_463 = tpu.memref_slice %dma_start3A_459[%dma_start3A_460, %dma_start3A_461, %dma_start3A_462] : memref<4097x16x128xf32, #tpu.memory_space<hbm>> -> memref<4097x16x128xf32, #tpu.memory_space<hbm>>
    tpu.enqueue_indirect_dma source(%dma_start3A_463 : memref<4097x16x128xf32, #tpu.memory_space<hbm>>) target(%arg6 : memref<16x16x128xf32, #tpu.memory_space<vmem>>) offsets(%dma_start3A_454 : memref<16xi32, #tpu.memory_space<vmem>>) semaphore(%arg10 : memref<!tpu.dma_semaphore, #tpu.memory_space<semaphore_mem>>)
    %dma_wait3A_464 = arith.constant 160 : i32
    %dma_wait3A_465 = tpu.memref_slice %arg5[%dma_wait3A_464] : memref<256xi32, #tpu.memory_space<vmem>> -> memref<16xi32, #tpu.memory_space<vmem>>
    %dma_wait3A_466 = arith.constant 0 : i32
    %dma_wait3A_467 = arith.constant 0 : i32
    %dma_wait3A_468 = arith.constant 0 : i32
    %dma_wait3A_469 = tpu.memref_slice %arg2[%dma_wait3A_466, %dma_wait3A_467, %select_n3A, %dma_wait3A_468] : memref<4097x16x4x128xf32, #tpu.memory_space<hbm>> -> memref<4097x16x1x128xf32, #tpu.memory_space<hbm>>
    %dma_wait3A_470 = tpu.memref_squeeze %dma_wait3A_469 : memref<4097x16x1x128xf32, #tpu.memory_space<hbm>> -> memref<4097x16x128xf32, #tpu.memory_space<hbm>>
    %dma_wait3A_471 = arith.constant 0 : i32
    %dma_wait3A_472 = arith.constant 0 : i32
    %dma_wait3A_473 = arith.constant 0 : i32
    %dma_wait3A_474 = tpu.memref_slice %dma_wait3A_470[%dma_wait3A_471, %dma_wait3A_472, %dma_wait3A_473] : memref<4097x16x128xf32, #tpu.memory_space<hbm>> -> memref<4097x16x128xf32, #tpu.memory_space<hbm>>
    tpu.wait_indirect_dma semaphore(%arg11 : memref<!tpu.dma_semaphore, #tpu.memory_space<semaphore_mem>>) src(%dma_wait3A_474 : memref<4097x16x128xf32, #tpu.memory_space<hbm>>) dst(%arg7 : memref<16x16x128xf32, #tpu.memory_space<vmem>>)
    %add3A_475 = arith.constant 160 : i32
    %add3A_476 = arith.addi %mul3A_32, %add3A_475 : i32
    %dma_start3A_477 = arith.constant 0 : i32
    %dma_start3A_478 = arith.constant 0 : i32
    %dma_start3A_479 = tpu.memref_slice %arg4[%add3A_476, %dma_start3A_477, %select_n3A, %dma_start3A_478] : memref<2049x16x4x128xf32, #tpu.memory_space<hbm>> -> memref<16x16x1x128xf32, #tpu.memory_space<hbm>>
    %dma_start3A_480 = tpu.memref_squeeze %dma_start3A_479 : memref<16x16x1x128xf32, #tpu.memory_space<hbm>> -> memref<16x16x128xf32, #tpu.memory_space<hbm>>
    %dma_start3A_481 = arith.constant 0 : i32
    %dma_start3A_482 = arith.constant 0 : i32
    %dma_start3A_483 = tpu.memref_slice %arg4[%add3A_476, %dma_start3A_481, %select_n3A, %dma_start3A_482] : memref<2049x16x4x128xf32, #tpu.memory_space<hbm>> -> memref<16x16x1x128xf32, #tpu.memory_space<hbm>>
    %dma_start3A_484 = tpu.memref_squeeze %dma_start3A_483 : memref<16x16x1x128xf32, #tpu.memory_space<hbm>> -> memref<16x16x128xf32, #tpu.memory_space<hbm>>
    tpu.enqueue_dma source(%arg7 : memref<16x16x128xf32, #tpu.memory_space<vmem>>) target(%dma_start3A_484 : memref<16x16x128xf32, #tpu.memory_space<hbm>>) target_semaphore(%arg14 : memref<!tpu.dma_semaphore, #tpu.memory_space<semaphore_mem>>)
    %dma_wait3A_485 = arith.constant 0 : i32
    %dma_wait3A_486 = arith.constant 0 : i32
    %dma_wait3A_487 = tpu.memref_slice %arg4[%add3A_476, %dma_wait3A_485, %select_n3A, %dma_wait3A_486] : memref<2049x16x4x128xf32, #tpu.memory_space<hbm>> -> memref<16x16x1x128xf32, #tpu.memory_space<hbm>>
    %dma_wait3A_488 = tpu.memref_squeeze %dma_wait3A_487 : memref<16x16x1x128xf32, #tpu.memory_space<hbm>> -> memref<16x16x128xf32, #tpu.memory_space<hbm>>
    %dma_wait3A_489 = arith.constant 0 : i32
    %dma_wait3A_490 = arith.constant 0 : i32
    %dma_wait3A_491 = tpu.memref_slice %arg4[%add3A_476, %dma_wait3A_489, %select_n3A, %dma_wait3A_490] : memref<2049x16x4x128xf32, #tpu.memory_space<hbm>> -> memref<16x16x1x128xf32, #tpu.memory_space<hbm>>
    %dma_wait3A_492 = tpu.memref_squeeze %dma_wait3A_491 : memref<16x16x1x128xf32, #tpu.memory_space<hbm>> -> memref<16x16x128xf32, #tpu.memory_space<hbm>>
    tpu.wait_dma2 semaphore(%arg14 : memref<!tpu.dma_semaphore, #tpu.memory_space<semaphore_mem>>) src(%arg7 : memref<16x16x128xf32, #tpu.memory_space<vmem>>) dst(%dma_wait3A_492 : memref<16x16x128xf32, #tpu.memory_space<hbm>>)
    %dma_start3A_493 = arith.constant 208 : i32
    %dma_start3A_494 = tpu.memref_slice %arg5[%dma_start3A_493] : memref<256xi32, #tpu.memory_space<vmem>> -> memref<16xi32, #tpu.memory_space<vmem>>
    %dma_start3A_495 = arith.constant 0 : i32
    %dma_start3A_496 = arith.constant 0 : i32
    %dma_start3A_497 = arith.constant 0 : i32
    %dma_start3A_498 = tpu.memref_slice %arg2[%dma_start3A_495, %dma_start3A_496, %select_n3A, %dma_start3A_497] : memref<4097x16x4x128xf32, #tpu.memory_space<hbm>> -> memref<4097x16x1x128xf32, #tpu.memory_space<hbm>>
    %dma_start3A_499 = tpu.memref_squeeze %dma_start3A_498 : memref<4097x16x1x128xf32, #tpu.memory_space<hbm>> -> memref<4097x16x128xf32, #tpu.memory_space<hbm>>
    %dma_start3A_500 = arith.constant 0 : i32
    %dma_start3A_501 = arith.constant 0 : i32
    %dma_start3A_502 = arith.constant 0 : i32
    %dma_start3A_503 = tpu.memref_slice %dma_start3A_499[%dma_start3A_500, %dma_start3A_501, %dma_start3A_502] : memref<4097x16x128xf32, #tpu.memory_space<hbm>> -> memref<4097x16x128xf32, #tpu.memory_space<hbm>>
    tpu.enqueue_indirect_dma source(%dma_start3A_503 : memref<4097x16x128xf32, #tpu.memory_space<hbm>>) target(%arg7 : memref<16x16x128xf32, #tpu.memory_space<vmem>>) offsets(%dma_start3A_494 : memref<16xi32, #tpu.memory_space<vmem>>) semaphore(%arg11 : memref<!tpu.dma_semaphore, #tpu.memory_space<semaphore_mem>>)
    %dma_wait3A_504 = arith.constant 176 : i32
    %dma_wait3A_505 = tpu.memref_slice %arg5[%dma_wait3A_504] : memref<256xi32, #tpu.memory_space<vmem>> -> memref<16xi32, #tpu.memory_space<vmem>>
    %dma_wait3A_506 = arith.constant 0 : i32
    %dma_wait3A_507 = arith.constant 0 : i32
    %dma_wait3A_508 = arith.constant 0 : i32
    %dma_wait3A_509 = tpu.memref_slice %arg2[%dma_wait3A_506, %dma_wait3A_507, %select_n3A, %dma_wait3A_508] : memref<4097x16x4x128xf32, #tpu.memory_space<hbm>> -> memref<4097x16x1x128xf32, #tpu.memory_space<hbm>>
    %dma_wait3A_510 = tpu.memref_squeeze %dma_wait3A_509 : memref<4097x16x1x128xf32, #tpu.memory_space<hbm>> -> memref<4097x16x128xf32, #tpu.memory_space<hbm>>
    %dma_wait3A_511 = arith.constant 0 : i32
    %dma_wait3A_512 = arith.constant 0 : i32
    %dma_wait3A_513 = arith.constant 0 : i32
    %dma_wait3A_514 = tpu.memref_slice %dma_wait3A_510[%dma_wait3A_511, %dma_wait3A_512, %dma_wait3A_513] : memref<4097x16x128xf32, #tpu.memory_space<hbm>> -> memref<4097x16x128xf32, #tpu.memory_space<hbm>>
    tpu.wait_indirect_dma semaphore(%arg12 : memref<!tpu.dma_semaphore, #tpu.memory_space<semaphore_mem>>) src(%dma_wait3A_514 : memref<4097x16x128xf32, #tpu.memory_space<hbm>>) dst(%arg8 : memref<16x16x128xf32, #tpu.memory_space<vmem>>)
    %add3A_515 = arith.constant 176 : i32
    %add3A_516 = arith.addi %mul3A_32, %add3A_515 : i32
    %dma_start3A_517 = arith.constant 0 : i32
    %dma_start3A_518 = arith.constant 0 : i32
    %dma_start3A_519 = tpu.memref_slice %arg4[%add3A_516, %dma_start3A_517, %select_n3A, %dma_start3A_518] : memref<2049x16x4x128xf32, #tpu.memory_space<hbm>> -> memref<16x16x1x128xf32, #tpu.memory_space<hbm>>
    %dma_start3A_520 = tpu.memref_squeeze %dma_start3A_519 : memref<16x16x1x128xf32, #tpu.memory_space<hbm>> -> memref<16x16x128xf32, #tpu.memory_space<hbm>>
    %dma_start3A_521 = arith.constant 0 : i32
    %dma_start3A_522 = arith.constant 0 : i32
    %dma_start3A_523 = tpu.memref_slice %arg4[%add3A_516, %dma_start3A_521, %select_n3A, %dma_start3A_522] : memref<2049x16x4x128xf32, #tpu.memory_space<hbm>> -> memref<16x16x1x128xf32, #tpu.memory_space<hbm>>
    %dma_start3A_524 = tpu.memref_squeeze %dma_start3A_523 : memref<16x16x1x128xf32, #tpu.memory_space<hbm>> -> memref<16x16x128xf32, #tpu.memory_space<hbm>>
    tpu.enqueue_dma source(%arg8 : memref<16x16x128xf32, #tpu.memory_space<vmem>>) target(%dma_start3A_524 : memref<16x16x128xf32, #tpu.memory_space<hbm>>) target_semaphore(%arg15 : memref<!tpu.dma_semaphore, #tpu.memory_space<semaphore_mem>>)
    %dma_wait3A_525 = arith.constant 0 : i32
    %dma_wait3A_526 = arith.constant 0 : i32
    %dma_wait3A_527 = tpu.memref_slice %arg4[%add3A_516, %dma_wait3A_525, %select_n3A, %dma_wait3A_526] : memref<2049x16x4x128xf32, #tpu.memory_space<hbm>> -> memref<16x16x1x128xf32, #tpu.memory_space<hbm>>
    %dma_wait3A_528 = tpu.memref_squeeze %dma_wait3A_527 : memref<16x16x1x128xf32, #tpu.memory_space<hbm>> -> memref<16x16x128xf32, #tpu.memory_space<hbm>>
    %dma_wait3A_529 = arith.constant 0 : i32
    %dma_wait3A_530 = arith.constant 0 : i32
    %dma_wait3A_531 = tpu.memref_slice %arg4[%add3A_516, %dma_wait3A_529, %select_n3A, %dma_wait3A_530] : memref<2049x16x4x128xf32, #tpu.memory_space<hbm>> -> memref<16x16x1x128xf32, #tpu.memory_space<hbm>>
    %dma_wait3A_532 = tpu.memref_squeeze %dma_wait3A_531 : memref<16x16x1x128xf32, #tpu.memory_space<hbm>> -> memref<16x16x128xf32, #tpu.memory_space<hbm>>
    tpu.wait_dma2 semaphore(%arg15 : memref<!tpu.dma_semaphore, #tpu.memory_space<semaphore_mem>>) src(%arg8 : memref<16x16x128xf32, #tpu.memory_space<vmem>>) dst(%dma_wait3A_532 : memref<16x16x128xf32, #tpu.memory_space<hbm>>)
    %dma_start3A_533 = arith.constant 224 : i32
    %dma_start3A_534 = tpu.memref_slice %arg5[%dma_start3A_533] : memref<256xi32, #tpu.memory_space<vmem>> -> memref<16xi32, #tpu.memory_space<vmem>>
    %dma_start3A_535 = arith.constant 0 : i32
    %dma_start3A_536 = arith.constant 0 : i32
    %dma_start3A_537 = arith.constant 0 : i32
    %dma_start3A_538 = tpu.memref_slice %arg2[%dma_start3A_535, %dma_start3A_536, %select_n3A, %dma_start3A_537] : memref<4097x16x4x128xf32, #tpu.memory_space<hbm>> -> memref<4097x16x1x128xf32, #tpu.memory_space<hbm>>
    %dma_start3A_539 = tpu.memref_squeeze %dma_start3A_538 : memref<4097x16x1x128xf32, #tpu.memory_space<hbm>> -> memref<4097x16x128xf32, #tpu.memory_space<hbm>>
    %dma_start3A_540 = arith.constant 0 : i32
    %dma_start3A_541 = arith.constant 0 : i32
    %dma_start3A_542 = arith.constant 0 : i32
    %dma_start3A_543 = tpu.memref_slice %dma_start3A_539[%dma_start3A_540, %dma_start3A_541, %dma_start3A_542] : memref<4097x16x128xf32, #tpu.memory_space<hbm>> -> memref<4097x16x128xf32, #tpu.memory_space<hbm>>
    tpu.enqueue_indirect_dma source(%dma_start3A_543 : memref<4097x16x128xf32, #tpu.memory_space<hbm>>) target(%arg8 : memref<16x16x128xf32, #tpu.memory_space<vmem>>) offsets(%dma_start3A_534 : memref<16xi32, #tpu.memory_space<vmem>>) semaphore(%arg12 : memref<!tpu.dma_semaphore, #tpu.memory_space<semaphore_mem>>)
    %dma_wait3A_544 = arith.constant 192 : i32
    %dma_wait3A_545 = tpu.memref_slice %arg5[%dma_wait3A_544] : memref<256xi32, #tpu.memory_space<vmem>> -> memref<16xi32, #tpu.memory_space<vmem>>
    %dma_wait3A_546 = arith.constant 0 : i32
    %dma_wait3A_547 = arith.constant 0 : i32
    %dma_wait3A_548 = arith.constant 0 : i32
    %dma_wait3A_549 = tpu.memref_slice %arg2[%dma_wait3A_546, %dma_wait3A_547, %select_n3A, %dma_wait3A_548] : memref<4097x16x4x128xf32, #tpu.memory_space<hbm>> -> memref<4097x16x1x128xf32, #tpu.memory_space<hbm>>
    %dma_wait3A_550 = tpu.memref_squeeze %dma_wait3A_549 : memref<4097x16x1x128xf32, #tpu.memory_space<hbm>> -> memref<4097x16x128xf32, #tpu.memory_space<hbm>>
    %dma_wait3A_551 = arith.constant 0 : i32
    %dma_wait3A_552 = arith.constant 0 : i32
    %dma_wait3A_553 = arith.constant 0 : i32
    %dma_wait3A_554 = tpu.memref_slice %dma_wait3A_550[%dma_wait3A_551, %dma_wait3A_552, %dma_wait3A_553] : memref<4097x16x128xf32, #tpu.memory_space<hbm>> -> memref<4097x16x128xf32, #tpu.memory_space<hbm>>
    tpu.wait_indirect_dma semaphore(%arg10 : memref<!tpu.dma_semaphore, #tpu.memory_space<semaphore_mem>>) src(%dma_wait3A_554 : memref<4097x16x128xf32, #tpu.memory_space<hbm>>) dst(%arg6 : memref<16x16x128xf32, #tpu.memory_space<vmem>>)
    %add3A_555 = arith.constant 192 : i32
    %add3A_556 = arith.addi %mul3A_32, %add3A_555 : i32
    %dma_start3A_557 = arith.constant 0 : i32
    %dma_start3A_558 = arith.constant 0 : i32
    %dma_start3A_559 = tpu.memref_slice %arg4[%add3A_556, %dma_start3A_557, %select_n3A, %dma_start3A_558] : memref<2049x16x4x128xf32, #tpu.memory_space<hbm>> -> memref<16x16x1x128xf32, #tpu.memory_space<hbm>>
    %dma_start3A_560 = tpu.memref_squeeze %dma_start3A_559 : memref<16x16x1x128xf32, #tpu.memory_space<hbm>> -> memref<16x16x128xf32, #tpu.memory_space<hbm>>
    %dma_start3A_561 = arith.constant 0 : i32
    %dma_start3A_562 = arith.constant 0 : i32
    %dma_start3A_563 = tpu.memref_slice %arg4[%add3A_556, %dma_start3A_561, %select_n3A, %dma_start3A_562] : memref<2049x16x4x128xf32, #tpu.memory_space<hbm>> -> memref<16x16x1x128xf32, #tpu.memory_space<hbm>>
    %dma_start3A_564 = tpu.memref_squeeze %dma_start3A_563 : memref<16x16x1x128xf32, #tpu.memory_space<hbm>> -> memref<16x16x128xf32, #tpu.memory_space<hbm>>
    tpu.enqueue_dma source(%arg6 : memref<16x16x128xf32, #tpu.memory_space<vmem>>) target(%dma_start3A_564 : memref<16x16x128xf32, #tpu.memory_space<hbm>>) target_semaphore(%arg13 : memref<!tpu.dma_semaphore, #tpu.memory_space<semaphore_mem>>)
    %dma_wait3A_565 = arith.constant 0 : i32
    %dma_wait3A_566 = arith.constant 0 : i32
    %dma_wait3A_567 = tpu.memref_slice %arg4[%add3A_556, %dma_wait3A_565, %select_n3A, %dma_wait3A_566] : memref<2049x16x4x128xf32, #tpu.memory_space<hbm>> -> memref<16x16x1x128xf32, #tpu.memory_space<hbm>>
    %dma_wait3A_568 = tpu.memref_squeeze %dma_wait3A_567 : memref<16x16x1x128xf32, #tpu.memory_space<hbm>> -> memref<16x16x128xf32, #tpu.memory_space<hbm>>
    %dma_wait3A_569 = arith.constant 0 : i32
    %dma_wait3A_570 = arith.constant 0 : i32
    %dma_wait3A_571 = tpu.memref_slice %arg4[%add3A_556, %dma_wait3A_569, %select_n3A, %dma_wait3A_570] : memref<2049x16x4x128xf32, #tpu.memory_space<hbm>> -> memref<16x16x1x128xf32, #tpu.memory_space<hbm>>
    %dma_wait3A_572 = tpu.memref_squeeze %dma_wait3A_571 : memref<16x16x1x128xf32, #tpu.memory_space<hbm>> -> memref<16x16x128xf32, #tpu.memory_space<hbm>>
    tpu.wait_dma2 semaphore(%arg13 : memref<!tpu.dma_semaphore, #tpu.memory_space<semaphore_mem>>) src(%arg6 : memref<16x16x128xf32, #tpu.memory_space<vmem>>) dst(%dma_wait3A_572 : memref<16x16x128xf32, #tpu.memory_space<hbm>>)
    %dma_start3A_573 = arith.constant 240 : i32
    %dma_start3A_574 = tpu.memref_slice %arg5[%dma_start3A_573] : memref<256xi32, #tpu.memory_space<vmem>> -> memref<16xi32, #tpu.memory_space<vmem>>
    %dma_start3A_575 = arith.constant 0 : i32
    %dma_start3A_576 = arith.constant 0 : i32
    %dma_start3A_577 = arith.constant 0 : i32
    %dma_start3A_578 = tpu.memref_slice %arg2[%dma_start3A_575, %dma_start3A_576, %select_n3A, %dma_start3A_577] : memref<4097x16x4x128xf32, #tpu.memory_space<hbm>> -> memref<4097x16x1x128xf32, #tpu.memory_space<hbm>>
    %dma_start3A_579 = tpu.memref_squeeze %dma_start3A_578 : memref<4097x16x1x128xf32, #tpu.memory_space<hbm>> -> memref<4097x16x128xf32, #tpu.memory_space<hbm>>
    %dma_start3A_580 = arith.constant 0 : i32
    %dma_start3A_581 = arith.constant 0 : i32
    %dma_start3A_582 = arith.constant 0 : i32
    %dma_start3A_583 = tpu.memref_slice %dma_start3A_579[%dma_start3A_580, %dma_start3A_581, %dma_start3A_582] : memref<4097x16x128xf32, #tpu.memory_space<hbm>> -> memref<4097x16x128xf32, #tpu.memory_space<hbm>>
    tpu.enqueue_indirect_dma source(%dma_start3A_583 : memref<4097x16x128xf32, #tpu.memory_space<hbm>>) target(%arg6 : memref<16x16x128xf32, #tpu.memory_space<vmem>>) offsets(%dma_start3A_574 : memref<16xi32, #tpu.memory_space<vmem>>) semaphore(%arg10 : memref<!tpu.dma_semaphore, #tpu.memory_space<semaphore_mem>>)
    %dma_wait3A_584 = arith.constant 208 : i32
    %dma_wait3A_585 = tpu.memref_slice %arg5[%dma_wait3A_584] : memref<256xi32, #tpu.memory_space<vmem>> -> memref<16xi32, #tpu.memory_space<vmem>>
    %dma_wait3A_586 = arith.constant 0 : i32
    %dma_wait3A_587 = arith.constant 0 : i32
    %dma_wait3A_588 = arith.constant 0 : i32
    %dma_wait3A_589 = tpu.memref_slice %arg2[%dma_wait3A_586, %dma_wait3A_587, %select_n3A, %dma_wait3A_588] : memref<4097x16x4x128xf32, #tpu.memory_space<hbm>> -> memref<4097x16x1x128xf32, #tpu.memory_space<hbm>>
    %dma_wait3A_590 = tpu.memref_squeeze %dma_wait3A_589 : memref<4097x16x1x128xf32, #tpu.memory_space<hbm>> -> memref<4097x16x128xf32, #tpu.memory_space<hbm>>
    %dma_wait3A_591 = arith.constant 0 : i32
    %dma_wait3A_592 = arith.constant 0 : i32
    %dma_wait3A_593 = arith.constant 0 : i32
    %dma_wait3A_594 = tpu.memref_slice %dma_wait3A_590[%dma_wait3A_591, %dma_wait3A_592, %dma_wait3A_593] : memref<4097x16x128xf32, #tpu.memory_space<hbm>> -> memref<4097x16x128xf32, #tpu.memory_space<hbm>>
    tpu.wait_indirect_dma semaphore(%arg11 : memref<!tpu.dma_semaphore, #tpu.memory_space<semaphore_mem>>) src(%dma_wait3A_594 : memref<4097x16x128xf32, #tpu.memory_space<hbm>>) dst(%arg7 : memref<16x16x128xf32, #tpu.memory_space<vmem>>)
    %add3A_595 = arith.constant 208 : i32
    %add3A_596 = arith.addi %mul3A_32, %add3A_595 : i32
    %dma_start3A_597 = arith.constant 0 : i32
    %dma_start3A_598 = arith.constant 0 : i32
    %dma_start3A_599 = tpu.memref_slice %arg4[%add3A_596, %dma_start3A_597, %select_n3A, %dma_start3A_598] : memref<2049x16x4x128xf32, #tpu.memory_space<hbm>> -> memref<16x16x1x128xf32, #tpu.memory_space<hbm>>
    %dma_start3A_600 = tpu.memref_squeeze %dma_start3A_599 : memref<16x16x1x128xf32, #tpu.memory_space<hbm>> -> memref<16x16x128xf32, #tpu.memory_space<hbm>>
    %dma_start3A_601 = arith.constant 0 : i32
    %dma_start3A_602 = arith.constant 0 : i32
    %dma_start3A_603 = tpu.memref_slice %arg4[%add3A_596, %dma_start3A_601, %select_n3A, %dma_start3A_602] : memref<2049x16x4x128xf32, #tpu.memory_space<hbm>> -> memref<16x16x1x128xf32, #tpu.memory_space<hbm>>
    %dma_start3A_604 = tpu.memref_squeeze %dma_start3A_603 : memref<16x16x1x128xf32, #tpu.memory_space<hbm>> -> memref<16x16x128xf32, #tpu.memory_space<hbm>>
    tpu.enqueue_dma source(%arg7 : memref<16x16x128xf32, #tpu.memory_space<vmem>>) target(%dma_start3A_604 : memref<16x16x128xf32, #tpu.memory_space<hbm>>) target_semaphore(%arg14 : memref<!tpu.dma_semaphore, #tpu.memory_space<semaphore_mem>>)
    %dma_wait3A_605 = arith.constant 224 : i32
    %dma_wait3A_606 = tpu.memref_slice %arg5[%dma_wait3A_605] : memref<256xi32, #tpu.memory_space<vmem>> -> memref<16xi32, #tpu.memory_space<vmem>>
    %dma_wait3A_607 = arith.constant 0 : i32
    %dma_wait3A_608 = arith.constant 0 : i32
    %dma_wait3A_609 = arith.constant 0 : i32
    %dma_wait3A_610 = tpu.memref_slice %arg2[%dma_wait3A_607, %dma_wait3A_608, %select_n3A, %dma_wait3A_609] : memref<4097x16x4x128xf32, #tpu.memory_space<hbm>> -> memref<4097x16x1x128xf32, #tpu.memory_space<hbm>>
    %dma_wait3A_611 = tpu.memref_squeeze %dma_wait3A_610 : memref<4097x16x1x128xf32, #tpu.memory_space<hbm>> -> memref<4097x16x128xf32, #tpu.memory_space<hbm>>
    %dma_wait3A_612 = arith.constant 0 : i32
    %dma_wait3A_613 = arith.constant 0 : i32
    %dma_wait3A_614 = arith.constant 0 : i32
    %dma_wait3A_615 = tpu.memref_slice %dma_wait3A_611[%dma_wait3A_612, %dma_wait3A_613, %dma_wait3A_614] : memref<4097x16x128xf32, #tpu.memory_space<hbm>> -> memref<4097x16x128xf32, #tpu.memory_space<hbm>>
    tpu.wait_indirect_dma semaphore(%arg12 : memref<!tpu.dma_semaphore, #tpu.memory_space<semaphore_mem>>) src(%dma_wait3A_615 : memref<4097x16x128xf32, #tpu.memory_space<hbm>>) dst(%arg8 : memref<16x16x128xf32, #tpu.memory_space<vmem>>)
    %add3A_616 = arith.constant 224 : i32
    %add3A_617 = arith.addi %mul3A_32, %add3A_616 : i32
    %dma_start3A_618 = arith.constant 0 : i32
    %dma_start3A_619 = arith.constant 0 : i32
    %dma_start3A_620 = tpu.memref_slice %arg4[%add3A_617, %dma_start3A_618, %select_n3A, %dma_start3A_619] : memref<2049x16x4x128xf32, #tpu.memory_space<hbm>> -> memref<16x16x1x128xf32, #tpu.memory_space<hbm>>
    %dma_start3A_621 = tpu.memref_squeeze %dma_start3A_620 : memref<16x16x1x128xf32, #tpu.memory_space<hbm>> -> memref<16x16x128xf32, #tpu.memory_space<hbm>>
    %dma_start3A_622 = arith.constant 0 : i32
    %dma_start3A_623 = arith.constant 0 : i32
    %dma_start3A_624 = tpu.memref_slice %arg4[%add3A_617, %dma_start3A_622, %select_n3A, %dma_start3A_623] : memref<2049x16x4x128xf32, #tpu.memory_space<hbm>> -> memref<16x16x1x128xf32, #tpu.memory_space<hbm>>
    %dma_start3A_625 = tpu.memref_squeeze %dma_start3A_624 : memref<16x16x1x128xf32, #tpu.memory_space<hbm>> -> memref<16x16x128xf32, #tpu.memory_space<hbm>>
    tpu.enqueue_dma source(%arg8 : memref<16x16x128xf32, #tpu.memory_space<vmem>>) target(%dma_start3A_625 : memref<16x16x128xf32, #tpu.memory_space<hbm>>) target_semaphore(%arg15 : memref<!tpu.dma_semaphore, #tpu.memory_space<semaphore_mem>>)
    %dma_wait3A_626 = arith.constant 240 : i32
    %dma_wait3A_627 = tpu.memref_slice %arg5[%dma_wait3A_626] : memref<256xi32, #tpu.memory_space<vmem>> -> memref<16xi32, #tpu.memory_space<vmem>>
    %dma_wait3A_628 = arith.constant 0 : i32
    %dma_wait3A_629 = arith.constant 0 : i32
    %dma_wait3A_630 = arith.constant 0 : i32
    %dma_wait3A_631 = tpu.memref_slice %arg2[%dma_wait3A_628, %dma_wait3A_629, %select_n3A, %dma_wait3A_630] : memref<4097x16x4x128xf32, #tpu.memory_space<hbm>> -> memref<4097x16x1x128xf32, #tpu.memory_space<hbm>>
    %dma_wait3A_632 = tpu.memref_squeeze %dma_wait3A_631 : memref<4097x16x1x128xf32, #tpu.memory_space<hbm>> -> memref<4097x16x128xf32, #tpu.memory_space<hbm>>
    %dma_wait3A_633 = arith.constant 0 : i32
    %dma_wait3A_634 = arith.constant 0 : i32
    %dma_wait3A_635 = arith.constant 0 : i32
    %dma_wait3A_636 = tpu.memref_slice %dma_wait3A_632[%dma_wait3A_633, %dma_wait3A_634, %dma_wait3A_635] : memref<4097x16x128xf32, #tpu.memory_space<hbm>> -> memref<4097x16x128xf32, #tpu.memory_space<hbm>>
    tpu.wait_indirect_dma semaphore(%arg10 : memref<!tpu.dma_semaphore, #tpu.memory_space<semaphore_mem>>) src(%dma_wait3A_636 : memref<4097x16x128xf32, #tpu.memory_space<hbm>>) dst(%arg6 : memref<16x16x128xf32, #tpu.memory_space<vmem>>)
    %add3A_637 = arith.constant 240 : i32
    %add3A_638 = arith.addi %mul3A_32, %add3A_637 : i32
    %dma_start3A_639 = arith.constant 0 : i32
    %dma_start3A_640 = arith.constant 0 : i32
    %dma_start3A_641 = tpu.memref_slice %arg4[%add3A_638, %dma_start3A_639, %select_n3A, %dma_start3A_640] : memref<2049x16x4x128xf32, #tpu.memory_space<hbm>> -> memref<16x16x1x128xf32, #tpu.memory_space<hbm>>
    %dma_start3A_642 = tpu.memref_squeeze %dma_start3A_641 : memref<16x16x1x128xf32, #tpu.memory_space<hbm>> -> memref<16x16x128xf32, #tpu.memory_space<hbm>>
    %dma_start3A_643 = arith.constant 0 : i32
    %dma_start3A_644 = arith.constant 0 : i32
    %dma_start3A_645 = tpu.memref_slice %arg4[%add3A_638, %dma_start3A_643, %select_n3A, %dma_start3A_644] : memref<2049x16x4x128xf32, #tpu.memory_space<hbm>> -> memref<16x16x1x128xf32, #tpu.memory_space<hbm>>
    %dma_start3A_646 = tpu.memref_squeeze %dma_start3A_645 : memref<16x16x1x128xf32, #tpu.memory_space<hbm>> -> memref<16x16x128xf32, #tpu.memory_space<hbm>>
    tpu.enqueue_dma source(%arg6 : memref<16x16x128xf32, #tpu.memory_space<vmem>>) target(%dma_start3A_646 : memref<16x16x128xf32, #tpu.memory_space<hbm>>) target_semaphore(%arg13 : memref<!tpu.dma_semaphore, #tpu.memory_space<semaphore_mem>>)
    %dma_wait3A_647 = arith.constant 0 : i32
    %dma_wait3A_648 = arith.constant 0 : i32
    %dma_wait3A_649 = tpu.memref_slice %arg4[%add3A_638, %dma_wait3A_647, %select_n3A, %dma_wait3A_648] : memref<2049x16x4x128xf32, #tpu.memory_space<hbm>> -> memref<16x16x1x128xf32, #tpu.memory_space<hbm>>
    %dma_wait3A_650 = tpu.memref_squeeze %dma_wait3A_649 : memref<16x16x1x128xf32, #tpu.memory_space<hbm>> -> memref<16x16x128xf32, #tpu.memory_space<hbm>>
    %dma_wait3A_651 = arith.constant 0 : i32
    %dma_wait3A_652 = arith.constant 0 : i32
    %dma_wait3A_653 = tpu.memref_slice %arg4[%add3A_638, %dma_wait3A_651, %select_n3A, %dma_wait3A_652] : memref<2049x16x4x128xf32, #tpu.memory_space<hbm>> -> memref<16x16x1x128xf32, #tpu.memory_space<hbm>>
    %dma_wait3A_654 = tpu.memref_squeeze %dma_wait3A_653 : memref<16x16x1x128xf32, #tpu.memory_space<hbm>> -> memref<16x16x128xf32, #tpu.memory_space<hbm>>
    tpu.wait_dma2 semaphore(%arg13 : memref<!tpu.dma_semaphore, #tpu.memory_space<semaphore_mem>>) src(%arg6 : memref<16x16x128xf32, #tpu.memory_space<vmem>>) dst(%dma_wait3A_654 : memref<16x16x128xf32, #tpu.memory_space<hbm>>)
    %dma_wait3A_655 = arith.constant 0 : i32
    %dma_wait3A_656 = arith.constant 0 : i32
    %dma_wait3A_657 = tpu.memref_slice %arg4[%add3A_596, %dma_wait3A_655, %select_n3A, %dma_wait3A_656] : memref<2049x16x4x128xf32, #tpu.memory_space<hbm>> -> memref<16x16x1x128xf32, #tpu.memory_space<hbm>>
    %dma_wait3A_658 = tpu.memref_squeeze %dma_wait3A_657 : memref<16x16x1x128xf32, #tpu.memory_space<hbm>> -> memref<16x16x128xf32, #tpu.memory_space<hbm>>
    %dma_wait3A_659 = arith.constant 0 : i32
    %dma_wait3A_660 = arith.constant 0 : i32
    %dma_wait3A_661 = tpu.memref_slice %arg4[%add3A_596, %dma_wait3A_659, %select_n3A, %dma_wait3A_660] : memref<2049x16x4x128xf32, #tpu.memory_space<hbm>> -> memref<16x16x1x128xf32, #tpu.memory_space<hbm>>
    %dma_wait3A_662 = tpu.memref_squeeze %dma_wait3A_661 : memref<16x16x1x128xf32, #tpu.memory_space<hbm>> -> memref<16x16x128xf32, #tpu.memory_space<hbm>>
    tpu.wait_dma2 semaphore(%arg14 : memref<!tpu.dma_semaphore, #tpu.memory_space<semaphore_mem>>) src(%arg7 : memref<16x16x128xf32, #tpu.memory_space<vmem>>) dst(%dma_wait3A_662 : memref<16x16x128xf32, #tpu.memory_space<hbm>>)
    %dma_wait3A_663 = arith.constant 0 : i32
    %dma_wait3A_664 = arith.constant 0 : i32
    %dma_wait3A_665 = tpu.memref_slice %arg4[%add3A_617, %dma_wait3A_663, %select_n3A, %dma_wait3A_664] : memref<2049x16x4x128xf32, #tpu.memory_space<hbm>> -> memref<16x16x1x128xf32, #tpu.memory_space<hbm>>
    %dma_wait3A_666 = tpu.memref_squeeze %dma_wait3A_665 : memref<16x16x1x128xf32, #tpu.memory_space<hbm>> -> memref<16x16x128xf32, #tpu.memory_space<hbm>>
    %dma_wait3A_667 = arith.constant 0 : i32
    %dma_wait3A_668 = arith.constant 0 : i32
    %dma_wait3A_669 = tpu.memref_slice %arg4[%add3A_617, %dma_wait3A_667, %select_n3A, %dma_wait3A_668] : memref<2049x16x4x128xf32, #tpu.memory_space<hbm>> -> memref<16x16x1x128xf32, #tpu.memory_space<hbm>>
    %dma_wait3A_670 = tpu.memref_squeeze %dma_wait3A_669 : memref<16x16x1x128xf32, #tpu.memory_space<hbm>> -> memref<16x16x128xf32, #tpu.memory_space<hbm>>
    tpu.wait_dma2 semaphore(%arg15 : memref<!tpu.dma_semaphore, #tpu.memory_space<semaphore_mem>>) src(%arg8 : memref<16x16x128xf32, #tpu.memory_space<vmem>>) dst(%dma_wait3A_670 : memref<16x16x128xf32, #tpu.memory_space<hbm>>)
    %eq3A_671 = arith.constant 7 : i32
    %eq3A_672 = arith.cmpi eq, %select_n3A_30, %eq3A_671 : i32
    %convert_element_type3A = arith.extui %eq3A_672 : i1 to i32
    %cond3A = arith.constant 0 : i32
    %cond3A_673 = arith.cmpi ne, %convert_element_type3A, %cond3A : i32
    scf.if %cond3A_673 {
      "tpu.region"() ({
        %run_scoped3A = tpu.sem_alloc : memref<!tpu.dma_semaphore, #tpu.memory_space<semaphore_mem>>
        %dma_start3A_696 = arith.constant 0 : i32
        %dma_start3A_697 = tpu.memref_slice %arg5[%dma_start3A_696] : memref<256xi32, #tpu.memory_space<vmem>> -> memref<8xi32, #tpu.memory_space<vmem>>
        %dma_start3A_698 = arith.constant 0 : i32
        %dma_start3A_699 = tpu.memref_slice %arg3[%select_n3A, %dma_start3A_698] : memref<4x2176xi32, #tpu.memory_space<hbm>> -> memref<1x2176xi32, #tpu.memory_space<hbm>>
        %dma_start3A_700 = tpu.memref_squeeze %dma_start3A_699 : memref<1x2176xi32, #tpu.memory_space<hbm>> -> memref<2176xi32, #tpu.memory_space<hbm>>
        %dma_start3A_701 = arith.constant 2048 : i32
        %dma_start3A_702 = tpu.memref_slice %dma_start3A_700[%dma_start3A_701] : memref<2176xi32, #tpu.memory_space<hbm>> -> memref<8xi32, #tpu.memory_space<hbm>>
        %dma_start3A_703 = arith.constant 0 : i32
        %dma_start3A_704 = tpu.memref_slice %arg5[%dma_start3A_703] : memref<256xi32, #tpu.memory_space<vmem>> -> memref<8xi32, #tpu.memory_space<vmem>>
        %dma_start3A_705 = arith.constant 0 : i32
        %dma_start3A_706 = tpu.memref_slice %arg3[%select_n3A, %dma_start3A_705] : memref<4x2176xi32, #tpu.memory_space<hbm>> -> memref<1x2176xi32, #tpu.memory_space<hbm>>
        %dma_start3A_707 = tpu.memref_squeeze %dma_start3A_706 : memref<1x2176xi32, #tpu.memory_space<hbm>> -> memref<2176xi32, #tpu.memory_space<hbm>>
        %dma_start3A_708 = arith.constant 2048 : i32
        %dma_start3A_709 = tpu.memref_slice %dma_start3A_707[%dma_start3A_708] : memref<2176xi32, #tpu.memory_space<hbm>> -> memref<8xi32, #tpu.memory_space<hbm>>
        tpu.enqueue_dma source(%dma_start3A_709 : memref<8xi32, #tpu.memory_space<hbm>>) target(%dma_start3A_704 : memref<8xi32, #tpu.memory_space<vmem>>) target_semaphore(%run_scoped3A : memref<!tpu.dma_semaphore, #tpu.memory_space<semaphore_mem>>)
        %dma_wait3A_710 = arith.constant 0 : i32
        %dma_wait3A_711 = tpu.memref_slice %arg5[%dma_wait3A_710] : memref<256xi32, #tpu.memory_space<vmem>> -> memref<8xi32, #tpu.memory_space<vmem>>
        %dma_wait3A_712 = arith.constant 0 : i32
        %dma_wait3A_713 = tpu.memref_slice %arg3[%select_n3A, %dma_wait3A_712] : memref<4x2176xi32, #tpu.memory_space<hbm>> -> memref<1x2176xi32, #tpu.memory_space<hbm>>
        %dma_wait3A_714 = tpu.memref_squeeze %dma_wait3A_713 : memref<1x2176xi32, #tpu.memory_space<hbm>> -> memref<2176xi32, #tpu.memory_space<hbm>>
        %dma_wait3A_715 = arith.constant 2048 : i32
        %dma_wait3A_716 = tpu.memref_slice %dma_wait3A_714[%dma_wait3A_715] : memref<2176xi32, #tpu.memory_space<hbm>> -> memref<8xi32, #tpu.memory_space<hbm>>
        %dma_wait3A_717 = arith.constant 0 : i32
        %dma_wait3A_718 = tpu.memref_slice %arg5[%dma_wait3A_717] : memref<256xi32, #tpu.memory_space<vmem>> -> memref<8xi32, #tpu.memory_space<vmem>>
        %dma_wait3A_719 = arith.constant 0 : i32
        %dma_wait3A_720 = tpu.memref_slice %arg3[%select_n3A, %dma_wait3A_719] : memref<4x2176xi32, #tpu.memory_space<hbm>> -> memref<1x2176xi32, #tpu.memory_space<hbm>>
        %dma_wait3A_721 = tpu.memref_squeeze %dma_wait3A_720 : memref<1x2176xi32, #tpu.memory_space<hbm>> -> memref<2176xi32, #tpu.memory_space<hbm>>
        %dma_wait3A_722 = arith.constant 2048 : i32
        %dma_wait3A_723 = tpu.memref_slice %dma_wait3A_721[%dma_wait3A_722] : memref<2176xi32, #tpu.memory_space<hbm>> -> memref<8xi32, #tpu.memory_space<hbm>>
        tpu.wait_dma2 semaphore(%run_scoped3A : memref<!tpu.dma_semaphore, #tpu.memory_space<semaphore_mem>>) src(%dma_wait3A_723 : memref<8xi32, #tpu.memory_space<hbm>>) dst(%dma_wait3A_718 : memref<8xi32, #tpu.memory_space<vmem>>)
        tpu.yield
      }) : () -> ()
      %dma_start3A_674 = arith.constant 0 : i32
      %dma_start3A_675 = tpu.memref_slice %arg5[%dma_start3A_674] : memref<256xi32, #tpu.memory_space<vmem>> -> memref<1xi32, #tpu.memory_space<vmem>>
      %dma_start3A_676 = arith.constant 0 : i32
      %dma_start3A_677 = arith.constant 0 : i32
      %dma_start3A_678 = arith.constant 0 : i32
      %dma_start3A_679 = tpu.memref_slice %arg2[%dma_start3A_676, %dma_start3A_677, %select_n3A, %dma_start3A_678] : memref<4097x16x4x128xf32, #tpu.memory_space<hbm>> -> memref<4097x16x1x128xf32, #tpu.memory_space<hbm>>
      %dma_start3A_680 = tpu.memref_squeeze %dma_start3A_679 : memref<4097x16x1x128xf32, #tpu.memory_space<hbm>> -> memref<4097x16x128xf32, #tpu.memory_space<hbm>>
      %dma_start3A_681 = arith.constant 0 : i32
      %dma_start3A_682 = arith.constant 0 : i32
      %dma_start3A_683 = arith.constant 0 : i32
      %dma_start3A_684 = tpu.memref_slice %dma_start3A_680[%dma_start3A_681, %dma_start3A_682, %dma_start3A_683] : memref<4097x16x128xf32, #tpu.memory_space<hbm>> -> memref<4097x16x128xf32, #tpu.memory_space<hbm>>
      tpu.enqueue_indirect_dma source(%dma_start3A_684 : memref<4097x16x128xf32, #tpu.memory_space<hbm>>) target(%arg9 : memref<1x16x128xf32, #tpu.memory_space<vmem>>) offsets(%dma_start3A_675 : memref<1xi32, #tpu.memory_space<vmem>>) semaphore(%arg10 : memref<!tpu.dma_semaphore, #tpu.memory_space<semaphore_mem>>)
      %dma_wait3A_685 = arith.constant 0 : i32
      %dma_wait3A_686 = tpu.memref_slice %arg5[%dma_wait3A_685] : memref<256xi32, #tpu.memory_space<vmem>> -> memref<1xi32, #tpu.memory_space<vmem>>
      %dma_wait3A_687 = arith.constant 0 : i32
      %dma_wait3A_688 = arith.constant 0 : i32
      %dma_wait3A_689 = arith.constant 0 : i32
      %dma_wait3A_690 = tpu.memref_slice %arg2[%dma_wait3A_687, %dma_wait3A_688, %select_n3A, %dma_wait3A_689] : memref<4097x16x4x128xf32, #tpu.memory_space<hbm>> -> memref<4097x16x1x128xf32, #tpu.memory_space<hbm>>
      %dma_wait3A_691 = tpu.memref_squeeze %dma_wait3A_690 : memref<4097x16x1x128xf32, #tpu.memory_space<hbm>> -> memref<4097x16x128xf32, #tpu.memory_space<hbm>>
      %dma_wait3A_692 = arith.constant 0 : i32
      %dma_wait3A_693 = arith.constant 0 : i32
      %dma_wait3A_694 = arith.constant 0 : i32
      %dma_wait3A_695 = tpu.memref_slice %dma_wait3A_691[%dma_wait3A_692, %dma_wait3A_693, %dma_wait3A_694] : memref<4097x16x128xf32, #tpu.memory_space<hbm>> -> memref<4097x16x128xf32, #tpu.memory_space<hbm>>
      tpu.wait_indirect_dma semaphore(%arg10 : memref<!tpu.dma_semaphore, #tpu.memory_space<semaphore_mem>>) src(%dma_wait3A_695 : memref<4097x16x128xf32, #tpu.memory_space<hbm>>) dst(%arg9 : memref<1x16x128xf32, #tpu.memory_space<vmem>>)
      "tpu.region"() ({
        %run_scoped3A = tpu.sem_alloc : memref<!tpu.dma_semaphore, #tpu.memory_space<semaphore_mem>>
        %dma_start3A_696 = arith.constant 2048 : i32
        %dma_start3A_697 = arith.constant 0 : i32
        %dma_start3A_698 = arith.constant 0 : i32
        %dma_start3A_699 = tpu.memref_slice %arg4[%dma_start3A_696, %dma_start3A_697, %select_n3A, %dma_start3A_698] : memref<2049x16x4x128xf32, #tpu.memory_space<hbm>> -> memref<1x16x1x128xf32, #tpu.memory_space<hbm>>
        %dma_start3A_700 = tpu.memref_squeeze %dma_start3A_699 : memref<1x16x1x128xf32, #tpu.memory_space<hbm>> -> memref<1x16x128xf32, #tpu.memory_space<hbm>>
        %dma_start3A_701 = arith.constant 2048 : i32
        %dma_start3A_702 = arith.constant 0 : i32
        %dma_start3A_703 = arith.constant 0 : i32
        %dma_start3A_704 = tpu.memref_slice %arg4[%dma_start3A_701, %dma_start3A_702, %select_n3A, %dma_start3A_703] : memref<2049x16x4x128xf32, #tpu.memory_space<hbm>> -> memref<1x16x1x128xf32, #tpu.memory_space<hbm>>
        %dma_start3A_705 = tpu.memref_squeeze %dma_start3A_704 : memref<1x16x1x128xf32, #tpu.memory_space<hbm>> -> memref<1x16x128xf32, #tpu.memory_space<hbm>>
        tpu.enqueue_dma source(%arg9 : memref<1x16x128xf32, #tpu.memory_space<vmem>>) target(%dma_start3A_705 : memref<1x16x128xf32, #tpu.memory_space<hbm>>) target_semaphore(%run_scoped3A : memref<!tpu.dma_semaphore, #tpu.memory_space<semaphore_mem>>)
        %dma_wait3A_706 = arith.constant 2048 : i32
        %dma_wait3A_707 = arith.constant 0 : i32
        %dma_wait3A_708 = arith.constant 0 : i32
        %dma_wait3A_709 = tpu.memref_slice %arg4[%dma_wait3A_706, %dma_wait3A_707, %select_n3A, %dma_wait3A_708] : memref<2049x16x4x128xf32, #tpu.memory_space<hbm>> -> memref<1x16x1x128xf32, #tpu.memory_space<hbm>>
        %dma_wait3A_710 = tpu.memref_squeeze %dma_wait3A_709 : memref<1x16x1x128xf32, #tpu.memory_space<hbm>> -> memref<1x16x128xf32, #tpu.memory_space<hbm>>
        %dma_wait3A_711 = arith.constant 2048 : i32
        %dma_wait3A_712 = arith.constant 0 : i32
        %dma_wait3A_713 = arith.constant 0 : i32
        %dma_wait3A_714 = tpu.memref_slice %arg4[%dma_wait3A_711, %dma_wait3A_712, %select_n3A, %dma_wait3A_713] : memref<2049x16x4x128xf32, #tpu.memory_space<hbm>> -> memref<1x16x1x128xf32, #tpu.memory_space<hbm>>
        %dma_wait3A_715 = tpu.memref_squeeze %dma_wait3A_714 : memref<1x16x1x128xf32, #tpu.memory_space<hbm>> -> memref<1x16x128xf32, #tpu.memory_space<hbm>>
        tpu.wait_dma2 semaphore(%run_scoped3A : memref<!tpu.dma_semaphore, #tpu.memory_space<semaphore_mem>>) src(%arg9 : memref<1x16x128xf32, #tpu.memory_space<vmem>>) dst(%dma_wait3A_715 : memref<1x16x128xf32, #tpu.memory_space<hbm>>)
        tpu.yield
      }) : () -> ()
    } else {
    }
    return
  }
}

module attributes {stable_mosaic.version = 14 : i64} {
  func.func @_topk_body(%arg0: memref<4x32x128xf32, #tpu.memory_space<vmem>>, %arg1: memref<4x2176xi32, #tpu.memory_space<vmem>>) attributes {dimension_semantics = [], scalar_prefetch = 0 : i64, scratch_operands = 0 : i64, tpu.core_type = #tpu.core_type<tc>} {
    %get3A = arith.constant 0 : index
    %get3A_0 = arith.constant 0 : index
    %get3A_1 = arith.constant 0 : index
    %get3A_2 = vector.load %arg0[%get3A, %get3A_0, %get3A_1] : memref<4x32x128xf32, #tpu.memory_space<vmem>>, vector<4x32x128xf32>
    %iota3A = tpu.iota {dimensions = array<i32: 1>} : vector<4x32x128xi32>
    %iota3A_3 = tpu.iota {dimensions = array<i32: 2>} : vector<4x32x128xi32>
    %mul3A = arith.constant 128 : i32
    %mul3A_4 = vector.broadcast %mul3A : i32 to vector<4x32x128xi32>
    %mul3A_5 = arith.muli %iota3A, %mul3A_4 : vector<4x32x128xi32>
    %add3A = arith.addi %mul3A_5, %iota3A_3 : vector<4x32x128xi32>
    %and3A = arith.constant 1 : i32
    %and3A_6 = vector.broadcast %and3A : i32 to vector<4x32x128xi32>
    %and3A_7 = arith.andi %add3A, %and3A_6 : vector<4x32x128xi32>
    %eq3A = arith.constant 0 : i32
    %eq3A_8 = vector.broadcast %eq3A : i32 to vector<4x32x128xi32>
    %eq3A_9 = arith.cmpi eq, %and3A_7, %eq3A_8 : vector<4x32x128xi32>
    %and3A_10 = arith.constant 2 : i32
    %and3A_11 = vector.broadcast %and3A_10 : i32 to vector<4x32x128xi32>
    %and3A_12 = arith.andi %add3A, %and3A_11 : vector<4x32x128xi32>
    %ne3A = arith.constant 0 : i32
    %ne3A_13 = vector.broadcast %ne3A : i32 to vector<4x32x128xi32>
    %ne3A_14 = arith.cmpi ne, %and3A_12, %ne3A_13 : vector<4x32x128xi32>
    %eq3A_15 = arith.xori %eq3A_9, %ne3A_14 : vector<4x32x128xi1>
    %eq3A_16 = arith.constant dense<true> : vector<4x32x128xi1>
    %eq3A_17 = arith.xori %eq3A_15, %eq3A_16 : vector<4x32x128xi1>
    %roll3A = arith.constant 127 : i32
    %roll3A_18 = tpu.dynamic_rotate %get3A_2 by %roll3A dim 2 : vector<4x32x128xf32>, i32 -> vector<4x32x128xf32>
    %roll3A_19 = arith.constant 1 : i32
    %roll3A_20 = tpu.dynamic_rotate %get3A_2 by %roll3A_19 dim 2 : vector<4x32x128xf32>, i32 -> vector<4x32x128xf32>
    %select_n3A = arith.select %eq3A_9, %roll3A_18, %roll3A_20 : vector<4x32x128xi1>, vector<4x32x128xf32>
    %roll3A_21 = arith.constant 127 : i32
    %roll3A_22 = tpu.dynamic_rotate %add3A by %roll3A_21 dim 2 : vector<4x32x128xi32>, i32 -> vector<4x32x128xi32>
    %roll3A_23 = arith.constant 1 : i32
    %roll3A_24 = tpu.dynamic_rotate %add3A by %roll3A_23 dim 2 : vector<4x32x128xi32>, i32 -> vector<4x32x128xi32>
    %select_n3A_25 = arith.select %eq3A_9, %roll3A_22, %roll3A_24 : vector<4x32x128xi1>, vector<4x32x128xi32>
    %gt3A = arith.cmpf ogt, %get3A_2, %select_n3A : vector<4x32x128xf32>
    %eq3A_26 = arith.cmpf oeq, %get3A_2, %select_n3A : vector<4x32x128xf32>
    %lt3A = arith.cmpi slt, %add3A, %select_n3A_25 : vector<4x32x128xi32>
    %and3A_27 = arith.andi %eq3A_26, %lt3A : vector<4x32x128xi1>
    %or3A = arith.ori %gt3A, %and3A_27 : vector<4x32x128xi1>
    %xor3A = arith.xori %or3A, %eq3A_17 : vector<4x32x128xi1>
    %select_n3A_28 = arith.select %xor3A, %get3A_2, %select_n3A : vector<4x32x128xi1>, vector<4x32x128xf32>
    %select_n3A_29 = arith.select %xor3A, %add3A, %select_n3A_25 : vector<4x32x128xi1>, vector<4x32x128xi32>
    %and3A_30 = arith.constant 2 : i32
    %and3A_31 = vector.broadcast %and3A_30 : i32 to vector<4x32x128xi32>
    %and3A_32 = arith.andi %add3A, %and3A_31 : vector<4x32x128xi32>
    %eq3A_33 = arith.constant 0 : i32
    %eq3A_34 = vector.broadcast %eq3A_33 : i32 to vector<4x32x128xi32>
    %eq3A_35 = arith.cmpi eq, %and3A_32, %eq3A_34 : vector<4x32x128xi32>
    %and3A_36 = arith.constant 4 : i32
    %and3A_37 = vector.broadcast %and3A_36 : i32 to vector<4x32x128xi32>
    %and3A_38 = arith.andi %add3A, %and3A_37 : vector<4x32x128xi32>
    %ne3A_39 = arith.constant 0 : i32
    %ne3A_40 = vector.broadcast %ne3A_39 : i32 to vector<4x32x128xi32>
    %ne3A_41 = arith.cmpi ne, %and3A_38, %ne3A_40 : vector<4x32x128xi32>
    %eq3A_42 = arith.xori %eq3A_35, %ne3A_41 : vector<4x32x128xi1>
    %eq3A_43 = arith.constant dense<true> : vector<4x32x128xi1>
    %eq3A_44 = arith.xori %eq3A_42, %eq3A_43 : vector<4x32x128xi1>
    %roll3A_45 = arith.constant 126 : i32
    %roll3A_46 = tpu.dynamic_rotate %select_n3A_28 by %roll3A_45 dim 2 : vector<4x32x128xf32>, i32 -> vector<4x32x128xf32>
    %roll3A_47 = arith.constant 2 : i32
    %roll3A_48 = tpu.dynamic_rotate %select_n3A_28 by %roll3A_47 dim 2 : vector<4x32x128xf32>, i32 -> vector<4x32x128xf32>
    %select_n3A_49 = arith.select %eq3A_35, %roll3A_46, %roll3A_48 : vector<4x32x128xi1>, vector<4x32x128xf32>
    %roll3A_50 = arith.constant 126 : i32
    %roll3A_51 = tpu.dynamic_rotate %select_n3A_29 by %roll3A_50 dim 2 : vector<4x32x128xi32>, i32 -> vector<4x32x128xi32>
    %roll3A_52 = arith.constant 2 : i32
    %roll3A_53 = tpu.dynamic_rotate %select_n3A_29 by %roll3A_52 dim 2 : vector<4x32x128xi32>, i32 -> vector<4x32x128xi32>
    %select_n3A_54 = arith.select %eq3A_35, %roll3A_51, %roll3A_53 : vector<4x32x128xi1>, vector<4x32x128xi32>
    %gt3A_55 = arith.cmpf ogt, %select_n3A_28, %select_n3A_49 : vector<4x32x128xf32>
    %eq3A_56 = arith.cmpf oeq, %select_n3A_28, %select_n3A_49 : vector<4x32x128xf32>
    %lt3A_57 = arith.cmpi slt, %select_n3A_29, %select_n3A_54 : vector<4x32x128xi32>
    %and3A_58 = arith.andi %eq3A_56, %lt3A_57 : vector<4x32x128xi1>
    %or3A_59 = arith.ori %gt3A_55, %and3A_58 : vector<4x32x128xi1>
    %xor3A_60 = arith.xori %or3A_59, %eq3A_44 : vector<4x32x128xi1>
    %select_n3A_61 = arith.select %xor3A_60, %select_n3A_28, %select_n3A_49 : vector<4x32x128xi1>, vector<4x32x128xf32>
    %select_n3A_62 = arith.select %xor3A_60, %select_n3A_29, %select_n3A_54 : vector<4x32x128xi1>, vector<4x32x128xi32>
    %and3A_63 = arith.constant 1 : i32
    %and3A_64 = vector.broadcast %and3A_63 : i32 to vector<4x32x128xi32>
    %and3A_65 = arith.andi %add3A, %and3A_64 : vector<4x32x128xi32>
    %eq3A_66 = arith.constant 0 : i32
    %eq3A_67 = vector.broadcast %eq3A_66 : i32 to vector<4x32x128xi32>
    %eq3A_68 = arith.cmpi eq, %and3A_65, %eq3A_67 : vector<4x32x128xi32>
    %and3A_69 = arith.constant 4 : i32
    %and3A_70 = vector.broadcast %and3A_69 : i32 to vector<4x32x128xi32>
    %and3A_71 = arith.andi %add3A, %and3A_70 : vector<4x32x128xi32>
    %ne3A_72 = arith.constant 0 : i32
    %ne3A_73 = vector.broadcast %ne3A_72 : i32 to vector<4x32x128xi32>
    %ne3A_74 = arith.cmpi ne, %and3A_71, %ne3A_73 : vector<4x32x128xi32>
    %eq3A_75 = arith.xori %eq3A_68, %ne3A_74 : vector<4x32x128xi1>
    %eq3A_76 = arith.constant dense<true> : vector<4x32x128xi1>
    %eq3A_77 = arith.xori %eq3A_75, %eq3A_76 : vector<4x32x128xi1>
    %roll3A_78 = arith.constant 127 : i32
    %roll3A_79 = tpu.dynamic_rotate %select_n3A_61 by %roll3A_78 dim 2 : vector<4x32x128xf32>, i32 -> vector<4x32x128xf32>
    %roll3A_80 = arith.constant 1 : i32
    %roll3A_81 = tpu.dynamic_rotate %select_n3A_61 by %roll3A_80 dim 2 : vector<4x32x128xf32>, i32 -> vector<4x32x128xf32>
    %select_n3A_82 = arith.select %eq3A_68, %roll3A_79, %roll3A_81 : vector<4x32x128xi1>, vector<4x32x128xf32>
    %roll3A_83 = arith.constant 127 : i32
    %roll3A_84 = tpu.dynamic_rotate %select_n3A_62 by %roll3A_83 dim 2 : vector<4x32x128xi32>, i32 -> vector<4x32x128xi32>
    %roll3A_85 = arith.constant 1 : i32
    %roll3A_86 = tpu.dynamic_rotate %select_n3A_62 by %roll3A_85 dim 2 : vector<4x32x128xi32>, i32 -> vector<4x32x128xi32>
    %select_n3A_87 = arith.select %eq3A_68, %roll3A_84, %roll3A_86 : vector<4x32x128xi1>, vector<4x32x128xi32>
    %gt3A_88 = arith.cmpf ogt, %select_n3A_61, %select_n3A_82 : vector<4x32x128xf32>
    %eq3A_89 = arith.cmpf oeq, %select_n3A_61, %select_n3A_82 : vector<4x32x128xf32>
    %lt3A_90 = arith.cmpi slt, %select_n3A_62, %select_n3A_87 : vector<4x32x128xi32>
    %and3A_91 = arith.andi %eq3A_89, %lt3A_90 : vector<4x32x128xi1>
    %or3A_92 = arith.ori %gt3A_88, %and3A_91 : vector<4x32x128xi1>
    %xor3A_93 = arith.xori %or3A_92, %eq3A_77 : vector<4x32x128xi1>
    %select_n3A_94 = arith.select %xor3A_93, %select_n3A_61, %select_n3A_82 : vector<4x32x128xi1>, vector<4x32x128xf32>
    %select_n3A_95 = arith.select %xor3A_93, %select_n3A_62, %select_n3A_87 : vector<4x32x128xi1>, vector<4x32x128xi32>
    %and3A_96 = arith.constant 4 : i32
    %and3A_97 = vector.broadcast %and3A_96 : i32 to vector<4x32x128xi32>
    %and3A_98 = arith.andi %add3A, %and3A_97 : vector<4x32x128xi32>
    %eq3A_99 = arith.constant 0 : i32
    %eq3A_100 = vector.broadcast %eq3A_99 : i32 to vector<4x32x128xi32>
    %eq3A_101 = arith.cmpi eq, %and3A_98, %eq3A_100 : vector<4x32x128xi32>
    %and3A_102 = arith.constant 8 : i32
    %and3A_103 = vector.broadcast %and3A_102 : i32 to vector<4x32x128xi32>
    %and3A_104 = arith.andi %add3A, %and3A_103 : vector<4x32x128xi32>
    %ne3A_105 = arith.constant 0 : i32
    %ne3A_106 = vector.broadcast %ne3A_105 : i32 to vector<4x32x128xi32>
    %ne3A_107 = arith.cmpi ne, %and3A_104, %ne3A_106 : vector<4x32x128xi32>
    %eq3A_108 = arith.xori %eq3A_101, %ne3A_107 : vector<4x32x128xi1>
    %eq3A_109 = arith.constant dense<true> : vector<4x32x128xi1>
    %eq3A_110 = arith.xori %eq3A_108, %eq3A_109 : vector<4x32x128xi1>
    %roll3A_111 = arith.constant 124 : i32
    %roll3A_112 = tpu.dynamic_rotate %select_n3A_94 by %roll3A_111 dim 2 : vector<4x32x128xf32>, i32 -> vector<4x32x128xf32>
    %roll3A_113 = arith.constant 4 : i32
    %roll3A_114 = tpu.dynamic_rotate %select_n3A_94 by %roll3A_113 dim 2 : vector<4x32x128xf32>, i32 -> vector<4x32x128xf32>
    %select_n3A_115 = arith.select %eq3A_101, %roll3A_112, %roll3A_114 : vector<4x32x128xi1>, vector<4x32x128xf32>
    %roll3A_116 = arith.constant 124 : i32
    %roll3A_117 = tpu.dynamic_rotate %select_n3A_95 by %roll3A_116 dim 2 : vector<4x32x128xi32>, i32 -> vector<4x32x128xi32>
    %roll3A_118 = arith.constant 4 : i32
    %roll3A_119 = tpu.dynamic_rotate %select_n3A_95 by %roll3A_118 dim 2 : vector<4x32x128xi32>, i32 -> vector<4x32x128xi32>
    %select_n3A_120 = arith.select %eq3A_101, %roll3A_117, %roll3A_119 : vector<4x32x128xi1>, vector<4x32x128xi32>
    %gt3A_121 = arith.cmpf ogt, %select_n3A_94, %select_n3A_115 : vector<4x32x128xf32>
    %eq3A_122 = arith.cmpf oeq, %select_n3A_94, %select_n3A_115 : vector<4x32x128xf32>
    %lt3A_123 = arith.cmpi slt, %select_n3A_95, %select_n3A_120 : vector<4x32x128xi32>
    %and3A_124 = arith.andi %eq3A_122, %lt3A_123 : vector<4x32x128xi1>
    %or3A_125 = arith.ori %gt3A_121, %and3A_124 : vector<4x32x128xi1>
    %xor3A_126 = arith.xori %or3A_125, %eq3A_110 : vector<4x32x128xi1>
    %select_n3A_127 = arith.select %xor3A_126, %select_n3A_94, %select_n3A_115 : vector<4x32x128xi1>, vector<4x32x128xf32>
    %select_n3A_128 = arith.select %xor3A_126, %select_n3A_95, %select_n3A_120 : vector<4x32x128xi1>, vector<4x32x128xi32>
    %and3A_129 = arith.constant 2 : i32
    %and3A_130 = vector.broadcast %and3A_129 : i32 to vector<4x32x128xi32>
    %and3A_131 = arith.andi %add3A, %and3A_130 : vector<4x32x128xi32>
    %eq3A_132 = arith.constant 0 : i32
    %eq3A_133 = vector.broadcast %eq3A_132 : i32 to vector<4x32x128xi32>
    %eq3A_134 = arith.cmpi eq, %and3A_131, %eq3A_133 : vector<4x32x128xi32>
    %and3A_135 = arith.constant 8 : i32
    %and3A_136 = vector.broadcast %and3A_135 : i32 to vector<4x32x128xi32>
    %and3A_137 = arith.andi %add3A, %and3A_136 : vector<4x32x128xi32>
    %ne3A_138 = arith.constant 0 : i32
    %ne3A_139 = vector.broadcast %ne3A_138 : i32 to vector<4x32x128xi32>
    %ne3A_140 = arith.cmpi ne, %and3A_137, %ne3A_139 : vector<4x32x128xi32>
    %eq3A_141 = arith.xori %eq3A_134, %ne3A_140 : vector<4x32x128xi1>
    %eq3A_142 = arith.constant dense<true> : vector<4x32x128xi1>
    %eq3A_143 = arith.xori %eq3A_141, %eq3A_142 : vector<4x32x128xi1>
    %roll3A_144 = arith.constant 126 : i32
    %roll3A_145 = tpu.dynamic_rotate %select_n3A_127 by %roll3A_144 dim 2 : vector<4x32x128xf32>, i32 -> vector<4x32x128xf32>
    %roll3A_146 = arith.constant 2 : i32
    %roll3A_147 = tpu.dynamic_rotate %select_n3A_127 by %roll3A_146 dim 2 : vector<4x32x128xf32>, i32 -> vector<4x32x128xf32>
    %select_n3A_148 = arith.select %eq3A_134, %roll3A_145, %roll3A_147 : vector<4x32x128xi1>, vector<4x32x128xf32>
    %roll3A_149 = arith.constant 126 : i32
    %roll3A_150 = tpu.dynamic_rotate %select_n3A_128 by %roll3A_149 dim 2 : vector<4x32x128xi32>, i32 -> vector<4x32x128xi32>
    %roll3A_151 = arith.constant 2 : i32
    %roll3A_152 = tpu.dynamic_rotate %select_n3A_128 by %roll3A_151 dim 2 : vector<4x32x128xi32>, i32 -> vector<4x32x128xi32>
    %select_n3A_153 = arith.select %eq3A_134, %roll3A_150, %roll3A_152 : vector<4x32x128xi1>, vector<4x32x128xi32>
    %gt3A_154 = arith.cmpf ogt, %select_n3A_127, %select_n3A_148 : vector<4x32x128xf32>
    %eq3A_155 = arith.cmpf oeq, %select_n3A_127, %select_n3A_148 : vector<4x32x128xf32>
    %lt3A_156 = arith.cmpi slt, %select_n3A_128, %select_n3A_153 : vector<4x32x128xi32>
    %and3A_157 = arith.andi %eq3A_155, %lt3A_156 : vector<4x32x128xi1>
    %or3A_158 = arith.ori %gt3A_154, %and3A_157 : vector<4x32x128xi1>
    %xor3A_159 = arith.xori %or3A_158, %eq3A_143 : vector<4x32x128xi1>
    %select_n3A_160 = arith.select %xor3A_159, %select_n3A_127, %select_n3A_148 : vector<4x32x128xi1>, vector<4x32x128xf32>
    %select_n3A_161 = arith.select %xor3A_159, %select_n3A_128, %select_n3A_153 : vector<4x32x128xi1>, vector<4x32x128xi32>
    %and3A_162 = arith.constant 1 : i32
    %and3A_163 = vector.broadcast %and3A_162 : i32 to vector<4x32x128xi32>
    %and3A_164 = arith.andi %add3A, %and3A_163 : vector<4x32x128xi32>
    %eq3A_165 = arith.constant 0 : i32
    %eq3A_166 = vector.broadcast %eq3A_165 : i32 to vector<4x32x128xi32>
    %eq3A_167 = arith.cmpi eq, %and3A_164, %eq3A_166 : vector<4x32x128xi32>
    %and3A_168 = arith.constant 8 : i32
    %and3A_169 = vector.broadcast %and3A_168 : i32 to vector<4x32x128xi32>
    %and3A_170 = arith.andi %add3A, %and3A_169 : vector<4x32x128xi32>
    %ne3A_171 = arith.constant 0 : i32
    %ne3A_172 = vector.broadcast %ne3A_171 : i32 to vector<4x32x128xi32>
    %ne3A_173 = arith.cmpi ne, %and3A_170, %ne3A_172 : vector<4x32x128xi32>
    %eq3A_174 = arith.xori %eq3A_167, %ne3A_173 : vector<4x32x128xi1>
    %eq3A_175 = arith.constant dense<true> : vector<4x32x128xi1>
    %eq3A_176 = arith.xori %eq3A_174, %eq3A_175 : vector<4x32x128xi1>
    %roll3A_177 = arith.constant 127 : i32
    %roll3A_178 = tpu.dynamic_rotate %select_n3A_160 by %roll3A_177 dim 2 : vector<4x32x128xf32>, i32 -> vector<4x32x128xf32>
    %roll3A_179 = arith.constant 1 : i32
    %roll3A_180 = tpu.dynamic_rotate %select_n3A_160 by %roll3A_179 dim 2 : vector<4x32x128xf32>, i32 -> vector<4x32x128xf32>
    %select_n3A_181 = arith.select %eq3A_167, %roll3A_178, %roll3A_180 : vector<4x32x128xi1>, vector<4x32x128xf32>
    %roll3A_182 = arith.constant 127 : i32
    %roll3A_183 = tpu.dynamic_rotate %select_n3A_161 by %roll3A_182 dim 2 : vector<4x32x128xi32>, i32 -> vector<4x32x128xi32>
    %roll3A_184 = arith.constant 1 : i32
    %roll3A_185 = tpu.dynamic_rotate %select_n3A_161 by %roll3A_184 dim 2 : vector<4x32x128xi32>, i32 -> vector<4x32x128xi32>
    %select_n3A_186 = arith.select %eq3A_167, %roll3A_183, %roll3A_185 : vector<4x32x128xi1>, vector<4x32x128xi32>
    %gt3A_187 = arith.cmpf ogt, %select_n3A_160, %select_n3A_181 : vector<4x32x128xf32>
    %eq3A_188 = arith.cmpf oeq, %select_n3A_160, %select_n3A_181 : vector<4x32x128xf32>
    %lt3A_189 = arith.cmpi slt, %select_n3A_161, %select_n3A_186 : vector<4x32x128xi32>
    %and3A_190 = arith.andi %eq3A_188, %lt3A_189 : vector<4x32x128xi1>
    %or3A_191 = arith.ori %gt3A_187, %and3A_190 : vector<4x32x128xi1>
    %xor3A_192 = arith.xori %or3A_191, %eq3A_176 : vector<4x32x128xi1>
    %select_n3A_193 = arith.select %xor3A_192, %select_n3A_160, %select_n3A_181 : vector<4x32x128xi1>, vector<4x32x128xf32>
    %select_n3A_194 = arith.select %xor3A_192, %select_n3A_161, %select_n3A_186 : vector<4x32x128xi1>, vector<4x32x128xi32>
    %and3A_195 = arith.constant 8 : i32
    %and3A_196 = vector.broadcast %and3A_195 : i32 to vector<4x32x128xi32>
    %and3A_197 = arith.andi %add3A, %and3A_196 : vector<4x32x128xi32>
    %eq3A_198 = arith.constant 0 : i32
    %eq3A_199 = vector.broadcast %eq3A_198 : i32 to vector<4x32x128xi32>
    %eq3A_200 = arith.cmpi eq, %and3A_197, %eq3A_199 : vector<4x32x128xi32>
    %and3A_201 = arith.constant 16 : i32
    %and3A_202 = vector.broadcast %and3A_201 : i32 to vector<4x32x128xi32>
    %and3A_203 = arith.andi %add3A, %and3A_202 : vector<4x32x128xi32>
    %ne3A_204 = arith.constant 0 : i32
    %ne3A_205 = vector.broadcast %ne3A_204 : i32 to vector<4x32x128xi32>
    %ne3A_206 = arith.cmpi ne, %and3A_203, %ne3A_205 : vector<4x32x128xi32>
    %eq3A_207 = arith.xori %eq3A_200, %ne3A_206 : vector<4x32x128xi1>
    %eq3A_208 = arith.constant dense<true> : vector<4x32x128xi1>
    %eq3A_209 = arith.xori %eq3A_207, %eq3A_208 : vector<4x32x128xi1>
    %roll3A_210 = arith.constant 120 : i32
    %roll3A_211 = tpu.dynamic_rotate %select_n3A_193 by %roll3A_210 dim 2 : vector<4x32x128xf32>, i32 -> vector<4x32x128xf32>
    %roll3A_212 = arith.constant 8 : i32
    %roll3A_213 = tpu.dynamic_rotate %select_n3A_193 by %roll3A_212 dim 2 : vector<4x32x128xf32>, i32 -> vector<4x32x128xf32>
    %select_n3A_214 = arith.select %eq3A_200, %roll3A_211, %roll3A_213 : vector<4x32x128xi1>, vector<4x32x128xf32>
    %roll3A_215 = arith.constant 120 : i32
    %roll3A_216 = tpu.dynamic_rotate %select_n3A_194 by %roll3A_215 dim 2 : vector<4x32x128xi32>, i32 -> vector<4x32x128xi32>
    %roll3A_217 = arith.constant 8 : i32
    %roll3A_218 = tpu.dynamic_rotate %select_n3A_194 by %roll3A_217 dim 2 : vector<4x32x128xi32>, i32 -> vector<4x32x128xi32>
    %select_n3A_219 = arith.select %eq3A_200, %roll3A_216, %roll3A_218 : vector<4x32x128xi1>, vector<4x32x128xi32>
    %gt3A_220 = arith.cmpf ogt, %select_n3A_193, %select_n3A_214 : vector<4x32x128xf32>
    %eq3A_221 = arith.cmpf oeq, %select_n3A_193, %select_n3A_214 : vector<4x32x128xf32>
    %lt3A_222 = arith.cmpi slt, %select_n3A_194, %select_n3A_219 : vector<4x32x128xi32>
    %and3A_223 = arith.andi %eq3A_221, %lt3A_222 : vector<4x32x128xi1>
    %or3A_224 = arith.ori %gt3A_220, %and3A_223 : vector<4x32x128xi1>
    %xor3A_225 = arith.xori %or3A_224, %eq3A_209 : vector<4x32x128xi1>
    %select_n3A_226 = arith.select %xor3A_225, %select_n3A_193, %select_n3A_214 : vector<4x32x128xi1>, vector<4x32x128xf32>
    %select_n3A_227 = arith.select %xor3A_225, %select_n3A_194, %select_n3A_219 : vector<4x32x128xi1>, vector<4x32x128xi32>
    %and3A_228 = arith.constant 4 : i32
    %and3A_229 = vector.broadcast %and3A_228 : i32 to vector<4x32x128xi32>
    %and3A_230 = arith.andi %add3A, %and3A_229 : vector<4x32x128xi32>
    %eq3A_231 = arith.constant 0 : i32
    %eq3A_232 = vector.broadcast %eq3A_231 : i32 to vector<4x32x128xi32>
    %eq3A_233 = arith.cmpi eq, %and3A_230, %eq3A_232 : vector<4x32x128xi32>
    %and3A_234 = arith.constant 16 : i32
    %and3A_235 = vector.broadcast %and3A_234 : i32 to vector<4x32x128xi32>
    %and3A_236 = arith.andi %add3A, %and3A_235 : vector<4x32x128xi32>
    %ne3A_237 = arith.constant 0 : i32
    %ne3A_238 = vector.broadcast %ne3A_237 : i32 to vector<4x32x128xi32>
    %ne3A_239 = arith.cmpi ne, %and3A_236, %ne3A_238 : vector<4x32x128xi32>
    %eq3A_240 = arith.xori %eq3A_233, %ne3A_239 : vector<4x32x128xi1>
    %eq3A_241 = arith.constant dense<true> : vector<4x32x128xi1>
    %eq3A_242 = arith.xori %eq3A_240, %eq3A_241 : vector<4x32x128xi1>
    %roll3A_243 = arith.constant 124 : i32
    %roll3A_244 = tpu.dynamic_rotate %select_n3A_226 by %roll3A_243 dim 2 : vector<4x32x128xf32>, i32 -> vector<4x32x128xf32>
    %roll3A_245 = arith.constant 4 : i32
    %roll3A_246 = tpu.dynamic_rotate %select_n3A_226 by %roll3A_245 dim 2 : vector<4x32x128xf32>, i32 -> vector<4x32x128xf32>
    %select_n3A_247 = arith.select %eq3A_233, %roll3A_244, %roll3A_246 : vector<4x32x128xi1>, vector<4x32x128xf32>
    %roll3A_248 = arith.constant 124 : i32
    %roll3A_249 = tpu.dynamic_rotate %select_n3A_227 by %roll3A_248 dim 2 : vector<4x32x128xi32>, i32 -> vector<4x32x128xi32>
    %roll3A_250 = arith.constant 4 : i32
    %roll3A_251 = tpu.dynamic_rotate %select_n3A_227 by %roll3A_250 dim 2 : vector<4x32x128xi32>, i32 -> vector<4x32x128xi32>
    %select_n3A_252 = arith.select %eq3A_233, %roll3A_249, %roll3A_251 : vector<4x32x128xi1>, vector<4x32x128xi32>
    %gt3A_253 = arith.cmpf ogt, %select_n3A_226, %select_n3A_247 : vector<4x32x128xf32>
    %eq3A_254 = arith.cmpf oeq, %select_n3A_226, %select_n3A_247 : vector<4x32x128xf32>
    %lt3A_255 = arith.cmpi slt, %select_n3A_227, %select_n3A_252 : vector<4x32x128xi32>
    %and3A_256 = arith.andi %eq3A_254, %lt3A_255 : vector<4x32x128xi1>
    %or3A_257 = arith.ori %gt3A_253, %and3A_256 : vector<4x32x128xi1>
    %xor3A_258 = arith.xori %or3A_257, %eq3A_242 : vector<4x32x128xi1>
    %select_n3A_259 = arith.select %xor3A_258, %select_n3A_226, %select_n3A_247 : vector<4x32x128xi1>, vector<4x32x128xf32>
    %select_n3A_260 = arith.select %xor3A_258, %select_n3A_227, %select_n3A_252 : vector<4x32x128xi1>, vector<4x32x128xi32>
    %and3A_261 = arith.constant 2 : i32
    %and3A_262 = vector.broadcast %and3A_261 : i32 to vector<4x32x128xi32>
    %and3A_263 = arith.andi %add3A, %and3A_262 : vector<4x32x128xi32>
    %eq3A_264 = arith.constant 0 : i32
    %eq3A_265 = vector.broadcast %eq3A_264 : i32 to vector<4x32x128xi32>
    %eq3A_266 = arith.cmpi eq, %and3A_263, %eq3A_265 : vector<4x32x128xi32>
    %and3A_267 = arith.constant 16 : i32
    %and3A_268 = vector.broadcast %and3A_267 : i32 to vector<4x32x128xi32>
    %and3A_269 = arith.andi %add3A, %and3A_268 : vector<4x32x128xi32>
    %ne3A_270 = arith.constant 0 : i32
    %ne3A_271 = vector.broadcast %ne3A_270 : i32 to vector<4x32x128xi32>
    %ne3A_272 = arith.cmpi ne, %and3A_269, %ne3A_271 : vector<4x32x128xi32>
    %eq3A_273 = arith.xori %eq3A_266, %ne3A_272 : vector<4x32x128xi1>
    %eq3A_274 = arith.constant dense<true> : vector<4x32x128xi1>
    %eq3A_275 = arith.xori %eq3A_273, %eq3A_274 : vector<4x32x128xi1>
    %roll3A_276 = arith.constant 126 : i32
    %roll3A_277 = tpu.dynamic_rotate %select_n3A_259 by %roll3A_276 dim 2 : vector<4x32x128xf32>, i32 -> vector<4x32x128xf32>
    %roll3A_278 = arith.constant 2 : i32
    %roll3A_279 = tpu.dynamic_rotate %select_n3A_259 by %roll3A_278 dim 2 : vector<4x32x128xf32>, i32 -> vector<4x32x128xf32>
    %select_n3A_280 = arith.select %eq3A_266, %roll3A_277, %roll3A_279 : vector<4x32x128xi1>, vector<4x32x128xf32>
    %roll3A_281 = arith.constant 126 : i32
    %roll3A_282 = tpu.dynamic_rotate %select_n3A_260 by %roll3A_281 dim 2 : vector<4x32x128xi32>, i32 -> vector<4x32x128xi32>
    %roll3A_283 = arith.constant 2 : i32
    %roll3A_284 = tpu.dynamic_rotate %select_n3A_260 by %roll3A_283 dim 2 : vector<4x32x128xi32>, i32 -> vector<4x32x128xi32>
    %select_n3A_285 = arith.select %eq3A_266, %roll3A_282, %roll3A_284 : vector<4x32x128xi1>, vector<4x32x128xi32>
    %gt3A_286 = arith.cmpf ogt, %select_n3A_259, %select_n3A_280 : vector<4x32x128xf32>
    %eq3A_287 = arith.cmpf oeq, %select_n3A_259, %select_n3A_280 : vector<4x32x128xf32>
    %lt3A_288 = arith.cmpi slt, %select_n3A_260, %select_n3A_285 : vector<4x32x128xi32>
    %and3A_289 = arith.andi %eq3A_287, %lt3A_288 : vector<4x32x128xi1>
    %or3A_290 = arith.ori %gt3A_286, %and3A_289 : vector<4x32x128xi1>
    %xor3A_291 = arith.xori %or3A_290, %eq3A_275 : vector<4x32x128xi1>
    %select_n3A_292 = arith.select %xor3A_291, %select_n3A_259, %select_n3A_280 : vector<4x32x128xi1>, vector<4x32x128xf32>
    %select_n3A_293 = arith.select %xor3A_291, %select_n3A_260, %select_n3A_285 : vector<4x32x128xi1>, vector<4x32x128xi32>
    %and3A_294 = arith.constant 1 : i32
    %and3A_295 = vector.broadcast %and3A_294 : i32 to vector<4x32x128xi32>
    %and3A_296 = arith.andi %add3A, %and3A_295 : vector<4x32x128xi32>
    %eq3A_297 = arith.constant 0 : i32
    %eq3A_298 = vector.broadcast %eq3A_297 : i32 to vector<4x32x128xi32>
    %eq3A_299 = arith.cmpi eq, %and3A_296, %eq3A_298 : vector<4x32x128xi32>
    %and3A_300 = arith.constant 16 : i32
    %and3A_301 = vector.broadcast %and3A_300 : i32 to vector<4x32x128xi32>
    %and3A_302 = arith.andi %add3A, %and3A_301 : vector<4x32x128xi32>
    %ne3A_303 = arith.constant 0 : i32
    %ne3A_304 = vector.broadcast %ne3A_303 : i32 to vector<4x32x128xi32>
    %ne3A_305 = arith.cmpi ne, %and3A_302, %ne3A_304 : vector<4x32x128xi32>
    %eq3A_306 = arith.xori %eq3A_299, %ne3A_305 : vector<4x32x128xi1>
    %eq3A_307 = arith.constant dense<true> : vector<4x32x128xi1>
    %eq3A_308 = arith.xori %eq3A_306, %eq3A_307 : vector<4x32x128xi1>
    %roll3A_309 = arith.constant 127 : i32
    %roll3A_310 = tpu.dynamic_rotate %select_n3A_292 by %roll3A_309 dim 2 : vector<4x32x128xf32>, i32 -> vector<4x32x128xf32>
    %roll3A_311 = arith.constant 1 : i32
    %roll3A_312 = tpu.dynamic_rotate %select_n3A_292 by %roll3A_311 dim 2 : vector<4x32x128xf32>, i32 -> vector<4x32x128xf32>
    %select_n3A_313 = arith.select %eq3A_299, %roll3A_310, %roll3A_312 : vector<4x32x128xi1>, vector<4x32x128xf32>
    %roll3A_314 = arith.constant 127 : i32
    %roll3A_315 = tpu.dynamic_rotate %select_n3A_293 by %roll3A_314 dim 2 : vector<4x32x128xi32>, i32 -> vector<4x32x128xi32>
    %roll3A_316 = arith.constant 1 : i32
    %roll3A_317 = tpu.dynamic_rotate %select_n3A_293 by %roll3A_316 dim 2 : vector<4x32x128xi32>, i32 -> vector<4x32x128xi32>
    %select_n3A_318 = arith.select %eq3A_299, %roll3A_315, %roll3A_317 : vector<4x32x128xi1>, vector<4x32x128xi32>
    %gt3A_319 = arith.cmpf ogt, %select_n3A_292, %select_n3A_313 : vector<4x32x128xf32>
    %eq3A_320 = arith.cmpf oeq, %select_n3A_292, %select_n3A_313 : vector<4x32x128xf32>
    %lt3A_321 = arith.cmpi slt, %select_n3A_293, %select_n3A_318 : vector<4x32x128xi32>
    %and3A_322 = arith.andi %eq3A_320, %lt3A_321 : vector<4x32x128xi1>
    %or3A_323 = arith.ori %gt3A_319, %and3A_322 : vector<4x32x128xi1>
    %xor3A_324 = arith.xori %or3A_323, %eq3A_308 : vector<4x32x128xi1>
    %select_n3A_325 = arith.select %xor3A_324, %select_n3A_292, %select_n3A_313 : vector<4x32x128xi1>, vector<4x32x128xf32>
    %select_n3A_326 = arith.select %xor3A_324, %select_n3A_293, %select_n3A_318 : vector<4x32x128xi1>, vector<4x32x128xi32>
    %and3A_327 = arith.constant 16 : i32
    %and3A_328 = vector.broadcast %and3A_327 : i32 to vector<4x32x128xi32>
    %and3A_329 = arith.andi %add3A, %and3A_328 : vector<4x32x128xi32>
    %eq3A_330 = arith.constant 0 : i32
    %eq3A_331 = vector.broadcast %eq3A_330 : i32 to vector<4x32x128xi32>
    %eq3A_332 = arith.cmpi eq, %and3A_329, %eq3A_331 : vector<4x32x128xi32>
    %and3A_333 = arith.constant 32 : i32
    %and3A_334 = vector.broadcast %and3A_333 : i32 to vector<4x32x128xi32>
    %and3A_335 = arith.andi %add3A, %and3A_334 : vector<4x32x128xi32>
    %ne3A_336 = arith.constant 0 : i32
    %ne3A_337 = vector.broadcast %ne3A_336 : i32 to vector<4x32x128xi32>
    %ne3A_338 = arith.cmpi ne, %and3A_335, %ne3A_337 : vector<4x32x128xi32>
    %eq3A_339 = arith.xori %eq3A_332, %ne3A_338 : vector<4x32x128xi1>
    %eq3A_340 = arith.constant dense<true> : vector<4x32x128xi1>
    %eq3A_341 = arith.xori %eq3A_339, %eq3A_340 : vector<4x32x128xi1>
    %roll3A_342 = arith.constant 112 : i32
    %roll3A_343 = tpu.dynamic_rotate %select_n3A_325 by %roll3A_342 dim 2 : vector<4x32x128xf32>, i32 -> vector<4x32x128xf32>
    %roll3A_344 = arith.constant 16 : i32
    %roll3A_345 = tpu.dynamic_rotate %select_n3A_325 by %roll3A_344 dim 2 : vector<4x32x128xf32>, i32 -> vector<4x32x128xf32>
    %select_n3A_346 = arith.select %eq3A_332, %roll3A_343, %roll3A_345 : vector<4x32x128xi1>, vector<4x32x128xf32>
    %roll3A_347 = arith.constant 112 : i32
    %roll3A_348 = tpu.dynamic_rotate %select_n3A_326 by %roll3A_347 dim 2 : vector<4x32x128xi32>, i32 -> vector<4x32x128xi32>
    %roll3A_349 = arith.constant 16 : i32
    %roll3A_350 = tpu.dynamic_rotate %select_n3A_326 by %roll3A_349 dim 2 : vector<4x32x128xi32>, i32 -> vector<4x32x128xi32>
    %select_n3A_351 = arith.select %eq3A_332, %roll3A_348, %roll3A_350 : vector<4x32x128xi1>, vector<4x32x128xi32>
    %gt3A_352 = arith.cmpf ogt, %select_n3A_325, %select_n3A_346 : vector<4x32x128xf32>
    %eq3A_353 = arith.cmpf oeq, %select_n3A_325, %select_n3A_346 : vector<4x32x128xf32>
    %lt3A_354 = arith.cmpi slt, %select_n3A_326, %select_n3A_351 : vector<4x32x128xi32>
    %and3A_355 = arith.andi %eq3A_353, %lt3A_354 : vector<4x32x128xi1>
    %or3A_356 = arith.ori %gt3A_352, %and3A_355 : vector<4x32x128xi1>
    %xor3A_357 = arith.xori %or3A_356, %eq3A_341 : vector<4x32x128xi1>
    %select_n3A_358 = arith.select %xor3A_357, %select_n3A_325, %select_n3A_346 : vector<4x32x128xi1>, vector<4x32x128xf32>
    %select_n3A_359 = arith.select %xor3A_357, %select_n3A_326, %select_n3A_351 : vector<4x32x128xi1>, vector<4x32x128xi32>
    %and3A_360 = arith.constant 8 : i32
    %and3A_361 = vector.broadcast %and3A_360 : i32 to vector<4x32x128xi32>
    %and3A_362 = arith.andi %add3A, %and3A_361 : vector<4x32x128xi32>
    %eq3A_363 = arith.constant 0 : i32
    %eq3A_364 = vector.broadcast %eq3A_363 : i32 to vector<4x32x128xi32>
    %eq3A_365 = arith.cmpi eq, %and3A_362, %eq3A_364 : vector<4x32x128xi32>
    %and3A_366 = arith.constant 32 : i32
    %and3A_367 = vector.broadcast %and3A_366 : i32 to vector<4x32x128xi32>
    %and3A_368 = arith.andi %add3A, %and3A_367 : vector<4x32x128xi32>
    %ne3A_369 = arith.constant 0 : i32
    %ne3A_370 = vector.broadcast %ne3A_369 : i32 to vector<4x32x128xi32>
    %ne3A_371 = arith.cmpi ne, %and3A_368, %ne3A_370 : vector<4x32x128xi32>
    %eq3A_372 = arith.xori %eq3A_365, %ne3A_371 : vector<4x32x128xi1>
    %eq3A_373 = arith.constant dense<true> : vector<4x32x128xi1>
    %eq3A_374 = arith.xori %eq3A_372, %eq3A_373 : vector<4x32x128xi1>
    %roll3A_375 = arith.constant 120 : i32
    %roll3A_376 = tpu.dynamic_rotate %select_n3A_358 by %roll3A_375 dim 2 : vector<4x32x128xf32>, i32 -> vector<4x32x128xf32>
    %roll3A_377 = arith.constant 8 : i32
    %roll3A_378 = tpu.dynamic_rotate %select_n3A_358 by %roll3A_377 dim 2 : vector<4x32x128xf32>, i32 -> vector<4x32x128xf32>
    %select_n3A_379 = arith.select %eq3A_365, %roll3A_376, %roll3A_378 : vector<4x32x128xi1>, vector<4x32x128xf32>
    %roll3A_380 = arith.constant 120 : i32
    %roll3A_381 = tpu.dynamic_rotate %select_n3A_359 by %roll3A_380 dim 2 : vector<4x32x128xi32>, i32 -> vector<4x32x128xi32>
    %roll3A_382 = arith.constant 8 : i32
    %roll3A_383 = tpu.dynamic_rotate %select_n3A_359 by %roll3A_382 dim 2 : vector<4x32x128xi32>, i32 -> vector<4x32x128xi32>
    %select_n3A_384 = arith.select %eq3A_365, %roll3A_381, %roll3A_383 : vector<4x32x128xi1>, vector<4x32x128xi32>
    %gt3A_385 = arith.cmpf ogt, %select_n3A_358, %select_n3A_379 : vector<4x32x128xf32>
    %eq3A_386 = arith.cmpf oeq, %select_n3A_358, %select_n3A_379 : vector<4x32x128xf32>
    %lt3A_387 = arith.cmpi slt, %select_n3A_359, %select_n3A_384 : vector<4x32x128xi32>
    %and3A_388 = arith.andi %eq3A_386, %lt3A_387 : vector<4x32x128xi1>
    %or3A_389 = arith.ori %gt3A_385, %and3A_388 : vector<4x32x128xi1>
    %xor3A_390 = arith.xori %or3A_389, %eq3A_374 : vector<4x32x128xi1>
    %select_n3A_391 = arith.select %xor3A_390, %select_n3A_358, %select_n3A_379 : vector<4x32x128xi1>, vector<4x32x128xf32>
    %select_n3A_392 = arith.select %xor3A_390, %select_n3A_359, %select_n3A_384 : vector<4x32x128xi1>, vector<4x32x128xi32>
    %and3A_393 = arith.constant 4 : i32
    %and3A_394 = vector.broadcast %and3A_393 : i32 to vector<4x32x128xi32>
    %and3A_395 = arith.andi %add3A, %and3A_394 : vector<4x32x128xi32>
    %eq3A_396 = arith.constant 0 : i32
    %eq3A_397 = vector.broadcast %eq3A_396 : i32 to vector<4x32x128xi32>
    %eq3A_398 = arith.cmpi eq, %and3A_395, %eq3A_397 : vector<4x32x128xi32>
    %and3A_399 = arith.constant 32 : i32
    %and3A_400 = vector.broadcast %and3A_399 : i32 to vector<4x32x128xi32>
    %and3A_401 = arith.andi %add3A, %and3A_400 : vector<4x32x128xi32>
    %ne3A_402 = arith.constant 0 : i32
    %ne3A_403 = vector.broadcast %ne3A_402 : i32 to vector<4x32x128xi32>
    %ne3A_404 = arith.cmpi ne, %and3A_401, %ne3A_403 : vector<4x32x128xi32>
    %eq3A_405 = arith.xori %eq3A_398, %ne3A_404 : vector<4x32x128xi1>
    %eq3A_406 = arith.constant dense<true> : vector<4x32x128xi1>
    %eq3A_407 = arith.xori %eq3A_405, %eq3A_406 : vector<4x32x128xi1>
    %roll3A_408 = arith.constant 124 : i32
    %roll3A_409 = tpu.dynamic_rotate %select_n3A_391 by %roll3A_408 dim 2 : vector<4x32x128xf32>, i32 -> vector<4x32x128xf32>
    %roll3A_410 = arith.constant 4 : i32
    %roll3A_411 = tpu.dynamic_rotate %select_n3A_391 by %roll3A_410 dim 2 : vector<4x32x128xf32>, i32 -> vector<4x32x128xf32>
    %select_n3A_412 = arith.select %eq3A_398, %roll3A_409, %roll3A_411 : vector<4x32x128xi1>, vector<4x32x128xf32>
    %roll3A_413 = arith.constant 124 : i32
    %roll3A_414 = tpu.dynamic_rotate %select_n3A_392 by %roll3A_413 dim 2 : vector<4x32x128xi32>, i32 -> vector<4x32x128xi32>
    %roll3A_415 = arith.constant 4 : i32
    %roll3A_416 = tpu.dynamic_rotate %select_n3A_392 by %roll3A_415 dim 2 : vector<4x32x128xi32>, i32 -> vector<4x32x128xi32>
    %select_n3A_417 = arith.select %eq3A_398, %roll3A_414, %roll3A_416 : vector<4x32x128xi1>, vector<4x32x128xi32>
    %gt3A_418 = arith.cmpf ogt, %select_n3A_391, %select_n3A_412 : vector<4x32x128xf32>
    %eq3A_419 = arith.cmpf oeq, %select_n3A_391, %select_n3A_412 : vector<4x32x128xf32>
    %lt3A_420 = arith.cmpi slt, %select_n3A_392, %select_n3A_417 : vector<4x32x128xi32>
    %and3A_421 = arith.andi %eq3A_419, %lt3A_420 : vector<4x32x128xi1>
    %or3A_422 = arith.ori %gt3A_418, %and3A_421 : vector<4x32x128xi1>
    %xor3A_423 = arith.xori %or3A_422, %eq3A_407 : vector<4x32x128xi1>
    %select_n3A_424 = arith.select %xor3A_423, %select_n3A_391, %select_n3A_412 : vector<4x32x128xi1>, vector<4x32x128xf32>
    %select_n3A_425 = arith.select %xor3A_423, %select_n3A_392, %select_n3A_417 : vector<4x32x128xi1>, vector<4x32x128xi32>
    %and3A_426 = arith.constant 2 : i32
    %and3A_427 = vector.broadcast %and3A_426 : i32 to vector<4x32x128xi32>
    %and3A_428 = arith.andi %add3A, %and3A_427 : vector<4x32x128xi32>
    %eq3A_429 = arith.constant 0 : i32
    %eq3A_430 = vector.broadcast %eq3A_429 : i32 to vector<4x32x128xi32>
    %eq3A_431 = arith.cmpi eq, %and3A_428, %eq3A_430 : vector<4x32x128xi32>
    %and3A_432 = arith.constant 32 : i32
    %and3A_433 = vector.broadcast %and3A_432 : i32 to vector<4x32x128xi32>
    %and3A_434 = arith.andi %add3A, %and3A_433 : vector<4x32x128xi32>
    %ne3A_435 = arith.constant 0 : i32
    %ne3A_436 = vector.broadcast %ne3A_435 : i32 to vector<4x32x128xi32>
    %ne3A_437 = arith.cmpi ne, %and3A_434, %ne3A_436 : vector<4x32x128xi32>
    %eq3A_438 = arith.xori %eq3A_431, %ne3A_437 : vector<4x32x128xi1>
    %eq3A_439 = arith.constant dense<true> : vector<4x32x128xi1>
    %eq3A_440 = arith.xori %eq3A_438, %eq3A_439 : vector<4x32x128xi1>
    %roll3A_441 = arith.constant 126 : i32
    %roll3A_442 = tpu.dynamic_rotate %select_n3A_424 by %roll3A_441 dim 2 : vector<4x32x128xf32>, i32 -> vector<4x32x128xf32>
    %roll3A_443 = arith.constant 2 : i32
    %roll3A_444 = tpu.dynamic_rotate %select_n3A_424 by %roll3A_443 dim 2 : vector<4x32x128xf32>, i32 -> vector<4x32x128xf32>
    %select_n3A_445 = arith.select %eq3A_431, %roll3A_442, %roll3A_444 : vector<4x32x128xi1>, vector<4x32x128xf32>
    %roll3A_446 = arith.constant 126 : i32
    %roll3A_447 = tpu.dynamic_rotate %select_n3A_425 by %roll3A_446 dim 2 : vector<4x32x128xi32>, i32 -> vector<4x32x128xi32>
    %roll3A_448 = arith.constant 2 : i32
    %roll3A_449 = tpu.dynamic_rotate %select_n3A_425 by %roll3A_448 dim 2 : vector<4x32x128xi32>, i32 -> vector<4x32x128xi32>
    %select_n3A_450 = arith.select %eq3A_431, %roll3A_447, %roll3A_449 : vector<4x32x128xi1>, vector<4x32x128xi32>
    %gt3A_451 = arith.cmpf ogt, %select_n3A_424, %select_n3A_445 : vector<4x32x128xf32>
    %eq3A_452 = arith.cmpf oeq, %select_n3A_424, %select_n3A_445 : vector<4x32x128xf32>
    %lt3A_453 = arith.cmpi slt, %select_n3A_425, %select_n3A_450 : vector<4x32x128xi32>
    %and3A_454 = arith.andi %eq3A_452, %lt3A_453 : vector<4x32x128xi1>
    %or3A_455 = arith.ori %gt3A_451, %and3A_454 : vector<4x32x128xi1>
    %xor3A_456 = arith.xori %or3A_455, %eq3A_440 : vector<4x32x128xi1>
    %select_n3A_457 = arith.select %xor3A_456, %select_n3A_424, %select_n3A_445 : vector<4x32x128xi1>, vector<4x32x128xf32>
    %select_n3A_458 = arith.select %xor3A_456, %select_n3A_425, %select_n3A_450 : vector<4x32x128xi1>, vector<4x32x128xi32>
    %and3A_459 = arith.constant 1 : i32
    %and3A_460 = vector.broadcast %and3A_459 : i32 to vector<4x32x128xi32>
    %and3A_461 = arith.andi %add3A, %and3A_460 : vector<4x32x128xi32>
    %eq3A_462 = arith.constant 0 : i32
    %eq3A_463 = vector.broadcast %eq3A_462 : i32 to vector<4x32x128xi32>
    %eq3A_464 = arith.cmpi eq, %and3A_461, %eq3A_463 : vector<4x32x128xi32>
    %and3A_465 = arith.constant 32 : i32
    %and3A_466 = vector.broadcast %and3A_465 : i32 to vector<4x32x128xi32>
    %and3A_467 = arith.andi %add3A, %and3A_466 : vector<4x32x128xi32>
    %ne3A_468 = arith.constant 0 : i32
    %ne3A_469 = vector.broadcast %ne3A_468 : i32 to vector<4x32x128xi32>
    %ne3A_470 = arith.cmpi ne, %and3A_467, %ne3A_469 : vector<4x32x128xi32>
    %eq3A_471 = arith.xori %eq3A_464, %ne3A_470 : vector<4x32x128xi1>
    %eq3A_472 = arith.constant dense<true> : vector<4x32x128xi1>
    %eq3A_473 = arith.xori %eq3A_471, %eq3A_472 : vector<4x32x128xi1>
    %roll3A_474 = arith.constant 127 : i32
    %roll3A_475 = tpu.dynamic_rotate %select_n3A_457 by %roll3A_474 dim 2 : vector<4x32x128xf32>, i32 -> vector<4x32x128xf32>
    %roll3A_476 = arith.constant 1 : i32
    %roll3A_477 = tpu.dynamic_rotate %select_n3A_457 by %roll3A_476 dim 2 : vector<4x32x128xf32>, i32 -> vector<4x32x128xf32>
    %select_n3A_478 = arith.select %eq3A_464, %roll3A_475, %roll3A_477 : vector<4x32x128xi1>, vector<4x32x128xf32>
    %roll3A_479 = arith.constant 127 : i32
    %roll3A_480 = tpu.dynamic_rotate %select_n3A_458 by %roll3A_479 dim 2 : vector<4x32x128xi32>, i32 -> vector<4x32x128xi32>
    %roll3A_481 = arith.constant 1 : i32
    %roll3A_482 = tpu.dynamic_rotate %select_n3A_458 by %roll3A_481 dim 2 : vector<4x32x128xi32>, i32 -> vector<4x32x128xi32>
    %select_n3A_483 = arith.select %eq3A_464, %roll3A_480, %roll3A_482 : vector<4x32x128xi1>, vector<4x32x128xi32>
    %gt3A_484 = arith.cmpf ogt, %select_n3A_457, %select_n3A_478 : vector<4x32x128xf32>
    %eq3A_485 = arith.cmpf oeq, %select_n3A_457, %select_n3A_478 : vector<4x32x128xf32>
    %lt3A_486 = arith.cmpi slt, %select_n3A_458, %select_n3A_483 : vector<4x32x128xi32>
    %and3A_487 = arith.andi %eq3A_485, %lt3A_486 : vector<4x32x128xi1>
    %or3A_488 = arith.ori %gt3A_484, %and3A_487 : vector<4x32x128xi1>
    %xor3A_489 = arith.xori %or3A_488, %eq3A_473 : vector<4x32x128xi1>
    %select_n3A_490 = arith.select %xor3A_489, %select_n3A_457, %select_n3A_478 : vector<4x32x128xi1>, vector<4x32x128xf32>
    %select_n3A_491 = arith.select %xor3A_489, %select_n3A_458, %select_n3A_483 : vector<4x32x128xi1>, vector<4x32x128xi32>
    %and3A_492 = arith.constant 32 : i32
    %and3A_493 = vector.broadcast %and3A_492 : i32 to vector<4x32x128xi32>
    %and3A_494 = arith.andi %add3A, %and3A_493 : vector<4x32x128xi32>
    %eq3A_495 = arith.constant 0 : i32
    %eq3A_496 = vector.broadcast %eq3A_495 : i32 to vector<4x32x128xi32>
    %eq3A_497 = arith.cmpi eq, %and3A_494, %eq3A_496 : vector<4x32x128xi32>
    %and3A_498 = arith.constant 64 : i32
    %and3A_499 = vector.broadcast %and3A_498 : i32 to vector<4x32x128xi32>
    %and3A_500 = arith.andi %add3A, %and3A_499 : vector<4x32x128xi32>
    %ne3A_501 = arith.constant 0 : i32
    %ne3A_502 = vector.broadcast %ne3A_501 : i32 to vector<4x32x128xi32>
    %ne3A_503 = arith.cmpi ne, %and3A_500, %ne3A_502 : vector<4x32x128xi32>
    %eq3A_504 = arith.xori %eq3A_497, %ne3A_503 : vector<4x32x128xi1>
    %eq3A_505 = arith.constant dense<true> : vector<4x32x128xi1>
    %eq3A_506 = arith.xori %eq3A_504, %eq3A_505 : vector<4x32x128xi1>
    %roll3A_507 = arith.constant 96 : i32
    %roll3A_508 = tpu.dynamic_rotate %select_n3A_490 by %roll3A_507 dim 2 : vector<4x32x128xf32>, i32 -> vector<4x32x128xf32>
    %roll3A_509 = arith.constant 32 : i32
    %roll3A_510 = tpu.dynamic_rotate %select_n3A_490 by %roll3A_509 dim 2 : vector<4x32x128xf32>, i32 -> vector<4x32x128xf32>
    %select_n3A_511 = arith.select %eq3A_497, %roll3A_508, %roll3A_510 : vector<4x32x128xi1>, vector<4x32x128xf32>
    %roll3A_512 = arith.constant 96 : i32
    %roll3A_513 = tpu.dynamic_rotate %select_n3A_491 by %roll3A_512 dim 2 : vector<4x32x128xi32>, i32 -> vector<4x32x128xi32>
    %roll3A_514 = arith.constant 32 : i32
    %roll3A_515 = tpu.dynamic_rotate %select_n3A_491 by %roll3A_514 dim 2 : vector<4x32x128xi32>, i32 -> vector<4x32x128xi32>
    %select_n3A_516 = arith.select %eq3A_497, %roll3A_513, %roll3A_515 : vector<4x32x128xi1>, vector<4x32x128xi32>
    %gt3A_517 = arith.cmpf ogt, %select_n3A_490, %select_n3A_511 : vector<4x32x128xf32>
    %eq3A_518 = arith.cmpf oeq, %select_n3A_490, %select_n3A_511 : vector<4x32x128xf32>
    %lt3A_519 = arith.cmpi slt, %select_n3A_491, %select_n3A_516 : vector<4x32x128xi32>
    %and3A_520 = arith.andi %eq3A_518, %lt3A_519 : vector<4x32x128xi1>
    %or3A_521 = arith.ori %gt3A_517, %and3A_520 : vector<4x32x128xi1>
    %xor3A_522 = arith.xori %or3A_521, %eq3A_506 : vector<4x32x128xi1>
    %select_n3A_523 = arith.select %xor3A_522, %select_n3A_490, %select_n3A_511 : vector<4x32x128xi1>, vector<4x32x128xf32>
    %select_n3A_524 = arith.select %xor3A_522, %select_n3A_491, %select_n3A_516 : vector<4x32x128xi1>, vector<4x32x128xi32>
    %and3A_525 = arith.constant 16 : i32
    %and3A_526 = vector.broadcast %and3A_525 : i32 to vector<4x32x128xi32>
    %and3A_527 = arith.andi %add3A, %and3A_526 : vector<4x32x128xi32>
    %eq3A_528 = arith.constant 0 : i32
    %eq3A_529 = vector.broadcast %eq3A_528 : i32 to vector<4x32x128xi32>
    %eq3A_530 = arith.cmpi eq, %and3A_527, %eq3A_529 : vector<4x32x128xi32>
    %and3A_531 = arith.constant 64 : i32
    %and3A_532 = vector.broadcast %and3A_531 : i32 to vector<4x32x128xi32>
    %and3A_533 = arith.andi %add3A, %and3A_532 : vector<4x32x128xi32>
    %ne3A_534 = arith.constant 0 : i32
    %ne3A_535 = vector.broadcast %ne3A_534 : i32 to vector<4x32x128xi32>
    %ne3A_536 = arith.cmpi ne, %and3A_533, %ne3A_535 : vector<4x32x128xi32>
    %eq3A_537 = arith.xori %eq3A_530, %ne3A_536 : vector<4x32x128xi1>
    %eq3A_538 = arith.constant dense<true> : vector<4x32x128xi1>
    %eq3A_539 = arith.xori %eq3A_537, %eq3A_538 : vector<4x32x128xi1>
    %roll3A_540 = arith.constant 112 : i32
    %roll3A_541 = tpu.dynamic_rotate %select_n3A_523 by %roll3A_540 dim 2 : vector<4x32x128xf32>, i32 -> vector<4x32x128xf32>
    %roll3A_542 = arith.constant 16 : i32
    %roll3A_543 = tpu.dynamic_rotate %select_n3A_523 by %roll3A_542 dim 2 : vector<4x32x128xf32>, i32 -> vector<4x32x128xf32>
    %select_n3A_544 = arith.select %eq3A_530, %roll3A_541, %roll3A_543 : vector<4x32x128xi1>, vector<4x32x128xf32>
    %roll3A_545 = arith.constant 112 : i32
    %roll3A_546 = tpu.dynamic_rotate %select_n3A_524 by %roll3A_545 dim 2 : vector<4x32x128xi32>, i32 -> vector<4x32x128xi32>
    %roll3A_547 = arith.constant 16 : i32
    %roll3A_548 = tpu.dynamic_rotate %select_n3A_524 by %roll3A_547 dim 2 : vector<4x32x128xi32>, i32 -> vector<4x32x128xi32>
    %select_n3A_549 = arith.select %eq3A_530, %roll3A_546, %roll3A_548 : vector<4x32x128xi1>, vector<4x32x128xi32>
    %gt3A_550 = arith.cmpf ogt, %select_n3A_523, %select_n3A_544 : vector<4x32x128xf32>
    %eq3A_551 = arith.cmpf oeq, %select_n3A_523, %select_n3A_544 : vector<4x32x128xf32>
    %lt3A_552 = arith.cmpi slt, %select_n3A_524, %select_n3A_549 : vector<4x32x128xi32>
    %and3A_553 = arith.andi %eq3A_551, %lt3A_552 : vector<4x32x128xi1>
    %or3A_554 = arith.ori %gt3A_550, %and3A_553 : vector<4x32x128xi1>
    %xor3A_555 = arith.xori %or3A_554, %eq3A_539 : vector<4x32x128xi1>
    %select_n3A_556 = arith.select %xor3A_555, %select_n3A_523, %select_n3A_544 : vector<4x32x128xi1>, vector<4x32x128xf32>
    %select_n3A_557 = arith.select %xor3A_555, %select_n3A_524, %select_n3A_549 : vector<4x32x128xi1>, vector<4x32x128xi32>
    %and3A_558 = arith.constant 8 : i32
    %and3A_559 = vector.broadcast %and3A_558 : i32 to vector<4x32x128xi32>
    %and3A_560 = arith.andi %add3A, %and3A_559 : vector<4x32x128xi32>
    %eq3A_561 = arith.constant 0 : i32
    %eq3A_562 = vector.broadcast %eq3A_561 : i32 to vector<4x32x128xi32>
    %eq3A_563 = arith.cmpi eq, %and3A_560, %eq3A_562 : vector<4x32x128xi32>
    %and3A_564 = arith.constant 64 : i32
    %and3A_565 = vector.broadcast %and3A_564 : i32 to vector<4x32x128xi32>
    %and3A_566 = arith.andi %add3A, %and3A_565 : vector<4x32x128xi32>
    %ne3A_567 = arith.constant 0 : i32
    %ne3A_568 = vector.broadcast %ne3A_567 : i32 to vector<4x32x128xi32>
    %ne3A_569 = arith.cmpi ne, %and3A_566, %ne3A_568 : vector<4x32x128xi32>
    %eq3A_570 = arith.xori %eq3A_563, %ne3A_569 : vector<4x32x128xi1>
    %eq3A_571 = arith.constant dense<true> : vector<4x32x128xi1>
    %eq3A_572 = arith.xori %eq3A_570, %eq3A_571 : vector<4x32x128xi1>
    %roll3A_573 = arith.constant 120 : i32
    %roll3A_574 = tpu.dynamic_rotate %select_n3A_556 by %roll3A_573 dim 2 : vector<4x32x128xf32>, i32 -> vector<4x32x128xf32>
    %roll3A_575 = arith.constant 8 : i32
    %roll3A_576 = tpu.dynamic_rotate %select_n3A_556 by %roll3A_575 dim 2 : vector<4x32x128xf32>, i32 -> vector<4x32x128xf32>
    %select_n3A_577 = arith.select %eq3A_563, %roll3A_574, %roll3A_576 : vector<4x32x128xi1>, vector<4x32x128xf32>
    %roll3A_578 = arith.constant 120 : i32
    %roll3A_579 = tpu.dynamic_rotate %select_n3A_557 by %roll3A_578 dim 2 : vector<4x32x128xi32>, i32 -> vector<4x32x128xi32>
    %roll3A_580 = arith.constant 8 : i32
    %roll3A_581 = tpu.dynamic_rotate %select_n3A_557 by %roll3A_580 dim 2 : vector<4x32x128xi32>, i32 -> vector<4x32x128xi32>
    %select_n3A_582 = arith.select %eq3A_563, %roll3A_579, %roll3A_581 : vector<4x32x128xi1>, vector<4x32x128xi32>
    %gt3A_583 = arith.cmpf ogt, %select_n3A_556, %select_n3A_577 : vector<4x32x128xf32>
    %eq3A_584 = arith.cmpf oeq, %select_n3A_556, %select_n3A_577 : vector<4x32x128xf32>
    %lt3A_585 = arith.cmpi slt, %select_n3A_557, %select_n3A_582 : vector<4x32x128xi32>
    %and3A_586 = arith.andi %eq3A_584, %lt3A_585 : vector<4x32x128xi1>
    %or3A_587 = arith.ori %gt3A_583, %and3A_586 : vector<4x32x128xi1>
    %xor3A_588 = arith.xori %or3A_587, %eq3A_572 : vector<4x32x128xi1>
    %select_n3A_589 = arith.select %xor3A_588, %select_n3A_556, %select_n3A_577 : vector<4x32x128xi1>, vector<4x32x128xf32>
    %select_n3A_590 = arith.select %xor3A_588, %select_n3A_557, %select_n3A_582 : vector<4x32x128xi1>, vector<4x32x128xi32>
    %and3A_591 = arith.constant 4 : i32
    %and3A_592 = vector.broadcast %and3A_591 : i32 to vector<4x32x128xi32>
    %and3A_593 = arith.andi %add3A, %and3A_592 : vector<4x32x128xi32>
    %eq3A_594 = arith.constant 0 : i32
    %eq3A_595 = vector.broadcast %eq3A_594 : i32 to vector<4x32x128xi32>
    %eq3A_596 = arith.cmpi eq, %and3A_593, %eq3A_595 : vector<4x32x128xi32>
    %and3A_597 = arith.constant 64 : i32
    %and3A_598 = vector.broadcast %and3A_597 : i32 to vector<4x32x128xi32>
    %and3A_599 = arith.andi %add3A, %and3A_598 : vector<4x32x128xi32>
    %ne3A_600 = arith.constant 0 : i32
    %ne3A_601 = vector.broadcast %ne3A_600 : i32 to vector<4x32x128xi32>
    %ne3A_602 = arith.cmpi ne, %and3A_599, %ne3A_601 : vector<4x32x128xi32>
    %eq3A_603 = arith.xori %eq3A_596, %ne3A_602 : vector<4x32x128xi1>
    %eq3A_604 = arith.constant dense<true> : vector<4x32x128xi1>
    %eq3A_605 = arith.xori %eq3A_603, %eq3A_604 : vector<4x32x128xi1>
    %roll3A_606 = arith.constant 124 : i32
    %roll3A_607 = tpu.dynamic_rotate %select_n3A_589 by %roll3A_606 dim 2 : vector<4x32x128xf32>, i32 -> vector<4x32x128xf32>
    %roll3A_608 = arith.constant 4 : i32
    %roll3A_609 = tpu.dynamic_rotate %select_n3A_589 by %roll3A_608 dim 2 : vector<4x32x128xf32>, i32 -> vector<4x32x128xf32>
    %select_n3A_610 = arith.select %eq3A_596, %roll3A_607, %roll3A_609 : vector<4x32x128xi1>, vector<4x32x128xf32>
    %roll3A_611 = arith.constant 124 : i32
    %roll3A_612 = tpu.dynamic_rotate %select_n3A_590 by %roll3A_611 dim 2 : vector<4x32x128xi32>, i32 -> vector<4x32x128xi32>
    %roll3A_613 = arith.constant 4 : i32
    %roll3A_614 = tpu.dynamic_rotate %select_n3A_590 by %roll3A_613 dim 2 : vector<4x32x128xi32>, i32 -> vector<4x32x128xi32>
    %select_n3A_615 = arith.select %eq3A_596, %roll3A_612, %roll3A_614 : vector<4x32x128xi1>, vector<4x32x128xi32>
    %gt3A_616 = arith.cmpf ogt, %select_n3A_589, %select_n3A_610 : vector<4x32x128xf32>
    %eq3A_617 = arith.cmpf oeq, %select_n3A_589, %select_n3A_610 : vector<4x32x128xf32>
    %lt3A_618 = arith.cmpi slt, %select_n3A_590, %select_n3A_615 : vector<4x32x128xi32>
    %and3A_619 = arith.andi %eq3A_617, %lt3A_618 : vector<4x32x128xi1>
    %or3A_620 = arith.ori %gt3A_616, %and3A_619 : vector<4x32x128xi1>
    %xor3A_621 = arith.xori %or3A_620, %eq3A_605 : vector<4x32x128xi1>
    %select_n3A_622 = arith.select %xor3A_621, %select_n3A_589, %select_n3A_610 : vector<4x32x128xi1>, vector<4x32x128xf32>
    %select_n3A_623 = arith.select %xor3A_621, %select_n3A_590, %select_n3A_615 : vector<4x32x128xi1>, vector<4x32x128xi32>
    %and3A_624 = arith.constant 2 : i32
    %and3A_625 = vector.broadcast %and3A_624 : i32 to vector<4x32x128xi32>
    %and3A_626 = arith.andi %add3A, %and3A_625 : vector<4x32x128xi32>
    %eq3A_627 = arith.constant 0 : i32
    %eq3A_628 = vector.broadcast %eq3A_627 : i32 to vector<4x32x128xi32>
    %eq3A_629 = arith.cmpi eq, %and3A_626, %eq3A_628 : vector<4x32x128xi32>
    %and3A_630 = arith.constant 64 : i32
    %and3A_631 = vector.broadcast %and3A_630 : i32 to vector<4x32x128xi32>
    %and3A_632 = arith.andi %add3A, %and3A_631 : vector<4x32x128xi32>
    %ne3A_633 = arith.constant 0 : i32
    %ne3A_634 = vector.broadcast %ne3A_633 : i32 to vector<4x32x128xi32>
    %ne3A_635 = arith.cmpi ne, %and3A_632, %ne3A_634 : vector<4x32x128xi32>
    %eq3A_636 = arith.xori %eq3A_629, %ne3A_635 : vector<4x32x128xi1>
    %eq3A_637 = arith.constant dense<true> : vector<4x32x128xi1>
    %eq3A_638 = arith.xori %eq3A_636, %eq3A_637 : vector<4x32x128xi1>
    %roll3A_639 = arith.constant 126 : i32
    %roll3A_640 = tpu.dynamic_rotate %select_n3A_622 by %roll3A_639 dim 2 : vector<4x32x128xf32>, i32 -> vector<4x32x128xf32>
    %roll3A_641 = arith.constant 2 : i32
    %roll3A_642 = tpu.dynamic_rotate %select_n3A_622 by %roll3A_641 dim 2 : vector<4x32x128xf32>, i32 -> vector<4x32x128xf32>
    %select_n3A_643 = arith.select %eq3A_629, %roll3A_640, %roll3A_642 : vector<4x32x128xi1>, vector<4x32x128xf32>
    %roll3A_644 = arith.constant 126 : i32
    %roll3A_645 = tpu.dynamic_rotate %select_n3A_623 by %roll3A_644 dim 2 : vector<4x32x128xi32>, i32 -> vector<4x32x128xi32>
    %roll3A_646 = arith.constant 2 : i32
    %roll3A_647 = tpu.dynamic_rotate %select_n3A_623 by %roll3A_646 dim 2 : vector<4x32x128xi32>, i32 -> vector<4x32x128xi32>
    %select_n3A_648 = arith.select %eq3A_629, %roll3A_645, %roll3A_647 : vector<4x32x128xi1>, vector<4x32x128xi32>
    %gt3A_649 = arith.cmpf ogt, %select_n3A_622, %select_n3A_643 : vector<4x32x128xf32>
    %eq3A_650 = arith.cmpf oeq, %select_n3A_622, %select_n3A_643 : vector<4x32x128xf32>
    %lt3A_651 = arith.cmpi slt, %select_n3A_623, %select_n3A_648 : vector<4x32x128xi32>
    %and3A_652 = arith.andi %eq3A_650, %lt3A_651 : vector<4x32x128xi1>
    %or3A_653 = arith.ori %gt3A_649, %and3A_652 : vector<4x32x128xi1>
    %xor3A_654 = arith.xori %or3A_653, %eq3A_638 : vector<4x32x128xi1>
    %select_n3A_655 = arith.select %xor3A_654, %select_n3A_622, %select_n3A_643 : vector<4x32x128xi1>, vector<4x32x128xf32>
    %select_n3A_656 = arith.select %xor3A_654, %select_n3A_623, %select_n3A_648 : vector<4x32x128xi1>, vector<4x32x128xi32>
    %and3A_657 = arith.constant 1 : i32
    %and3A_658 = vector.broadcast %and3A_657 : i32 to vector<4x32x128xi32>
    %and3A_659 = arith.andi %add3A, %and3A_658 : vector<4x32x128xi32>
    %eq3A_660 = arith.constant 0 : i32
    %eq3A_661 = vector.broadcast %eq3A_660 : i32 to vector<4x32x128xi32>
    %eq3A_662 = arith.cmpi eq, %and3A_659, %eq3A_661 : vector<4x32x128xi32>
    %and3A_663 = arith.constant 64 : i32
    %and3A_664 = vector.broadcast %and3A_663 : i32 to vector<4x32x128xi32>
    %and3A_665 = arith.andi %add3A, %and3A_664 : vector<4x32x128xi32>
    %ne3A_666 = arith.constant 0 : i32
    %ne3A_667 = vector.broadcast %ne3A_666 : i32 to vector<4x32x128xi32>
    %ne3A_668 = arith.cmpi ne, %and3A_665, %ne3A_667 : vector<4x32x128xi32>
    %eq3A_669 = arith.xori %eq3A_662, %ne3A_668 : vector<4x32x128xi1>
    %eq3A_670 = arith.constant dense<true> : vector<4x32x128xi1>
    %eq3A_671 = arith.xori %eq3A_669, %eq3A_670 : vector<4x32x128xi1>
    %roll3A_672 = arith.constant 127 : i32
    %roll3A_673 = tpu.dynamic_rotate %select_n3A_655 by %roll3A_672 dim 2 : vector<4x32x128xf32>, i32 -> vector<4x32x128xf32>
    %roll3A_674 = arith.constant 1 : i32
    %roll3A_675 = tpu.dynamic_rotate %select_n3A_655 by %roll3A_674 dim 2 : vector<4x32x128xf32>, i32 -> vector<4x32x128xf32>
    %select_n3A_676 = arith.select %eq3A_662, %roll3A_673, %roll3A_675 : vector<4x32x128xi1>, vector<4x32x128xf32>
    %roll3A_677 = arith.constant 127 : i32
    %roll3A_678 = tpu.dynamic_rotate %select_n3A_656 by %roll3A_677 dim 2 : vector<4x32x128xi32>, i32 -> vector<4x32x128xi32>
    %roll3A_679 = arith.constant 1 : i32
    %roll3A_680 = tpu.dynamic_rotate %select_n3A_656 by %roll3A_679 dim 2 : vector<4x32x128xi32>, i32 -> vector<4x32x128xi32>
    %select_n3A_681 = arith.select %eq3A_662, %roll3A_678, %roll3A_680 : vector<4x32x128xi1>, vector<4x32x128xi32>
    %gt3A_682 = arith.cmpf ogt, %select_n3A_655, %select_n3A_676 : vector<4x32x128xf32>
    %eq3A_683 = arith.cmpf oeq, %select_n3A_655, %select_n3A_676 : vector<4x32x128xf32>
    %lt3A_684 = arith.cmpi slt, %select_n3A_656, %select_n3A_681 : vector<4x32x128xi32>
    %and3A_685 = arith.andi %eq3A_683, %lt3A_684 : vector<4x32x128xi1>
    %or3A_686 = arith.ori %gt3A_682, %and3A_685 : vector<4x32x128xi1>
    %xor3A_687 = arith.xori %or3A_686, %eq3A_671 : vector<4x32x128xi1>
    %select_n3A_688 = arith.select %xor3A_687, %select_n3A_655, %select_n3A_676 : vector<4x32x128xi1>, vector<4x32x128xf32>
    %select_n3A_689 = arith.select %xor3A_687, %select_n3A_656, %select_n3A_681 : vector<4x32x128xi1>, vector<4x32x128xi32>
    %and3A_690 = arith.constant 64 : i32
    %and3A_691 = vector.broadcast %and3A_690 : i32 to vector<4x32x128xi32>
    %and3A_692 = arith.andi %add3A, %and3A_691 : vector<4x32x128xi32>
    %eq3A_693 = arith.constant 0 : i32
    %eq3A_694 = vector.broadcast %eq3A_693 : i32 to vector<4x32x128xi32>
    %eq3A_695 = arith.cmpi eq, %and3A_692, %eq3A_694 : vector<4x32x128xi32>
    %and3A_696 = arith.constant 128 : i32
    %and3A_697 = vector.broadcast %and3A_696 : i32 to vector<4x32x128xi32>
    %and3A_698 = arith.andi %add3A, %and3A_697 : vector<4x32x128xi32>
    %ne3A_699 = arith.constant 0 : i32
    %ne3A_700 = vector.broadcast %ne3A_699 : i32 to vector<4x32x128xi32>
    %ne3A_701 = arith.cmpi ne, %and3A_698, %ne3A_700 : vector<4x32x128xi32>
    %eq3A_702 = arith.xori %eq3A_695, %ne3A_701 : vector<4x32x128xi1>
    %eq3A_703 = arith.constant dense<true> : vector<4x32x128xi1>
    %eq3A_704 = arith.xori %eq3A_702, %eq3A_703 : vector<4x32x128xi1>
    %roll3A_705 = arith.constant 64 : i32
    %roll3A_706 = tpu.dynamic_rotate %select_n3A_688 by %roll3A_705 dim 2 : vector<4x32x128xf32>, i32 -> vector<4x32x128xf32>
    %roll3A_707 = arith.constant 64 : i32
    %roll3A_708 = tpu.dynamic_rotate %select_n3A_688 by %roll3A_707 dim 2 : vector<4x32x128xf32>, i32 -> vector<4x32x128xf32>
    %select_n3A_709 = arith.select %eq3A_695, %roll3A_706, %roll3A_708 : vector<4x32x128xi1>, vector<4x32x128xf32>
    %roll3A_710 = arith.constant 64 : i32
    %roll3A_711 = tpu.dynamic_rotate %select_n3A_689 by %roll3A_710 dim 2 : vector<4x32x128xi32>, i32 -> vector<4x32x128xi32>
    %roll3A_712 = arith.constant 64 : i32
    %roll3A_713 = tpu.dynamic_rotate %select_n3A_689 by %roll3A_712 dim 2 : vector<4x32x128xi32>, i32 -> vector<4x32x128xi32>
    %select_n3A_714 = arith.select %eq3A_695, %roll3A_711, %roll3A_713 : vector<4x32x128xi1>, vector<4x32x128xi32>
    %gt3A_715 = arith.cmpf ogt, %select_n3A_688, %select_n3A_709 : vector<4x32x128xf32>
    %eq3A_716 = arith.cmpf oeq, %select_n3A_688, %select_n3A_709 : vector<4x32x128xf32>
    %lt3A_717 = arith.cmpi slt, %select_n3A_689, %select_n3A_714 : vector<4x32x128xi32>
    %and3A_718 = arith.andi %eq3A_716, %lt3A_717 : vector<4x32x128xi1>
    %or3A_719 = arith.ori %gt3A_715, %and3A_718 : vector<4x32x128xi1>
    %xor3A_720 = arith.xori %or3A_719, %eq3A_704 : vector<4x32x128xi1>
    %select_n3A_721 = arith.select %xor3A_720, %select_n3A_688, %select_n3A_709 : vector<4x32x128xi1>, vector<4x32x128xf32>
    %select_n3A_722 = arith.select %xor3A_720, %select_n3A_689, %select_n3A_714 : vector<4x32x128xi1>, vector<4x32x128xi32>
    %and3A_723 = arith.constant 32 : i32
    %and3A_724 = vector.broadcast %and3A_723 : i32 to vector<4x32x128xi32>
    %and3A_725 = arith.andi %add3A, %and3A_724 : vector<4x32x128xi32>
    %eq3A_726 = arith.constant 0 : i32
    %eq3A_727 = vector.broadcast %eq3A_726 : i32 to vector<4x32x128xi32>
    %eq3A_728 = arith.cmpi eq, %and3A_725, %eq3A_727 : vector<4x32x128xi32>
    %and3A_729 = arith.constant 128 : i32
    %and3A_730 = vector.broadcast %and3A_729 : i32 to vector<4x32x128xi32>
    %and3A_731 = arith.andi %add3A, %and3A_730 : vector<4x32x128xi32>
    %ne3A_732 = arith.constant 0 : i32
    %ne3A_733 = vector.broadcast %ne3A_732 : i32 to vector<4x32x128xi32>
    %ne3A_734 = arith.cmpi ne, %and3A_731, %ne3A_733 : vector<4x32x128xi32>
    %eq3A_735 = arith.xori %eq3A_728, %ne3A_734 : vector<4x32x128xi1>
    %eq3A_736 = arith.constant dense<true> : vector<4x32x128xi1>
    %eq3A_737 = arith.xori %eq3A_735, %eq3A_736 : vector<4x32x128xi1>
    %roll3A_738 = arith.constant 96 : i32
    %roll3A_739 = tpu.dynamic_rotate %select_n3A_721 by %roll3A_738 dim 2 : vector<4x32x128xf32>, i32 -> vector<4x32x128xf32>
    %roll3A_740 = arith.constant 32 : i32
    %roll3A_741 = tpu.dynamic_rotate %select_n3A_721 by %roll3A_740 dim 2 : vector<4x32x128xf32>, i32 -> vector<4x32x128xf32>
    %select_n3A_742 = arith.select %eq3A_728, %roll3A_739, %roll3A_741 : vector<4x32x128xi1>, vector<4x32x128xf32>
    %roll3A_743 = arith.constant 96 : i32
    %roll3A_744 = tpu.dynamic_rotate %select_n3A_722 by %roll3A_743 dim 2 : vector<4x32x128xi32>, i32 -> vector<4x32x128xi32>
    %roll3A_745 = arith.constant 32 : i32
    %roll3A_746 = tpu.dynamic_rotate %select_n3A_722 by %roll3A_745 dim 2 : vector<4x32x128xi32>, i32 -> vector<4x32x128xi32>
    %select_n3A_747 = arith.select %eq3A_728, %roll3A_744, %roll3A_746 : vector<4x32x128xi1>, vector<4x32x128xi32>
    %gt3A_748 = arith.cmpf ogt, %select_n3A_721, %select_n3A_742 : vector<4x32x128xf32>
    %eq3A_749 = arith.cmpf oeq, %select_n3A_721, %select_n3A_742 : vector<4x32x128xf32>
    %lt3A_750 = arith.cmpi slt, %select_n3A_722, %select_n3A_747 : vector<4x32x128xi32>
    %and3A_751 = arith.andi %eq3A_749, %lt3A_750 : vector<4x32x128xi1>
    %or3A_752 = arith.ori %gt3A_748, %and3A_751 : vector<4x32x128xi1>
    %xor3A_753 = arith.xori %or3A_752, %eq3A_737 : vector<4x32x128xi1>
    %select_n3A_754 = arith.select %xor3A_753, %select_n3A_721, %select_n3A_742 : vector<4x32x128xi1>, vector<4x32x128xf32>
    %select_n3A_755 = arith.select %xor3A_753, %select_n3A_722, %select_n3A_747 : vector<4x32x128xi1>, vector<4x32x128xi32>
    %and3A_756 = arith.constant 16 : i32
    %and3A_757 = vector.broadcast %and3A_756 : i32 to vector<4x32x128xi32>
    %and3A_758 = arith.andi %add3A, %and3A_757 : vector<4x32x128xi32>
    %eq3A_759 = arith.constant 0 : i32
    %eq3A_760 = vector.broadcast %eq3A_759 : i32 to vector<4x32x128xi32>
    %eq3A_761 = arith.cmpi eq, %and3A_758, %eq3A_760 : vector<4x32x128xi32>
    %and3A_762 = arith.constant 128 : i32
    %and3A_763 = vector.broadcast %and3A_762 : i32 to vector<4x32x128xi32>
    %and3A_764 = arith.andi %add3A, %and3A_763 : vector<4x32x128xi32>
    %ne3A_765 = arith.constant 0 : i32
    %ne3A_766 = vector.broadcast %ne3A_765 : i32 to vector<4x32x128xi32>
    %ne3A_767 = arith.cmpi ne, %and3A_764, %ne3A_766 : vector<4x32x128xi32>
    %eq3A_768 = arith.xori %eq3A_761, %ne3A_767 : vector<4x32x128xi1>
    %eq3A_769 = arith.constant dense<true> : vector<4x32x128xi1>
    %eq3A_770 = arith.xori %eq3A_768, %eq3A_769 : vector<4x32x128xi1>
    %roll3A_771 = arith.constant 112 : i32
    %roll3A_772 = tpu.dynamic_rotate %select_n3A_754 by %roll3A_771 dim 2 : vector<4x32x128xf32>, i32 -> vector<4x32x128xf32>
    %roll3A_773 = arith.constant 16 : i32
    %roll3A_774 = tpu.dynamic_rotate %select_n3A_754 by %roll3A_773 dim 2 : vector<4x32x128xf32>, i32 -> vector<4x32x128xf32>
    %select_n3A_775 = arith.select %eq3A_761, %roll3A_772, %roll3A_774 : vector<4x32x128xi1>, vector<4x32x128xf32>
    %roll3A_776 = arith.constant 112 : i32
    %roll3A_777 = tpu.dynamic_rotate %select_n3A_755 by %roll3A_776 dim 2 : vector<4x32x128xi32>, i32 -> vector<4x32x128xi32>
    %roll3A_778 = arith.constant 16 : i32
    %roll3A_779 = tpu.dynamic_rotate %select_n3A_755 by %roll3A_778 dim 2 : vector<4x32x128xi32>, i32 -> vector<4x32x128xi32>
    %select_n3A_780 = arith.select %eq3A_761, %roll3A_777, %roll3A_779 : vector<4x32x128xi1>, vector<4x32x128xi32>
    %gt3A_781 = arith.cmpf ogt, %select_n3A_754, %select_n3A_775 : vector<4x32x128xf32>
    %eq3A_782 = arith.cmpf oeq, %select_n3A_754, %select_n3A_775 : vector<4x32x128xf32>
    %lt3A_783 = arith.cmpi slt, %select_n3A_755, %select_n3A_780 : vector<4x32x128xi32>
    %and3A_784 = arith.andi %eq3A_782, %lt3A_783 : vector<4x32x128xi1>
    %or3A_785 = arith.ori %gt3A_781, %and3A_784 : vector<4x32x128xi1>
    %xor3A_786 = arith.xori %or3A_785, %eq3A_770 : vector<4x32x128xi1>
    %select_n3A_787 = arith.select %xor3A_786, %select_n3A_754, %select_n3A_775 : vector<4x32x128xi1>, vector<4x32x128xf32>
    %select_n3A_788 = arith.select %xor3A_786, %select_n3A_755, %select_n3A_780 : vector<4x32x128xi1>, vector<4x32x128xi32>
    %and3A_789 = arith.constant 8 : i32
    %and3A_790 = vector.broadcast %and3A_789 : i32 to vector<4x32x128xi32>
    %and3A_791 = arith.andi %add3A, %and3A_790 : vector<4x32x128xi32>
    %eq3A_792 = arith.constant 0 : i32
    %eq3A_793 = vector.broadcast %eq3A_792 : i32 to vector<4x32x128xi32>
    %eq3A_794 = arith.cmpi eq, %and3A_791, %eq3A_793 : vector<4x32x128xi32>
    %and3A_795 = arith.constant 128 : i32
    %and3A_796 = vector.broadcast %and3A_795 : i32 to vector<4x32x128xi32>
    %and3A_797 = arith.andi %add3A, %and3A_796 : vector<4x32x128xi32>
    %ne3A_798 = arith.constant 0 : i32
    %ne3A_799 = vector.broadcast %ne3A_798 : i32 to vector<4x32x128xi32>
    %ne3A_800 = arith.cmpi ne, %and3A_797, %ne3A_799 : vector<4x32x128xi32>
    %eq3A_801 = arith.xori %eq3A_794, %ne3A_800 : vector<4x32x128xi1>
    %eq3A_802 = arith.constant dense<true> : vector<4x32x128xi1>
    %eq3A_803 = arith.xori %eq3A_801, %eq3A_802 : vector<4x32x128xi1>
    %roll3A_804 = arith.constant 120 : i32
    %roll3A_805 = tpu.dynamic_rotate %select_n3A_787 by %roll3A_804 dim 2 : vector<4x32x128xf32>, i32 -> vector<4x32x128xf32>
    %roll3A_806 = arith.constant 8 : i32
    %roll3A_807 = tpu.dynamic_rotate %select_n3A_787 by %roll3A_806 dim 2 : vector<4x32x128xf32>, i32 -> vector<4x32x128xf32>
    %select_n3A_808 = arith.select %eq3A_794, %roll3A_805, %roll3A_807 : vector<4x32x128xi1>, vector<4x32x128xf32>
    %roll3A_809 = arith.constant 120 : i32
    %roll3A_810 = tpu.dynamic_rotate %select_n3A_788 by %roll3A_809 dim 2 : vector<4x32x128xi32>, i32 -> vector<4x32x128xi32>
    %roll3A_811 = arith.constant 8 : i32
    %roll3A_812 = tpu.dynamic_rotate %select_n3A_788 by %roll3A_811 dim 2 : vector<4x32x128xi32>, i32 -> vector<4x32x128xi32>
    %select_n3A_813 = arith.select %eq3A_794, %roll3A_810, %roll3A_812 : vector<4x32x128xi1>, vector<4x32x128xi32>
    %gt3A_814 = arith.cmpf ogt, %select_n3A_787, %select_n3A_808 : vector<4x32x128xf32>
    %eq3A_815 = arith.cmpf oeq, %select_n3A_787, %select_n3A_808 : vector<4x32x128xf32>
    %lt3A_816 = arith.cmpi slt, %select_n3A_788, %select_n3A_813 : vector<4x32x128xi32>
    %and3A_817 = arith.andi %eq3A_815, %lt3A_816 : vector<4x32x128xi1>
    %or3A_818 = arith.ori %gt3A_814, %and3A_817 : vector<4x32x128xi1>
    %xor3A_819 = arith.xori %or3A_818, %eq3A_803 : vector<4x32x128xi1>
    %select_n3A_820 = arith.select %xor3A_819, %select_n3A_787, %select_n3A_808 : vector<4x32x128xi1>, vector<4x32x128xf32>
    %select_n3A_821 = arith.select %xor3A_819, %select_n3A_788, %select_n3A_813 : vector<4x32x128xi1>, vector<4x32x128xi32>
    %and3A_822 = arith.constant 4 : i32
    %and3A_823 = vector.broadcast %and3A_822 : i32 to vector<4x32x128xi32>
    %and3A_824 = arith.andi %add3A, %and3A_823 : vector<4x32x128xi32>
    %eq3A_825 = arith.constant 0 : i32
    %eq3A_826 = vector.broadcast %eq3A_825 : i32 to vector<4x32x128xi32>
    %eq3A_827 = arith.cmpi eq, %and3A_824, %eq3A_826 : vector<4x32x128xi32>
    %and3A_828 = arith.constant 128 : i32
    %and3A_829 = vector.broadcast %and3A_828 : i32 to vector<4x32x128xi32>
    %and3A_830 = arith.andi %add3A, %and3A_829 : vector<4x32x128xi32>
    %ne3A_831 = arith.constant 0 : i32
    %ne3A_832 = vector.broadcast %ne3A_831 : i32 to vector<4x32x128xi32>
    %ne3A_833 = arith.cmpi ne, %and3A_830, %ne3A_832 : vector<4x32x128xi32>
    %eq3A_834 = arith.xori %eq3A_827, %ne3A_833 : vector<4x32x128xi1>
    %eq3A_835 = arith.constant dense<true> : vector<4x32x128xi1>
    %eq3A_836 = arith.xori %eq3A_834, %eq3A_835 : vector<4x32x128xi1>
    %roll3A_837 = arith.constant 124 : i32
    %roll3A_838 = tpu.dynamic_rotate %select_n3A_820 by %roll3A_837 dim 2 : vector<4x32x128xf32>, i32 -> vector<4x32x128xf32>
    %roll3A_839 = arith.constant 4 : i32
    %roll3A_840 = tpu.dynamic_rotate %select_n3A_820 by %roll3A_839 dim 2 : vector<4x32x128xf32>, i32 -> vector<4x32x128xf32>
    %select_n3A_841 = arith.select %eq3A_827, %roll3A_838, %roll3A_840 : vector<4x32x128xi1>, vector<4x32x128xf32>
    %roll3A_842 = arith.constant 124 : i32
    %roll3A_843 = tpu.dynamic_rotate %select_n3A_821 by %roll3A_842 dim 2 : vector<4x32x128xi32>, i32 -> vector<4x32x128xi32>
    %roll3A_844 = arith.constant 4 : i32
    %roll3A_845 = tpu.dynamic_rotate %select_n3A_821 by %roll3A_844 dim 2 : vector<4x32x128xi32>, i32 -> vector<4x32x128xi32>
    %select_n3A_846 = arith.select %eq3A_827, %roll3A_843, %roll3A_845 : vector<4x32x128xi1>, vector<4x32x128xi32>
    %gt3A_847 = arith.cmpf ogt, %select_n3A_820, %select_n3A_841 : vector<4x32x128xf32>
    %eq3A_848 = arith.cmpf oeq, %select_n3A_820, %select_n3A_841 : vector<4x32x128xf32>
    %lt3A_849 = arith.cmpi slt, %select_n3A_821, %select_n3A_846 : vector<4x32x128xi32>
    %and3A_850 = arith.andi %eq3A_848, %lt3A_849 : vector<4x32x128xi1>
    %or3A_851 = arith.ori %gt3A_847, %and3A_850 : vector<4x32x128xi1>
    %xor3A_852 = arith.xori %or3A_851, %eq3A_836 : vector<4x32x128xi1>
    %select_n3A_853 = arith.select %xor3A_852, %select_n3A_820, %select_n3A_841 : vector<4x32x128xi1>, vector<4x32x128xf32>
    %select_n3A_854 = arith.select %xor3A_852, %select_n3A_821, %select_n3A_846 : vector<4x32x128xi1>, vector<4x32x128xi32>
    %and3A_855 = arith.constant 2 : i32
    %and3A_856 = vector.broadcast %and3A_855 : i32 to vector<4x32x128xi32>
    %and3A_857 = arith.andi %add3A, %and3A_856 : vector<4x32x128xi32>
    %eq3A_858 = arith.constant 0 : i32
    %eq3A_859 = vector.broadcast %eq3A_858 : i32 to vector<4x32x128xi32>
    %eq3A_860 = arith.cmpi eq, %and3A_857, %eq3A_859 : vector<4x32x128xi32>
    %and3A_861 = arith.constant 128 : i32
    %and3A_862 = vector.broadcast %and3A_861 : i32 to vector<4x32x128xi32>
    %and3A_863 = arith.andi %add3A, %and3A_862 : vector<4x32x128xi32>
    %ne3A_864 = arith.constant 0 : i32
    %ne3A_865 = vector.broadcast %ne3A_864 : i32 to vector<4x32x128xi32>
    %ne3A_866 = arith.cmpi ne, %and3A_863, %ne3A_865 : vector<4x32x128xi32>
    %eq3A_867 = arith.xori %eq3A_860, %ne3A_866 : vector<4x32x128xi1>
    %eq3A_868 = arith.constant dense<true> : vector<4x32x128xi1>
    %eq3A_869 = arith.xori %eq3A_867, %eq3A_868 : vector<4x32x128xi1>
    %roll3A_870 = arith.constant 126 : i32
    %roll3A_871 = tpu.dynamic_rotate %select_n3A_853 by %roll3A_870 dim 2 : vector<4x32x128xf32>, i32 -> vector<4x32x128xf32>
    %roll3A_872 = arith.constant 2 : i32
    %roll3A_873 = tpu.dynamic_rotate %select_n3A_853 by %roll3A_872 dim 2 : vector<4x32x128xf32>, i32 -> vector<4x32x128xf32>
    %select_n3A_874 = arith.select %eq3A_860, %roll3A_871, %roll3A_873 : vector<4x32x128xi1>, vector<4x32x128xf32>
    %roll3A_875 = arith.constant 126 : i32
    %roll3A_876 = tpu.dynamic_rotate %select_n3A_854 by %roll3A_875 dim 2 : vector<4x32x128xi32>, i32 -> vector<4x32x128xi32>
    %roll3A_877 = arith.constant 2 : i32
    %roll3A_878 = tpu.dynamic_rotate %select_n3A_854 by %roll3A_877 dim 2 : vector<4x32x128xi32>, i32 -> vector<4x32x128xi32>
    %select_n3A_879 = arith.select %eq3A_860, %roll3A_876, %roll3A_878 : vector<4x32x128xi1>, vector<4x32x128xi32>
    %gt3A_880 = arith.cmpf ogt, %select_n3A_853, %select_n3A_874 : vector<4x32x128xf32>
    %eq3A_881 = arith.cmpf oeq, %select_n3A_853, %select_n3A_874 : vector<4x32x128xf32>
    %lt3A_882 = arith.cmpi slt, %select_n3A_854, %select_n3A_879 : vector<4x32x128xi32>
    %and3A_883 = arith.andi %eq3A_881, %lt3A_882 : vector<4x32x128xi1>
    %or3A_884 = arith.ori %gt3A_880, %and3A_883 : vector<4x32x128xi1>
    %xor3A_885 = arith.xori %or3A_884, %eq3A_869 : vector<4x32x128xi1>
    %select_n3A_886 = arith.select %xor3A_885, %select_n3A_853, %select_n3A_874 : vector<4x32x128xi1>, vector<4x32x128xf32>
    %select_n3A_887 = arith.select %xor3A_885, %select_n3A_854, %select_n3A_879 : vector<4x32x128xi1>, vector<4x32x128xi32>
    %and3A_888 = arith.constant 1 : i32
    %and3A_889 = vector.broadcast %and3A_888 : i32 to vector<4x32x128xi32>
    %and3A_890 = arith.andi %add3A, %and3A_889 : vector<4x32x128xi32>
    %eq3A_891 = arith.constant 0 : i32
    %eq3A_892 = vector.broadcast %eq3A_891 : i32 to vector<4x32x128xi32>
    %eq3A_893 = arith.cmpi eq, %and3A_890, %eq3A_892 : vector<4x32x128xi32>
    %and3A_894 = arith.constant 128 : i32
    %and3A_895 = vector.broadcast %and3A_894 : i32 to vector<4x32x128xi32>
    %and3A_896 = arith.andi %add3A, %and3A_895 : vector<4x32x128xi32>
    %ne3A_897 = arith.constant 0 : i32
    %ne3A_898 = vector.broadcast %ne3A_897 : i32 to vector<4x32x128xi32>
    %ne3A_899 = arith.cmpi ne, %and3A_896, %ne3A_898 : vector<4x32x128xi32>
    %eq3A_900 = arith.xori %eq3A_893, %ne3A_899 : vector<4x32x128xi1>
    %eq3A_901 = arith.constant dense<true> : vector<4x32x128xi1>
    %eq3A_902 = arith.xori %eq3A_900, %eq3A_901 : vector<4x32x128xi1>
    %roll3A_903 = arith.constant 127 : i32
    %roll3A_904 = tpu.dynamic_rotate %select_n3A_886 by %roll3A_903 dim 2 : vector<4x32x128xf32>, i32 -> vector<4x32x128xf32>
    %roll3A_905 = arith.constant 1 : i32
    %roll3A_906 = tpu.dynamic_rotate %select_n3A_886 by %roll3A_905 dim 2 : vector<4x32x128xf32>, i32 -> vector<4x32x128xf32>
    %select_n3A_907 = arith.select %eq3A_893, %roll3A_904, %roll3A_906 : vector<4x32x128xi1>, vector<4x32x128xf32>
    %roll3A_908 = arith.constant 127 : i32
    %roll3A_909 = tpu.dynamic_rotate %select_n3A_887 by %roll3A_908 dim 2 : vector<4x32x128xi32>, i32 -> vector<4x32x128xi32>
    %roll3A_910 = arith.constant 1 : i32
    %roll3A_911 = tpu.dynamic_rotate %select_n3A_887 by %roll3A_910 dim 2 : vector<4x32x128xi32>, i32 -> vector<4x32x128xi32>
    %select_n3A_912 = arith.select %eq3A_893, %roll3A_909, %roll3A_911 : vector<4x32x128xi1>, vector<4x32x128xi32>
    %gt3A_913 = arith.cmpf ogt, %select_n3A_886, %select_n3A_907 : vector<4x32x128xf32>
    %eq3A_914 = arith.cmpf oeq, %select_n3A_886, %select_n3A_907 : vector<4x32x128xf32>
    %lt3A_915 = arith.cmpi slt, %select_n3A_887, %select_n3A_912 : vector<4x32x128xi32>
    %and3A_916 = arith.andi %eq3A_914, %lt3A_915 : vector<4x32x128xi1>
    %or3A_917 = arith.ori %gt3A_913, %and3A_916 : vector<4x32x128xi1>
    %xor3A_918 = arith.xori %or3A_917, %eq3A_902 : vector<4x32x128xi1>
    %select_n3A_919 = arith.select %xor3A_918, %select_n3A_886, %select_n3A_907 : vector<4x32x128xi1>, vector<4x32x128xf32>
    %select_n3A_920 = arith.select %xor3A_918, %select_n3A_887, %select_n3A_912 : vector<4x32x128xi1>, vector<4x32x128xi32>
    %and3A_921 = arith.constant 128 : i32
    %and3A_922 = vector.broadcast %and3A_921 : i32 to vector<4x32x128xi32>
    %and3A_923 = arith.andi %add3A, %and3A_922 : vector<4x32x128xi32>
    %eq3A_924 = arith.constant 0 : i32
    %eq3A_925 = vector.broadcast %eq3A_924 : i32 to vector<4x32x128xi32>
    %eq3A_926 = arith.cmpi eq, %and3A_923, %eq3A_925 : vector<4x32x128xi32>
    %and3A_927 = arith.constant 256 : i32
    %and3A_928 = vector.broadcast %and3A_927 : i32 to vector<4x32x128xi32>
    %and3A_929 = arith.andi %add3A, %and3A_928 : vector<4x32x128xi32>
    %ne3A_930 = arith.constant 0 : i32
    %ne3A_931 = vector.broadcast %ne3A_930 : i32 to vector<4x32x128xi32>
    %ne3A_932 = arith.cmpi ne, %and3A_929, %ne3A_931 : vector<4x32x128xi32>
    %eq3A_933 = arith.xori %eq3A_926, %ne3A_932 : vector<4x32x128xi1>
    %eq3A_934 = arith.constant dense<true> : vector<4x32x128xi1>
    %eq3A_935 = arith.xori %eq3A_933, %eq3A_934 : vector<4x32x128xi1>
    %roll3A_936 = arith.constant 31 : i32
    %roll3A_937 = tpu.dynamic_rotate %select_n3A_919 by %roll3A_936 dim 1 : vector<4x32x128xf32>, i32 -> vector<4x32x128xf32>
    %roll3A_938 = arith.constant 1 : i32
    %roll3A_939 = tpu.dynamic_rotate %select_n3A_919 by %roll3A_938 dim 1 : vector<4x32x128xf32>, i32 -> vector<4x32x128xf32>
    %select_n3A_940 = arith.select %eq3A_926, %roll3A_937, %roll3A_939 : vector<4x32x128xi1>, vector<4x32x128xf32>
    %roll3A_941 = arith.constant 31 : i32
    %roll3A_942 = tpu.dynamic_rotate %select_n3A_920 by %roll3A_941 dim 1 : vector<4x32x128xi32>, i32 -> vector<4x32x128xi32>
    %roll3A_943 = arith.constant 1 : i32
    %roll3A_944 = tpu.dynamic_rotate %select_n3A_920 by %roll3A_943 dim 1 : vector<4x32x128xi32>, i32 -> vector<4x32x128xi32>
    %select_n3A_945 = arith.select %eq3A_926, %roll3A_942, %roll3A_944 : vector<4x32x128xi1>, vector<4x32x128xi32>
    %gt3A_946 = arith.cmpf ogt, %select_n3A_919, %select_n3A_940 : vector<4x32x128xf32>
    %eq3A_947 = arith.cmpf oeq, %select_n3A_919, %select_n3A_940 : vector<4x32x128xf32>
    %lt3A_948 = arith.cmpi slt, %select_n3A_920, %select_n3A_945 : vector<4x32x128xi32>
    %and3A_949 = arith.andi %eq3A_947, %lt3A_948 : vector<4x32x128xi1>
    %or3A_950 = arith.ori %gt3A_946, %and3A_949 : vector<4x32x128xi1>
    %xor3A_951 = arith.xori %or3A_950, %eq3A_935 : vector<4x32x128xi1>
    %select_n3A_952 = arith.select %xor3A_951, %select_n3A_919, %select_n3A_940 : vector<4x32x128xi1>, vector<4x32x128xf32>
    %select_n3A_953 = arith.select %xor3A_951, %select_n3A_920, %select_n3A_945 : vector<4x32x128xi1>, vector<4x32x128xi32>
    %and3A_954 = arith.constant 64 : i32
    %and3A_955 = vector.broadcast %and3A_954 : i32 to vector<4x32x128xi32>
    %and3A_956 = arith.andi %add3A, %and3A_955 : vector<4x32x128xi32>
    %eq3A_957 = arith.constant 0 : i32
    %eq3A_958 = vector.broadcast %eq3A_957 : i32 to vector<4x32x128xi32>
    %eq3A_959 = arith.cmpi eq, %and3A_956, %eq3A_958 : vector<4x32x128xi32>
    %and3A_960 = arith.constant 256 : i32
    %and3A_961 = vector.broadcast %and3A_960 : i32 to vector<4x32x128xi32>
    %and3A_962 = arith.andi %add3A, %and3A_961 : vector<4x32x128xi32>
    %ne3A_963 = arith.constant 0 : i32
    %ne3A_964 = vector.broadcast %ne3A_963 : i32 to vector<4x32x128xi32>
    %ne3A_965 = arith.cmpi ne, %and3A_962, %ne3A_964 : vector<4x32x128xi32>
    %eq3A_966 = arith.xori %eq3A_959, %ne3A_965 : vector<4x32x128xi1>
    %eq3A_967 = arith.constant dense<true> : vector<4x32x128xi1>
    %eq3A_968 = arith.xori %eq3A_966, %eq3A_967 : vector<4x32x128xi1>
    %roll3A_969 = arith.constant 64 : i32
    %roll3A_970 = tpu.dynamic_rotate %select_n3A_952 by %roll3A_969 dim 2 : vector<4x32x128xf32>, i32 -> vector<4x32x128xf32>
    %roll3A_971 = arith.constant 64 : i32
    %roll3A_972 = tpu.dynamic_rotate %select_n3A_952 by %roll3A_971 dim 2 : vector<4x32x128xf32>, i32 -> vector<4x32x128xf32>
    %select_n3A_973 = arith.select %eq3A_959, %roll3A_970, %roll3A_972 : vector<4x32x128xi1>, vector<4x32x128xf32>
    %roll3A_974 = arith.constant 64 : i32
    %roll3A_975 = tpu.dynamic_rotate %select_n3A_953 by %roll3A_974 dim 2 : vector<4x32x128xi32>, i32 -> vector<4x32x128xi32>
    %roll3A_976 = arith.constant 64 : i32
    %roll3A_977 = tpu.dynamic_rotate %select_n3A_953 by %roll3A_976 dim 2 : vector<4x32x128xi32>, i32 -> vector<4x32x128xi32>
    %select_n3A_978 = arith.select %eq3A_959, %roll3A_975, %roll3A_977 : vector<4x32x128xi1>, vector<4x32x128xi32>
    %gt3A_979 = arith.cmpf ogt, %select_n3A_952, %select_n3A_973 : vector<4x32x128xf32>
    %eq3A_980 = arith.cmpf oeq, %select_n3A_952, %select_n3A_973 : vector<4x32x128xf32>
    %lt3A_981 = arith.cmpi slt, %select_n3A_953, %select_n3A_978 : vector<4x32x128xi32>
    %and3A_982 = arith.andi %eq3A_980, %lt3A_981 : vector<4x32x128xi1>
    %or3A_983 = arith.ori %gt3A_979, %and3A_982 : vector<4x32x128xi1>
    %xor3A_984 = arith.xori %or3A_983, %eq3A_968 : vector<4x32x128xi1>
    %select_n3A_985 = arith.select %xor3A_984, %select_n3A_952, %select_n3A_973 : vector<4x32x128xi1>, vector<4x32x128xf32>
    %select_n3A_986 = arith.select %xor3A_984, %select_n3A_953, %select_n3A_978 : vector<4x32x128xi1>, vector<4x32x128xi32>
    %and3A_987 = arith.constant 32 : i32
    %and3A_988 = vector.broadcast %and3A_987 : i32 to vector<4x32x128xi32>
    %and3A_989 = arith.andi %add3A, %and3A_988 : vector<4x32x128xi32>
    %eq3A_990 = arith.constant 0 : i32
    %eq3A_991 = vector.broadcast %eq3A_990 : i32 to vector<4x32x128xi32>
    %eq3A_992 = arith.cmpi eq, %and3A_989, %eq3A_991 : vector<4x32x128xi32>
    %and3A_993 = arith.constant 256 : i32
    %and3A_994 = vector.broadcast %and3A_993 : i32 to vector<4x32x128xi32>
    %and3A_995 = arith.andi %add3A, %and3A_994 : vector<4x32x128xi32>
    %ne3A_996 = arith.constant 0 : i32
    %ne3A_997 = vector.broadcast %ne3A_996 : i32 to vector<4x32x128xi32>
    %ne3A_998 = arith.cmpi ne, %and3A_995, %ne3A_997 : vector<4x32x128xi32>
    %eq3A_999 = arith.xori %eq3A_992, %ne3A_998 : vector<4x32x128xi1>
    %eq3A_1000 = arith.constant dense<true> : vector<4x32x128xi1>
    %eq3A_1001 = arith.xori %eq3A_999, %eq3A_1000 : vector<4x32x128xi1>
    %roll3A_1002 = arith.constant 96 : i32
    %roll3A_1003 = tpu.dynamic_rotate %select_n3A_985 by %roll3A_1002 dim 2 : vector<4x32x128xf32>, i32 -> vector<4x32x128xf32>
    %roll3A_1004 = arith.constant 32 : i32
    %roll3A_1005 = tpu.dynamic_rotate %select_n3A_985 by %roll3A_1004 dim 2 : vector<4x32x128xf32>, i32 -> vector<4x32x128xf32>
    %select_n3A_1006 = arith.select %eq3A_992, %roll3A_1003, %roll3A_1005 : vector<4x32x128xi1>, vector<4x32x128xf32>
    %roll3A_1007 = arith.constant 96 : i32
    %roll3A_1008 = tpu.dynamic_rotate %select_n3A_986 by %roll3A_1007 dim 2 : vector<4x32x128xi32>, i32 -> vector<4x32x128xi32>
    %roll3A_1009 = arith.constant 32 : i32
    %roll3A_1010 = tpu.dynamic_rotate %select_n3A_986 by %roll3A_1009 dim 2 : vector<4x32x128xi32>, i32 -> vector<4x32x128xi32>
    %select_n3A_1011 = arith.select %eq3A_992, %roll3A_1008, %roll3A_1010 : vector<4x32x128xi1>, vector<4x32x128xi32>
    %gt3A_1012 = arith.cmpf ogt, %select_n3A_985, %select_n3A_1006 : vector<4x32x128xf32>
    %eq3A_1013 = arith.cmpf oeq, %select_n3A_985, %select_n3A_1006 : vector<4x32x128xf32>
    %lt3A_1014 = arith.cmpi slt, %select_n3A_986, %select_n3A_1011 : vector<4x32x128xi32>
    %and3A_1015 = arith.andi %eq3A_1013, %lt3A_1014 : vector<4x32x128xi1>
    %or3A_1016 = arith.ori %gt3A_1012, %and3A_1015 : vector<4x32x128xi1>
    %xor3A_1017 = arith.xori %or3A_1016, %eq3A_1001 : vector<4x32x128xi1>
    %select_n3A_1018 = arith.select %xor3A_1017, %select_n3A_985, %select_n3A_1006 : vector<4x32x128xi1>, vector<4x32x128xf32>
    %select_n3A_1019 = arith.select %xor3A_1017, %select_n3A_986, %select_n3A_1011 : vector<4x32x128xi1>, vector<4x32x128xi32>
    %and3A_1020 = arith.constant 16 : i32
    %and3A_1021 = vector.broadcast %and3A_1020 : i32 to vector<4x32x128xi32>
    %and3A_1022 = arith.andi %add3A, %and3A_1021 : vector<4x32x128xi32>
    %eq3A_1023 = arith.constant 0 : i32
    %eq3A_1024 = vector.broadcast %eq3A_1023 : i32 to vector<4x32x128xi32>
    %eq3A_1025 = arith.cmpi eq, %and3A_1022, %eq3A_1024 : vector<4x32x128xi32>
    %and3A_1026 = arith.constant 256 : i32
    %and3A_1027 = vector.broadcast %and3A_1026 : i32 to vector<4x32x128xi32>
    %and3A_1028 = arith.andi %add3A, %and3A_1027 : vector<4x32x128xi32>
    %ne3A_1029 = arith.constant 0 : i32
    %ne3A_1030 = vector.broadcast %ne3A_1029 : i32 to vector<4x32x128xi32>
    %ne3A_1031 = arith.cmpi ne, %and3A_1028, %ne3A_1030 : vector<4x32x128xi32>
    %eq3A_1032 = arith.xori %eq3A_1025, %ne3A_1031 : vector<4x32x128xi1>
    %eq3A_1033 = arith.constant dense<true> : vector<4x32x128xi1>
    %eq3A_1034 = arith.xori %eq3A_1032, %eq3A_1033 : vector<4x32x128xi1>
    %roll3A_1035 = arith.constant 112 : i32
    %roll3A_1036 = tpu.dynamic_rotate %select_n3A_1018 by %roll3A_1035 dim 2 : vector<4x32x128xf32>, i32 -> vector<4x32x128xf32>
    %roll3A_1037 = arith.constant 16 : i32
    %roll3A_1038 = tpu.dynamic_rotate %select_n3A_1018 by %roll3A_1037 dim 2 : vector<4x32x128xf32>, i32 -> vector<4x32x128xf32>
    %select_n3A_1039 = arith.select %eq3A_1025, %roll3A_1036, %roll3A_1038 : vector<4x32x128xi1>, vector<4x32x128xf32>
    %roll3A_1040 = arith.constant 112 : i32
    %roll3A_1041 = tpu.dynamic_rotate %select_n3A_1019 by %roll3A_1040 dim 2 : vector<4x32x128xi32>, i32 -> vector<4x32x128xi32>
    %roll3A_1042 = arith.constant 16 : i32
    %roll3A_1043 = tpu.dynamic_rotate %select_n3A_1019 by %roll3A_1042 dim 2 : vector<4x32x128xi32>, i32 -> vector<4x32x128xi32>
    %select_n3A_1044 = arith.select %eq3A_1025, %roll3A_1041, %roll3A_1043 : vector<4x32x128xi1>, vector<4x32x128xi32>
    %gt3A_1045 = arith.cmpf ogt, %select_n3A_1018, %select_n3A_1039 : vector<4x32x128xf32>
    %eq3A_1046 = arith.cmpf oeq, %select_n3A_1018, %select_n3A_1039 : vector<4x32x128xf32>
    %lt3A_1047 = arith.cmpi slt, %select_n3A_1019, %select_n3A_1044 : vector<4x32x128xi32>
    %and3A_1048 = arith.andi %eq3A_1046, %lt3A_1047 : vector<4x32x128xi1>
    %or3A_1049 = arith.ori %gt3A_1045, %and3A_1048 : vector<4x32x128xi1>
    %xor3A_1050 = arith.xori %or3A_1049, %eq3A_1034 : vector<4x32x128xi1>
    %select_n3A_1051 = arith.select %xor3A_1050, %select_n3A_1018, %select_n3A_1039 : vector<4x32x128xi1>, vector<4x32x128xf32>
    %select_n3A_1052 = arith.select %xor3A_1050, %select_n3A_1019, %select_n3A_1044 : vector<4x32x128xi1>, vector<4x32x128xi32>
    %and3A_1053 = arith.constant 8 : i32
    %and3A_1054 = vector.broadcast %and3A_1053 : i32 to vector<4x32x128xi32>
    %and3A_1055 = arith.andi %add3A, %and3A_1054 : vector<4x32x128xi32>
    %eq3A_1056 = arith.constant 0 : i32
    %eq3A_1057 = vector.broadcast %eq3A_1056 : i32 to vector<4x32x128xi32>
    %eq3A_1058 = arith.cmpi eq, %and3A_1055, %eq3A_1057 : vector<4x32x128xi32>
    %and3A_1059 = arith.constant 256 : i32
    %and3A_1060 = vector.broadcast %and3A_1059 : i32 to vector<4x32x128xi32>
    %and3A_1061 = arith.andi %add3A, %and3A_1060 : vector<4x32x128xi32>
    %ne3A_1062 = arith.constant 0 : i32
    %ne3A_1063 = vector.broadcast %ne3A_1062 : i32 to vector<4x32x128xi32>
    %ne3A_1064 = arith.cmpi ne, %and3A_1061, %ne3A_1063 : vector<4x32x128xi32>
    %eq3A_1065 = arith.xori %eq3A_1058, %ne3A_1064 : vector<4x32x128xi1>
    %eq3A_1066 = arith.constant dense<true> : vector<4x32x128xi1>
    %eq3A_1067 = arith.xori %eq3A_1065, %eq3A_1066 : vector<4x32x128xi1>
    %roll3A_1068 = arith.constant 120 : i32
    %roll3A_1069 = tpu.dynamic_rotate %select_n3A_1051 by %roll3A_1068 dim 2 : vector<4x32x128xf32>, i32 -> vector<4x32x128xf32>
    %roll3A_1070 = arith.constant 8 : i32
    %roll3A_1071 = tpu.dynamic_rotate %select_n3A_1051 by %roll3A_1070 dim 2 : vector<4x32x128xf32>, i32 -> vector<4x32x128xf32>
    %select_n3A_1072 = arith.select %eq3A_1058, %roll3A_1069, %roll3A_1071 : vector<4x32x128xi1>, vector<4x32x128xf32>
    %roll3A_1073 = arith.constant 120 : i32
    %roll3A_1074 = tpu.dynamic_rotate %select_n3A_1052 by %roll3A_1073 dim 2 : vector<4x32x128xi32>, i32 -> vector<4x32x128xi32>
    %roll3A_1075 = arith.constant 8 : i32
    %roll3A_1076 = tpu.dynamic_rotate %select_n3A_1052 by %roll3A_1075 dim 2 : vector<4x32x128xi32>, i32 -> vector<4x32x128xi32>
    %select_n3A_1077 = arith.select %eq3A_1058, %roll3A_1074, %roll3A_1076 : vector<4x32x128xi1>, vector<4x32x128xi32>
    %gt3A_1078 = arith.cmpf ogt, %select_n3A_1051, %select_n3A_1072 : vector<4x32x128xf32>
    %eq3A_1079 = arith.cmpf oeq, %select_n3A_1051, %select_n3A_1072 : vector<4x32x128xf32>
    %lt3A_1080 = arith.cmpi slt, %select_n3A_1052, %select_n3A_1077 : vector<4x32x128xi32>
    %and3A_1081 = arith.andi %eq3A_1079, %lt3A_1080 : vector<4x32x128xi1>
    %or3A_1082 = arith.ori %gt3A_1078, %and3A_1081 : vector<4x32x128xi1>
    %xor3A_1083 = arith.xori %or3A_1082, %eq3A_1067 : vector<4x32x128xi1>
    %select_n3A_1084 = arith.select %xor3A_1083, %select_n3A_1051, %select_n3A_1072 : vector<4x32x128xi1>, vector<4x32x128xf32>
    %select_n3A_1085 = arith.select %xor3A_1083, %select_n3A_1052, %select_n3A_1077 : vector<4x32x128xi1>, vector<4x32x128xi32>
    %and3A_1086 = arith.constant 4 : i32
    %and3A_1087 = vector.broadcast %and3A_1086 : i32 to vector<4x32x128xi32>
    %and3A_1088 = arith.andi %add3A, %and3A_1087 : vector<4x32x128xi32>
    %eq3A_1089 = arith.constant 0 : i32
    %eq3A_1090 = vector.broadcast %eq3A_1089 : i32 to vector<4x32x128xi32>
    %eq3A_1091 = arith.cmpi eq, %and3A_1088, %eq3A_1090 : vector<4x32x128xi32>
    %and3A_1092 = arith.constant 256 : i32
    %and3A_1093 = vector.broadcast %and3A_1092 : i32 to vector<4x32x128xi32>
    %and3A_1094 = arith.andi %add3A, %and3A_1093 : vector<4x32x128xi32>
    %ne3A_1095 = arith.constant 0 : i32
    %ne3A_1096 = vector.broadcast %ne3A_1095 : i32 to vector<4x32x128xi32>
    %ne3A_1097 = arith.cmpi ne, %and3A_1094, %ne3A_1096 : vector<4x32x128xi32>
    %eq3A_1098 = arith.xori %eq3A_1091, %ne3A_1097 : vector<4x32x128xi1>
    %eq3A_1099 = arith.constant dense<true> : vector<4x32x128xi1>
    %eq3A_1100 = arith.xori %eq3A_1098, %eq3A_1099 : vector<4x32x128xi1>
    %roll3A_1101 = arith.constant 124 : i32
    %roll3A_1102 = tpu.dynamic_rotate %select_n3A_1084 by %roll3A_1101 dim 2 : vector<4x32x128xf32>, i32 -> vector<4x32x128xf32>
    %roll3A_1103 = arith.constant 4 : i32
    %roll3A_1104 = tpu.dynamic_rotate %select_n3A_1084 by %roll3A_1103 dim 2 : vector<4x32x128xf32>, i32 -> vector<4x32x128xf32>
    %select_n3A_1105 = arith.select %eq3A_1091, %roll3A_1102, %roll3A_1104 : vector<4x32x128xi1>, vector<4x32x128xf32>
    %roll3A_1106 = arith.constant 124 : i32
    %roll3A_1107 = tpu.dynamic_rotate %select_n3A_1085 by %roll3A_1106 dim 2 : vector<4x32x128xi32>, i32 -> vector<4x32x128xi32>
    %roll3A_1108 = arith.constant 4 : i32
    %roll3A_1109 = tpu.dynamic_rotate %select_n3A_1085 by %roll3A_1108 dim 2 : vector<4x32x128xi32>, i32 -> vector<4x32x128xi32>
    %select_n3A_1110 = arith.select %eq3A_1091, %roll3A_1107, %roll3A_1109 : vector<4x32x128xi1>, vector<4x32x128xi32>
    %gt3A_1111 = arith.cmpf ogt, %select_n3A_1084, %select_n3A_1105 : vector<4x32x128xf32>
    %eq3A_1112 = arith.cmpf oeq, %select_n3A_1084, %select_n3A_1105 : vector<4x32x128xf32>
    %lt3A_1113 = arith.cmpi slt, %select_n3A_1085, %select_n3A_1110 : vector<4x32x128xi32>
    %and3A_1114 = arith.andi %eq3A_1112, %lt3A_1113 : vector<4x32x128xi1>
    %or3A_1115 = arith.ori %gt3A_1111, %and3A_1114 : vector<4x32x128xi1>
    %xor3A_1116 = arith.xori %or3A_1115, %eq3A_1100 : vector<4x32x128xi1>
    %select_n3A_1117 = arith.select %xor3A_1116, %select_n3A_1084, %select_n3A_1105 : vector<4x32x128xi1>, vector<4x32x128xf32>
    %select_n3A_1118 = arith.select %xor3A_1116, %select_n3A_1085, %select_n3A_1110 : vector<4x32x128xi1>, vector<4x32x128xi32>
    %and3A_1119 = arith.constant 2 : i32
    %and3A_1120 = vector.broadcast %and3A_1119 : i32 to vector<4x32x128xi32>
    %and3A_1121 = arith.andi %add3A, %and3A_1120 : vector<4x32x128xi32>
    %eq3A_1122 = arith.constant 0 : i32
    %eq3A_1123 = vector.broadcast %eq3A_1122 : i32 to vector<4x32x128xi32>
    %eq3A_1124 = arith.cmpi eq, %and3A_1121, %eq3A_1123 : vector<4x32x128xi32>
    %and3A_1125 = arith.constant 256 : i32
    %and3A_1126 = vector.broadcast %and3A_1125 : i32 to vector<4x32x128xi32>
    %and3A_1127 = arith.andi %add3A, %and3A_1126 : vector<4x32x128xi32>
    %ne3A_1128 = arith.constant 0 : i32
    %ne3A_1129 = vector.broadcast %ne3A_1128 : i32 to vector<4x32x128xi32>
    %ne3A_1130 = arith.cmpi ne, %and3A_1127, %ne3A_1129 : vector<4x32x128xi32>
    %eq3A_1131 = arith.xori %eq3A_1124, %ne3A_1130 : vector<4x32x128xi1>
    %eq3A_1132 = arith.constant dense<true> : vector<4x32x128xi1>
    %eq3A_1133 = arith.xori %eq3A_1131, %eq3A_1132 : vector<4x32x128xi1>
    %roll3A_1134 = arith.constant 126 : i32
    %roll3A_1135 = tpu.dynamic_rotate %select_n3A_1117 by %roll3A_1134 dim 2 : vector<4x32x128xf32>, i32 -> vector<4x32x128xf32>
    %roll3A_1136 = arith.constant 2 : i32
    %roll3A_1137 = tpu.dynamic_rotate %select_n3A_1117 by %roll3A_1136 dim 2 : vector<4x32x128xf32>, i32 -> vector<4x32x128xf32>
    %select_n3A_1138 = arith.select %eq3A_1124, %roll3A_1135, %roll3A_1137 : vector<4x32x128xi1>, vector<4x32x128xf32>
    %roll3A_1139 = arith.constant 126 : i32
    %roll3A_1140 = tpu.dynamic_rotate %select_n3A_1118 by %roll3A_1139 dim 2 : vector<4x32x128xi32>, i32 -> vector<4x32x128xi32>
    %roll3A_1141 = arith.constant 2 : i32
    %roll3A_1142 = tpu.dynamic_rotate %select_n3A_1118 by %roll3A_1141 dim 2 : vector<4x32x128xi32>, i32 -> vector<4x32x128xi32>
    %select_n3A_1143 = arith.select %eq3A_1124, %roll3A_1140, %roll3A_1142 : vector<4x32x128xi1>, vector<4x32x128xi32>
    %gt3A_1144 = arith.cmpf ogt, %select_n3A_1117, %select_n3A_1138 : vector<4x32x128xf32>
    %eq3A_1145 = arith.cmpf oeq, %select_n3A_1117, %select_n3A_1138 : vector<4x32x128xf32>
    %lt3A_1146 = arith.cmpi slt, %select_n3A_1118, %select_n3A_1143 : vector<4x32x128xi32>
    %and3A_1147 = arith.andi %eq3A_1145, %lt3A_1146 : vector<4x32x128xi1>
    %or3A_1148 = arith.ori %gt3A_1144, %and3A_1147 : vector<4x32x128xi1>
    %xor3A_1149 = arith.xori %or3A_1148, %eq3A_1133 : vector<4x32x128xi1>
    %select_n3A_1150 = arith.select %xor3A_1149, %select_n3A_1117, %select_n3A_1138 : vector<4x32x128xi1>, vector<4x32x128xf32>
    %select_n3A_1151 = arith.select %xor3A_1149, %select_n3A_1118, %select_n3A_1143 : vector<4x32x128xi1>, vector<4x32x128xi32>
    %and3A_1152 = arith.constant 1 : i32
    %and3A_1153 = vector.broadcast %and3A_1152 : i32 to vector<4x32x128xi32>
    %and3A_1154 = arith.andi %add3A, %and3A_1153 : vector<4x32x128xi32>
    %eq3A_1155 = arith.constant 0 : i32
    %eq3A_1156 = vector.broadcast %eq3A_1155 : i32 to vector<4x32x128xi32>
    %eq3A_1157 = arith.cmpi eq, %and3A_1154, %eq3A_1156 : vector<4x32x128xi32>
    %and3A_1158 = arith.constant 256 : i32
    %and3A_1159 = vector.broadcast %and3A_1158 : i32 to vector<4x32x128xi32>
    %and3A_1160 = arith.andi %add3A, %and3A_1159 : vector<4x32x128xi32>
    %ne3A_1161 = arith.constant 0 : i32
    %ne3A_1162 = vector.broadcast %ne3A_1161 : i32 to vector<4x32x128xi32>
    %ne3A_1163 = arith.cmpi ne, %and3A_1160, %ne3A_1162 : vector<4x32x128xi32>
    %eq3A_1164 = arith.xori %eq3A_1157, %ne3A_1163 : vector<4x32x128xi1>
    %eq3A_1165 = arith.constant dense<true> : vector<4x32x128xi1>
    %eq3A_1166 = arith.xori %eq3A_1164, %eq3A_1165 : vector<4x32x128xi1>
    %roll3A_1167 = arith.constant 127 : i32
    %roll3A_1168 = tpu.dynamic_rotate %select_n3A_1150 by %roll3A_1167 dim 2 : vector<4x32x128xf32>, i32 -> vector<4x32x128xf32>
    %roll3A_1169 = arith.constant 1 : i32
    %roll3A_1170 = tpu.dynamic_rotate %select_n3A_1150 by %roll3A_1169 dim 2 : vector<4x32x128xf32>, i32 -> vector<4x32x128xf32>
    %select_n3A_1171 = arith.select %eq3A_1157, %roll3A_1168, %roll3A_1170 : vector<4x32x128xi1>, vector<4x32x128xf32>
    %roll3A_1172 = arith.constant 127 : i32
    %roll3A_1173 = tpu.dynamic_rotate %select_n3A_1151 by %roll3A_1172 dim 2 : vector<4x32x128xi32>, i32 -> vector<4x32x128xi32>
    %roll3A_1174 = arith.constant 1 : i32
    %roll3A_1175 = tpu.dynamic_rotate %select_n3A_1151 by %roll3A_1174 dim 2 : vector<4x32x128xi32>, i32 -> vector<4x32x128xi32>
    %select_n3A_1176 = arith.select %eq3A_1157, %roll3A_1173, %roll3A_1175 : vector<4x32x128xi1>, vector<4x32x128xi32>
    %gt3A_1177 = arith.cmpf ogt, %select_n3A_1150, %select_n3A_1171 : vector<4x32x128xf32>
    %eq3A_1178 = arith.cmpf oeq, %select_n3A_1150, %select_n3A_1171 : vector<4x32x128xf32>
    %lt3A_1179 = arith.cmpi slt, %select_n3A_1151, %select_n3A_1176 : vector<4x32x128xi32>
    %and3A_1180 = arith.andi %eq3A_1178, %lt3A_1179 : vector<4x32x128xi1>
    %or3A_1181 = arith.ori %gt3A_1177, %and3A_1180 : vector<4x32x128xi1>
    %xor3A_1182 = arith.xori %or3A_1181, %eq3A_1166 : vector<4x32x128xi1>
    %select_n3A_1183 = arith.select %xor3A_1182, %select_n3A_1150, %select_n3A_1171 : vector<4x32x128xi1>, vector<4x32x128xf32>
    %select_n3A_1184 = arith.select %xor3A_1182, %select_n3A_1151, %select_n3A_1176 : vector<4x32x128xi1>, vector<4x32x128xi32>
    %and3A_1185 = arith.constant 256 : i32
    %and3A_1186 = vector.broadcast %and3A_1185 : i32 to vector<4x32x128xi32>
    %and3A_1187 = arith.andi %add3A, %and3A_1186 : vector<4x32x128xi32>
    %eq3A_1188 = arith.constant 0 : i32
    %eq3A_1189 = vector.broadcast %eq3A_1188 : i32 to vector<4x32x128xi32>
    %eq3A_1190 = arith.cmpi eq, %and3A_1187, %eq3A_1189 : vector<4x32x128xi32>
    %and3A_1191 = arith.constant 512 : i32
    %and3A_1192 = vector.broadcast %and3A_1191 : i32 to vector<4x32x128xi32>
    %and3A_1193 = arith.andi %add3A, %and3A_1192 : vector<4x32x128xi32>
    %ne3A_1194 = arith.constant 0 : i32
    %ne3A_1195 = vector.broadcast %ne3A_1194 : i32 to vector<4x32x128xi32>
    %ne3A_1196 = arith.cmpi ne, %and3A_1193, %ne3A_1195 : vector<4x32x128xi32>
    %eq3A_1197 = arith.xori %eq3A_1190, %ne3A_1196 : vector<4x32x128xi1>
    %eq3A_1198 = arith.constant dense<true> : vector<4x32x128xi1>
    %eq3A_1199 = arith.xori %eq3A_1197, %eq3A_1198 : vector<4x32x128xi1>
    %roll3A_1200 = arith.constant 30 : i32
    %roll3A_1201 = tpu.dynamic_rotate %select_n3A_1183 by %roll3A_1200 dim 1 : vector<4x32x128xf32>, i32 -> vector<4x32x128xf32>
    %roll3A_1202 = arith.constant 2 : i32
    %roll3A_1203 = tpu.dynamic_rotate %select_n3A_1183 by %roll3A_1202 dim 1 : vector<4x32x128xf32>, i32 -> vector<4x32x128xf32>
    %select_n3A_1204 = arith.select %eq3A_1190, %roll3A_1201, %roll3A_1203 : vector<4x32x128xi1>, vector<4x32x128xf32>
    %roll3A_1205 = arith.constant 30 : i32
    %roll3A_1206 = tpu.dynamic_rotate %select_n3A_1184 by %roll3A_1205 dim 1 : vector<4x32x128xi32>, i32 -> vector<4x32x128xi32>
    %roll3A_1207 = arith.constant 2 : i32
    %roll3A_1208 = tpu.dynamic_rotate %select_n3A_1184 by %roll3A_1207 dim 1 : vector<4x32x128xi32>, i32 -> vector<4x32x128xi32>
    %select_n3A_1209 = arith.select %eq3A_1190, %roll3A_1206, %roll3A_1208 : vector<4x32x128xi1>, vector<4x32x128xi32>
    %gt3A_1210 = arith.cmpf ogt, %select_n3A_1183, %select_n3A_1204 : vector<4x32x128xf32>
    %eq3A_1211 = arith.cmpf oeq, %select_n3A_1183, %select_n3A_1204 : vector<4x32x128xf32>
    %lt3A_1212 = arith.cmpi slt, %select_n3A_1184, %select_n3A_1209 : vector<4x32x128xi32>
    %and3A_1213 = arith.andi %eq3A_1211, %lt3A_1212 : vector<4x32x128xi1>
    %or3A_1214 = arith.ori %gt3A_1210, %and3A_1213 : vector<4x32x128xi1>
    %xor3A_1215 = arith.xori %or3A_1214, %eq3A_1199 : vector<4x32x128xi1>
    %select_n3A_1216 = arith.select %xor3A_1215, %select_n3A_1183, %select_n3A_1204 : vector<4x32x128xi1>, vector<4x32x128xf32>
    %select_n3A_1217 = arith.select %xor3A_1215, %select_n3A_1184, %select_n3A_1209 : vector<4x32x128xi1>, vector<4x32x128xi32>
    %and3A_1218 = arith.constant 128 : i32
    %and3A_1219 = vector.broadcast %and3A_1218 : i32 to vector<4x32x128xi32>
    %and3A_1220 = arith.andi %add3A, %and3A_1219 : vector<4x32x128xi32>
    %eq3A_1221 = arith.constant 0 : i32
    %eq3A_1222 = vector.broadcast %eq3A_1221 : i32 to vector<4x32x128xi32>
    %eq3A_1223 = arith.cmpi eq, %and3A_1220, %eq3A_1222 : vector<4x32x128xi32>
    %and3A_1224 = arith.constant 512 : i32
    %and3A_1225 = vector.broadcast %and3A_1224 : i32 to vector<4x32x128xi32>
    %and3A_1226 = arith.andi %add3A, %and3A_1225 : vector<4x32x128xi32>
    %ne3A_1227 = arith.constant 0 : i32
    %ne3A_1228 = vector.broadcast %ne3A_1227 : i32 to vector<4x32x128xi32>
    %ne3A_1229 = arith.cmpi ne, %and3A_1226, %ne3A_1228 : vector<4x32x128xi32>
    %eq3A_1230 = arith.xori %eq3A_1223, %ne3A_1229 : vector<4x32x128xi1>
    %eq3A_1231 = arith.constant dense<true> : vector<4x32x128xi1>
    %eq3A_1232 = arith.xori %eq3A_1230, %eq3A_1231 : vector<4x32x128xi1>
    %roll3A_1233 = arith.constant 31 : i32
    %roll3A_1234 = tpu.dynamic_rotate %select_n3A_1216 by %roll3A_1233 dim 1 : vector<4x32x128xf32>, i32 -> vector<4x32x128xf32>
    %roll3A_1235 = arith.constant 1 : i32
    %roll3A_1236 = tpu.dynamic_rotate %select_n3A_1216 by %roll3A_1235 dim 1 : vector<4x32x128xf32>, i32 -> vector<4x32x128xf32>
    %select_n3A_1237 = arith.select %eq3A_1223, %roll3A_1234, %roll3A_1236 : vector<4x32x128xi1>, vector<4x32x128xf32>
    %roll3A_1238 = arith.constant 31 : i32
    %roll3A_1239 = tpu.dynamic_rotate %select_n3A_1217 by %roll3A_1238 dim 1 : vector<4x32x128xi32>, i32 -> vector<4x32x128xi32>
    %roll3A_1240 = arith.constant 1 : i32
    %roll3A_1241 = tpu.dynamic_rotate %select_n3A_1217 by %roll3A_1240 dim 1 : vector<4x32x128xi32>, i32 -> vector<4x32x128xi32>
    %select_n3A_1242 = arith.select %eq3A_1223, %roll3A_1239, %roll3A_1241 : vector<4x32x128xi1>, vector<4x32x128xi32>
    %gt3A_1243 = arith.cmpf ogt, %select_n3A_1216, %select_n3A_1237 : vector<4x32x128xf32>
    %eq3A_1244 = arith.cmpf oeq, %select_n3A_1216, %select_n3A_1237 : vector<4x32x128xf32>
    %lt3A_1245 = arith.cmpi slt, %select_n3A_1217, %select_n3A_1242 : vector<4x32x128xi32>
    %and3A_1246 = arith.andi %eq3A_1244, %lt3A_1245 : vector<4x32x128xi1>
    %or3A_1247 = arith.ori %gt3A_1243, %and3A_1246 : vector<4x32x128xi1>
    %xor3A_1248 = arith.xori %or3A_1247, %eq3A_1232 : vector<4x32x128xi1>
    %select_n3A_1249 = arith.select %xor3A_1248, %select_n3A_1216, %select_n3A_1237 : vector<4x32x128xi1>, vector<4x32x128xf32>
    %select_n3A_1250 = arith.select %xor3A_1248, %select_n3A_1217, %select_n3A_1242 : vector<4x32x128xi1>, vector<4x32x128xi32>
    %and3A_1251 = arith.constant 64 : i32
    %and3A_1252 = vector.broadcast %and3A_1251 : i32 to vector<4x32x128xi32>
    %and3A_1253 = arith.andi %add3A, %and3A_1252 : vector<4x32x128xi32>
    %eq3A_1254 = arith.constant 0 : i32
    %eq3A_1255 = vector.broadcast %eq3A_1254 : i32 to vector<4x32x128xi32>
    %eq3A_1256 = arith.cmpi eq, %and3A_1253, %eq3A_1255 : vector<4x32x128xi32>
    %and3A_1257 = arith.constant 512 : i32
    %and3A_1258 = vector.broadcast %and3A_1257 : i32 to vector<4x32x128xi32>
    %and3A_1259 = arith.andi %add3A, %and3A_1258 : vector<4x32x128xi32>
    %ne3A_1260 = arith.constant 0 : i32
    %ne3A_1261 = vector.broadcast %ne3A_1260 : i32 to vector<4x32x128xi32>
    %ne3A_1262 = arith.cmpi ne, %and3A_1259, %ne3A_1261 : vector<4x32x128xi32>
    %eq3A_1263 = arith.xori %eq3A_1256, %ne3A_1262 : vector<4x32x128xi1>
    %eq3A_1264 = arith.constant dense<true> : vector<4x32x128xi1>
    %eq3A_1265 = arith.xori %eq3A_1263, %eq3A_1264 : vector<4x32x128xi1>
    %roll3A_1266 = arith.constant 64 : i32
    %roll3A_1267 = tpu.dynamic_rotate %select_n3A_1249 by %roll3A_1266 dim 2 : vector<4x32x128xf32>, i32 -> vector<4x32x128xf32>
    %roll3A_1268 = arith.constant 64 : i32
    %roll3A_1269 = tpu.dynamic_rotate %select_n3A_1249 by %roll3A_1268 dim 2 : vector<4x32x128xf32>, i32 -> vector<4x32x128xf32>
    %select_n3A_1270 = arith.select %eq3A_1256, %roll3A_1267, %roll3A_1269 : vector<4x32x128xi1>, vector<4x32x128xf32>
    %roll3A_1271 = arith.constant 64 : i32
    %roll3A_1272 = tpu.dynamic_rotate %select_n3A_1250 by %roll3A_1271 dim 2 : vector<4x32x128xi32>, i32 -> vector<4x32x128xi32>
    %roll3A_1273 = arith.constant 64 : i32
    %roll3A_1274 = tpu.dynamic_rotate %select_n3A_1250 by %roll3A_1273 dim 2 : vector<4x32x128xi32>, i32 -> vector<4x32x128xi32>
    %select_n3A_1275 = arith.select %eq3A_1256, %roll3A_1272, %roll3A_1274 : vector<4x32x128xi1>, vector<4x32x128xi32>
    %gt3A_1276 = arith.cmpf ogt, %select_n3A_1249, %select_n3A_1270 : vector<4x32x128xf32>
    %eq3A_1277 = arith.cmpf oeq, %select_n3A_1249, %select_n3A_1270 : vector<4x32x128xf32>
    %lt3A_1278 = arith.cmpi slt, %select_n3A_1250, %select_n3A_1275 : vector<4x32x128xi32>
    %and3A_1279 = arith.andi %eq3A_1277, %lt3A_1278 : vector<4x32x128xi1>
    %or3A_1280 = arith.ori %gt3A_1276, %and3A_1279 : vector<4x32x128xi1>
    %xor3A_1281 = arith.xori %or3A_1280, %eq3A_1265 : vector<4x32x128xi1>
    %select_n3A_1282 = arith.select %xor3A_1281, %select_n3A_1249, %select_n3A_1270 : vector<4x32x128xi1>, vector<4x32x128xf32>
    %select_n3A_1283 = arith.select %xor3A_1281, %select_n3A_1250, %select_n3A_1275 : vector<4x32x128xi1>, vector<4x32x128xi32>
    %and3A_1284 = arith.constant 32 : i32
    %and3A_1285 = vector.broadcast %and3A_1284 : i32 to vector<4x32x128xi32>
    %and3A_1286 = arith.andi %add3A, %and3A_1285 : vector<4x32x128xi32>
    %eq3A_1287 = arith.constant 0 : i32
    %eq3A_1288 = vector.broadcast %eq3A_1287 : i32 to vector<4x32x128xi32>
    %eq3A_1289 = arith.cmpi eq, %and3A_1286, %eq3A_1288 : vector<4x32x128xi32>
    %and3A_1290 = arith.constant 512 : i32
    %and3A_1291 = vector.broadcast %and3A_1290 : i32 to vector<4x32x128xi32>
    %and3A_1292 = arith.andi %add3A, %and3A_1291 : vector<4x32x128xi32>
    %ne3A_1293 = arith.constant 0 : i32
    %ne3A_1294 = vector.broadcast %ne3A_1293 : i32 to vector<4x32x128xi32>
    %ne3A_1295 = arith.cmpi ne, %and3A_1292, %ne3A_1294 : vector<4x32x128xi32>
    %eq3A_1296 = arith.xori %eq3A_1289, %ne3A_1295 : vector<4x32x128xi1>
    %eq3A_1297 = arith.constant dense<true> : vector<4x32x128xi1>
    %eq3A_1298 = arith.xori %eq3A_1296, %eq3A_1297 : vector<4x32x128xi1>
    %roll3A_1299 = arith.constant 96 : i32
    %roll3A_1300 = tpu.dynamic_rotate %select_n3A_1282 by %roll3A_1299 dim 2 : vector<4x32x128xf32>, i32 -> vector<4x32x128xf32>
    %roll3A_1301 = arith.constant 32 : i32
    %roll3A_1302 = tpu.dynamic_rotate %select_n3A_1282 by %roll3A_1301 dim 2 : vector<4x32x128xf32>, i32 -> vector<4x32x128xf32>
    %select_n3A_1303 = arith.select %eq3A_1289, %roll3A_1300, %roll3A_1302 : vector<4x32x128xi1>, vector<4x32x128xf32>
    %roll3A_1304 = arith.constant 96 : i32
    %roll3A_1305 = tpu.dynamic_rotate %select_n3A_1283 by %roll3A_1304 dim 2 : vector<4x32x128xi32>, i32 -> vector<4x32x128xi32>
    %roll3A_1306 = arith.constant 32 : i32
    %roll3A_1307 = tpu.dynamic_rotate %select_n3A_1283 by %roll3A_1306 dim 2 : vector<4x32x128xi32>, i32 -> vector<4x32x128xi32>
    %select_n3A_1308 = arith.select %eq3A_1289, %roll3A_1305, %roll3A_1307 : vector<4x32x128xi1>, vector<4x32x128xi32>
    %gt3A_1309 = arith.cmpf ogt, %select_n3A_1282, %select_n3A_1303 : vector<4x32x128xf32>
    %eq3A_1310 = arith.cmpf oeq, %select_n3A_1282, %select_n3A_1303 : vector<4x32x128xf32>
    %lt3A_1311 = arith.cmpi slt, %select_n3A_1283, %select_n3A_1308 : vector<4x32x128xi32>
    %and3A_1312 = arith.andi %eq3A_1310, %lt3A_1311 : vector<4x32x128xi1>
    %or3A_1313 = arith.ori %gt3A_1309, %and3A_1312 : vector<4x32x128xi1>
    %xor3A_1314 = arith.xori %or3A_1313, %eq3A_1298 : vector<4x32x128xi1>
    %select_n3A_1315 = arith.select %xor3A_1314, %select_n3A_1282, %select_n3A_1303 : vector<4x32x128xi1>, vector<4x32x128xf32>
    %select_n3A_1316 = arith.select %xor3A_1314, %select_n3A_1283, %select_n3A_1308 : vector<4x32x128xi1>, vector<4x32x128xi32>
    %and3A_1317 = arith.constant 16 : i32
    %and3A_1318 = vector.broadcast %and3A_1317 : i32 to vector<4x32x128xi32>
    %and3A_1319 = arith.andi %add3A, %and3A_1318 : vector<4x32x128xi32>
    %eq3A_1320 = arith.constant 0 : i32
    %eq3A_1321 = vector.broadcast %eq3A_1320 : i32 to vector<4x32x128xi32>
    %eq3A_1322 = arith.cmpi eq, %and3A_1319, %eq3A_1321 : vector<4x32x128xi32>
    %and3A_1323 = arith.constant 512 : i32
    %and3A_1324 = vector.broadcast %and3A_1323 : i32 to vector<4x32x128xi32>
    %and3A_1325 = arith.andi %add3A, %and3A_1324 : vector<4x32x128xi32>
    %ne3A_1326 = arith.constant 0 : i32
    %ne3A_1327 = vector.broadcast %ne3A_1326 : i32 to vector<4x32x128xi32>
    %ne3A_1328 = arith.cmpi ne, %and3A_1325, %ne3A_1327 : vector<4x32x128xi32>
    %eq3A_1329 = arith.xori %eq3A_1322, %ne3A_1328 : vector<4x32x128xi1>
    %eq3A_1330 = arith.constant dense<true> : vector<4x32x128xi1>
    %eq3A_1331 = arith.xori %eq3A_1329, %eq3A_1330 : vector<4x32x128xi1>
    %roll3A_1332 = arith.constant 112 : i32
    %roll3A_1333 = tpu.dynamic_rotate %select_n3A_1315 by %roll3A_1332 dim 2 : vector<4x32x128xf32>, i32 -> vector<4x32x128xf32>
    %roll3A_1334 = arith.constant 16 : i32
    %roll3A_1335 = tpu.dynamic_rotate %select_n3A_1315 by %roll3A_1334 dim 2 : vector<4x32x128xf32>, i32 -> vector<4x32x128xf32>
    %select_n3A_1336 = arith.select %eq3A_1322, %roll3A_1333, %roll3A_1335 : vector<4x32x128xi1>, vector<4x32x128xf32>
    %roll3A_1337 = arith.constant 112 : i32
    %roll3A_1338 = tpu.dynamic_rotate %select_n3A_1316 by %roll3A_1337 dim 2 : vector<4x32x128xi32>, i32 -> vector<4x32x128xi32>
    %roll3A_1339 = arith.constant 16 : i32
    %roll3A_1340 = tpu.dynamic_rotate %select_n3A_1316 by %roll3A_1339 dim 2 : vector<4x32x128xi32>, i32 -> vector<4x32x128xi32>
    %select_n3A_1341 = arith.select %eq3A_1322, %roll3A_1338, %roll3A_1340 : vector<4x32x128xi1>, vector<4x32x128xi32>
    %gt3A_1342 = arith.cmpf ogt, %select_n3A_1315, %select_n3A_1336 : vector<4x32x128xf32>
    %eq3A_1343 = arith.cmpf oeq, %select_n3A_1315, %select_n3A_1336 : vector<4x32x128xf32>
    %lt3A_1344 = arith.cmpi slt, %select_n3A_1316, %select_n3A_1341 : vector<4x32x128xi32>
    %and3A_1345 = arith.andi %eq3A_1343, %lt3A_1344 : vector<4x32x128xi1>
    %or3A_1346 = arith.ori %gt3A_1342, %and3A_1345 : vector<4x32x128xi1>
    %xor3A_1347 = arith.xori %or3A_1346, %eq3A_1331 : vector<4x32x128xi1>
    %select_n3A_1348 = arith.select %xor3A_1347, %select_n3A_1315, %select_n3A_1336 : vector<4x32x128xi1>, vector<4x32x128xf32>
    %select_n3A_1349 = arith.select %xor3A_1347, %select_n3A_1316, %select_n3A_1341 : vector<4x32x128xi1>, vector<4x32x128xi32>
    %and3A_1350 = arith.constant 8 : i32
    %and3A_1351 = vector.broadcast %and3A_1350 : i32 to vector<4x32x128xi32>
    %and3A_1352 = arith.andi %add3A, %and3A_1351 : vector<4x32x128xi32>
    %eq3A_1353 = arith.constant 0 : i32
    %eq3A_1354 = vector.broadcast %eq3A_1353 : i32 to vector<4x32x128xi32>
    %eq3A_1355 = arith.cmpi eq, %and3A_1352, %eq3A_1354 : vector<4x32x128xi32>
    %and3A_1356 = arith.constant 512 : i32
    %and3A_1357 = vector.broadcast %and3A_1356 : i32 to vector<4x32x128xi32>
    %and3A_1358 = arith.andi %add3A, %and3A_1357 : vector<4x32x128xi32>
    %ne3A_1359 = arith.constant 0 : i32
    %ne3A_1360 = vector.broadcast %ne3A_1359 : i32 to vector<4x32x128xi32>
    %ne3A_1361 = arith.cmpi ne, %and3A_1358, %ne3A_1360 : vector<4x32x128xi32>
    %eq3A_1362 = arith.xori %eq3A_1355, %ne3A_1361 : vector<4x32x128xi1>
    %eq3A_1363 = arith.constant dense<true> : vector<4x32x128xi1>
    %eq3A_1364 = arith.xori %eq3A_1362, %eq3A_1363 : vector<4x32x128xi1>
    %roll3A_1365 = arith.constant 120 : i32
    %roll3A_1366 = tpu.dynamic_rotate %select_n3A_1348 by %roll3A_1365 dim 2 : vector<4x32x128xf32>, i32 -> vector<4x32x128xf32>
    %roll3A_1367 = arith.constant 8 : i32
    %roll3A_1368 = tpu.dynamic_rotate %select_n3A_1348 by %roll3A_1367 dim 2 : vector<4x32x128xf32>, i32 -> vector<4x32x128xf32>
    %select_n3A_1369 = arith.select %eq3A_1355, %roll3A_1366, %roll3A_1368 : vector<4x32x128xi1>, vector<4x32x128xf32>
    %roll3A_1370 = arith.constant 120 : i32
    %roll3A_1371 = tpu.dynamic_rotate %select_n3A_1349 by %roll3A_1370 dim 2 : vector<4x32x128xi32>, i32 -> vector<4x32x128xi32>
    %roll3A_1372 = arith.constant 8 : i32
    %roll3A_1373 = tpu.dynamic_rotate %select_n3A_1349 by %roll3A_1372 dim 2 : vector<4x32x128xi32>, i32 -> vector<4x32x128xi32>
    %select_n3A_1374 = arith.select %eq3A_1355, %roll3A_1371, %roll3A_1373 : vector<4x32x128xi1>, vector<4x32x128xi32>
    %gt3A_1375 = arith.cmpf ogt, %select_n3A_1348, %select_n3A_1369 : vector<4x32x128xf32>
    %eq3A_1376 = arith.cmpf oeq, %select_n3A_1348, %select_n3A_1369 : vector<4x32x128xf32>
    %lt3A_1377 = arith.cmpi slt, %select_n3A_1349, %select_n3A_1374 : vector<4x32x128xi32>
    %and3A_1378 = arith.andi %eq3A_1376, %lt3A_1377 : vector<4x32x128xi1>
    %or3A_1379 = arith.ori %gt3A_1375, %and3A_1378 : vector<4x32x128xi1>
    %xor3A_1380 = arith.xori %or3A_1379, %eq3A_1364 : vector<4x32x128xi1>
    %select_n3A_1381 = arith.select %xor3A_1380, %select_n3A_1348, %select_n3A_1369 : vector<4x32x128xi1>, vector<4x32x128xf32>
    %select_n3A_1382 = arith.select %xor3A_1380, %select_n3A_1349, %select_n3A_1374 : vector<4x32x128xi1>, vector<4x32x128xi32>
    %and3A_1383 = arith.constant 4 : i32
    %and3A_1384 = vector.broadcast %and3A_1383 : i32 to vector<4x32x128xi32>
    %and3A_1385 = arith.andi %add3A, %and3A_1384 : vector<4x32x128xi32>
    %eq3A_1386 = arith.constant 0 : i32
    %eq3A_1387 = vector.broadcast %eq3A_1386 : i32 to vector<4x32x128xi32>
    %eq3A_1388 = arith.cmpi eq, %and3A_1385, %eq3A_1387 : vector<4x32x128xi32>
    %and3A_1389 = arith.constant 512 : i32
    %and3A_1390 = vector.broadcast %and3A_1389 : i32 to vector<4x32x128xi32>
    %and3A_1391 = arith.andi %add3A, %and3A_1390 : vector<4x32x128xi32>
    %ne3A_1392 = arith.constant 0 : i32
    %ne3A_1393 = vector.broadcast %ne3A_1392 : i32 to vector<4x32x128xi32>
    %ne3A_1394 = arith.cmpi ne, %and3A_1391, %ne3A_1393 : vector<4x32x128xi32>
    %eq3A_1395 = arith.xori %eq3A_1388, %ne3A_1394 : vector<4x32x128xi1>
    %eq3A_1396 = arith.constant dense<true> : vector<4x32x128xi1>
    %eq3A_1397 = arith.xori %eq3A_1395, %eq3A_1396 : vector<4x32x128xi1>
    %roll3A_1398 = arith.constant 124 : i32
    %roll3A_1399 = tpu.dynamic_rotate %select_n3A_1381 by %roll3A_1398 dim 2 : vector<4x32x128xf32>, i32 -> vector<4x32x128xf32>
    %roll3A_1400 = arith.constant 4 : i32
    %roll3A_1401 = tpu.dynamic_rotate %select_n3A_1381 by %roll3A_1400 dim 2 : vector<4x32x128xf32>, i32 -> vector<4x32x128xf32>
    %select_n3A_1402 = arith.select %eq3A_1388, %roll3A_1399, %roll3A_1401 : vector<4x32x128xi1>, vector<4x32x128xf32>
    %roll3A_1403 = arith.constant 124 : i32
    %roll3A_1404 = tpu.dynamic_rotate %select_n3A_1382 by %roll3A_1403 dim 2 : vector<4x32x128xi32>, i32 -> vector<4x32x128xi32>
    %roll3A_1405 = arith.constant 4 : i32
    %roll3A_1406 = tpu.dynamic_rotate %select_n3A_1382 by %roll3A_1405 dim 2 : vector<4x32x128xi32>, i32 -> vector<4x32x128xi32>
    %select_n3A_1407 = arith.select %eq3A_1388, %roll3A_1404, %roll3A_1406 : vector<4x32x128xi1>, vector<4x32x128xi32>
    %gt3A_1408 = arith.cmpf ogt, %select_n3A_1381, %select_n3A_1402 : vector<4x32x128xf32>
    %eq3A_1409 = arith.cmpf oeq, %select_n3A_1381, %select_n3A_1402 : vector<4x32x128xf32>
    %lt3A_1410 = arith.cmpi slt, %select_n3A_1382, %select_n3A_1407 : vector<4x32x128xi32>
    %and3A_1411 = arith.andi %eq3A_1409, %lt3A_1410 : vector<4x32x128xi1>
    %or3A_1412 = arith.ori %gt3A_1408, %and3A_1411 : vector<4x32x128xi1>
    %xor3A_1413 = arith.xori %or3A_1412, %eq3A_1397 : vector<4x32x128xi1>
    %select_n3A_1414 = arith.select %xor3A_1413, %select_n3A_1381, %select_n3A_1402 : vector<4x32x128xi1>, vector<4x32x128xf32>
    %select_n3A_1415 = arith.select %xor3A_1413, %select_n3A_1382, %select_n3A_1407 : vector<4x32x128xi1>, vector<4x32x128xi32>
    %and3A_1416 = arith.constant 2 : i32
    %and3A_1417 = vector.broadcast %and3A_1416 : i32 to vector<4x32x128xi32>
    %and3A_1418 = arith.andi %add3A, %and3A_1417 : vector<4x32x128xi32>
    %eq3A_1419 = arith.constant 0 : i32
    %eq3A_1420 = vector.broadcast %eq3A_1419 : i32 to vector<4x32x128xi32>
    %eq3A_1421 = arith.cmpi eq, %and3A_1418, %eq3A_1420 : vector<4x32x128xi32>
    %and3A_1422 = arith.constant 512 : i32
    %and3A_1423 = vector.broadcast %and3A_1422 : i32 to vector<4x32x128xi32>
    %and3A_1424 = arith.andi %add3A, %and3A_1423 : vector<4x32x128xi32>
    %ne3A_1425 = arith.constant 0 : i32
    %ne3A_1426 = vector.broadcast %ne3A_1425 : i32 to vector<4x32x128xi32>
    %ne3A_1427 = arith.cmpi ne, %and3A_1424, %ne3A_1426 : vector<4x32x128xi32>
    %eq3A_1428 = arith.xori %eq3A_1421, %ne3A_1427 : vector<4x32x128xi1>
    %eq3A_1429 = arith.constant dense<true> : vector<4x32x128xi1>
    %eq3A_1430 = arith.xori %eq3A_1428, %eq3A_1429 : vector<4x32x128xi1>
    %roll3A_1431 = arith.constant 126 : i32
    %roll3A_1432 = tpu.dynamic_rotate %select_n3A_1414 by %roll3A_1431 dim 2 : vector<4x32x128xf32>, i32 -> vector<4x32x128xf32>
    %roll3A_1433 = arith.constant 2 : i32
    %roll3A_1434 = tpu.dynamic_rotate %select_n3A_1414 by %roll3A_1433 dim 2 : vector<4x32x128xf32>, i32 -> vector<4x32x128xf32>
    %select_n3A_1435 = arith.select %eq3A_1421, %roll3A_1432, %roll3A_1434 : vector<4x32x128xi1>, vector<4x32x128xf32>
    %roll3A_1436 = arith.constant 126 : i32
    %roll3A_1437 = tpu.dynamic_rotate %select_n3A_1415 by %roll3A_1436 dim 2 : vector<4x32x128xi32>, i32 -> vector<4x32x128xi32>
    %roll3A_1438 = arith.constant 2 : i32
    %roll3A_1439 = tpu.dynamic_rotate %select_n3A_1415 by %roll3A_1438 dim 2 : vector<4x32x128xi32>, i32 -> vector<4x32x128xi32>
    %select_n3A_1440 = arith.select %eq3A_1421, %roll3A_1437, %roll3A_1439 : vector<4x32x128xi1>, vector<4x32x128xi32>
    %gt3A_1441 = arith.cmpf ogt, %select_n3A_1414, %select_n3A_1435 : vector<4x32x128xf32>
    %eq3A_1442 = arith.cmpf oeq, %select_n3A_1414, %select_n3A_1435 : vector<4x32x128xf32>
    %lt3A_1443 = arith.cmpi slt, %select_n3A_1415, %select_n3A_1440 : vector<4x32x128xi32>
    %and3A_1444 = arith.andi %eq3A_1442, %lt3A_1443 : vector<4x32x128xi1>
    %or3A_1445 = arith.ori %gt3A_1441, %and3A_1444 : vector<4x32x128xi1>
    %xor3A_1446 = arith.xori %or3A_1445, %eq3A_1430 : vector<4x32x128xi1>
    %select_n3A_1447 = arith.select %xor3A_1446, %select_n3A_1414, %select_n3A_1435 : vector<4x32x128xi1>, vector<4x32x128xf32>
    %select_n3A_1448 = arith.select %xor3A_1446, %select_n3A_1415, %select_n3A_1440 : vector<4x32x128xi1>, vector<4x32x128xi32>
    %and3A_1449 = arith.constant 1 : i32
    %and3A_1450 = vector.broadcast %and3A_1449 : i32 to vector<4x32x128xi32>
    %and3A_1451 = arith.andi %add3A, %and3A_1450 : vector<4x32x128xi32>
    %eq3A_1452 = arith.constant 0 : i32
    %eq3A_1453 = vector.broadcast %eq3A_1452 : i32 to vector<4x32x128xi32>
    %eq3A_1454 = arith.cmpi eq, %and3A_1451, %eq3A_1453 : vector<4x32x128xi32>
    %and3A_1455 = arith.constant 512 : i32
    %and3A_1456 = vector.broadcast %and3A_1455 : i32 to vector<4x32x128xi32>
    %and3A_1457 = arith.andi %add3A, %and3A_1456 : vector<4x32x128xi32>
    %ne3A_1458 = arith.constant 0 : i32
    %ne3A_1459 = vector.broadcast %ne3A_1458 : i32 to vector<4x32x128xi32>
    %ne3A_1460 = arith.cmpi ne, %and3A_1457, %ne3A_1459 : vector<4x32x128xi32>
    %eq3A_1461 = arith.xori %eq3A_1454, %ne3A_1460 : vector<4x32x128xi1>
    %eq3A_1462 = arith.constant dense<true> : vector<4x32x128xi1>
    %eq3A_1463 = arith.xori %eq3A_1461, %eq3A_1462 : vector<4x32x128xi1>
    %roll3A_1464 = arith.constant 127 : i32
    %roll3A_1465 = tpu.dynamic_rotate %select_n3A_1447 by %roll3A_1464 dim 2 : vector<4x32x128xf32>, i32 -> vector<4x32x128xf32>
    %roll3A_1466 = arith.constant 1 : i32
    %roll3A_1467 = tpu.dynamic_rotate %select_n3A_1447 by %roll3A_1466 dim 2 : vector<4x32x128xf32>, i32 -> vector<4x32x128xf32>
    %select_n3A_1468 = arith.select %eq3A_1454, %roll3A_1465, %roll3A_1467 : vector<4x32x128xi1>, vector<4x32x128xf32>
    %roll3A_1469 = arith.constant 127 : i32
    %roll3A_1470 = tpu.dynamic_rotate %select_n3A_1448 by %roll3A_1469 dim 2 : vector<4x32x128xi32>, i32 -> vector<4x32x128xi32>
    %roll3A_1471 = arith.constant 1 : i32
    %roll3A_1472 = tpu.dynamic_rotate %select_n3A_1448 by %roll3A_1471 dim 2 : vector<4x32x128xi32>, i32 -> vector<4x32x128xi32>
    %select_n3A_1473 = arith.select %eq3A_1454, %roll3A_1470, %roll3A_1472 : vector<4x32x128xi1>, vector<4x32x128xi32>
    %gt3A_1474 = arith.cmpf ogt, %select_n3A_1447, %select_n3A_1468 : vector<4x32x128xf32>
    %eq3A_1475 = arith.cmpf oeq, %select_n3A_1447, %select_n3A_1468 : vector<4x32x128xf32>
    %lt3A_1476 = arith.cmpi slt, %select_n3A_1448, %select_n3A_1473 : vector<4x32x128xi32>
    %and3A_1477 = arith.andi %eq3A_1475, %lt3A_1476 : vector<4x32x128xi1>
    %or3A_1478 = arith.ori %gt3A_1474, %and3A_1477 : vector<4x32x128xi1>
    %xor3A_1479 = arith.xori %or3A_1478, %eq3A_1463 : vector<4x32x128xi1>
    %select_n3A_1480 = arith.select %xor3A_1479, %select_n3A_1447, %select_n3A_1468 : vector<4x32x128xi1>, vector<4x32x128xf32>
    %select_n3A_1481 = arith.select %xor3A_1479, %select_n3A_1448, %select_n3A_1473 : vector<4x32x128xi1>, vector<4x32x128xi32>
    %and3A_1482 = arith.constant 512 : i32
    %and3A_1483 = vector.broadcast %and3A_1482 : i32 to vector<4x32x128xi32>
    %and3A_1484 = arith.andi %add3A, %and3A_1483 : vector<4x32x128xi32>
    %eq3A_1485 = arith.constant 0 : i32
    %eq3A_1486 = vector.broadcast %eq3A_1485 : i32 to vector<4x32x128xi32>
    %eq3A_1487 = arith.cmpi eq, %and3A_1484, %eq3A_1486 : vector<4x32x128xi32>
    %and3A_1488 = arith.constant 1024 : i32
    %and3A_1489 = vector.broadcast %and3A_1488 : i32 to vector<4x32x128xi32>
    %and3A_1490 = arith.andi %add3A, %and3A_1489 : vector<4x32x128xi32>
    %ne3A_1491 = arith.constant 0 : i32
    %ne3A_1492 = vector.broadcast %ne3A_1491 : i32 to vector<4x32x128xi32>
    %ne3A_1493 = arith.cmpi ne, %and3A_1490, %ne3A_1492 : vector<4x32x128xi32>
    %eq3A_1494 = arith.xori %eq3A_1487, %ne3A_1493 : vector<4x32x128xi1>
    %eq3A_1495 = arith.constant dense<true> : vector<4x32x128xi1>
    %eq3A_1496 = arith.xori %eq3A_1494, %eq3A_1495 : vector<4x32x128xi1>
    %roll3A_1497 = arith.constant 28 : i32
    %roll3A_1498 = tpu.dynamic_rotate %select_n3A_1480 by %roll3A_1497 dim 1 : vector<4x32x128xf32>, i32 -> vector<4x32x128xf32>
    %roll3A_1499 = arith.constant 4 : i32
    %roll3A_1500 = tpu.dynamic_rotate %select_n3A_1480 by %roll3A_1499 dim 1 : vector<4x32x128xf32>, i32 -> vector<4x32x128xf32>
    %select_n3A_1501 = arith.select %eq3A_1487, %roll3A_1498, %roll3A_1500 : vector<4x32x128xi1>, vector<4x32x128xf32>
    %roll3A_1502 = arith.constant 28 : i32
    %roll3A_1503 = tpu.dynamic_rotate %select_n3A_1481 by %roll3A_1502 dim 1 : vector<4x32x128xi32>, i32 -> vector<4x32x128xi32>
    %roll3A_1504 = arith.constant 4 : i32
    %roll3A_1505 = tpu.dynamic_rotate %select_n3A_1481 by %roll3A_1504 dim 1 : vector<4x32x128xi32>, i32 -> vector<4x32x128xi32>
    %select_n3A_1506 = arith.select %eq3A_1487, %roll3A_1503, %roll3A_1505 : vector<4x32x128xi1>, vector<4x32x128xi32>
    %gt3A_1507 = arith.cmpf ogt, %select_n3A_1480, %select_n3A_1501 : vector<4x32x128xf32>
    %eq3A_1508 = arith.cmpf oeq, %select_n3A_1480, %select_n3A_1501 : vector<4x32x128xf32>
    %lt3A_1509 = arith.cmpi slt, %select_n3A_1481, %select_n3A_1506 : vector<4x32x128xi32>
    %and3A_1510 = arith.andi %eq3A_1508, %lt3A_1509 : vector<4x32x128xi1>
    %or3A_1511 = arith.ori %gt3A_1507, %and3A_1510 : vector<4x32x128xi1>
    %xor3A_1512 = arith.xori %or3A_1511, %eq3A_1496 : vector<4x32x128xi1>
    %select_n3A_1513 = arith.select %xor3A_1512, %select_n3A_1480, %select_n3A_1501 : vector<4x32x128xi1>, vector<4x32x128xf32>
    %select_n3A_1514 = arith.select %xor3A_1512, %select_n3A_1481, %select_n3A_1506 : vector<4x32x128xi1>, vector<4x32x128xi32>
    %and3A_1515 = arith.constant 256 : i32
    %and3A_1516 = vector.broadcast %and3A_1515 : i32 to vector<4x32x128xi32>
    %and3A_1517 = arith.andi %add3A, %and3A_1516 : vector<4x32x128xi32>
    %eq3A_1518 = arith.constant 0 : i32
    %eq3A_1519 = vector.broadcast %eq3A_1518 : i32 to vector<4x32x128xi32>
    %eq3A_1520 = arith.cmpi eq, %and3A_1517, %eq3A_1519 : vector<4x32x128xi32>
    %and3A_1521 = arith.constant 1024 : i32
    %and3A_1522 = vector.broadcast %and3A_1521 : i32 to vector<4x32x128xi32>
    %and3A_1523 = arith.andi %add3A, %and3A_1522 : vector<4x32x128xi32>
    %ne3A_1524 = arith.constant 0 : i32
    %ne3A_1525 = vector.broadcast %ne3A_1524 : i32 to vector<4x32x128xi32>
    %ne3A_1526 = arith.cmpi ne, %and3A_1523, %ne3A_1525 : vector<4x32x128xi32>
    %eq3A_1527 = arith.xori %eq3A_1520, %ne3A_1526 : vector<4x32x128xi1>
    %eq3A_1528 = arith.constant dense<true> : vector<4x32x128xi1>
    %eq3A_1529 = arith.xori %eq3A_1527, %eq3A_1528 : vector<4x32x128xi1>
    %roll3A_1530 = arith.constant 30 : i32
    %roll3A_1531 = tpu.dynamic_rotate %select_n3A_1513 by %roll3A_1530 dim 1 : vector<4x32x128xf32>, i32 -> vector<4x32x128xf32>
    %roll3A_1532 = arith.constant 2 : i32
    %roll3A_1533 = tpu.dynamic_rotate %select_n3A_1513 by %roll3A_1532 dim 1 : vector<4x32x128xf32>, i32 -> vector<4x32x128xf32>
    %select_n3A_1534 = arith.select %eq3A_1520, %roll3A_1531, %roll3A_1533 : vector<4x32x128xi1>, vector<4x32x128xf32>
    %roll3A_1535 = arith.constant 30 : i32
    %roll3A_1536 = tpu.dynamic_rotate %select_n3A_1514 by %roll3A_1535 dim 1 : vector<4x32x128xi32>, i32 -> vector<4x32x128xi32>
    %roll3A_1537 = arith.constant 2 : i32
    %roll3A_1538 = tpu.dynamic_rotate %select_n3A_1514 by %roll3A_1537 dim 1 : vector<4x32x128xi32>, i32 -> vector<4x32x128xi32>
    %select_n3A_1539 = arith.select %eq3A_1520, %roll3A_1536, %roll3A_1538 : vector<4x32x128xi1>, vector<4x32x128xi32>
    %gt3A_1540 = arith.cmpf ogt, %select_n3A_1513, %select_n3A_1534 : vector<4x32x128xf32>
    %eq3A_1541 = arith.cmpf oeq, %select_n3A_1513, %select_n3A_1534 : vector<4x32x128xf32>
    %lt3A_1542 = arith.cmpi slt, %select_n3A_1514, %select_n3A_1539 : vector<4x32x128xi32>
    %and3A_1543 = arith.andi %eq3A_1541, %lt3A_1542 : vector<4x32x128xi1>
    %or3A_1544 = arith.ori %gt3A_1540, %and3A_1543 : vector<4x32x128xi1>
    %xor3A_1545 = arith.xori %or3A_1544, %eq3A_1529 : vector<4x32x128xi1>
    %select_n3A_1546 = arith.select %xor3A_1545, %select_n3A_1513, %select_n3A_1534 : vector<4x32x128xi1>, vector<4x32x128xf32>
    %select_n3A_1547 = arith.select %xor3A_1545, %select_n3A_1514, %select_n3A_1539 : vector<4x32x128xi1>, vector<4x32x128xi32>
    %and3A_1548 = arith.constant 128 : i32
    %and3A_1549 = vector.broadcast %and3A_1548 : i32 to vector<4x32x128xi32>
    %and3A_1550 = arith.andi %add3A, %and3A_1549 : vector<4x32x128xi32>
    %eq3A_1551 = arith.constant 0 : i32
    %eq3A_1552 = vector.broadcast %eq3A_1551 : i32 to vector<4x32x128xi32>
    %eq3A_1553 = arith.cmpi eq, %and3A_1550, %eq3A_1552 : vector<4x32x128xi32>
    %and3A_1554 = arith.constant 1024 : i32
    %and3A_1555 = vector.broadcast %and3A_1554 : i32 to vector<4x32x128xi32>
    %and3A_1556 = arith.andi %add3A, %and3A_1555 : vector<4x32x128xi32>
    %ne3A_1557 = arith.constant 0 : i32
    %ne3A_1558 = vector.broadcast %ne3A_1557 : i32 to vector<4x32x128xi32>
    %ne3A_1559 = arith.cmpi ne, %and3A_1556, %ne3A_1558 : vector<4x32x128xi32>
    %eq3A_1560 = arith.xori %eq3A_1553, %ne3A_1559 : vector<4x32x128xi1>
    %eq3A_1561 = arith.constant dense<true> : vector<4x32x128xi1>
    %eq3A_1562 = arith.xori %eq3A_1560, %eq3A_1561 : vector<4x32x128xi1>
    %roll3A_1563 = arith.constant 31 : i32
    %roll3A_1564 = tpu.dynamic_rotate %select_n3A_1546 by %roll3A_1563 dim 1 : vector<4x32x128xf32>, i32 -> vector<4x32x128xf32>
    %roll3A_1565 = arith.constant 1 : i32
    %roll3A_1566 = tpu.dynamic_rotate %select_n3A_1546 by %roll3A_1565 dim 1 : vector<4x32x128xf32>, i32 -> vector<4x32x128xf32>
    %select_n3A_1567 = arith.select %eq3A_1553, %roll3A_1564, %roll3A_1566 : vector<4x32x128xi1>, vector<4x32x128xf32>
    %roll3A_1568 = arith.constant 31 : i32
    %roll3A_1569 = tpu.dynamic_rotate %select_n3A_1547 by %roll3A_1568 dim 1 : vector<4x32x128xi32>, i32 -> vector<4x32x128xi32>
    %roll3A_1570 = arith.constant 1 : i32
    %roll3A_1571 = tpu.dynamic_rotate %select_n3A_1547 by %roll3A_1570 dim 1 : vector<4x32x128xi32>, i32 -> vector<4x32x128xi32>
    %select_n3A_1572 = arith.select %eq3A_1553, %roll3A_1569, %roll3A_1571 : vector<4x32x128xi1>, vector<4x32x128xi32>
    %gt3A_1573 = arith.cmpf ogt, %select_n3A_1546, %select_n3A_1567 : vector<4x32x128xf32>
    %eq3A_1574 = arith.cmpf oeq, %select_n3A_1546, %select_n3A_1567 : vector<4x32x128xf32>
    %lt3A_1575 = arith.cmpi slt, %select_n3A_1547, %select_n3A_1572 : vector<4x32x128xi32>
    %and3A_1576 = arith.andi %eq3A_1574, %lt3A_1575 : vector<4x32x128xi1>
    %or3A_1577 = arith.ori %gt3A_1573, %and3A_1576 : vector<4x32x128xi1>
    %xor3A_1578 = arith.xori %or3A_1577, %eq3A_1562 : vector<4x32x128xi1>
    %select_n3A_1579 = arith.select %xor3A_1578, %select_n3A_1546, %select_n3A_1567 : vector<4x32x128xi1>, vector<4x32x128xf32>
    %select_n3A_1580 = arith.select %xor3A_1578, %select_n3A_1547, %select_n3A_1572 : vector<4x32x128xi1>, vector<4x32x128xi32>
    %and3A_1581 = arith.constant 64 : i32
    %and3A_1582 = vector.broadcast %and3A_1581 : i32 to vector<4x32x128xi32>
    %and3A_1583 = arith.andi %add3A, %and3A_1582 : vector<4x32x128xi32>
    %eq3A_1584 = arith.constant 0 : i32
    %eq3A_1585 = vector.broadcast %eq3A_1584 : i32 to vector<4x32x128xi32>
    %eq3A_1586 = arith.cmpi eq, %and3A_1583, %eq3A_1585 : vector<4x32x128xi32>
    %and3A_1587 = arith.constant 1024 : i32
    %and3A_1588 = vector.broadcast %and3A_1587 : i32 to vector<4x32x128xi32>
    %and3A_1589 = arith.andi %add3A, %and3A_1588 : vector<4x32x128xi32>
    %ne3A_1590 = arith.constant 0 : i32
    %ne3A_1591 = vector.broadcast %ne3A_1590 : i32 to vector<4x32x128xi32>
    %ne3A_1592 = arith.cmpi ne, %and3A_1589, %ne3A_1591 : vector<4x32x128xi32>
    %eq3A_1593 = arith.xori %eq3A_1586, %ne3A_1592 : vector<4x32x128xi1>
    %eq3A_1594 = arith.constant dense<true> : vector<4x32x128xi1>
    %eq3A_1595 = arith.xori %eq3A_1593, %eq3A_1594 : vector<4x32x128xi1>
    %roll3A_1596 = arith.constant 64 : i32
    %roll3A_1597 = tpu.dynamic_rotate %select_n3A_1579 by %roll3A_1596 dim 2 : vector<4x32x128xf32>, i32 -> vector<4x32x128xf32>
    %roll3A_1598 = arith.constant 64 : i32
    %roll3A_1599 = tpu.dynamic_rotate %select_n3A_1579 by %roll3A_1598 dim 2 : vector<4x32x128xf32>, i32 -> vector<4x32x128xf32>
    %select_n3A_1600 = arith.select %eq3A_1586, %roll3A_1597, %roll3A_1599 : vector<4x32x128xi1>, vector<4x32x128xf32>
    %roll3A_1601 = arith.constant 64 : i32
    %roll3A_1602 = tpu.dynamic_rotate %select_n3A_1580 by %roll3A_1601 dim 2 : vector<4x32x128xi32>, i32 -> vector<4x32x128xi32>
    %roll3A_1603 = arith.constant 64 : i32
    %roll3A_1604 = tpu.dynamic_rotate %select_n3A_1580 by %roll3A_1603 dim 2 : vector<4x32x128xi32>, i32 -> vector<4x32x128xi32>
    %select_n3A_1605 = arith.select %eq3A_1586, %roll3A_1602, %roll3A_1604 : vector<4x32x128xi1>, vector<4x32x128xi32>
    %gt3A_1606 = arith.cmpf ogt, %select_n3A_1579, %select_n3A_1600 : vector<4x32x128xf32>
    %eq3A_1607 = arith.cmpf oeq, %select_n3A_1579, %select_n3A_1600 : vector<4x32x128xf32>
    %lt3A_1608 = arith.cmpi slt, %select_n3A_1580, %select_n3A_1605 : vector<4x32x128xi32>
    %and3A_1609 = arith.andi %eq3A_1607, %lt3A_1608 : vector<4x32x128xi1>
    %or3A_1610 = arith.ori %gt3A_1606, %and3A_1609 : vector<4x32x128xi1>
    %xor3A_1611 = arith.xori %or3A_1610, %eq3A_1595 : vector<4x32x128xi1>
    %select_n3A_1612 = arith.select %xor3A_1611, %select_n3A_1579, %select_n3A_1600 : vector<4x32x128xi1>, vector<4x32x128xf32>
    %select_n3A_1613 = arith.select %xor3A_1611, %select_n3A_1580, %select_n3A_1605 : vector<4x32x128xi1>, vector<4x32x128xi32>
    %and3A_1614 = arith.constant 32 : i32
    %and3A_1615 = vector.broadcast %and3A_1614 : i32 to vector<4x32x128xi32>
    %and3A_1616 = arith.andi %add3A, %and3A_1615 : vector<4x32x128xi32>
    %eq3A_1617 = arith.constant 0 : i32
    %eq3A_1618 = vector.broadcast %eq3A_1617 : i32 to vector<4x32x128xi32>
    %eq3A_1619 = arith.cmpi eq, %and3A_1616, %eq3A_1618 : vector<4x32x128xi32>
    %and3A_1620 = arith.constant 1024 : i32
    %and3A_1621 = vector.broadcast %and3A_1620 : i32 to vector<4x32x128xi32>
    %and3A_1622 = arith.andi %add3A, %and3A_1621 : vector<4x32x128xi32>
    %ne3A_1623 = arith.constant 0 : i32
    %ne3A_1624 = vector.broadcast %ne3A_1623 : i32 to vector<4x32x128xi32>
    %ne3A_1625 = arith.cmpi ne, %and3A_1622, %ne3A_1624 : vector<4x32x128xi32>
    %eq3A_1626 = arith.xori %eq3A_1619, %ne3A_1625 : vector<4x32x128xi1>
    %eq3A_1627 = arith.constant dense<true> : vector<4x32x128xi1>
    %eq3A_1628 = arith.xori %eq3A_1626, %eq3A_1627 : vector<4x32x128xi1>
    %roll3A_1629 = arith.constant 96 : i32
    %roll3A_1630 = tpu.dynamic_rotate %select_n3A_1612 by %roll3A_1629 dim 2 : vector<4x32x128xf32>, i32 -> vector<4x32x128xf32>
    %roll3A_1631 = arith.constant 32 : i32
    %roll3A_1632 = tpu.dynamic_rotate %select_n3A_1612 by %roll3A_1631 dim 2 : vector<4x32x128xf32>, i32 -> vector<4x32x128xf32>
    %select_n3A_1633 = arith.select %eq3A_1619, %roll3A_1630, %roll3A_1632 : vector<4x32x128xi1>, vector<4x32x128xf32>
    %roll3A_1634 = arith.constant 96 : i32
    %roll3A_1635 = tpu.dynamic_rotate %select_n3A_1613 by %roll3A_1634 dim 2 : vector<4x32x128xi32>, i32 -> vector<4x32x128xi32>
    %roll3A_1636 = arith.constant 32 : i32
    %roll3A_1637 = tpu.dynamic_rotate %select_n3A_1613 by %roll3A_1636 dim 2 : vector<4x32x128xi32>, i32 -> vector<4x32x128xi32>
    %select_n3A_1638 = arith.select %eq3A_1619, %roll3A_1635, %roll3A_1637 : vector<4x32x128xi1>, vector<4x32x128xi32>
    %gt3A_1639 = arith.cmpf ogt, %select_n3A_1612, %select_n3A_1633 : vector<4x32x128xf32>
    %eq3A_1640 = arith.cmpf oeq, %select_n3A_1612, %select_n3A_1633 : vector<4x32x128xf32>
    %lt3A_1641 = arith.cmpi slt, %select_n3A_1613, %select_n3A_1638 : vector<4x32x128xi32>
    %and3A_1642 = arith.andi %eq3A_1640, %lt3A_1641 : vector<4x32x128xi1>
    %or3A_1643 = arith.ori %gt3A_1639, %and3A_1642 : vector<4x32x128xi1>
    %xor3A_1644 = arith.xori %or3A_1643, %eq3A_1628 : vector<4x32x128xi1>
    %select_n3A_1645 = arith.select %xor3A_1644, %select_n3A_1612, %select_n3A_1633 : vector<4x32x128xi1>, vector<4x32x128xf32>
    %select_n3A_1646 = arith.select %xor3A_1644, %select_n3A_1613, %select_n3A_1638 : vector<4x32x128xi1>, vector<4x32x128xi32>
    %and3A_1647 = arith.constant 16 : i32
    %and3A_1648 = vector.broadcast %and3A_1647 : i32 to vector<4x32x128xi32>
    %and3A_1649 = arith.andi %add3A, %and3A_1648 : vector<4x32x128xi32>
    %eq3A_1650 = arith.constant 0 : i32
    %eq3A_1651 = vector.broadcast %eq3A_1650 : i32 to vector<4x32x128xi32>
    %eq3A_1652 = arith.cmpi eq, %and3A_1649, %eq3A_1651 : vector<4x32x128xi32>
    %and3A_1653 = arith.constant 1024 : i32
    %and3A_1654 = vector.broadcast %and3A_1653 : i32 to vector<4x32x128xi32>
    %and3A_1655 = arith.andi %add3A, %and3A_1654 : vector<4x32x128xi32>
    %ne3A_1656 = arith.constant 0 : i32
    %ne3A_1657 = vector.broadcast %ne3A_1656 : i32 to vector<4x32x128xi32>
    %ne3A_1658 = arith.cmpi ne, %and3A_1655, %ne3A_1657 : vector<4x32x128xi32>
    %eq3A_1659 = arith.xori %eq3A_1652, %ne3A_1658 : vector<4x32x128xi1>
    %eq3A_1660 = arith.constant dense<true> : vector<4x32x128xi1>
    %eq3A_1661 = arith.xori %eq3A_1659, %eq3A_1660 : vector<4x32x128xi1>
    %roll3A_1662 = arith.constant 112 : i32
    %roll3A_1663 = tpu.dynamic_rotate %select_n3A_1645 by %roll3A_1662 dim 2 : vector<4x32x128xf32>, i32 -> vector<4x32x128xf32>
    %roll3A_1664 = arith.constant 16 : i32
    %roll3A_1665 = tpu.dynamic_rotate %select_n3A_1645 by %roll3A_1664 dim 2 : vector<4x32x128xf32>, i32 -> vector<4x32x128xf32>
    %select_n3A_1666 = arith.select %eq3A_1652, %roll3A_1663, %roll3A_1665 : vector<4x32x128xi1>, vector<4x32x128xf32>
    %roll3A_1667 = arith.constant 112 : i32
    %roll3A_1668 = tpu.dynamic_rotate %select_n3A_1646 by %roll3A_1667 dim 2 : vector<4x32x128xi32>, i32 -> vector<4x32x128xi32>
    %roll3A_1669 = arith.constant 16 : i32
    %roll3A_1670 = tpu.dynamic_rotate %select_n3A_1646 by %roll3A_1669 dim 2 : vector<4x32x128xi32>, i32 -> vector<4x32x128xi32>
    %select_n3A_1671 = arith.select %eq3A_1652, %roll3A_1668, %roll3A_1670 : vector<4x32x128xi1>, vector<4x32x128xi32>
    %gt3A_1672 = arith.cmpf ogt, %select_n3A_1645, %select_n3A_1666 : vector<4x32x128xf32>
    %eq3A_1673 = arith.cmpf oeq, %select_n3A_1645, %select_n3A_1666 : vector<4x32x128xf32>
    %lt3A_1674 = arith.cmpi slt, %select_n3A_1646, %select_n3A_1671 : vector<4x32x128xi32>
    %and3A_1675 = arith.andi %eq3A_1673, %lt3A_1674 : vector<4x32x128xi1>
    %or3A_1676 = arith.ori %gt3A_1672, %and3A_1675 : vector<4x32x128xi1>
    %xor3A_1677 = arith.xori %or3A_1676, %eq3A_1661 : vector<4x32x128xi1>
    %select_n3A_1678 = arith.select %xor3A_1677, %select_n3A_1645, %select_n3A_1666 : vector<4x32x128xi1>, vector<4x32x128xf32>
    %select_n3A_1679 = arith.select %xor3A_1677, %select_n3A_1646, %select_n3A_1671 : vector<4x32x128xi1>, vector<4x32x128xi32>
    %and3A_1680 = arith.constant 8 : i32
    %and3A_1681 = vector.broadcast %and3A_1680 : i32 to vector<4x32x128xi32>
    %and3A_1682 = arith.andi %add3A, %and3A_1681 : vector<4x32x128xi32>
    %eq3A_1683 = arith.constant 0 : i32
    %eq3A_1684 = vector.broadcast %eq3A_1683 : i32 to vector<4x32x128xi32>
    %eq3A_1685 = arith.cmpi eq, %and3A_1682, %eq3A_1684 : vector<4x32x128xi32>
    %and3A_1686 = arith.constant 1024 : i32
    %and3A_1687 = vector.broadcast %and3A_1686 : i32 to vector<4x32x128xi32>
    %and3A_1688 = arith.andi %add3A, %and3A_1687 : vector<4x32x128xi32>
    %ne3A_1689 = arith.constant 0 : i32
    %ne3A_1690 = vector.broadcast %ne3A_1689 : i32 to vector<4x32x128xi32>
    %ne3A_1691 = arith.cmpi ne, %and3A_1688, %ne3A_1690 : vector<4x32x128xi32>
    %eq3A_1692 = arith.xori %eq3A_1685, %ne3A_1691 : vector<4x32x128xi1>
    %eq3A_1693 = arith.constant dense<true> : vector<4x32x128xi1>
    %eq3A_1694 = arith.xori %eq3A_1692, %eq3A_1693 : vector<4x32x128xi1>
    %roll3A_1695 = arith.constant 120 : i32
    %roll3A_1696 = tpu.dynamic_rotate %select_n3A_1678 by %roll3A_1695 dim 2 : vector<4x32x128xf32>, i32 -> vector<4x32x128xf32>
    %roll3A_1697 = arith.constant 8 : i32
    %roll3A_1698 = tpu.dynamic_rotate %select_n3A_1678 by %roll3A_1697 dim 2 : vector<4x32x128xf32>, i32 -> vector<4x32x128xf32>
    %select_n3A_1699 = arith.select %eq3A_1685, %roll3A_1696, %roll3A_1698 : vector<4x32x128xi1>, vector<4x32x128xf32>
    %roll3A_1700 = arith.constant 120 : i32
    %roll3A_1701 = tpu.dynamic_rotate %select_n3A_1679 by %roll3A_1700 dim 2 : vector<4x32x128xi32>, i32 -> vector<4x32x128xi32>
    %roll3A_1702 = arith.constant 8 : i32
    %roll3A_1703 = tpu.dynamic_rotate %select_n3A_1679 by %roll3A_1702 dim 2 : vector<4x32x128xi32>, i32 -> vector<4x32x128xi32>
    %select_n3A_1704 = arith.select %eq3A_1685, %roll3A_1701, %roll3A_1703 : vector<4x32x128xi1>, vector<4x32x128xi32>
    %gt3A_1705 = arith.cmpf ogt, %select_n3A_1678, %select_n3A_1699 : vector<4x32x128xf32>
    %eq3A_1706 = arith.cmpf oeq, %select_n3A_1678, %select_n3A_1699 : vector<4x32x128xf32>
    %lt3A_1707 = arith.cmpi slt, %select_n3A_1679, %select_n3A_1704 : vector<4x32x128xi32>
    %and3A_1708 = arith.andi %eq3A_1706, %lt3A_1707 : vector<4x32x128xi1>
    %or3A_1709 = arith.ori %gt3A_1705, %and3A_1708 : vector<4x32x128xi1>
    %xor3A_1710 = arith.xori %or3A_1709, %eq3A_1694 : vector<4x32x128xi1>
    %select_n3A_1711 = arith.select %xor3A_1710, %select_n3A_1678, %select_n3A_1699 : vector<4x32x128xi1>, vector<4x32x128xf32>
    %select_n3A_1712 = arith.select %xor3A_1710, %select_n3A_1679, %select_n3A_1704 : vector<4x32x128xi1>, vector<4x32x128xi32>
    %and3A_1713 = arith.constant 4 : i32
    %and3A_1714 = vector.broadcast %and3A_1713 : i32 to vector<4x32x128xi32>
    %and3A_1715 = arith.andi %add3A, %and3A_1714 : vector<4x32x128xi32>
    %eq3A_1716 = arith.constant 0 : i32
    %eq3A_1717 = vector.broadcast %eq3A_1716 : i32 to vector<4x32x128xi32>
    %eq3A_1718 = arith.cmpi eq, %and3A_1715, %eq3A_1717 : vector<4x32x128xi32>
    %and3A_1719 = arith.constant 1024 : i32
    %and3A_1720 = vector.broadcast %and3A_1719 : i32 to vector<4x32x128xi32>
    %and3A_1721 = arith.andi %add3A, %and3A_1720 : vector<4x32x128xi32>
    %ne3A_1722 = arith.constant 0 : i32
    %ne3A_1723 = vector.broadcast %ne3A_1722 : i32 to vector<4x32x128xi32>
    %ne3A_1724 = arith.cmpi ne, %and3A_1721, %ne3A_1723 : vector<4x32x128xi32>
    %eq3A_1725 = arith.xori %eq3A_1718, %ne3A_1724 : vector<4x32x128xi1>
    %eq3A_1726 = arith.constant dense<true> : vector<4x32x128xi1>
    %eq3A_1727 = arith.xori %eq3A_1725, %eq3A_1726 : vector<4x32x128xi1>
    %roll3A_1728 = arith.constant 124 : i32
    %roll3A_1729 = tpu.dynamic_rotate %select_n3A_1711 by %roll3A_1728 dim 2 : vector<4x32x128xf32>, i32 -> vector<4x32x128xf32>
    %roll3A_1730 = arith.constant 4 : i32
    %roll3A_1731 = tpu.dynamic_rotate %select_n3A_1711 by %roll3A_1730 dim 2 : vector<4x32x128xf32>, i32 -> vector<4x32x128xf32>
    %select_n3A_1732 = arith.select %eq3A_1718, %roll3A_1729, %roll3A_1731 : vector<4x32x128xi1>, vector<4x32x128xf32>
    %roll3A_1733 = arith.constant 124 : i32
    %roll3A_1734 = tpu.dynamic_rotate %select_n3A_1712 by %roll3A_1733 dim 2 : vector<4x32x128xi32>, i32 -> vector<4x32x128xi32>
    %roll3A_1735 = arith.constant 4 : i32
    %roll3A_1736 = tpu.dynamic_rotate %select_n3A_1712 by %roll3A_1735 dim 2 : vector<4x32x128xi32>, i32 -> vector<4x32x128xi32>
    %select_n3A_1737 = arith.select %eq3A_1718, %roll3A_1734, %roll3A_1736 : vector<4x32x128xi1>, vector<4x32x128xi32>
    %gt3A_1738 = arith.cmpf ogt, %select_n3A_1711, %select_n3A_1732 : vector<4x32x128xf32>
    %eq3A_1739 = arith.cmpf oeq, %select_n3A_1711, %select_n3A_1732 : vector<4x32x128xf32>
    %lt3A_1740 = arith.cmpi slt, %select_n3A_1712, %select_n3A_1737 : vector<4x32x128xi32>
    %and3A_1741 = arith.andi %eq3A_1739, %lt3A_1740 : vector<4x32x128xi1>
    %or3A_1742 = arith.ori %gt3A_1738, %and3A_1741 : vector<4x32x128xi1>
    %xor3A_1743 = arith.xori %or3A_1742, %eq3A_1727 : vector<4x32x128xi1>
    %select_n3A_1744 = arith.select %xor3A_1743, %select_n3A_1711, %select_n3A_1732 : vector<4x32x128xi1>, vector<4x32x128xf32>
    %select_n3A_1745 = arith.select %xor3A_1743, %select_n3A_1712, %select_n3A_1737 : vector<4x32x128xi1>, vector<4x32x128xi32>
    %and3A_1746 = arith.constant 2 : i32
    %and3A_1747 = vector.broadcast %and3A_1746 : i32 to vector<4x32x128xi32>
    %and3A_1748 = arith.andi %add3A, %and3A_1747 : vector<4x32x128xi32>
    %eq3A_1749 = arith.constant 0 : i32
    %eq3A_1750 = vector.broadcast %eq3A_1749 : i32 to vector<4x32x128xi32>
    %eq3A_1751 = arith.cmpi eq, %and3A_1748, %eq3A_1750 : vector<4x32x128xi32>
    %and3A_1752 = arith.constant 1024 : i32
    %and3A_1753 = vector.broadcast %and3A_1752 : i32 to vector<4x32x128xi32>
    %and3A_1754 = arith.andi %add3A, %and3A_1753 : vector<4x32x128xi32>
    %ne3A_1755 = arith.constant 0 : i32
    %ne3A_1756 = vector.broadcast %ne3A_1755 : i32 to vector<4x32x128xi32>
    %ne3A_1757 = arith.cmpi ne, %and3A_1754, %ne3A_1756 : vector<4x32x128xi32>
    %eq3A_1758 = arith.xori %eq3A_1751, %ne3A_1757 : vector<4x32x128xi1>
    %eq3A_1759 = arith.constant dense<true> : vector<4x32x128xi1>
    %eq3A_1760 = arith.xori %eq3A_1758, %eq3A_1759 : vector<4x32x128xi1>
    %roll3A_1761 = arith.constant 126 : i32
    %roll3A_1762 = tpu.dynamic_rotate %select_n3A_1744 by %roll3A_1761 dim 2 : vector<4x32x128xf32>, i32 -> vector<4x32x128xf32>
    %roll3A_1763 = arith.constant 2 : i32
    %roll3A_1764 = tpu.dynamic_rotate %select_n3A_1744 by %roll3A_1763 dim 2 : vector<4x32x128xf32>, i32 -> vector<4x32x128xf32>
    %select_n3A_1765 = arith.select %eq3A_1751, %roll3A_1762, %roll3A_1764 : vector<4x32x128xi1>, vector<4x32x128xf32>
    %roll3A_1766 = arith.constant 126 : i32
    %roll3A_1767 = tpu.dynamic_rotate %select_n3A_1745 by %roll3A_1766 dim 2 : vector<4x32x128xi32>, i32 -> vector<4x32x128xi32>
    %roll3A_1768 = arith.constant 2 : i32
    %roll3A_1769 = tpu.dynamic_rotate %select_n3A_1745 by %roll3A_1768 dim 2 : vector<4x32x128xi32>, i32 -> vector<4x32x128xi32>
    %select_n3A_1770 = arith.select %eq3A_1751, %roll3A_1767, %roll3A_1769 : vector<4x32x128xi1>, vector<4x32x128xi32>
    %gt3A_1771 = arith.cmpf ogt, %select_n3A_1744, %select_n3A_1765 : vector<4x32x128xf32>
    %eq3A_1772 = arith.cmpf oeq, %select_n3A_1744, %select_n3A_1765 : vector<4x32x128xf32>
    %lt3A_1773 = arith.cmpi slt, %select_n3A_1745, %select_n3A_1770 : vector<4x32x128xi32>
    %and3A_1774 = arith.andi %eq3A_1772, %lt3A_1773 : vector<4x32x128xi1>
    %or3A_1775 = arith.ori %gt3A_1771, %and3A_1774 : vector<4x32x128xi1>
    %xor3A_1776 = arith.xori %or3A_1775, %eq3A_1760 : vector<4x32x128xi1>
    %select_n3A_1777 = arith.select %xor3A_1776, %select_n3A_1744, %select_n3A_1765 : vector<4x32x128xi1>, vector<4x32x128xf32>
    %select_n3A_1778 = arith.select %xor3A_1776, %select_n3A_1745, %select_n3A_1770 : vector<4x32x128xi1>, vector<4x32x128xi32>
    %and3A_1779 = arith.constant 1 : i32
    %and3A_1780 = vector.broadcast %and3A_1779 : i32 to vector<4x32x128xi32>
    %and3A_1781 = arith.andi %add3A, %and3A_1780 : vector<4x32x128xi32>
    %eq3A_1782 = arith.constant 0 : i32
    %eq3A_1783 = vector.broadcast %eq3A_1782 : i32 to vector<4x32x128xi32>
    %eq3A_1784 = arith.cmpi eq, %and3A_1781, %eq3A_1783 : vector<4x32x128xi32>
    %and3A_1785 = arith.constant 1024 : i32
    %and3A_1786 = vector.broadcast %and3A_1785 : i32 to vector<4x32x128xi32>
    %and3A_1787 = arith.andi %add3A, %and3A_1786 : vector<4x32x128xi32>
    %ne3A_1788 = arith.constant 0 : i32
    %ne3A_1789 = vector.broadcast %ne3A_1788 : i32 to vector<4x32x128xi32>
    %ne3A_1790 = arith.cmpi ne, %and3A_1787, %ne3A_1789 : vector<4x32x128xi32>
    %eq3A_1791 = arith.xori %eq3A_1784, %ne3A_1790 : vector<4x32x128xi1>
    %eq3A_1792 = arith.constant dense<true> : vector<4x32x128xi1>
    %eq3A_1793 = arith.xori %eq3A_1791, %eq3A_1792 : vector<4x32x128xi1>
    %roll3A_1794 = arith.constant 127 : i32
    %roll3A_1795 = tpu.dynamic_rotate %select_n3A_1777 by %roll3A_1794 dim 2 : vector<4x32x128xf32>, i32 -> vector<4x32x128xf32>
    %roll3A_1796 = arith.constant 1 : i32
    %roll3A_1797 = tpu.dynamic_rotate %select_n3A_1777 by %roll3A_1796 dim 2 : vector<4x32x128xf32>, i32 -> vector<4x32x128xf32>
    %select_n3A_1798 = arith.select %eq3A_1784, %roll3A_1795, %roll3A_1797 : vector<4x32x128xi1>, vector<4x32x128xf32>
    %roll3A_1799 = arith.constant 127 : i32
    %roll3A_1800 = tpu.dynamic_rotate %select_n3A_1778 by %roll3A_1799 dim 2 : vector<4x32x128xi32>, i32 -> vector<4x32x128xi32>
    %roll3A_1801 = arith.constant 1 : i32
    %roll3A_1802 = tpu.dynamic_rotate %select_n3A_1778 by %roll3A_1801 dim 2 : vector<4x32x128xi32>, i32 -> vector<4x32x128xi32>
    %select_n3A_1803 = arith.select %eq3A_1784, %roll3A_1800, %roll3A_1802 : vector<4x32x128xi1>, vector<4x32x128xi32>
    %gt3A_1804 = arith.cmpf ogt, %select_n3A_1777, %select_n3A_1798 : vector<4x32x128xf32>
    %eq3A_1805 = arith.cmpf oeq, %select_n3A_1777, %select_n3A_1798 : vector<4x32x128xf32>
    %lt3A_1806 = arith.cmpi slt, %select_n3A_1778, %select_n3A_1803 : vector<4x32x128xi32>
    %and3A_1807 = arith.andi %eq3A_1805, %lt3A_1806 : vector<4x32x128xi1>
    %or3A_1808 = arith.ori %gt3A_1804, %and3A_1807 : vector<4x32x128xi1>
    %xor3A_1809 = arith.xori %or3A_1808, %eq3A_1793 : vector<4x32x128xi1>
    %select_n3A_1810 = arith.select %xor3A_1809, %select_n3A_1777, %select_n3A_1798 : vector<4x32x128xi1>, vector<4x32x128xf32>
    %select_n3A_1811 = arith.select %xor3A_1809, %select_n3A_1778, %select_n3A_1803 : vector<4x32x128xi1>, vector<4x32x128xi32>
    %and3A_1812 = arith.constant 1024 : i32
    %and3A_1813 = vector.broadcast %and3A_1812 : i32 to vector<4x32x128xi32>
    %and3A_1814 = arith.andi %add3A, %and3A_1813 : vector<4x32x128xi32>
    %eq3A_1815 = arith.constant 0 : i32
    %eq3A_1816 = vector.broadcast %eq3A_1815 : i32 to vector<4x32x128xi32>
    %eq3A_1817 = arith.cmpi eq, %and3A_1814, %eq3A_1816 : vector<4x32x128xi32>
    %and3A_1818 = arith.constant 2048 : i32
    %and3A_1819 = vector.broadcast %and3A_1818 : i32 to vector<4x32x128xi32>
    %and3A_1820 = arith.andi %add3A, %and3A_1819 : vector<4x32x128xi32>
    %ne3A_1821 = arith.constant 0 : i32
    %ne3A_1822 = vector.broadcast %ne3A_1821 : i32 to vector<4x32x128xi32>
    %ne3A_1823 = arith.cmpi ne, %and3A_1820, %ne3A_1822 : vector<4x32x128xi32>
    %eq3A_1824 = arith.xori %eq3A_1817, %ne3A_1823 : vector<4x32x128xi1>
    %eq3A_1825 = arith.constant dense<true> : vector<4x32x128xi1>
    %eq3A_1826 = arith.xori %eq3A_1824, %eq3A_1825 : vector<4x32x128xi1>
    %roll3A_1827 = arith.constant 24 : i32
    %roll3A_1828 = tpu.dynamic_rotate %select_n3A_1810 by %roll3A_1827 dim 1 : vector<4x32x128xf32>, i32 -> vector<4x32x128xf32>
    %roll3A_1829 = arith.constant 8 : i32
    %roll3A_1830 = tpu.dynamic_rotate %select_n3A_1810 by %roll3A_1829 dim 1 : vector<4x32x128xf32>, i32 -> vector<4x32x128xf32>
    %select_n3A_1831 = arith.select %eq3A_1817, %roll3A_1828, %roll3A_1830 : vector<4x32x128xi1>, vector<4x32x128xf32>
    %roll3A_1832 = arith.constant 24 : i32
    %roll3A_1833 = tpu.dynamic_rotate %select_n3A_1811 by %roll3A_1832 dim 1 : vector<4x32x128xi32>, i32 -> vector<4x32x128xi32>
    %roll3A_1834 = arith.constant 8 : i32
    %roll3A_1835 = tpu.dynamic_rotate %select_n3A_1811 by %roll3A_1834 dim 1 : vector<4x32x128xi32>, i32 -> vector<4x32x128xi32>
    %select_n3A_1836 = arith.select %eq3A_1817, %roll3A_1833, %roll3A_1835 : vector<4x32x128xi1>, vector<4x32x128xi32>
    %gt3A_1837 = arith.cmpf ogt, %select_n3A_1810, %select_n3A_1831 : vector<4x32x128xf32>
    %eq3A_1838 = arith.cmpf oeq, %select_n3A_1810, %select_n3A_1831 : vector<4x32x128xf32>
    %lt3A_1839 = arith.cmpi slt, %select_n3A_1811, %select_n3A_1836 : vector<4x32x128xi32>
    %and3A_1840 = arith.andi %eq3A_1838, %lt3A_1839 : vector<4x32x128xi1>
    %or3A_1841 = arith.ori %gt3A_1837, %and3A_1840 : vector<4x32x128xi1>
    %xor3A_1842 = arith.xori %or3A_1841, %eq3A_1826 : vector<4x32x128xi1>
    %select_n3A_1843 = arith.select %xor3A_1842, %select_n3A_1810, %select_n3A_1831 : vector<4x32x128xi1>, vector<4x32x128xf32>
    %select_n3A_1844 = arith.select %xor3A_1842, %select_n3A_1811, %select_n3A_1836 : vector<4x32x128xi1>, vector<4x32x128xi32>
    %and3A_1845 = arith.constant 512 : i32
    %and3A_1846 = vector.broadcast %and3A_1845 : i32 to vector<4x32x128xi32>
    %and3A_1847 = arith.andi %add3A, %and3A_1846 : vector<4x32x128xi32>
    %eq3A_1848 = arith.constant 0 : i32
    %eq3A_1849 = vector.broadcast %eq3A_1848 : i32 to vector<4x32x128xi32>
    %eq3A_1850 = arith.cmpi eq, %and3A_1847, %eq3A_1849 : vector<4x32x128xi32>
    %and3A_1851 = arith.constant 2048 : i32
    %and3A_1852 = vector.broadcast %and3A_1851 : i32 to vector<4x32x128xi32>
    %and3A_1853 = arith.andi %add3A, %and3A_1852 : vector<4x32x128xi32>
    %ne3A_1854 = arith.constant 0 : i32
    %ne3A_1855 = vector.broadcast %ne3A_1854 : i32 to vector<4x32x128xi32>
    %ne3A_1856 = arith.cmpi ne, %and3A_1853, %ne3A_1855 : vector<4x32x128xi32>
    %eq3A_1857 = arith.xori %eq3A_1850, %ne3A_1856 : vector<4x32x128xi1>
    %eq3A_1858 = arith.constant dense<true> : vector<4x32x128xi1>
    %eq3A_1859 = arith.xori %eq3A_1857, %eq3A_1858 : vector<4x32x128xi1>
    %roll3A_1860 = arith.constant 28 : i32
    %roll3A_1861 = tpu.dynamic_rotate %select_n3A_1843 by %roll3A_1860 dim 1 : vector<4x32x128xf32>, i32 -> vector<4x32x128xf32>
    %roll3A_1862 = arith.constant 4 : i32
    %roll3A_1863 = tpu.dynamic_rotate %select_n3A_1843 by %roll3A_1862 dim 1 : vector<4x32x128xf32>, i32 -> vector<4x32x128xf32>
    %select_n3A_1864 = arith.select %eq3A_1850, %roll3A_1861, %roll3A_1863 : vector<4x32x128xi1>, vector<4x32x128xf32>
    %roll3A_1865 = arith.constant 28 : i32
    %roll3A_1866 = tpu.dynamic_rotate %select_n3A_1844 by %roll3A_1865 dim 1 : vector<4x32x128xi32>, i32 -> vector<4x32x128xi32>
    %roll3A_1867 = arith.constant 4 : i32
    %roll3A_1868 = tpu.dynamic_rotate %select_n3A_1844 by %roll3A_1867 dim 1 : vector<4x32x128xi32>, i32 -> vector<4x32x128xi32>
    %select_n3A_1869 = arith.select %eq3A_1850, %roll3A_1866, %roll3A_1868 : vector<4x32x128xi1>, vector<4x32x128xi32>
    %gt3A_1870 = arith.cmpf ogt, %select_n3A_1843, %select_n3A_1864 : vector<4x32x128xf32>
    %eq3A_1871 = arith.cmpf oeq, %select_n3A_1843, %select_n3A_1864 : vector<4x32x128xf32>
    %lt3A_1872 = arith.cmpi slt, %select_n3A_1844, %select_n3A_1869 : vector<4x32x128xi32>
    %and3A_1873 = arith.andi %eq3A_1871, %lt3A_1872 : vector<4x32x128xi1>
    %or3A_1874 = arith.ori %gt3A_1870, %and3A_1873 : vector<4x32x128xi1>
    %xor3A_1875 = arith.xori %or3A_1874, %eq3A_1859 : vector<4x32x128xi1>
    %select_n3A_1876 = arith.select %xor3A_1875, %select_n3A_1843, %select_n3A_1864 : vector<4x32x128xi1>, vector<4x32x128xf32>
    %select_n3A_1877 = arith.select %xor3A_1875, %select_n3A_1844, %select_n3A_1869 : vector<4x32x128xi1>, vector<4x32x128xi32>
    %and3A_1878 = arith.constant 256 : i32
    %and3A_1879 = vector.broadcast %and3A_1878 : i32 to vector<4x32x128xi32>
    %and3A_1880 = arith.andi %add3A, %and3A_1879 : vector<4x32x128xi32>
    %eq3A_1881 = arith.constant 0 : i32
    %eq3A_1882 = vector.broadcast %eq3A_1881 : i32 to vector<4x32x128xi32>
    %eq3A_1883 = arith.cmpi eq, %and3A_1880, %eq3A_1882 : vector<4x32x128xi32>
    %and3A_1884 = arith.constant 2048 : i32
    %and3A_1885 = vector.broadcast %and3A_1884 : i32 to vector<4x32x128xi32>
    %and3A_1886 = arith.andi %add3A, %and3A_1885 : vector<4x32x128xi32>
    %ne3A_1887 = arith.constant 0 : i32
    %ne3A_1888 = vector.broadcast %ne3A_1887 : i32 to vector<4x32x128xi32>
    %ne3A_1889 = arith.cmpi ne, %and3A_1886, %ne3A_1888 : vector<4x32x128xi32>
    %eq3A_1890 = arith.xori %eq3A_1883, %ne3A_1889 : vector<4x32x128xi1>
    %eq3A_1891 = arith.constant dense<true> : vector<4x32x128xi1>
    %eq3A_1892 = arith.xori %eq3A_1890, %eq3A_1891 : vector<4x32x128xi1>
    %roll3A_1893 = arith.constant 30 : i32
    %roll3A_1894 = tpu.dynamic_rotate %select_n3A_1876 by %roll3A_1893 dim 1 : vector<4x32x128xf32>, i32 -> vector<4x32x128xf32>
    %roll3A_1895 = arith.constant 2 : i32
    %roll3A_1896 = tpu.dynamic_rotate %select_n3A_1876 by %roll3A_1895 dim 1 : vector<4x32x128xf32>, i32 -> vector<4x32x128xf32>
    %select_n3A_1897 = arith.select %eq3A_1883, %roll3A_1894, %roll3A_1896 : vector<4x32x128xi1>, vector<4x32x128xf32>
    %roll3A_1898 = arith.constant 30 : i32
    %roll3A_1899 = tpu.dynamic_rotate %select_n3A_1877 by %roll3A_1898 dim 1 : vector<4x32x128xi32>, i32 -> vector<4x32x128xi32>
    %roll3A_1900 = arith.constant 2 : i32
    %roll3A_1901 = tpu.dynamic_rotate %select_n3A_1877 by %roll3A_1900 dim 1 : vector<4x32x128xi32>, i32 -> vector<4x32x128xi32>
    %select_n3A_1902 = arith.select %eq3A_1883, %roll3A_1899, %roll3A_1901 : vector<4x32x128xi1>, vector<4x32x128xi32>
    %gt3A_1903 = arith.cmpf ogt, %select_n3A_1876, %select_n3A_1897 : vector<4x32x128xf32>
    %eq3A_1904 = arith.cmpf oeq, %select_n3A_1876, %select_n3A_1897 : vector<4x32x128xf32>
    %lt3A_1905 = arith.cmpi slt, %select_n3A_1877, %select_n3A_1902 : vector<4x32x128xi32>
    %and3A_1906 = arith.andi %eq3A_1904, %lt3A_1905 : vector<4x32x128xi1>
    %or3A_1907 = arith.ori %gt3A_1903, %and3A_1906 : vector<4x32x128xi1>
    %xor3A_1908 = arith.xori %or3A_1907, %eq3A_1892 : vector<4x32x128xi1>
    %select_n3A_1909 = arith.select %xor3A_1908, %select_n3A_1876, %select_n3A_1897 : vector<4x32x128xi1>, vector<4x32x128xf32>
    %select_n3A_1910 = arith.select %xor3A_1908, %select_n3A_1877, %select_n3A_1902 : vector<4x32x128xi1>, vector<4x32x128xi32>
    %and3A_1911 = arith.constant 128 : i32
    %and3A_1912 = vector.broadcast %and3A_1911 : i32 to vector<4x32x128xi32>
    %and3A_1913 = arith.andi %add3A, %and3A_1912 : vector<4x32x128xi32>
    %eq3A_1914 = arith.constant 0 : i32
    %eq3A_1915 = vector.broadcast %eq3A_1914 : i32 to vector<4x32x128xi32>
    %eq3A_1916 = arith.cmpi eq, %and3A_1913, %eq3A_1915 : vector<4x32x128xi32>
    %and3A_1917 = arith.constant 2048 : i32
    %and3A_1918 = vector.broadcast %and3A_1917 : i32 to vector<4x32x128xi32>
    %and3A_1919 = arith.andi %add3A, %and3A_1918 : vector<4x32x128xi32>
    %ne3A_1920 = arith.constant 0 : i32
    %ne3A_1921 = vector.broadcast %ne3A_1920 : i32 to vector<4x32x128xi32>
    %ne3A_1922 = arith.cmpi ne, %and3A_1919, %ne3A_1921 : vector<4x32x128xi32>
    %eq3A_1923 = arith.xori %eq3A_1916, %ne3A_1922 : vector<4x32x128xi1>
    %eq3A_1924 = arith.constant dense<true> : vector<4x32x128xi1>
    %eq3A_1925 = arith.xori %eq3A_1923, %eq3A_1924 : vector<4x32x128xi1>
    %roll3A_1926 = arith.constant 31 : i32
    %roll3A_1927 = tpu.dynamic_rotate %select_n3A_1909 by %roll3A_1926 dim 1 : vector<4x32x128xf32>, i32 -> vector<4x32x128xf32>
    %roll3A_1928 = arith.constant 1 : i32
    %roll3A_1929 = tpu.dynamic_rotate %select_n3A_1909 by %roll3A_1928 dim 1 : vector<4x32x128xf32>, i32 -> vector<4x32x128xf32>
    %select_n3A_1930 = arith.select %eq3A_1916, %roll3A_1927, %roll3A_1929 : vector<4x32x128xi1>, vector<4x32x128xf32>
    %roll3A_1931 = arith.constant 31 : i32
    %roll3A_1932 = tpu.dynamic_rotate %select_n3A_1910 by %roll3A_1931 dim 1 : vector<4x32x128xi32>, i32 -> vector<4x32x128xi32>
    %roll3A_1933 = arith.constant 1 : i32
    %roll3A_1934 = tpu.dynamic_rotate %select_n3A_1910 by %roll3A_1933 dim 1 : vector<4x32x128xi32>, i32 -> vector<4x32x128xi32>
    %select_n3A_1935 = arith.select %eq3A_1916, %roll3A_1932, %roll3A_1934 : vector<4x32x128xi1>, vector<4x32x128xi32>
    %gt3A_1936 = arith.cmpf ogt, %select_n3A_1909, %select_n3A_1930 : vector<4x32x128xf32>
    %eq3A_1937 = arith.cmpf oeq, %select_n3A_1909, %select_n3A_1930 : vector<4x32x128xf32>
    %lt3A_1938 = arith.cmpi slt, %select_n3A_1910, %select_n3A_1935 : vector<4x32x128xi32>
    %and3A_1939 = arith.andi %eq3A_1937, %lt3A_1938 : vector<4x32x128xi1>
    %or3A_1940 = arith.ori %gt3A_1936, %and3A_1939 : vector<4x32x128xi1>
    %xor3A_1941 = arith.xori %or3A_1940, %eq3A_1925 : vector<4x32x128xi1>
    %select_n3A_1942 = arith.select %xor3A_1941, %select_n3A_1909, %select_n3A_1930 : vector<4x32x128xi1>, vector<4x32x128xf32>
    %select_n3A_1943 = arith.select %xor3A_1941, %select_n3A_1910, %select_n3A_1935 : vector<4x32x128xi1>, vector<4x32x128xi32>
    %and3A_1944 = arith.constant 64 : i32
    %and3A_1945 = vector.broadcast %and3A_1944 : i32 to vector<4x32x128xi32>
    %and3A_1946 = arith.andi %add3A, %and3A_1945 : vector<4x32x128xi32>
    %eq3A_1947 = arith.constant 0 : i32
    %eq3A_1948 = vector.broadcast %eq3A_1947 : i32 to vector<4x32x128xi32>
    %eq3A_1949 = arith.cmpi eq, %and3A_1946, %eq3A_1948 : vector<4x32x128xi32>
    %and3A_1950 = arith.constant 2048 : i32
    %and3A_1951 = vector.broadcast %and3A_1950 : i32 to vector<4x32x128xi32>
    %and3A_1952 = arith.andi %add3A, %and3A_1951 : vector<4x32x128xi32>
    %ne3A_1953 = arith.constant 0 : i32
    %ne3A_1954 = vector.broadcast %ne3A_1953 : i32 to vector<4x32x128xi32>
    %ne3A_1955 = arith.cmpi ne, %and3A_1952, %ne3A_1954 : vector<4x32x128xi32>
    %eq3A_1956 = arith.xori %eq3A_1949, %ne3A_1955 : vector<4x32x128xi1>
    %eq3A_1957 = arith.constant dense<true> : vector<4x32x128xi1>
    %eq3A_1958 = arith.xori %eq3A_1956, %eq3A_1957 : vector<4x32x128xi1>
    %roll3A_1959 = arith.constant 64 : i32
    %roll3A_1960 = tpu.dynamic_rotate %select_n3A_1942 by %roll3A_1959 dim 2 : vector<4x32x128xf32>, i32 -> vector<4x32x128xf32>
    %roll3A_1961 = arith.constant 64 : i32
    %roll3A_1962 = tpu.dynamic_rotate %select_n3A_1942 by %roll3A_1961 dim 2 : vector<4x32x128xf32>, i32 -> vector<4x32x128xf32>
    %select_n3A_1963 = arith.select %eq3A_1949, %roll3A_1960, %roll3A_1962 : vector<4x32x128xi1>, vector<4x32x128xf32>
    %roll3A_1964 = arith.constant 64 : i32
    %roll3A_1965 = tpu.dynamic_rotate %select_n3A_1943 by %roll3A_1964 dim 2 : vector<4x32x128xi32>, i32 -> vector<4x32x128xi32>
    %roll3A_1966 = arith.constant 64 : i32
    %roll3A_1967 = tpu.dynamic_rotate %select_n3A_1943 by %roll3A_1966 dim 2 : vector<4x32x128xi32>, i32 -> vector<4x32x128xi32>
    %select_n3A_1968 = arith.select %eq3A_1949, %roll3A_1965, %roll3A_1967 : vector<4x32x128xi1>, vector<4x32x128xi32>
    %gt3A_1969 = arith.cmpf ogt, %select_n3A_1942, %select_n3A_1963 : vector<4x32x128xf32>
    %eq3A_1970 = arith.cmpf oeq, %select_n3A_1942, %select_n3A_1963 : vector<4x32x128xf32>
    %lt3A_1971 = arith.cmpi slt, %select_n3A_1943, %select_n3A_1968 : vector<4x32x128xi32>
    %and3A_1972 = arith.andi %eq3A_1970, %lt3A_1971 : vector<4x32x128xi1>
    %or3A_1973 = arith.ori %gt3A_1969, %and3A_1972 : vector<4x32x128xi1>
    %xor3A_1974 = arith.xori %or3A_1973, %eq3A_1958 : vector<4x32x128xi1>
    %select_n3A_1975 = arith.select %xor3A_1974, %select_n3A_1942, %select_n3A_1963 : vector<4x32x128xi1>, vector<4x32x128xf32>
    %select_n3A_1976 = arith.select %xor3A_1974, %select_n3A_1943, %select_n3A_1968 : vector<4x32x128xi1>, vector<4x32x128xi32>
    %and3A_1977 = arith.constant 32 : i32
    %and3A_1978 = vector.broadcast %and3A_1977 : i32 to vector<4x32x128xi32>
    %and3A_1979 = arith.andi %add3A, %and3A_1978 : vector<4x32x128xi32>
    %eq3A_1980 = arith.constant 0 : i32
    %eq3A_1981 = vector.broadcast %eq3A_1980 : i32 to vector<4x32x128xi32>
    %eq3A_1982 = arith.cmpi eq, %and3A_1979, %eq3A_1981 : vector<4x32x128xi32>
    %and3A_1983 = arith.constant 2048 : i32
    %and3A_1984 = vector.broadcast %and3A_1983 : i32 to vector<4x32x128xi32>
    %and3A_1985 = arith.andi %add3A, %and3A_1984 : vector<4x32x128xi32>
    %ne3A_1986 = arith.constant 0 : i32
    %ne3A_1987 = vector.broadcast %ne3A_1986 : i32 to vector<4x32x128xi32>
    %ne3A_1988 = arith.cmpi ne, %and3A_1985, %ne3A_1987 : vector<4x32x128xi32>
    %eq3A_1989 = arith.xori %eq3A_1982, %ne3A_1988 : vector<4x32x128xi1>
    %eq3A_1990 = arith.constant dense<true> : vector<4x32x128xi1>
    %eq3A_1991 = arith.xori %eq3A_1989, %eq3A_1990 : vector<4x32x128xi1>
    %roll3A_1992 = arith.constant 96 : i32
    %roll3A_1993 = tpu.dynamic_rotate %select_n3A_1975 by %roll3A_1992 dim 2 : vector<4x32x128xf32>, i32 -> vector<4x32x128xf32>
    %roll3A_1994 = arith.constant 32 : i32
    %roll3A_1995 = tpu.dynamic_rotate %select_n3A_1975 by %roll3A_1994 dim 2 : vector<4x32x128xf32>, i32 -> vector<4x32x128xf32>
    %select_n3A_1996 = arith.select %eq3A_1982, %roll3A_1993, %roll3A_1995 : vector<4x32x128xi1>, vector<4x32x128xf32>
    %roll3A_1997 = arith.constant 96 : i32
    %roll3A_1998 = tpu.dynamic_rotate %select_n3A_1976 by %roll3A_1997 dim 2 : vector<4x32x128xi32>, i32 -> vector<4x32x128xi32>
    %roll3A_1999 = arith.constant 32 : i32
    %roll3A_2000 = tpu.dynamic_rotate %select_n3A_1976 by %roll3A_1999 dim 2 : vector<4x32x128xi32>, i32 -> vector<4x32x128xi32>
    %select_n3A_2001 = arith.select %eq3A_1982, %roll3A_1998, %roll3A_2000 : vector<4x32x128xi1>, vector<4x32x128xi32>
    %gt3A_2002 = arith.cmpf ogt, %select_n3A_1975, %select_n3A_1996 : vector<4x32x128xf32>
    %eq3A_2003 = arith.cmpf oeq, %select_n3A_1975, %select_n3A_1996 : vector<4x32x128xf32>
    %lt3A_2004 = arith.cmpi slt, %select_n3A_1976, %select_n3A_2001 : vector<4x32x128xi32>
    %and3A_2005 = arith.andi %eq3A_2003, %lt3A_2004 : vector<4x32x128xi1>
    %or3A_2006 = arith.ori %gt3A_2002, %and3A_2005 : vector<4x32x128xi1>
    %xor3A_2007 = arith.xori %or3A_2006, %eq3A_1991 : vector<4x32x128xi1>
    %select_n3A_2008 = arith.select %xor3A_2007, %select_n3A_1975, %select_n3A_1996 : vector<4x32x128xi1>, vector<4x32x128xf32>
    %select_n3A_2009 = arith.select %xor3A_2007, %select_n3A_1976, %select_n3A_2001 : vector<4x32x128xi1>, vector<4x32x128xi32>
    %and3A_2010 = arith.constant 16 : i32
    %and3A_2011 = vector.broadcast %and3A_2010 : i32 to vector<4x32x128xi32>
    %and3A_2012 = arith.andi %add3A, %and3A_2011 : vector<4x32x128xi32>
    %eq3A_2013 = arith.constant 0 : i32
    %eq3A_2014 = vector.broadcast %eq3A_2013 : i32 to vector<4x32x128xi32>
    %eq3A_2015 = arith.cmpi eq, %and3A_2012, %eq3A_2014 : vector<4x32x128xi32>
    %and3A_2016 = arith.constant 2048 : i32
    %and3A_2017 = vector.broadcast %and3A_2016 : i32 to vector<4x32x128xi32>
    %and3A_2018 = arith.andi %add3A, %and3A_2017 : vector<4x32x128xi32>
    %ne3A_2019 = arith.constant 0 : i32
    %ne3A_2020 = vector.broadcast %ne3A_2019 : i32 to vector<4x32x128xi32>
    %ne3A_2021 = arith.cmpi ne, %and3A_2018, %ne3A_2020 : vector<4x32x128xi32>
    %eq3A_2022 = arith.xori %eq3A_2015, %ne3A_2021 : vector<4x32x128xi1>
    %eq3A_2023 = arith.constant dense<true> : vector<4x32x128xi1>
    %eq3A_2024 = arith.xori %eq3A_2022, %eq3A_2023 : vector<4x32x128xi1>
    %roll3A_2025 = arith.constant 112 : i32
    %roll3A_2026 = tpu.dynamic_rotate %select_n3A_2008 by %roll3A_2025 dim 2 : vector<4x32x128xf32>, i32 -> vector<4x32x128xf32>
    %roll3A_2027 = arith.constant 16 : i32
    %roll3A_2028 = tpu.dynamic_rotate %select_n3A_2008 by %roll3A_2027 dim 2 : vector<4x32x128xf32>, i32 -> vector<4x32x128xf32>
    %select_n3A_2029 = arith.select %eq3A_2015, %roll3A_2026, %roll3A_2028 : vector<4x32x128xi1>, vector<4x32x128xf32>
    %roll3A_2030 = arith.constant 112 : i32
    %roll3A_2031 = tpu.dynamic_rotate %select_n3A_2009 by %roll3A_2030 dim 2 : vector<4x32x128xi32>, i32 -> vector<4x32x128xi32>
    %roll3A_2032 = arith.constant 16 : i32
    %roll3A_2033 = tpu.dynamic_rotate %select_n3A_2009 by %roll3A_2032 dim 2 : vector<4x32x128xi32>, i32 -> vector<4x32x128xi32>
    %select_n3A_2034 = arith.select %eq3A_2015, %roll3A_2031, %roll3A_2033 : vector<4x32x128xi1>, vector<4x32x128xi32>
    %gt3A_2035 = arith.cmpf ogt, %select_n3A_2008, %select_n3A_2029 : vector<4x32x128xf32>
    %eq3A_2036 = arith.cmpf oeq, %select_n3A_2008, %select_n3A_2029 : vector<4x32x128xf32>
    %lt3A_2037 = arith.cmpi slt, %select_n3A_2009, %select_n3A_2034 : vector<4x32x128xi32>
    %and3A_2038 = arith.andi %eq3A_2036, %lt3A_2037 : vector<4x32x128xi1>
    %or3A_2039 = arith.ori %gt3A_2035, %and3A_2038 : vector<4x32x128xi1>
    %xor3A_2040 = arith.xori %or3A_2039, %eq3A_2024 : vector<4x32x128xi1>
    %select_n3A_2041 = arith.select %xor3A_2040, %select_n3A_2008, %select_n3A_2029 : vector<4x32x128xi1>, vector<4x32x128xf32>
    %select_n3A_2042 = arith.select %xor3A_2040, %select_n3A_2009, %select_n3A_2034 : vector<4x32x128xi1>, vector<4x32x128xi32>
    %and3A_2043 = arith.constant 8 : i32
    %and3A_2044 = vector.broadcast %and3A_2043 : i32 to vector<4x32x128xi32>
    %and3A_2045 = arith.andi %add3A, %and3A_2044 : vector<4x32x128xi32>
    %eq3A_2046 = arith.constant 0 : i32
    %eq3A_2047 = vector.broadcast %eq3A_2046 : i32 to vector<4x32x128xi32>
    %eq3A_2048 = arith.cmpi eq, %and3A_2045, %eq3A_2047 : vector<4x32x128xi32>
    %and3A_2049 = arith.constant 2048 : i32
    %and3A_2050 = vector.broadcast %and3A_2049 : i32 to vector<4x32x128xi32>
    %and3A_2051 = arith.andi %add3A, %and3A_2050 : vector<4x32x128xi32>
    %ne3A_2052 = arith.constant 0 : i32
    %ne3A_2053 = vector.broadcast %ne3A_2052 : i32 to vector<4x32x128xi32>
    %ne3A_2054 = arith.cmpi ne, %and3A_2051, %ne3A_2053 : vector<4x32x128xi32>
    %eq3A_2055 = arith.xori %eq3A_2048, %ne3A_2054 : vector<4x32x128xi1>
    %eq3A_2056 = arith.constant dense<true> : vector<4x32x128xi1>
    %eq3A_2057 = arith.xori %eq3A_2055, %eq3A_2056 : vector<4x32x128xi1>
    %roll3A_2058 = arith.constant 120 : i32
    %roll3A_2059 = tpu.dynamic_rotate %select_n3A_2041 by %roll3A_2058 dim 2 : vector<4x32x128xf32>, i32 -> vector<4x32x128xf32>
    %roll3A_2060 = arith.constant 8 : i32
    %roll3A_2061 = tpu.dynamic_rotate %select_n3A_2041 by %roll3A_2060 dim 2 : vector<4x32x128xf32>, i32 -> vector<4x32x128xf32>
    %select_n3A_2062 = arith.select %eq3A_2048, %roll3A_2059, %roll3A_2061 : vector<4x32x128xi1>, vector<4x32x128xf32>
    %roll3A_2063 = arith.constant 120 : i32
    %roll3A_2064 = tpu.dynamic_rotate %select_n3A_2042 by %roll3A_2063 dim 2 : vector<4x32x128xi32>, i32 -> vector<4x32x128xi32>
    %roll3A_2065 = arith.constant 8 : i32
    %roll3A_2066 = tpu.dynamic_rotate %select_n3A_2042 by %roll3A_2065 dim 2 : vector<4x32x128xi32>, i32 -> vector<4x32x128xi32>
    %select_n3A_2067 = arith.select %eq3A_2048, %roll3A_2064, %roll3A_2066 : vector<4x32x128xi1>, vector<4x32x128xi32>
    %gt3A_2068 = arith.cmpf ogt, %select_n3A_2041, %select_n3A_2062 : vector<4x32x128xf32>
    %eq3A_2069 = arith.cmpf oeq, %select_n3A_2041, %select_n3A_2062 : vector<4x32x128xf32>
    %lt3A_2070 = arith.cmpi slt, %select_n3A_2042, %select_n3A_2067 : vector<4x32x128xi32>
    %and3A_2071 = arith.andi %eq3A_2069, %lt3A_2070 : vector<4x32x128xi1>
    %or3A_2072 = arith.ori %gt3A_2068, %and3A_2071 : vector<4x32x128xi1>
    %xor3A_2073 = arith.xori %or3A_2072, %eq3A_2057 : vector<4x32x128xi1>
    %select_n3A_2074 = arith.select %xor3A_2073, %select_n3A_2041, %select_n3A_2062 : vector<4x32x128xi1>, vector<4x32x128xf32>
    %select_n3A_2075 = arith.select %xor3A_2073, %select_n3A_2042, %select_n3A_2067 : vector<4x32x128xi1>, vector<4x32x128xi32>
    %and3A_2076 = arith.constant 4 : i32
    %and3A_2077 = vector.broadcast %and3A_2076 : i32 to vector<4x32x128xi32>
    %and3A_2078 = arith.andi %add3A, %and3A_2077 : vector<4x32x128xi32>
    %eq3A_2079 = arith.constant 0 : i32
    %eq3A_2080 = vector.broadcast %eq3A_2079 : i32 to vector<4x32x128xi32>
    %eq3A_2081 = arith.cmpi eq, %and3A_2078, %eq3A_2080 : vector<4x32x128xi32>
    %and3A_2082 = arith.constant 2048 : i32
    %and3A_2083 = vector.broadcast %and3A_2082 : i32 to vector<4x32x128xi32>
    %and3A_2084 = arith.andi %add3A, %and3A_2083 : vector<4x32x128xi32>
    %ne3A_2085 = arith.constant 0 : i32
    %ne3A_2086 = vector.broadcast %ne3A_2085 : i32 to vector<4x32x128xi32>
    %ne3A_2087 = arith.cmpi ne, %and3A_2084, %ne3A_2086 : vector<4x32x128xi32>
    %eq3A_2088 = arith.xori %eq3A_2081, %ne3A_2087 : vector<4x32x128xi1>
    %eq3A_2089 = arith.constant dense<true> : vector<4x32x128xi1>
    %eq3A_2090 = arith.xori %eq3A_2088, %eq3A_2089 : vector<4x32x128xi1>
    %roll3A_2091 = arith.constant 124 : i32
    %roll3A_2092 = tpu.dynamic_rotate %select_n3A_2074 by %roll3A_2091 dim 2 : vector<4x32x128xf32>, i32 -> vector<4x32x128xf32>
    %roll3A_2093 = arith.constant 4 : i32
    %roll3A_2094 = tpu.dynamic_rotate %select_n3A_2074 by %roll3A_2093 dim 2 : vector<4x32x128xf32>, i32 -> vector<4x32x128xf32>
    %select_n3A_2095 = arith.select %eq3A_2081, %roll3A_2092, %roll3A_2094 : vector<4x32x128xi1>, vector<4x32x128xf32>
    %roll3A_2096 = arith.constant 124 : i32
    %roll3A_2097 = tpu.dynamic_rotate %select_n3A_2075 by %roll3A_2096 dim 2 : vector<4x32x128xi32>, i32 -> vector<4x32x128xi32>
    %roll3A_2098 = arith.constant 4 : i32
    %roll3A_2099 = tpu.dynamic_rotate %select_n3A_2075 by %roll3A_2098 dim 2 : vector<4x32x128xi32>, i32 -> vector<4x32x128xi32>
    %select_n3A_2100 = arith.select %eq3A_2081, %roll3A_2097, %roll3A_2099 : vector<4x32x128xi1>, vector<4x32x128xi32>
    %gt3A_2101 = arith.cmpf ogt, %select_n3A_2074, %select_n3A_2095 : vector<4x32x128xf32>
    %eq3A_2102 = arith.cmpf oeq, %select_n3A_2074, %select_n3A_2095 : vector<4x32x128xf32>
    %lt3A_2103 = arith.cmpi slt, %select_n3A_2075, %select_n3A_2100 : vector<4x32x128xi32>
    %and3A_2104 = arith.andi %eq3A_2102, %lt3A_2103 : vector<4x32x128xi1>
    %or3A_2105 = arith.ori %gt3A_2101, %and3A_2104 : vector<4x32x128xi1>
    %xor3A_2106 = arith.xori %or3A_2105, %eq3A_2090 : vector<4x32x128xi1>
    %select_n3A_2107 = arith.select %xor3A_2106, %select_n3A_2074, %select_n3A_2095 : vector<4x32x128xi1>, vector<4x32x128xf32>
    %select_n3A_2108 = arith.select %xor3A_2106, %select_n3A_2075, %select_n3A_2100 : vector<4x32x128xi1>, vector<4x32x128xi32>
    %and3A_2109 = arith.constant 2 : i32
    %and3A_2110 = vector.broadcast %and3A_2109 : i32 to vector<4x32x128xi32>
    %and3A_2111 = arith.andi %add3A, %and3A_2110 : vector<4x32x128xi32>
    %eq3A_2112 = arith.constant 0 : i32
    %eq3A_2113 = vector.broadcast %eq3A_2112 : i32 to vector<4x32x128xi32>
    %eq3A_2114 = arith.cmpi eq, %and3A_2111, %eq3A_2113 : vector<4x32x128xi32>
    %and3A_2115 = arith.constant 2048 : i32
    %and3A_2116 = vector.broadcast %and3A_2115 : i32 to vector<4x32x128xi32>
    %and3A_2117 = arith.andi %add3A, %and3A_2116 : vector<4x32x128xi32>
    %ne3A_2118 = arith.constant 0 : i32
    %ne3A_2119 = vector.broadcast %ne3A_2118 : i32 to vector<4x32x128xi32>
    %ne3A_2120 = arith.cmpi ne, %and3A_2117, %ne3A_2119 : vector<4x32x128xi32>
    %eq3A_2121 = arith.xori %eq3A_2114, %ne3A_2120 : vector<4x32x128xi1>
    %eq3A_2122 = arith.constant dense<true> : vector<4x32x128xi1>
    %eq3A_2123 = arith.xori %eq3A_2121, %eq3A_2122 : vector<4x32x128xi1>
    %roll3A_2124 = arith.constant 126 : i32
    %roll3A_2125 = tpu.dynamic_rotate %select_n3A_2107 by %roll3A_2124 dim 2 : vector<4x32x128xf32>, i32 -> vector<4x32x128xf32>
    %roll3A_2126 = arith.constant 2 : i32
    %roll3A_2127 = tpu.dynamic_rotate %select_n3A_2107 by %roll3A_2126 dim 2 : vector<4x32x128xf32>, i32 -> vector<4x32x128xf32>
    %select_n3A_2128 = arith.select %eq3A_2114, %roll3A_2125, %roll3A_2127 : vector<4x32x128xi1>, vector<4x32x128xf32>
    %roll3A_2129 = arith.constant 126 : i32
    %roll3A_2130 = tpu.dynamic_rotate %select_n3A_2108 by %roll3A_2129 dim 2 : vector<4x32x128xi32>, i32 -> vector<4x32x128xi32>
    %roll3A_2131 = arith.constant 2 : i32
    %roll3A_2132 = tpu.dynamic_rotate %select_n3A_2108 by %roll3A_2131 dim 2 : vector<4x32x128xi32>, i32 -> vector<4x32x128xi32>
    %select_n3A_2133 = arith.select %eq3A_2114, %roll3A_2130, %roll3A_2132 : vector<4x32x128xi1>, vector<4x32x128xi32>
    %gt3A_2134 = arith.cmpf ogt, %select_n3A_2107, %select_n3A_2128 : vector<4x32x128xf32>
    %eq3A_2135 = arith.cmpf oeq, %select_n3A_2107, %select_n3A_2128 : vector<4x32x128xf32>
    %lt3A_2136 = arith.cmpi slt, %select_n3A_2108, %select_n3A_2133 : vector<4x32x128xi32>
    %and3A_2137 = arith.andi %eq3A_2135, %lt3A_2136 : vector<4x32x128xi1>
    %or3A_2138 = arith.ori %gt3A_2134, %and3A_2137 : vector<4x32x128xi1>
    %xor3A_2139 = arith.xori %or3A_2138, %eq3A_2123 : vector<4x32x128xi1>
    %select_n3A_2140 = arith.select %xor3A_2139, %select_n3A_2107, %select_n3A_2128 : vector<4x32x128xi1>, vector<4x32x128xf32>
    %select_n3A_2141 = arith.select %xor3A_2139, %select_n3A_2108, %select_n3A_2133 : vector<4x32x128xi1>, vector<4x32x128xi32>
    %and3A_2142 = arith.constant 1 : i32
    %and3A_2143 = vector.broadcast %and3A_2142 : i32 to vector<4x32x128xi32>
    %and3A_2144 = arith.andi %add3A, %and3A_2143 : vector<4x32x128xi32>
    %eq3A_2145 = arith.constant 0 : i32
    %eq3A_2146 = vector.broadcast %eq3A_2145 : i32 to vector<4x32x128xi32>
    %eq3A_2147 = arith.cmpi eq, %and3A_2144, %eq3A_2146 : vector<4x32x128xi32>
    %and3A_2148 = arith.constant 2048 : i32
    %and3A_2149 = vector.broadcast %and3A_2148 : i32 to vector<4x32x128xi32>
    %and3A_2150 = arith.andi %add3A, %and3A_2149 : vector<4x32x128xi32>
    %ne3A_2151 = arith.constant 0 : i32
    %ne3A_2152 = vector.broadcast %ne3A_2151 : i32 to vector<4x32x128xi32>
    %ne3A_2153 = arith.cmpi ne, %and3A_2150, %ne3A_2152 : vector<4x32x128xi32>
    %eq3A_2154 = arith.xori %eq3A_2147, %ne3A_2153 : vector<4x32x128xi1>
    %eq3A_2155 = arith.constant dense<true> : vector<4x32x128xi1>
    %eq3A_2156 = arith.xori %eq3A_2154, %eq3A_2155 : vector<4x32x128xi1>
    %roll3A_2157 = arith.constant 127 : i32
    %roll3A_2158 = tpu.dynamic_rotate %select_n3A_2140 by %roll3A_2157 dim 2 : vector<4x32x128xf32>, i32 -> vector<4x32x128xf32>
    %roll3A_2159 = arith.constant 1 : i32
    %roll3A_2160 = tpu.dynamic_rotate %select_n3A_2140 by %roll3A_2159 dim 2 : vector<4x32x128xf32>, i32 -> vector<4x32x128xf32>
    %select_n3A_2161 = arith.select %eq3A_2147, %roll3A_2158, %roll3A_2160 : vector<4x32x128xi1>, vector<4x32x128xf32>
    %roll3A_2162 = arith.constant 127 : i32
    %roll3A_2163 = tpu.dynamic_rotate %select_n3A_2141 by %roll3A_2162 dim 2 : vector<4x32x128xi32>, i32 -> vector<4x32x128xi32>
    %roll3A_2164 = arith.constant 1 : i32
    %roll3A_2165 = tpu.dynamic_rotate %select_n3A_2141 by %roll3A_2164 dim 2 : vector<4x32x128xi32>, i32 -> vector<4x32x128xi32>
    %select_n3A_2166 = arith.select %eq3A_2147, %roll3A_2163, %roll3A_2165 : vector<4x32x128xi1>, vector<4x32x128xi32>
    %gt3A_2167 = arith.cmpf ogt, %select_n3A_2140, %select_n3A_2161 : vector<4x32x128xf32>
    %eq3A_2168 = arith.cmpf oeq, %select_n3A_2140, %select_n3A_2161 : vector<4x32x128xf32>
    %lt3A_2169 = arith.cmpi slt, %select_n3A_2141, %select_n3A_2166 : vector<4x32x128xi32>
    %and3A_2170 = arith.andi %eq3A_2168, %lt3A_2169 : vector<4x32x128xi1>
    %or3A_2171 = arith.ori %gt3A_2167, %and3A_2170 : vector<4x32x128xi1>
    %xor3A_2172 = arith.xori %or3A_2171, %eq3A_2156 : vector<4x32x128xi1>
    %select_n3A_2173 = arith.select %xor3A_2172, %select_n3A_2140, %select_n3A_2161 : vector<4x32x128xi1>, vector<4x32x128xf32>
    %select_n3A_2174 = arith.select %xor3A_2172, %select_n3A_2141, %select_n3A_2166 : vector<4x32x128xi1>, vector<4x32x128xi32>
    %and3A_2175 = arith.constant 2048 : i32
    %and3A_2176 = vector.broadcast %and3A_2175 : i32 to vector<4x32x128xi32>
    %and3A_2177 = arith.andi %add3A, %and3A_2176 : vector<4x32x128xi32>
    %eq3A_2178 = arith.constant 0 : i32
    %eq3A_2179 = vector.broadcast %eq3A_2178 : i32 to vector<4x32x128xi32>
    %eq3A_2180 = arith.cmpi eq, %and3A_2177, %eq3A_2179 : vector<4x32x128xi32>
    %and3A_2181 = arith.constant 4096 : i32
    %and3A_2182 = vector.broadcast %and3A_2181 : i32 to vector<4x32x128xi32>
    %and3A_2183 = arith.andi %add3A, %and3A_2182 : vector<4x32x128xi32>
    %ne3A_2184 = arith.constant 0 : i32
    %ne3A_2185 = vector.broadcast %ne3A_2184 : i32 to vector<4x32x128xi32>
    %ne3A_2186 = arith.cmpi ne, %and3A_2183, %ne3A_2185 : vector<4x32x128xi32>
    %eq3A_2187 = arith.xori %eq3A_2180, %ne3A_2186 : vector<4x32x128xi1>
    %eq3A_2188 = arith.constant dense<true> : vector<4x32x128xi1>
    %eq3A_2189 = arith.xori %eq3A_2187, %eq3A_2188 : vector<4x32x128xi1>
    %roll3A_2190 = arith.constant 16 : i32
    %roll3A_2191 = tpu.dynamic_rotate %select_n3A_2173 by %roll3A_2190 dim 1 : vector<4x32x128xf32>, i32 -> vector<4x32x128xf32>
    %roll3A_2192 = arith.constant 16 : i32
    %roll3A_2193 = tpu.dynamic_rotate %select_n3A_2173 by %roll3A_2192 dim 1 : vector<4x32x128xf32>, i32 -> vector<4x32x128xf32>
    %select_n3A_2194 = arith.select %eq3A_2180, %roll3A_2191, %roll3A_2193 : vector<4x32x128xi1>, vector<4x32x128xf32>
    %roll3A_2195 = arith.constant 16 : i32
    %roll3A_2196 = tpu.dynamic_rotate %select_n3A_2174 by %roll3A_2195 dim 1 : vector<4x32x128xi32>, i32 -> vector<4x32x128xi32>
    %roll3A_2197 = arith.constant 16 : i32
    %roll3A_2198 = tpu.dynamic_rotate %select_n3A_2174 by %roll3A_2197 dim 1 : vector<4x32x128xi32>, i32 -> vector<4x32x128xi32>
    %select_n3A_2199 = arith.select %eq3A_2180, %roll3A_2196, %roll3A_2198 : vector<4x32x128xi1>, vector<4x32x128xi32>
    %gt3A_2200 = arith.cmpf ogt, %select_n3A_2173, %select_n3A_2194 : vector<4x32x128xf32>
    %eq3A_2201 = arith.cmpf oeq, %select_n3A_2173, %select_n3A_2194 : vector<4x32x128xf32>
    %lt3A_2202 = arith.cmpi slt, %select_n3A_2174, %select_n3A_2199 : vector<4x32x128xi32>
    %and3A_2203 = arith.andi %eq3A_2201, %lt3A_2202 : vector<4x32x128xi1>
    %or3A_2204 = arith.ori %gt3A_2200, %and3A_2203 : vector<4x32x128xi1>
    %xor3A_2205 = arith.xori %or3A_2204, %eq3A_2189 : vector<4x32x128xi1>
    %select_n3A_2206 = arith.select %xor3A_2205, %select_n3A_2173, %select_n3A_2194 : vector<4x32x128xi1>, vector<4x32x128xf32>
    %select_n3A_2207 = arith.select %xor3A_2205, %select_n3A_2174, %select_n3A_2199 : vector<4x32x128xi1>, vector<4x32x128xi32>
    %and3A_2208 = arith.constant 1024 : i32
    %and3A_2209 = vector.broadcast %and3A_2208 : i32 to vector<4x32x128xi32>
    %and3A_2210 = arith.andi %add3A, %and3A_2209 : vector<4x32x128xi32>
    %eq3A_2211 = arith.constant 0 : i32
    %eq3A_2212 = vector.broadcast %eq3A_2211 : i32 to vector<4x32x128xi32>
    %eq3A_2213 = arith.cmpi eq, %and3A_2210, %eq3A_2212 : vector<4x32x128xi32>
    %and3A_2214 = arith.constant 4096 : i32
    %and3A_2215 = vector.broadcast %and3A_2214 : i32 to vector<4x32x128xi32>
    %and3A_2216 = arith.andi %add3A, %and3A_2215 : vector<4x32x128xi32>
    %ne3A_2217 = arith.constant 0 : i32
    %ne3A_2218 = vector.broadcast %ne3A_2217 : i32 to vector<4x32x128xi32>
    %ne3A_2219 = arith.cmpi ne, %and3A_2216, %ne3A_2218 : vector<4x32x128xi32>
    %eq3A_2220 = arith.xori %eq3A_2213, %ne3A_2219 : vector<4x32x128xi1>
    %eq3A_2221 = arith.constant dense<true> : vector<4x32x128xi1>
    %eq3A_2222 = arith.xori %eq3A_2220, %eq3A_2221 : vector<4x32x128xi1>
    %roll3A_2223 = arith.constant 24 : i32
    %roll3A_2224 = tpu.dynamic_rotate %select_n3A_2206 by %roll3A_2223 dim 1 : vector<4x32x128xf32>, i32 -> vector<4x32x128xf32>
    %roll3A_2225 = arith.constant 8 : i32
    %roll3A_2226 = tpu.dynamic_rotate %select_n3A_2206 by %roll3A_2225 dim 1 : vector<4x32x128xf32>, i32 -> vector<4x32x128xf32>
    %select_n3A_2227 = arith.select %eq3A_2213, %roll3A_2224, %roll3A_2226 : vector<4x32x128xi1>, vector<4x32x128xf32>
    %roll3A_2228 = arith.constant 24 : i32
    %roll3A_2229 = tpu.dynamic_rotate %select_n3A_2207 by %roll3A_2228 dim 1 : vector<4x32x128xi32>, i32 -> vector<4x32x128xi32>
    %roll3A_2230 = arith.constant 8 : i32
    %roll3A_2231 = tpu.dynamic_rotate %select_n3A_2207 by %roll3A_2230 dim 1 : vector<4x32x128xi32>, i32 -> vector<4x32x128xi32>
    %select_n3A_2232 = arith.select %eq3A_2213, %roll3A_2229, %roll3A_2231 : vector<4x32x128xi1>, vector<4x32x128xi32>
    %gt3A_2233 = arith.cmpf ogt, %select_n3A_2206, %select_n3A_2227 : vector<4x32x128xf32>
    %eq3A_2234 = arith.cmpf oeq, %select_n3A_2206, %select_n3A_2227 : vector<4x32x128xf32>
    %lt3A_2235 = arith.cmpi slt, %select_n3A_2207, %select_n3A_2232 : vector<4x32x128xi32>
    %and3A_2236 = arith.andi %eq3A_2234, %lt3A_2235 : vector<4x32x128xi1>
    %or3A_2237 = arith.ori %gt3A_2233, %and3A_2236 : vector<4x32x128xi1>
    %xor3A_2238 = arith.xori %or3A_2237, %eq3A_2222 : vector<4x32x128xi1>
    %select_n3A_2239 = arith.select %xor3A_2238, %select_n3A_2206, %select_n3A_2227 : vector<4x32x128xi1>, vector<4x32x128xf32>
    %select_n3A_2240 = arith.select %xor3A_2238, %select_n3A_2207, %select_n3A_2232 : vector<4x32x128xi1>, vector<4x32x128xi32>
    %and3A_2241 = arith.constant 512 : i32
    %and3A_2242 = vector.broadcast %and3A_2241 : i32 to vector<4x32x128xi32>
    %and3A_2243 = arith.andi %add3A, %and3A_2242 : vector<4x32x128xi32>
    %eq3A_2244 = arith.constant 0 : i32
    %eq3A_2245 = vector.broadcast %eq3A_2244 : i32 to vector<4x32x128xi32>
    %eq3A_2246 = arith.cmpi eq, %and3A_2243, %eq3A_2245 : vector<4x32x128xi32>
    %and3A_2247 = arith.constant 4096 : i32
    %and3A_2248 = vector.broadcast %and3A_2247 : i32 to vector<4x32x128xi32>
    %and3A_2249 = arith.andi %add3A, %and3A_2248 : vector<4x32x128xi32>
    %ne3A_2250 = arith.constant 0 : i32
    %ne3A_2251 = vector.broadcast %ne3A_2250 : i32 to vector<4x32x128xi32>
    %ne3A_2252 = arith.cmpi ne, %and3A_2249, %ne3A_2251 : vector<4x32x128xi32>
    %eq3A_2253 = arith.xori %eq3A_2246, %ne3A_2252 : vector<4x32x128xi1>
    %eq3A_2254 = arith.constant dense<true> : vector<4x32x128xi1>
    %eq3A_2255 = arith.xori %eq3A_2253, %eq3A_2254 : vector<4x32x128xi1>
    %roll3A_2256 = arith.constant 28 : i32
    %roll3A_2257 = tpu.dynamic_rotate %select_n3A_2239 by %roll3A_2256 dim 1 : vector<4x32x128xf32>, i32 -> vector<4x32x128xf32>
    %roll3A_2258 = arith.constant 4 : i32
    %roll3A_2259 = tpu.dynamic_rotate %select_n3A_2239 by %roll3A_2258 dim 1 : vector<4x32x128xf32>, i32 -> vector<4x32x128xf32>
    %select_n3A_2260 = arith.select %eq3A_2246, %roll3A_2257, %roll3A_2259 : vector<4x32x128xi1>, vector<4x32x128xf32>
    %roll3A_2261 = arith.constant 28 : i32
    %roll3A_2262 = tpu.dynamic_rotate %select_n3A_2240 by %roll3A_2261 dim 1 : vector<4x32x128xi32>, i32 -> vector<4x32x128xi32>
    %roll3A_2263 = arith.constant 4 : i32
    %roll3A_2264 = tpu.dynamic_rotate %select_n3A_2240 by %roll3A_2263 dim 1 : vector<4x32x128xi32>, i32 -> vector<4x32x128xi32>
    %select_n3A_2265 = arith.select %eq3A_2246, %roll3A_2262, %roll3A_2264 : vector<4x32x128xi1>, vector<4x32x128xi32>
    %gt3A_2266 = arith.cmpf ogt, %select_n3A_2239, %select_n3A_2260 : vector<4x32x128xf32>
    %eq3A_2267 = arith.cmpf oeq, %select_n3A_2239, %select_n3A_2260 : vector<4x32x128xf32>
    %lt3A_2268 = arith.cmpi slt, %select_n3A_2240, %select_n3A_2265 : vector<4x32x128xi32>
    %and3A_2269 = arith.andi %eq3A_2267, %lt3A_2268 : vector<4x32x128xi1>
    %or3A_2270 = arith.ori %gt3A_2266, %and3A_2269 : vector<4x32x128xi1>
    %xor3A_2271 = arith.xori %or3A_2270, %eq3A_2255 : vector<4x32x128xi1>
    %select_n3A_2272 = arith.select %xor3A_2271, %select_n3A_2239, %select_n3A_2260 : vector<4x32x128xi1>, vector<4x32x128xf32>
    %select_n3A_2273 = arith.select %xor3A_2271, %select_n3A_2240, %select_n3A_2265 : vector<4x32x128xi1>, vector<4x32x128xi32>
    %and3A_2274 = arith.constant 256 : i32
    %and3A_2275 = vector.broadcast %and3A_2274 : i32 to vector<4x32x128xi32>
    %and3A_2276 = arith.andi %add3A, %and3A_2275 : vector<4x32x128xi32>
    %eq3A_2277 = arith.constant 0 : i32
    %eq3A_2278 = vector.broadcast %eq3A_2277 : i32 to vector<4x32x128xi32>
    %eq3A_2279 = arith.cmpi eq, %and3A_2276, %eq3A_2278 : vector<4x32x128xi32>
    %and3A_2280 = arith.constant 4096 : i32
    %and3A_2281 = vector.broadcast %and3A_2280 : i32 to vector<4x32x128xi32>
    %and3A_2282 = arith.andi %add3A, %and3A_2281 : vector<4x32x128xi32>
    %ne3A_2283 = arith.constant 0 : i32
    %ne3A_2284 = vector.broadcast %ne3A_2283 : i32 to vector<4x32x128xi32>
    %ne3A_2285 = arith.cmpi ne, %and3A_2282, %ne3A_2284 : vector<4x32x128xi32>
    %eq3A_2286 = arith.xori %eq3A_2279, %ne3A_2285 : vector<4x32x128xi1>
    %eq3A_2287 = arith.constant dense<true> : vector<4x32x128xi1>
    %eq3A_2288 = arith.xori %eq3A_2286, %eq3A_2287 : vector<4x32x128xi1>
    %roll3A_2289 = arith.constant 30 : i32
    %roll3A_2290 = tpu.dynamic_rotate %select_n3A_2272 by %roll3A_2289 dim 1 : vector<4x32x128xf32>, i32 -> vector<4x32x128xf32>
    %roll3A_2291 = arith.constant 2 : i32
    %roll3A_2292 = tpu.dynamic_rotate %select_n3A_2272 by %roll3A_2291 dim 1 : vector<4x32x128xf32>, i32 -> vector<4x32x128xf32>
    %select_n3A_2293 = arith.select %eq3A_2279, %roll3A_2290, %roll3A_2292 : vector<4x32x128xi1>, vector<4x32x128xf32>
    %roll3A_2294 = arith.constant 30 : i32
    %roll3A_2295 = tpu.dynamic_rotate %select_n3A_2273 by %roll3A_2294 dim 1 : vector<4x32x128xi32>, i32 -> vector<4x32x128xi32>
    %roll3A_2296 = arith.constant 2 : i32
    %roll3A_2297 = tpu.dynamic_rotate %select_n3A_2273 by %roll3A_2296 dim 1 : vector<4x32x128xi32>, i32 -> vector<4x32x128xi32>
    %select_n3A_2298 = arith.select %eq3A_2279, %roll3A_2295, %roll3A_2297 : vector<4x32x128xi1>, vector<4x32x128xi32>
    %gt3A_2299 = arith.cmpf ogt, %select_n3A_2272, %select_n3A_2293 : vector<4x32x128xf32>
    %eq3A_2300 = arith.cmpf oeq, %select_n3A_2272, %select_n3A_2293 : vector<4x32x128xf32>
    %lt3A_2301 = arith.cmpi slt, %select_n3A_2273, %select_n3A_2298 : vector<4x32x128xi32>
    %and3A_2302 = arith.andi %eq3A_2300, %lt3A_2301 : vector<4x32x128xi1>
    %or3A_2303 = arith.ori %gt3A_2299, %and3A_2302 : vector<4x32x128xi1>
    %xor3A_2304 = arith.xori %or3A_2303, %eq3A_2288 : vector<4x32x128xi1>
    %select_n3A_2305 = arith.select %xor3A_2304, %select_n3A_2272, %select_n3A_2293 : vector<4x32x128xi1>, vector<4x32x128xf32>
    %select_n3A_2306 = arith.select %xor3A_2304, %select_n3A_2273, %select_n3A_2298 : vector<4x32x128xi1>, vector<4x32x128xi32>
    %and3A_2307 = arith.constant 128 : i32
    %and3A_2308 = vector.broadcast %and3A_2307 : i32 to vector<4x32x128xi32>
    %and3A_2309 = arith.andi %add3A, %and3A_2308 : vector<4x32x128xi32>
    %eq3A_2310 = arith.constant 0 : i32
    %eq3A_2311 = vector.broadcast %eq3A_2310 : i32 to vector<4x32x128xi32>
    %eq3A_2312 = arith.cmpi eq, %and3A_2309, %eq3A_2311 : vector<4x32x128xi32>
    %and3A_2313 = arith.constant 4096 : i32
    %and3A_2314 = vector.broadcast %and3A_2313 : i32 to vector<4x32x128xi32>
    %and3A_2315 = arith.andi %add3A, %and3A_2314 : vector<4x32x128xi32>
    %ne3A_2316 = arith.constant 0 : i32
    %ne3A_2317 = vector.broadcast %ne3A_2316 : i32 to vector<4x32x128xi32>
    %ne3A_2318 = arith.cmpi ne, %and3A_2315, %ne3A_2317 : vector<4x32x128xi32>
    %eq3A_2319 = arith.xori %eq3A_2312, %ne3A_2318 : vector<4x32x128xi1>
    %eq3A_2320 = arith.constant dense<true> : vector<4x32x128xi1>
    %eq3A_2321 = arith.xori %eq3A_2319, %eq3A_2320 : vector<4x32x128xi1>
    %roll3A_2322 = arith.constant 31 : i32
    %roll3A_2323 = tpu.dynamic_rotate %select_n3A_2305 by %roll3A_2322 dim 1 : vector<4x32x128xf32>, i32 -> vector<4x32x128xf32>
    %roll3A_2324 = arith.constant 1 : i32
    %roll3A_2325 = tpu.dynamic_rotate %select_n3A_2305 by %roll3A_2324 dim 1 : vector<4x32x128xf32>, i32 -> vector<4x32x128xf32>
    %select_n3A_2326 = arith.select %eq3A_2312, %roll3A_2323, %roll3A_2325 : vector<4x32x128xi1>, vector<4x32x128xf32>
    %roll3A_2327 = arith.constant 31 : i32
    %roll3A_2328 = tpu.dynamic_rotate %select_n3A_2306 by %roll3A_2327 dim 1 : vector<4x32x128xi32>, i32 -> vector<4x32x128xi32>
    %roll3A_2329 = arith.constant 1 : i32
    %roll3A_2330 = tpu.dynamic_rotate %select_n3A_2306 by %roll3A_2329 dim 1 : vector<4x32x128xi32>, i32 -> vector<4x32x128xi32>
    %select_n3A_2331 = arith.select %eq3A_2312, %roll3A_2328, %roll3A_2330 : vector<4x32x128xi1>, vector<4x32x128xi32>
    %gt3A_2332 = arith.cmpf ogt, %select_n3A_2305, %select_n3A_2326 : vector<4x32x128xf32>
    %eq3A_2333 = arith.cmpf oeq, %select_n3A_2305, %select_n3A_2326 : vector<4x32x128xf32>
    %lt3A_2334 = arith.cmpi slt, %select_n3A_2306, %select_n3A_2331 : vector<4x32x128xi32>
    %and3A_2335 = arith.andi %eq3A_2333, %lt3A_2334 : vector<4x32x128xi1>
    %or3A_2336 = arith.ori %gt3A_2332, %and3A_2335 : vector<4x32x128xi1>
    %xor3A_2337 = arith.xori %or3A_2336, %eq3A_2321 : vector<4x32x128xi1>
    %select_n3A_2338 = arith.select %xor3A_2337, %select_n3A_2305, %select_n3A_2326 : vector<4x32x128xi1>, vector<4x32x128xf32>
    %select_n3A_2339 = arith.select %xor3A_2337, %select_n3A_2306, %select_n3A_2331 : vector<4x32x128xi1>, vector<4x32x128xi32>
    %and3A_2340 = arith.constant 64 : i32
    %and3A_2341 = vector.broadcast %and3A_2340 : i32 to vector<4x32x128xi32>
    %and3A_2342 = arith.andi %add3A, %and3A_2341 : vector<4x32x128xi32>
    %eq3A_2343 = arith.constant 0 : i32
    %eq3A_2344 = vector.broadcast %eq3A_2343 : i32 to vector<4x32x128xi32>
    %eq3A_2345 = arith.cmpi eq, %and3A_2342, %eq3A_2344 : vector<4x32x128xi32>
    %and3A_2346 = arith.constant 4096 : i32
    %and3A_2347 = vector.broadcast %and3A_2346 : i32 to vector<4x32x128xi32>
    %and3A_2348 = arith.andi %add3A, %and3A_2347 : vector<4x32x128xi32>
    %ne3A_2349 = arith.constant 0 : i32
    %ne3A_2350 = vector.broadcast %ne3A_2349 : i32 to vector<4x32x128xi32>
    %ne3A_2351 = arith.cmpi ne, %and3A_2348, %ne3A_2350 : vector<4x32x128xi32>
    %eq3A_2352 = arith.xori %eq3A_2345, %ne3A_2351 : vector<4x32x128xi1>
    %eq3A_2353 = arith.constant dense<true> : vector<4x32x128xi1>
    %eq3A_2354 = arith.xori %eq3A_2352, %eq3A_2353 : vector<4x32x128xi1>
    %roll3A_2355 = arith.constant 64 : i32
    %roll3A_2356 = tpu.dynamic_rotate %select_n3A_2338 by %roll3A_2355 dim 2 : vector<4x32x128xf32>, i32 -> vector<4x32x128xf32>
    %roll3A_2357 = arith.constant 64 : i32
    %roll3A_2358 = tpu.dynamic_rotate %select_n3A_2338 by %roll3A_2357 dim 2 : vector<4x32x128xf32>, i32 -> vector<4x32x128xf32>
    %select_n3A_2359 = arith.select %eq3A_2345, %roll3A_2356, %roll3A_2358 : vector<4x32x128xi1>, vector<4x32x128xf32>
    %roll3A_2360 = arith.constant 64 : i32
    %roll3A_2361 = tpu.dynamic_rotate %select_n3A_2339 by %roll3A_2360 dim 2 : vector<4x32x128xi32>, i32 -> vector<4x32x128xi32>
    %roll3A_2362 = arith.constant 64 : i32
    %roll3A_2363 = tpu.dynamic_rotate %select_n3A_2339 by %roll3A_2362 dim 2 : vector<4x32x128xi32>, i32 -> vector<4x32x128xi32>
    %select_n3A_2364 = arith.select %eq3A_2345, %roll3A_2361, %roll3A_2363 : vector<4x32x128xi1>, vector<4x32x128xi32>
    %gt3A_2365 = arith.cmpf ogt, %select_n3A_2338, %select_n3A_2359 : vector<4x32x128xf32>
    %eq3A_2366 = arith.cmpf oeq, %select_n3A_2338, %select_n3A_2359 : vector<4x32x128xf32>
    %lt3A_2367 = arith.cmpi slt, %select_n3A_2339, %select_n3A_2364 : vector<4x32x128xi32>
    %and3A_2368 = arith.andi %eq3A_2366, %lt3A_2367 : vector<4x32x128xi1>
    %or3A_2369 = arith.ori %gt3A_2365, %and3A_2368 : vector<4x32x128xi1>
    %xor3A_2370 = arith.xori %or3A_2369, %eq3A_2354 : vector<4x32x128xi1>
    %select_n3A_2371 = arith.select %xor3A_2370, %select_n3A_2338, %select_n3A_2359 : vector<4x32x128xi1>, vector<4x32x128xf32>
    %select_n3A_2372 = arith.select %xor3A_2370, %select_n3A_2339, %select_n3A_2364 : vector<4x32x128xi1>, vector<4x32x128xi32>
    %and3A_2373 = arith.constant 32 : i32
    %and3A_2374 = vector.broadcast %and3A_2373 : i32 to vector<4x32x128xi32>
    %and3A_2375 = arith.andi %add3A, %and3A_2374 : vector<4x32x128xi32>
    %eq3A_2376 = arith.constant 0 : i32
    %eq3A_2377 = vector.broadcast %eq3A_2376 : i32 to vector<4x32x128xi32>
    %eq3A_2378 = arith.cmpi eq, %and3A_2375, %eq3A_2377 : vector<4x32x128xi32>
    %and3A_2379 = arith.constant 4096 : i32
    %and3A_2380 = vector.broadcast %and3A_2379 : i32 to vector<4x32x128xi32>
    %and3A_2381 = arith.andi %add3A, %and3A_2380 : vector<4x32x128xi32>
    %ne3A_2382 = arith.constant 0 : i32
    %ne3A_2383 = vector.broadcast %ne3A_2382 : i32 to vector<4x32x128xi32>
    %ne3A_2384 = arith.cmpi ne, %and3A_2381, %ne3A_2383 : vector<4x32x128xi32>
    %eq3A_2385 = arith.xori %eq3A_2378, %ne3A_2384 : vector<4x32x128xi1>
    %eq3A_2386 = arith.constant dense<true> : vector<4x32x128xi1>
    %eq3A_2387 = arith.xori %eq3A_2385, %eq3A_2386 : vector<4x32x128xi1>
    %roll3A_2388 = arith.constant 96 : i32
    %roll3A_2389 = tpu.dynamic_rotate %select_n3A_2371 by %roll3A_2388 dim 2 : vector<4x32x128xf32>, i32 -> vector<4x32x128xf32>
    %roll3A_2390 = arith.constant 32 : i32
    %roll3A_2391 = tpu.dynamic_rotate %select_n3A_2371 by %roll3A_2390 dim 2 : vector<4x32x128xf32>, i32 -> vector<4x32x128xf32>
    %select_n3A_2392 = arith.select %eq3A_2378, %roll3A_2389, %roll3A_2391 : vector<4x32x128xi1>, vector<4x32x128xf32>
    %roll3A_2393 = arith.constant 96 : i32
    %roll3A_2394 = tpu.dynamic_rotate %select_n3A_2372 by %roll3A_2393 dim 2 : vector<4x32x128xi32>, i32 -> vector<4x32x128xi32>
    %roll3A_2395 = arith.constant 32 : i32
    %roll3A_2396 = tpu.dynamic_rotate %select_n3A_2372 by %roll3A_2395 dim 2 : vector<4x32x128xi32>, i32 -> vector<4x32x128xi32>
    %select_n3A_2397 = arith.select %eq3A_2378, %roll3A_2394, %roll3A_2396 : vector<4x32x128xi1>, vector<4x32x128xi32>
    %gt3A_2398 = arith.cmpf ogt, %select_n3A_2371, %select_n3A_2392 : vector<4x32x128xf32>
    %eq3A_2399 = arith.cmpf oeq, %select_n3A_2371, %select_n3A_2392 : vector<4x32x128xf32>
    %lt3A_2400 = arith.cmpi slt, %select_n3A_2372, %select_n3A_2397 : vector<4x32x128xi32>
    %and3A_2401 = arith.andi %eq3A_2399, %lt3A_2400 : vector<4x32x128xi1>
    %or3A_2402 = arith.ori %gt3A_2398, %and3A_2401 : vector<4x32x128xi1>
    %xor3A_2403 = arith.xori %or3A_2402, %eq3A_2387 : vector<4x32x128xi1>
    %select_n3A_2404 = arith.select %xor3A_2403, %select_n3A_2371, %select_n3A_2392 : vector<4x32x128xi1>, vector<4x32x128xf32>
    %select_n3A_2405 = arith.select %xor3A_2403, %select_n3A_2372, %select_n3A_2397 : vector<4x32x128xi1>, vector<4x32x128xi32>
    %and3A_2406 = arith.constant 16 : i32
    %and3A_2407 = vector.broadcast %and3A_2406 : i32 to vector<4x32x128xi32>
    %and3A_2408 = arith.andi %add3A, %and3A_2407 : vector<4x32x128xi32>
    %eq3A_2409 = arith.constant 0 : i32
    %eq3A_2410 = vector.broadcast %eq3A_2409 : i32 to vector<4x32x128xi32>
    %eq3A_2411 = arith.cmpi eq, %and3A_2408, %eq3A_2410 : vector<4x32x128xi32>
    %and3A_2412 = arith.constant 4096 : i32
    %and3A_2413 = vector.broadcast %and3A_2412 : i32 to vector<4x32x128xi32>
    %and3A_2414 = arith.andi %add3A, %and3A_2413 : vector<4x32x128xi32>
    %ne3A_2415 = arith.constant 0 : i32
    %ne3A_2416 = vector.broadcast %ne3A_2415 : i32 to vector<4x32x128xi32>
    %ne3A_2417 = arith.cmpi ne, %and3A_2414, %ne3A_2416 : vector<4x32x128xi32>
    %eq3A_2418 = arith.xori %eq3A_2411, %ne3A_2417 : vector<4x32x128xi1>
    %eq3A_2419 = arith.constant dense<true> : vector<4x32x128xi1>
    %eq3A_2420 = arith.xori %eq3A_2418, %eq3A_2419 : vector<4x32x128xi1>
    %roll3A_2421 = arith.constant 112 : i32
    %roll3A_2422 = tpu.dynamic_rotate %select_n3A_2404 by %roll3A_2421 dim 2 : vector<4x32x128xf32>, i32 -> vector<4x32x128xf32>
    %roll3A_2423 = arith.constant 16 : i32
    %roll3A_2424 = tpu.dynamic_rotate %select_n3A_2404 by %roll3A_2423 dim 2 : vector<4x32x128xf32>, i32 -> vector<4x32x128xf32>
    %select_n3A_2425 = arith.select %eq3A_2411, %roll3A_2422, %roll3A_2424 : vector<4x32x128xi1>, vector<4x32x128xf32>
    %roll3A_2426 = arith.constant 112 : i32
    %roll3A_2427 = tpu.dynamic_rotate %select_n3A_2405 by %roll3A_2426 dim 2 : vector<4x32x128xi32>, i32 -> vector<4x32x128xi32>
    %roll3A_2428 = arith.constant 16 : i32
    %roll3A_2429 = tpu.dynamic_rotate %select_n3A_2405 by %roll3A_2428 dim 2 : vector<4x32x128xi32>, i32 -> vector<4x32x128xi32>
    %select_n3A_2430 = arith.select %eq3A_2411, %roll3A_2427, %roll3A_2429 : vector<4x32x128xi1>, vector<4x32x128xi32>
    %gt3A_2431 = arith.cmpf ogt, %select_n3A_2404, %select_n3A_2425 : vector<4x32x128xf32>
    %eq3A_2432 = arith.cmpf oeq, %select_n3A_2404, %select_n3A_2425 : vector<4x32x128xf32>
    %lt3A_2433 = arith.cmpi slt, %select_n3A_2405, %select_n3A_2430 : vector<4x32x128xi32>
    %and3A_2434 = arith.andi %eq3A_2432, %lt3A_2433 : vector<4x32x128xi1>
    %or3A_2435 = arith.ori %gt3A_2431, %and3A_2434 : vector<4x32x128xi1>
    %xor3A_2436 = arith.xori %or3A_2435, %eq3A_2420 : vector<4x32x128xi1>
    %select_n3A_2437 = arith.select %xor3A_2436, %select_n3A_2404, %select_n3A_2425 : vector<4x32x128xi1>, vector<4x32x128xf32>
    %select_n3A_2438 = arith.select %xor3A_2436, %select_n3A_2405, %select_n3A_2430 : vector<4x32x128xi1>, vector<4x32x128xi32>
    %and3A_2439 = arith.constant 8 : i32
    %and3A_2440 = vector.broadcast %and3A_2439 : i32 to vector<4x32x128xi32>
    %and3A_2441 = arith.andi %add3A, %and3A_2440 : vector<4x32x128xi32>
    %eq3A_2442 = arith.constant 0 : i32
    %eq3A_2443 = vector.broadcast %eq3A_2442 : i32 to vector<4x32x128xi32>
    %eq3A_2444 = arith.cmpi eq, %and3A_2441, %eq3A_2443 : vector<4x32x128xi32>
    %and3A_2445 = arith.constant 4096 : i32
    %and3A_2446 = vector.broadcast %and3A_2445 : i32 to vector<4x32x128xi32>
    %and3A_2447 = arith.andi %add3A, %and3A_2446 : vector<4x32x128xi32>
    %ne3A_2448 = arith.constant 0 : i32
    %ne3A_2449 = vector.broadcast %ne3A_2448 : i32 to vector<4x32x128xi32>
    %ne3A_2450 = arith.cmpi ne, %and3A_2447, %ne3A_2449 : vector<4x32x128xi32>
    %eq3A_2451 = arith.xori %eq3A_2444, %ne3A_2450 : vector<4x32x128xi1>
    %eq3A_2452 = arith.constant dense<true> : vector<4x32x128xi1>
    %eq3A_2453 = arith.xori %eq3A_2451, %eq3A_2452 : vector<4x32x128xi1>
    %roll3A_2454 = arith.constant 120 : i32
    %roll3A_2455 = tpu.dynamic_rotate %select_n3A_2437 by %roll3A_2454 dim 2 : vector<4x32x128xf32>, i32 -> vector<4x32x128xf32>
    %roll3A_2456 = arith.constant 8 : i32
    %roll3A_2457 = tpu.dynamic_rotate %select_n3A_2437 by %roll3A_2456 dim 2 : vector<4x32x128xf32>, i32 -> vector<4x32x128xf32>
    %select_n3A_2458 = arith.select %eq3A_2444, %roll3A_2455, %roll3A_2457 : vector<4x32x128xi1>, vector<4x32x128xf32>
    %roll3A_2459 = arith.constant 120 : i32
    %roll3A_2460 = tpu.dynamic_rotate %select_n3A_2438 by %roll3A_2459 dim 2 : vector<4x32x128xi32>, i32 -> vector<4x32x128xi32>
    %roll3A_2461 = arith.constant 8 : i32
    %roll3A_2462 = tpu.dynamic_rotate %select_n3A_2438 by %roll3A_2461 dim 2 : vector<4x32x128xi32>, i32 -> vector<4x32x128xi32>
    %select_n3A_2463 = arith.select %eq3A_2444, %roll3A_2460, %roll3A_2462 : vector<4x32x128xi1>, vector<4x32x128xi32>
    %gt3A_2464 = arith.cmpf ogt, %select_n3A_2437, %select_n3A_2458 : vector<4x32x128xf32>
    %eq3A_2465 = arith.cmpf oeq, %select_n3A_2437, %select_n3A_2458 : vector<4x32x128xf32>
    %lt3A_2466 = arith.cmpi slt, %select_n3A_2438, %select_n3A_2463 : vector<4x32x128xi32>
    %and3A_2467 = arith.andi %eq3A_2465, %lt3A_2466 : vector<4x32x128xi1>
    %or3A_2468 = arith.ori %gt3A_2464, %and3A_2467 : vector<4x32x128xi1>
    %xor3A_2469 = arith.xori %or3A_2468, %eq3A_2453 : vector<4x32x128xi1>
    %select_n3A_2470 = arith.select %xor3A_2469, %select_n3A_2437, %select_n3A_2458 : vector<4x32x128xi1>, vector<4x32x128xf32>
    %select_n3A_2471 = arith.select %xor3A_2469, %select_n3A_2438, %select_n3A_2463 : vector<4x32x128xi1>, vector<4x32x128xi32>
    %and3A_2472 = arith.constant 4 : i32
    %and3A_2473 = vector.broadcast %and3A_2472 : i32 to vector<4x32x128xi32>
    %and3A_2474 = arith.andi %add3A, %and3A_2473 : vector<4x32x128xi32>
    %eq3A_2475 = arith.constant 0 : i32
    %eq3A_2476 = vector.broadcast %eq3A_2475 : i32 to vector<4x32x128xi32>
    %eq3A_2477 = arith.cmpi eq, %and3A_2474, %eq3A_2476 : vector<4x32x128xi32>
    %and3A_2478 = arith.constant 4096 : i32
    %and3A_2479 = vector.broadcast %and3A_2478 : i32 to vector<4x32x128xi32>
    %and3A_2480 = arith.andi %add3A, %and3A_2479 : vector<4x32x128xi32>
    %ne3A_2481 = arith.constant 0 : i32
    %ne3A_2482 = vector.broadcast %ne3A_2481 : i32 to vector<4x32x128xi32>
    %ne3A_2483 = arith.cmpi ne, %and3A_2480, %ne3A_2482 : vector<4x32x128xi32>
    %eq3A_2484 = arith.xori %eq3A_2477, %ne3A_2483 : vector<4x32x128xi1>
    %eq3A_2485 = arith.constant dense<true> : vector<4x32x128xi1>
    %eq3A_2486 = arith.xori %eq3A_2484, %eq3A_2485 : vector<4x32x128xi1>
    %roll3A_2487 = arith.constant 124 : i32
    %roll3A_2488 = tpu.dynamic_rotate %select_n3A_2470 by %roll3A_2487 dim 2 : vector<4x32x128xf32>, i32 -> vector<4x32x128xf32>
    %roll3A_2489 = arith.constant 4 : i32
    %roll3A_2490 = tpu.dynamic_rotate %select_n3A_2470 by %roll3A_2489 dim 2 : vector<4x32x128xf32>, i32 -> vector<4x32x128xf32>
    %select_n3A_2491 = arith.select %eq3A_2477, %roll3A_2488, %roll3A_2490 : vector<4x32x128xi1>, vector<4x32x128xf32>
    %roll3A_2492 = arith.constant 124 : i32
    %roll3A_2493 = tpu.dynamic_rotate %select_n3A_2471 by %roll3A_2492 dim 2 : vector<4x32x128xi32>, i32 -> vector<4x32x128xi32>
    %roll3A_2494 = arith.constant 4 : i32
    %roll3A_2495 = tpu.dynamic_rotate %select_n3A_2471 by %roll3A_2494 dim 2 : vector<4x32x128xi32>, i32 -> vector<4x32x128xi32>
    %select_n3A_2496 = arith.select %eq3A_2477, %roll3A_2493, %roll3A_2495 : vector<4x32x128xi1>, vector<4x32x128xi32>
    %gt3A_2497 = arith.cmpf ogt, %select_n3A_2470, %select_n3A_2491 : vector<4x32x128xf32>
    %eq3A_2498 = arith.cmpf oeq, %select_n3A_2470, %select_n3A_2491 : vector<4x32x128xf32>
    %lt3A_2499 = arith.cmpi slt, %select_n3A_2471, %select_n3A_2496 : vector<4x32x128xi32>
    %and3A_2500 = arith.andi %eq3A_2498, %lt3A_2499 : vector<4x32x128xi1>
    %or3A_2501 = arith.ori %gt3A_2497, %and3A_2500 : vector<4x32x128xi1>
    %xor3A_2502 = arith.xori %or3A_2501, %eq3A_2486 : vector<4x32x128xi1>
    %select_n3A_2503 = arith.select %xor3A_2502, %select_n3A_2470, %select_n3A_2491 : vector<4x32x128xi1>, vector<4x32x128xf32>
    %select_n3A_2504 = arith.select %xor3A_2502, %select_n3A_2471, %select_n3A_2496 : vector<4x32x128xi1>, vector<4x32x128xi32>
    %and3A_2505 = arith.constant 2 : i32
    %and3A_2506 = vector.broadcast %and3A_2505 : i32 to vector<4x32x128xi32>
    %and3A_2507 = arith.andi %add3A, %and3A_2506 : vector<4x32x128xi32>
    %eq3A_2508 = arith.constant 0 : i32
    %eq3A_2509 = vector.broadcast %eq3A_2508 : i32 to vector<4x32x128xi32>
    %eq3A_2510 = arith.cmpi eq, %and3A_2507, %eq3A_2509 : vector<4x32x128xi32>
    %and3A_2511 = arith.constant 4096 : i32
    %and3A_2512 = vector.broadcast %and3A_2511 : i32 to vector<4x32x128xi32>
    %and3A_2513 = arith.andi %add3A, %and3A_2512 : vector<4x32x128xi32>
    %ne3A_2514 = arith.constant 0 : i32
    %ne3A_2515 = vector.broadcast %ne3A_2514 : i32 to vector<4x32x128xi32>
    %ne3A_2516 = arith.cmpi ne, %and3A_2513, %ne3A_2515 : vector<4x32x128xi32>
    %eq3A_2517 = arith.xori %eq3A_2510, %ne3A_2516 : vector<4x32x128xi1>
    %eq3A_2518 = arith.constant dense<true> : vector<4x32x128xi1>
    %eq3A_2519 = arith.xori %eq3A_2517, %eq3A_2518 : vector<4x32x128xi1>
    %roll3A_2520 = arith.constant 126 : i32
    %roll3A_2521 = tpu.dynamic_rotate %select_n3A_2503 by %roll3A_2520 dim 2 : vector<4x32x128xf32>, i32 -> vector<4x32x128xf32>
    %roll3A_2522 = arith.constant 2 : i32
    %roll3A_2523 = tpu.dynamic_rotate %select_n3A_2503 by %roll3A_2522 dim 2 : vector<4x32x128xf32>, i32 -> vector<4x32x128xf32>
    %select_n3A_2524 = arith.select %eq3A_2510, %roll3A_2521, %roll3A_2523 : vector<4x32x128xi1>, vector<4x32x128xf32>
    %roll3A_2525 = arith.constant 126 : i32
    %roll3A_2526 = tpu.dynamic_rotate %select_n3A_2504 by %roll3A_2525 dim 2 : vector<4x32x128xi32>, i32 -> vector<4x32x128xi32>
    %roll3A_2527 = arith.constant 2 : i32
    %roll3A_2528 = tpu.dynamic_rotate %select_n3A_2504 by %roll3A_2527 dim 2 : vector<4x32x128xi32>, i32 -> vector<4x32x128xi32>
    %select_n3A_2529 = arith.select %eq3A_2510, %roll3A_2526, %roll3A_2528 : vector<4x32x128xi1>, vector<4x32x128xi32>
    %gt3A_2530 = arith.cmpf ogt, %select_n3A_2503, %select_n3A_2524 : vector<4x32x128xf32>
    %eq3A_2531 = arith.cmpf oeq, %select_n3A_2503, %select_n3A_2524 : vector<4x32x128xf32>
    %lt3A_2532 = arith.cmpi slt, %select_n3A_2504, %select_n3A_2529 : vector<4x32x128xi32>
    %and3A_2533 = arith.andi %eq3A_2531, %lt3A_2532 : vector<4x32x128xi1>
    %or3A_2534 = arith.ori %gt3A_2530, %and3A_2533 : vector<4x32x128xi1>
    %xor3A_2535 = arith.xori %or3A_2534, %eq3A_2519 : vector<4x32x128xi1>
    %select_n3A_2536 = arith.select %xor3A_2535, %select_n3A_2503, %select_n3A_2524 : vector<4x32x128xi1>, vector<4x32x128xf32>
    %select_n3A_2537 = arith.select %xor3A_2535, %select_n3A_2504, %select_n3A_2529 : vector<4x32x128xi1>, vector<4x32x128xi32>
    %and3A_2538 = arith.constant 1 : i32
    %and3A_2539 = vector.broadcast %and3A_2538 : i32 to vector<4x32x128xi32>
    %and3A_2540 = arith.andi %add3A, %and3A_2539 : vector<4x32x128xi32>
    %eq3A_2541 = arith.constant 0 : i32
    %eq3A_2542 = vector.broadcast %eq3A_2541 : i32 to vector<4x32x128xi32>
    %eq3A_2543 = arith.cmpi eq, %and3A_2540, %eq3A_2542 : vector<4x32x128xi32>
    %and3A_2544 = arith.constant 4096 : i32
    %and3A_2545 = vector.broadcast %and3A_2544 : i32 to vector<4x32x128xi32>
    %and3A_2546 = arith.andi %add3A, %and3A_2545 : vector<4x32x128xi32>
    %ne3A_2547 = arith.constant 0 : i32
    %ne3A_2548 = vector.broadcast %ne3A_2547 : i32 to vector<4x32x128xi32>
    %ne3A_2549 = arith.cmpi ne, %and3A_2546, %ne3A_2548 : vector<4x32x128xi32>
    %eq3A_2550 = arith.xori %eq3A_2543, %ne3A_2549 : vector<4x32x128xi1>
    %eq3A_2551 = arith.constant dense<true> : vector<4x32x128xi1>
    %eq3A_2552 = arith.xori %eq3A_2550, %eq3A_2551 : vector<4x32x128xi1>
    %roll3A_2553 = arith.constant 127 : i32
    %roll3A_2554 = tpu.dynamic_rotate %select_n3A_2536 by %roll3A_2553 dim 2 : vector<4x32x128xf32>, i32 -> vector<4x32x128xf32>
    %roll3A_2555 = arith.constant 1 : i32
    %roll3A_2556 = tpu.dynamic_rotate %select_n3A_2536 by %roll3A_2555 dim 2 : vector<4x32x128xf32>, i32 -> vector<4x32x128xf32>
    %select_n3A_2557 = arith.select %eq3A_2543, %roll3A_2554, %roll3A_2556 : vector<4x32x128xi1>, vector<4x32x128xf32>
    %roll3A_2558 = arith.constant 127 : i32
    %roll3A_2559 = tpu.dynamic_rotate %select_n3A_2537 by %roll3A_2558 dim 2 : vector<4x32x128xi32>, i32 -> vector<4x32x128xi32>
    %roll3A_2560 = arith.constant 1 : i32
    %roll3A_2561 = tpu.dynamic_rotate %select_n3A_2537 by %roll3A_2560 dim 2 : vector<4x32x128xi32>, i32 -> vector<4x32x128xi32>
    %select_n3A_2562 = arith.select %eq3A_2543, %roll3A_2559, %roll3A_2561 : vector<4x32x128xi1>, vector<4x32x128xi32>
    %gt3A_2563 = arith.cmpf ogt, %select_n3A_2536, %select_n3A_2557 : vector<4x32x128xf32>
    %eq3A_2564 = arith.cmpf oeq, %select_n3A_2536, %select_n3A_2557 : vector<4x32x128xf32>
    %lt3A_2565 = arith.cmpi slt, %select_n3A_2537, %select_n3A_2562 : vector<4x32x128xi32>
    %and3A_2566 = arith.andi %eq3A_2564, %lt3A_2565 : vector<4x32x128xi1>
    %or3A_2567 = arith.ori %gt3A_2563, %and3A_2566 : vector<4x32x128xi1>
    %xor3A_2568 = arith.xori %or3A_2567, %eq3A_2552 : vector<4x32x128xi1>
    %select_n3A_2569 = arith.select %xor3A_2568, %select_n3A_2537, %select_n3A_2562 : vector<4x32x128xi1>, vector<4x32x128xi32>
    %slice3A = vector.extract_strided_slice %select_n3A_2569 {offsets = [0, 0, 0], sizes = [4, 16, 128], strides = [1, 1, 1]} : vector<4x32x128xi32> to vector<4x16x128xi32>
    %reshape3A = vector.shape_cast %slice3A : vector<4x16x128xi32> to vector<4x2048xi32>
    %add3A_2570 = arith.constant 1 : i32
    %add3A_2571 = vector.broadcast %add3A_2570 : i32 to vector<4x2048xi32>
    %add3A_2572 = arith.addi %reshape3A, %add3A_2571 : vector<4x2048xi32>
    %broadcast_in_dim3A = arith.constant 0 : i32
    %broadcast_in_dim3A_2573 = vector.broadcast %broadcast_in_dim3A : i32 to vector<4x1xi32>
    %broadcast_in_dim3A_2574 = arith.constant 0 : i32
    %broadcast_in_dim3A_2575 = vector.broadcast %broadcast_in_dim3A_2574 : i32 to vector<4x127xi32>
    %concatenate3A = tpu.concatenate %broadcast_in_dim3A_2573, %add3A_2572, %broadcast_in_dim3A_2575 in 1 : vector<4x1xi32>, vector<4x2048xi32>, vector<4x127xi32> -> vector<4x2176xi32>
    %swap3A = arith.constant 0 : index
    %swap3A_2576 = arith.constant 0 : index
    %swap3A_2577 = vector.load %arg1[%swap3A, %swap3A_2576] : memref<4x2176xi32, #tpu.memory_space<vmem>>, vector<4x2176xi32>
    tpu.vector_store %arg1[%swap3A, %swap3A_2576], %concatenate3A {strides = array<i32>} : memref<4x2176xi32, #tpu.memory_space<vmem>>, vector<4x2176xi32>,
    return
  }
}

</mosaic_0001>

<sc_bundles>
// kernel: kernel.4.cloned.1.call-start
scs
__scs_entry_jumppad:
0x0: {  	(pc) =	sbr.rel $0x88, $3  }
0x1: {  	(tag) =	ssettag $0x0;
	lr =	simm.s32 $0x1  }
0x2: {  	[smem:$0x3F9F] =	sst lr;
	_ =	strace $0xD0000000  }
0x3: {  	_ = 	snop  }
0x4: {  	_ = 	snop  }
0x5: {  	_ = 	snop  }
0x6: {  	_ = 	snop  }
0x7: {  	_ = 	snop  }
__scs_overlays_trampoline_lowered:
0x8: {  	[smem:$0x3FAE] =	sst s0  }
0x9: {  	[smem:$0x3FAF] =	sst s1  }
0xa: {  	[smem:$0x3FB0] =	sst s2  }
0xb: {  	[smem:$0x3FB1] =	sst s3  }
0xc: {  	[smem:$0x3FB2] =	sst s4  }
0xd: {  	[smem:$0x3FB3] =	sst s5  }
0xe: {  	[smem:$0x3FB4] =	sst s6  }
0xf: {  	[smem:$0x3FB5] =	sst s7  }
0x10: {  	[smem:$0x3FB6] =	sst s8  }
0x11: {  	[smem:$0x3FB7] =	sst s9;
	s0 =	simm.s32 @!p0 $0x0  }
0x12: {  	s1 =	sld [smem:$0x3F9D];
	s0 =	simm.s32 @p0 $0x1  }
0x13: {  	[smem:$0x3FB8] =	sst s0;
	s0 =	simm.s32 @!p1 $0x0  }
0x14: {  	s2 =	sld [smem:$0x3F9C];
	s0 =	simm.s32 @p1 $0x1  }
0x15: {  	[smem:$0x3FB9] =	sst s0;
	s0 =	simm.s32 @!p2 $0x0  }
0x16: {  	s3 =	sld [smem:$0x3FDB];
	s0 =	simm.s32 @p2 $0x1  }
0x17: {  	s4 =	simm.s32 $0x1BF5;
	[smem:$0x3FBB] =	sst s0  }
0x18: {  	s0 =	sld [smem:$0x3F9E];
	_ =	swait.ge [sflag:s4], $0x0  }
0x19: {  	s7 =	sld [smem:$0x3F9F]  }
0x1a: {  	s8 =	sadd.s32 $0xFFFFE003, lr  }
0x1b: {  	s9 =	sadd.s32 $0xFFFFFEF7, lr;
	s5 =	simm.s32 $0xFFFFFFFF;
	p2 =	slt.u32 s8, $0xFFFFF086  }
0x1c: {  	p1 =	slt.u32 s9, $0xF7A;
	s5 =	simm.s32 @!p2 $0x0  }
0x1d: {  	s5 =	simm.s32 @p1 $0x1;
	p0 =	seq.s32 s7, s2  }
0x1e: {  	s7 =	smul.u32 @!p0 $0xF7A, s2;
	p2 =	seq.s32 @!p0 s5, $0x0  }
0x1f: {  	s9 =	smul.u32 $0xF7A, s1;
	s8 =	simm.s32 @!p0 $0x1BF5;
	p2 =	por !p2, p0  }
0x20: {  	[sflag:s8] =	ssyncset.s32 @!p0 $0xFFFFF086;
	s6 =	sadd.s32 @!p0 s3, s7;
	s7 =	simm.s32 @!p0 $0x108  }
0x21: {  	s3 =	sadd.s32 s3, s9;
	s6 =	sadd.s32 @!p0 $0x88, s6;
	s7 =	simm.s32 @p2 $0x1082  }
0x22: {  	[simem:s7], [sflag:s8] =	dma.local @!p0 [hbm:s6], $0xF7A  }
0x23: {  	s9 =	sor.u32 $0xD0000000, s2;
	s6 =	simm.s32 $0x108;
	_ =	swait.ge @!p0 [sflag:s8], $0x0  }
0x24: {  	s3 =	sadd.s32 $0x88, s3;
	s6 =	simm.s32 @!p1 $0x1082;
	[sflag:s4] =	ssyncset.s32 $0xFFFFF086  }
0x25: {  	[simem:s6], [sflag:s4] =	dma.local [hbm:s3], $0xF7A  }
0x26: {  	[smem:$0x3F9F] =	sst s1;
	(tag) =	ssettag s2;
	_ =	strace s9  }
0x27: {  	s1 =	sld [smem:$0x3FAF]  }
0x28: {  	s2 =	sld [smem:$0x3FB0]  }
0x29: {  	s4 =	sld [smem:$0x3FB2]  }
0x2a: {  	p0 =	seq.s32 s5, $0x0;
	s5 =	sld [smem:$0x3FB3]  }
0x2b: {  	s6 =	sld [smem:$0x3FB4]  }
0x2c: {  	s7 =	sld [smem:$0x3FB5]  }
0x2d: {  	s3 =	simm.s32 $0x108;
	s8 =	sld [smem:$0x3FB6]  }
0x2e: {  	s3 =	simm.s32 @!p0 $0x1082;
	s9 =	sld [smem:$0x3FB7]  }
0x2f: {  	lr =	sadd.s32 s0, s3;
	s0 =	sld [smem:$0x3FAE]  }
0x30: {  	s3 =	sld [smem:$0x3FB1]  }
0x31: {  	[smem:$0x3FBA] =	sst s10  }
0x32: {  	s10 =	sld [smem:$0x3FB8];
	_ =	sdelay $0x3  }
0x33: {  	p0 =	seq.s32 s10, $0x1;
	s10 =	sld [smem:$0x3FBA];
	_ =	sdelay $0x3  }
0x34: {  	[smem:$0x3FBA] =	sst s10  }
0x35: {  	s10 =	sld [smem:$0x3FB9];
	_ =	sdelay $0x3  }
0x36: {  	p1 =	seq.s32 s10, $0x1;
	s10 =	sld [smem:$0x3FBA];
	_ =	sdelay $0x3  }
0x37: {  	[smem:$0x3FBA] =	sst s10  }
0x38: {  	s10 =	sld [smem:$0x3FBB]  }
0x39: {  	_ = 	snop;
	(pc) =	sbr.ind lr, $3  }
0x3a: {  	_ = 	snop  }
0x3b: {  	_ = 	snop  }
0x3c: {  	p2 =	seq.s32 s10, $0x1;
	s10 =	sld [smem:$0x3FBA]  }
0x3d: {  	_ =	shalt  }
0x3e: {  	_ =	shalt  }
0x3f: {  	_ =	shalt  }
0x40: {  	_ =	shalt  }
0x41: {  	_ =	shalt  }
0x42: {  	_ =	shalt  }
0x43: {  	_ =	shalt  }
0x44: {  	_ =	shalt  }
0x45: {  	_ =	shalt  }
0x46: {  	_ =	shalt  }
0x47: {  	_ =	shalt  }
0x48: {  	_ =	shalt  }
0x49: {  	_ =	shalt  }
0x4a: {  	_ =	shalt  }
0x4b: {  	_ =	shalt  }
0x4c: {  	_ =	shalt  }
0x4d: {  	_ =	shalt  }
0x4e: {  	_ =	shalt  }
0x4f: {  	_ =	shalt  }
0x50: {  	_ =	shalt  }
0x51: {  	_ =	shalt  }
0x52: {  	_ =	shalt  }
0x53: {  	_ =	shalt  }
0x54: {  	_ =	shalt  }
0x55: {  	_ =	shalt  }
0x56: {  	_ =	shalt  }
0x57: {  	_ =	shalt  }
0x58: {  	_ =	shalt  }
0x59: {  	_ =	shalt  }
0x5a: {  	_ =	shalt  }
0x5b: {  	_ =	shalt  }
0x5c: {  	_ =	shalt  }
0x5d: {  	_ =	shalt  }
0x5e: {  	_ =	shalt  }
0x5f: {  	_ =	shalt  }
0x60: {  	_ =	shalt  }
0x61: {  	_ =	shalt  }
0x62: {  	_ =	shalt  }
0x63: {  	_ =	shalt  }
0x64: {  	_ =	shalt  }
0x65: {  	_ =	shalt  }
0x66: {  	_ =	shalt  }
0x67: {  	_ =	shalt  }
0x68: {  	_ =	shalt  }
0x69: {  	_ =	shalt  }
0x6a: {  	_ =	shalt  }
0x6b: {  	_ =	shalt  }
0x6c: {  	_ =	shalt  }
0x6d: {  	_ =	shalt  }
0x6e: {  	_ =	shalt  }
0x6f: {  	_ =	shalt  }
0x70: {  	_ =	shalt  }
0x71: {  	_ =	shalt  }
0x72: {  	_ =	shalt  }
0x73: {  	_ =	shalt  }
0x74: {  	_ =	shalt  }
0x75: {  	_ =	shalt  }
0x76: {  	_ =	shalt  }
0x77: {  	_ =	shalt  }
0x78: {  	_ =	shalt  }
0x79: {  	_ =	shalt  }
0x7a: {  	_ =	shalt  }
0x7b: {  	_ =	shalt  }
0x7c: {  	_ =	shalt  }
0x7d: {  	_ =	shalt  }
0x7e: {  	_ =	shalt  }
0x7f: {  	_ =	shalt  }
0x80: {  	_ =	shalt  }
0x81: {  	_ =	shalt  }
0x82: {  	_ =	shalt  }
0x83: {  	_ =	shalt  }
0x84: {  	_ =	shalt  }
0x85: {  	_ =	shalt  }
0x86: {  	_ =	shalt  }
0x87: {  	_ =	shalt  }
.Lfunc_end0:
.L_simem_size_0:
called_computation_lowered:
.L_overlay_start_0:
0x88: {  	s2 =	sld [smem:$0x3FD9]  }
0x89: {  	s3 =	sld [smem:$0x3FFE];
	_ =	sdelay $0x1  }
0x8a: {  	s1 =	srdreg.scid  }
0x8b: {  	s0 =	sand.u32 $0x1, s1  }
0x8c: {  	s17 =	sshll.u32 s0, $0xA;
	s2 =	sadd.s32 s3, s2  }
0x8d: {  	s2 =	sadd.s32 s2, s17  }
0x8e: {  	[smem:$0x3FC6] =	sst s2  }
0x8f: {  	_ = 	snop  }
0x90: {  	s2 =	sld [smem:$0x3FC9]  }
0x91: {  	s18 =	sld [smem:$0x3FD0];
	(tm) =	ssettm $0x1  }
0x92: {  	s4 =	sld [smem:$0x3FFB];
	_ =	sdelay $0x3  }
0x93: {  	_ =	strace s4  }
0x94: {  	s4 =	sld [smem:$0x3FFC];
	_ =	sdelay $0x3  }
0x95: {  	_ =	strace s4  }
0x96: {  	s4 =	sld [smem:$0x3FFD];
	_ =	sdelay $0x3  }
0x97: {  	_ =	strace s4  }
0x98: {  	_ =	strace $0x8FFFFFFF  }
0x99: {  	s19 =	sld [smem:$0x3FDB];
	_ =	sdelay $0x1  }
0x9a: {  	s5 =	simm.s32 $_scs_section_size  }
0x9b: {  	s6 =	simm.s32 $_size__tile_overlayer_lowered;
	s7 =	simm.s32 $_tile_overlayer_lowered  }
0x9c: {  	s22 =	simm.s32 $0x1BFF;
	s21 =	sshll.u32 s7, $0x1;
	s4 =	sadd.s32 s5, s19  }
0x9d: {  	s8 =	simm.s32 $0x0;
	s20 =	sshll.u32 s6, $0x1;
	s6 =	sadd.s32 s21, s4  }
0x9e: {  	[timem:s8], [sflag:s22] =	dma.local [hbm:s6], s20  }
0x9f: {  	_ =	swait.ge [sflag:s22], s20  }
0xa0: {  	s5 =	ssub.s32 $0x0, s20;
	[sflag:s22] =	ssyncset.done $0x0  }
0xa1: {  	[sflag:s22] =	ssyncadd.s32 s5;
	_ =	sdelay $0x1  }
0xa2: {  	s23 =	simm.s32 $0x1B8B  }
0xa3: {  	_ =	swait.ge [sflag:s23], $0x1  }
0xa4: {  	[sflag:s23] =	ssyncset.done $0x0  }
0xa5: {  	s25 =	simm.s32 $0x1B8E;
	s24 =	sld [smem:$0x3FFE];
	[sflag:s23] =	ssyncadd.s32 $0xFFFFFFFF  }
0xa6: {  	s26 =	simm.s32 $execute0_lowered;
	[smem:$0x3FD2] =	sst s25  }
0xa7: {  	s6 =	sshll.u32 s26, $0x1;
	_ =	strace $0x80000046;
	[dreg:$0x1] =	wrdreg $0xFFFFFFFF  }
0xa8: {  	s28 =	simm.s32 $_size_execute0_lowered;
	s4 =	sadd.s32 s4, s6;
	[dreg:$0x0] =	wrdreg $0x0  }
0xa9: {  	s6 =	sshll.u32 s28, $0x1;
	[dreg:$0x2] =	wrdreg s4  }
0xaa: {  	[dreg:$0x3] =	wrdreg s6  }
0xab: {  	[dreg:$0x4] =	wrdreg $0xC0  }
0xac: {  	_ =	task [dreg:s8], $0x5FFFF  }
0xad: {  	[dreg:$0x1] =	wrdreg $0xFFFFFFFF  }
0xae: {  	[dreg:$0x0] =	wrdreg $0x60  }
0xaf: {  	[dreg:$0x2] =	wrdreg s2  }
0xb0: {  	[dreg:$0x3] =	wrdreg s24  }
0xb1: {  	[dreg:$0x4] =	wrdreg s18  }
0xb2: {  	[dreg:$0x5] =	wrdreg $0x9  }
0xb3: {  	_ =	task.clear_ibuf [dreg:s8], $0x6FFFF;
	_ =	strace $0x90000046  }
0xb4: {  	s29 =	simm.s32 $0x9;
	_ =	strace $0x80000048  }
0xb5: {  	_ =	swait.ge [sflag:s29], $0x1  }
0xb6: {  	[sflag:s29] =	ssyncadd.s32 $0xFFFFFFFF  }
0xb7: {  	_ =	strace $0x90000048  }
0xb8: {  	_ =	sfence  }
0xb9: {  	s30 =	sld [smem:$0x0];
	_ =	sdelay $0x2  }
0xba: {  	s31 =	sshll.u32 s1, $0xD;
	s1 =	sshrl.u32 s1, $0x2  }
0xbb: {  	s3 =	sand.u32 $0x4000, s31;
	s1 =	sadd.s32 s1, s30  }
0xbc: {  	s0 =	sor.u32 s3, s0;
	s1 =	sshll.u32 s1, $0x11  }
0xbd: {  	s0 =	sor.u32 s1, s0  }
0xbe: {  	s0 =	sadd.s32 $0x8F2B, s0  }
0xbf: {  	[sflag:s0] =	ssyncadd.remote.s32 $0x1  }
0xc0: {  	_ =	sfence.sel $0xFFFF  }
0xc1: {  	[dreg:$0x0] =	wrdreg $0xFFFFFFFF;
	(pc) =	sbr.abs _section_cstart, $3  }
0xc2: {  	[dreg:$0x1] =	wrdreg $0xFFFFFFFF  }
0xc3: {  	_ =	task.clear_ibuf [dreg:s8], $0x2FFFF;
	_ =	strace $0x9FFFFFFF  }
0xc4: {  	(tm) =	ssettm $0x7FFFFFFF  }
0xc5: {  	_ =	shalt  }
tec
execute0_lowered:
.L_overlay_start_1:
0x0: {  	(tag) =	ssettag $0x1  }
0x1: {  	s0 =	rddreg [dreg:$0x0]  }
0x2: {  	s1 =	rddreg [dreg:$0x1];
	s5 =	stileid.u32  }
0x3: {  	s3 =	rddreg [dreg:$0x2];
	s2 =	srdreg.scid;
	s4 =	sshll.u32 s5, $0x1  }
0x4: {  	s5 =	sshll.u32 s5, $0x5;
	s6 =	sand.u32 $0x1, s2;
	s2 =	simm.s32 $0x0  }
0x5: {  	s9 =	sand.u32 $0x6, s4;
	s10 =	sand.u32 $0x180, s5;
	[smem:$0x7FF] =	sst s2  }
0x6: {  	s7 =	sor.u32 s6, s9;
	s5 =	sshrl.u32 s10, $0x3;
	_ =	strace $0x80000047  }
0x7: {  	s8 =	sshll.u32 s7, $0x15;
	s1 =	sadd.s32 s5, s1;
	s9 =	sshll.u32 s7, $0x7  }
0x8: {  	s4 =	sor.u32 s10, s8;
	s11 =	sadd.s32 s9, s1;
	s1 =	sadd.s32 $0xA00, s1  }
0x9: {  	s4 =	sshrl.u32 s4, $0x3;
	s8 =	sadd.s32 $0x600, s11;
	[dreg:$0x14] =	wrdreg s1  }
0xa: {  	s12 =	sadd.s32 s3, s4;
	[dreg:$0x4] =	wrdreg s8  }
0xb: {  	s4 =	sadd.s32 $0x4000, s12;
	[dreg:$0x16] =	wrdreg s12  }
0xc: {  	s13 =	sadd.s32 $0x8000, s12;
	[dreg:$0x5] =	wrdreg s4  }
0xd: {  	s14 =	sadd.s32 $0xC000, s12;
	[dreg:$0x6] =	wrdreg s13  }
0xe: {  	s15 =	sadd.s32 $0x10000, s12;
	[dreg:$0x7] =	wrdreg s14  }
0xf: {  	s16 =	sadd.s32 $0x14000, s12;
	[dreg:$0x8] =	wrdreg s15  }
0x10: {  	s17 =	sadd.s32 $0x18000, s12;
	[dreg:$0x9] =	wrdreg s16  }
0x11: {  	s28 =	simm.s32 $0x3;
	s18 =	sadd.s32 $0x1C000, s12;
	[dreg:$0xa] =	wrdreg s17  }
0x12: {  	s29 =	simm.s32 $0x6;
	s19 =	sadd.s32 $0x20000, s12;
	[dreg:$0xb] =	wrdreg s18  }
0x13: {  	s6 =	ssub.s32 $0x2, s6;
	s20 =	sadd.s32 $0x24000, s12;
	[dreg:$0xc] =	wrdreg s19  }
0x14: {  	s25 =	sshrl.u32 s6, $0x1;
	s21 =	sadd.s32 $0x28000, s12;
	[dreg:$0xd] =	wrdreg s20  }
0x15: {  	p0 =	sne.s32 s7, $0x7;
	s22 =	sadd.s32 $0x2C000, s12;
	[dreg:$0xe] =	wrdreg s21  }
0x16: {  	v0 =	vimm.s32 $0xD;
	v2 =	vlaneseq.u32;
	s7 =	simm.s32 $0x200;
	s23 =	sadd.s32 $0x30000, s12;
	[dreg:$0xf] =	wrdreg s22  }
0x17: {  	v1 =	vimm.s32 $0x0;
	vm0 =	vmmov $0xffff;
	v3 =	vimm.s32 $0x1;
	s6 =	ssub.s32 s6, s25;
	s24 =	sadd.s32 $0x34000, s12;
	[dreg:$0x10] =	wrdreg s23  }
0x18: {  	v4 =	vimm.s32 $0x2;
	v5 =	vimm.s32 $0x3;
	v6 =	vimm.s32 $0x4;
	s1 =	simm.s32 $0x1;
	s26 =	sadd.s32 $0x38000, s12;
	[dreg:$0x11] =	wrdreg s24  }
0x19: {  	v7 =	vimm.s32 $0x5;
	v8 =	vimm.s32 $0x6;
	v9 =	vimm.s32 $0x7;
	s3 =	sadd.s32 s5, s3;
	s30 =	sadd.s32 $0x3C000, s12;
	[dreg:$0x12] =	wrdreg s26  }
0x1a: {  	v10 =	vimm.s32 $0x8;
	v11 =	vimm.s32 $0x9;
	v12 =	vimm.s32 $0xA;
	s31 =	sadd.s32 $0x200000, s3;
	s3 =	simm.s32 $0x4;
	[dreg:$0x13] =	wrdreg s30  }
0x1b: {  	v13 =	vimm.s32 $0xB;
	v14 =	vimm.s32 $0xC;
	v15 =	vimm.s32 $0xE;
	s4 =	sadd.s32 s0, s5;
	[dreg:$0x15] =	wrdreg s31;
	s0 =	smax.u32 s6, $0x1  }
0x1c: {  	v16 =	vimm.s32 $0xF;
	v2 =	vmul.u32 $0x200, v2;
	vm1 =	vmmov @!p0 $0xffff;
	s6 =	simm.s32 $0x80;
	s13 =	simm.s32 $0x2;
	s26 =	simm.s32 $0x5  }
.LBB2_1:
0x1d: {  	[dreg:$0x17] =	wrdreg s0  }
0x1e: {  	s30 =	rddreg [dreg:$0x4];
	s10 =	simm.s32 $0x7  }
0x1f: {  	[tilespmem:s2], [sflag:$0x7] =	stream.strided.gather [hbm4b:s30+s6], $0x100, s7, s6, $0x38;
	[tilespmem:$0x18900] =	vst v63  }
0x20: {  	_ =	swait.ge [sflag:s10], $0x100  }
0x21: {  	[sflag:s10] =	ssyncset.done $0x0  }
0x22: {  	[sflag:s10] =	ssyncadd.s32 $0xFFFFFF00  }
0x23: {  	v17 =	vld [tilespmem:$0x0];
	_ =	sdelay $0x4  }
0x24: {  	v17 =	vshll.u32 v17, $0xD  }
0x25: {  	v18 =	vperm.xlane v17, v1;
	_ =	sdelay $0x1  }
0x26: {  	v19 =	vperm.xlane v17, v3;
	v18 =	vadd.s32 v2, v18;
	_ =	sdelay $0x1  }
0x27: {  	v20 =	vperm.xlane v17, v4;
	v19 =	vadd.s32 v2, v19;
	_ =	sdelay $0x1  }
0x28: {  	s11 =	simm.s32 $0x100;
	v21 =	vperm.xlane v17, v5;
	v20 =	vadd.s32 v2, v20  }
0x29: {  	[tilespmem:s11], [sflag:$0x1] =	stream.indirect_vreg.gather [hbm4b:s4+s2], $0x80, v18, vm0, $0x38;
	[tilespmem:$0x18900] =	vst v63  }
0x2a: {  	s12 =	simm.s32 $0x900;
	v34 =	vperm.xlane v17, v6;
	v18 =	vadd.s32 v2, v21  }
0x2b: {  	[tilespmem:s12], [sflag:$0x1] =	stream.indirect_vreg.gather [hbm4b:s4+s2], $0x80, v19, vm0, $0x38;
	[tilespmem:$0x18900] =	vst v63  }
0x2c: {  	s14 =	simm.s32 $0x1100;
	v35 =	vperm.xlane v17, v7;
	v19 =	vadd.s32 v2, v34  }
0x2d: {  	[tilespmem:s14], [sflag:$0x1] =	stream.indirect_vreg.gather [hbm4b:s4+s2], $0x80, v20, vm0, $0x38;
	[tilespmem:$0x18900] =	vst v63  }
0x2e: {  	s15 =	simm.s32 $0x1900;
	v37 =	vperm.xlane v17, v8;
	v36 =	vadd.s32 v2, v35  }
0x2f: {  	[tilespmem:s15], [sflag:$0x1] =	stream.indirect_vreg.gather [hbm4b:s4+s2], $0x80, v18, vm0, $0x38;
	[tilespmem:$0x18900] =	vst v63  }
0x30: {  	s16 =	simm.s32 $0x2100;
	v38 =	vperm.xlane v17, v9;
	v18 =	vadd.s32 v2, v37  }
0x31: {  	[tilespmem:s16], [sflag:$0x1] =	stream.indirect_vreg.gather [hbm4b:s4+s2], $0x80, v19, vm0, $0x38;
	[tilespmem:$0x18900] =	vst v63  }
0x32: {  	s17 =	simm.s32 $0x2900;
	v39 =	vperm.xlane v17, v10;
	v19 =	vadd.s32 v2, v38  }
0x33: {  	[tilespmem:s17], [sflag:$0x1] =	stream.indirect_vreg.gather [hbm4b:s4+s2], $0x80, v36, vm0, $0x38;
	[tilespmem:$0x18900] =	vst v63  }
0x34: {  	s18 =	simm.s32 $0x3100;
	v41 =	vperm.xlane v17, v11;
	v40 =	vadd.s32 v2, v39  }
0x35: {  	[tilespmem:s18], [sflag:$0x1] =	stream.indirect_vreg.gather [hbm4b:s4+s2], $0x80, v18, vm0, $0x38;
	[tilespmem:$0x18900] =	vst v63  }
0x36: {  	s19 =	simm.s32 $0x3900;
	v42 =	vperm.xlane v17, v12;
	v18 =	vadd.s32 v2, v41  }
0x37: {  	[tilespmem:s19], [sflag:$0x1] =	stream.indirect_vreg.gather [hbm4b:s4+s2], $0x80, v19, vm0, $0x38;
	[tilespmem:$0x18900] =	vst v63  }
0x38: {  	s20 =	simm.s32 $0x4100;
	v43 =	vperm.xlane v17, v13;
	v19 =	vadd.s32 v2, v42  }
0x39: {  	[tilespmem:s20], [sflag:$0x1] =	stream.indirect_vreg.gather [hbm4b:s4+s2], $0x80, v40, vm0, $0x38;
	[tilespmem:$0x18900] =	vst v63  }
0x3a: {  	s21 =	simm.s32 $0x4900;
	v45 =	vperm.xlane v17, v14;
	v44 =	vadd.s32 v2, v43  }
0x3b: {  	[tilespmem:s21], [sflag:$0x1] =	stream.indirect_vreg.gather [hbm4b:s4+s2], $0x80, v18, vm0, $0x38;
	[tilespmem:$0x18900] =	vst v63  }
0x3c: {  	s22 =	simm.s32 $0x5100;
	v46 =	vperm.xlane v17, v0;
	v18 =	vadd.s32 v2, v45  }
0x3d: {  	[tilespmem:s22], [sflag:$0x1] =	stream.indirect_vreg.gather [hbm4b:s4+s2], $0x80, v19, vm0, $0x38;
	[tilespmem:$0x18900] =	vst v63  }
0x3e: {  	s23 =	simm.s32 $0x5900;
	v47 =	vperm.xlane v17, v15;
	v19 =	vadd.s32 v2, v46  }
0x3f: {  	[tilespmem:s23], [sflag:$0x1] =	stream.indirect_vreg.gather [hbm4b:s4+s2], $0x80, v44, vm0, $0x38;
	[tilespmem:$0x18900] =	vst v63  }
0x40: {  	s25 =	simm.s32 $0x6100;
	v17 =	vperm.xlane v17, v16;
	v48 =	vadd.s32 v2, v47  }
0x41: {  	[tilespmem:s25], [sflag:$0x1] =	stream.indirect_vreg.gather [hbm4b:s4+s2], $0x80, v18, vm0, $0x38;
	[tilespmem:$0x18900] =	vst v63  }
0x42: {  	s30 =	simm.s32 $0x6900;
	v17 =	vadd.s32 v2, v17  }
0x43: {  	[tilespmem:s30], [sflag:$0x1] =	stream.indirect_vreg.gather [hbm4b:s4+s2], $0x80, v19, vm0, $0x38;
	[tilespmem:$0x18900] =	vst v63  }
0x44: {  	s31 =	simm.s32 $0x7100  }
0x45: {  	[tilespmem:s31], [sflag:$0x1] =	stream.indirect_vreg.gather [hbm4b:s4+s2], $0x80, v48, vm0, $0x38;
	[tilespmem:$0x18900] =	vst v63  }
0x46: {  	s5 =	simm.s32 $0x7900  }
0x47: {  	[tilespmem:s5], [sflag:$0x1] =	stream.indirect_vreg.gather [hbm4b:s4+s2], $0x80, v17, vm0, $0x38;
	[tilespmem:$0x18900] =	vst v63  }
0x48: {  	v17 =	vld [tilespmem:$0x10];
	_ =	sdelay $0x4  }
0x49: {  	v17 =	vshll.u32 v17, $0xD  }
0x4a: {  	v18 =	vperm.xlane v17, v1;
	_ =	sdelay $0x1  }
0x4b: {  	v19 =	vperm.xlane v17, v3;
	v18 =	vadd.s32 v2, v18;
	_ =	sdelay $0x1  }
0x4c: {  	v49 =	vperm.xlane v17, v4;
	v19 =	vadd.s32 v2, v19;
	_ =	sdelay $0x1  }
0x4d: {  	s5 =	simm.s32 $0x8100;
	v50 =	vperm.xlane v17, v5;
	v20 =	vadd.s32 v2, v49  }
0x4e: {  	[tilespmem:s5], [sflag:$0x2] =	stream.indirect_vreg.gather [hbm4b:s4+s2], $0x80, v18, vm0, $0x38;
	[tilespmem:$0x18900] =	vst v63  }
0x4f: {  	s9 =	simm.s32 $0x8900;
	v51 =	vperm.xlane v17, v6;
	v18 =	vadd.s32 v2, v50  }
0x50: {  	[tilespmem:s9], [sflag:$0x2] =	stream.indirect_vreg.gather [hbm4b:s4+s2], $0x80, v19, vm0, $0x38;
	[tilespmem:$0x18900] =	vst v63  }
0x51: {  	s10 =	simm.s32 $0x9100;
	v52 =	vperm.xlane v17, v7;
	v19 =	vadd.s32 v2, v51  }
0x52: {  	[tilespmem:s10], [sflag:$0x2] =	stream.indirect_vreg.gather [hbm4b:s4+s2], $0x80, v20, vm0, $0x38;
	[tilespmem:$0x18900] =	vst v63  }
0x53: {  	s11 =	simm.s32 $0x9900;
	v54 =	vperm.xlane v17, v8;
	v53 =	vadd.s32 v2, v52  }
0x54: {  	[tilespmem:s11], [sflag:$0x2] =	stream.indirect_vreg.gather [hbm4b:s4+s2], $0x80, v18, vm0, $0x38;
	[tilespmem:$0x18900] =	vst v63  }
0x55: {  	s12 =	simm.s32 $0xA100;
	v55 =	vperm.xlane v17, v9;
	v18 =	vadd.s32 v2, v54  }
0x56: {  	[tilespmem:s12], [sflag:$0x2] =	stream.indirect_vreg.gather [hbm4b:s4+s2], $0x80, v19, vm0, $0x38;
	[tilespmem:$0x18900] =	vst v63  }
0x57: {  	s25 =	simm.s32 $0xA900;
	v56 =	vperm.xlane v17, v10;
	v19 =	vadd.s32 v2, v55  }
0x58: {  	[tilespmem:s25], [sflag:$0x2] =	stream.indirect_vreg.gather [hbm4b:s4+s2], $0x80, v53, vm0, $0x38;
	[tilespmem:$0x18900] =	vst v63  }
0x59: {  	s31 =	simm.s32 $0xB100;
	v58 =	vperm.xlane v17, v11;
	v57 =	vadd.s32 v2, v56  }
0x5a: {  	[tilespmem:s31], [sflag:$0x2] =	stream.indirect_vreg.gather [hbm4b:s4+s2], $0x80, v18, vm0, $0x38;
	[tilespmem:$0x18900] =	vst v63  }
0x5b: {  	v59 =	vperm.xlane v17, v12;
	s10 =	simm.s32 $0xB900;
	v18 =	vadd.s32 v2, v58  }
0x5c: {  	[tilespmem:s10], [sflag:$0x2] =	stream.indirect_vreg.gather [hbm4b:s4+s2], $0x80, v19, vm0, $0x38;
	[tilespmem:$0x18900] =	vst v63  }
0x5d: {  	v60 =	vperm.xlane v17, v13;
	s11 =	simm.s32 $0xC100;
	v19 =	vadd.s32 v2, v59  }
0x5e: {  	[tilespmem:s11], [sflag:$0x2] =	stream.indirect_vreg.gather [hbm4b:s4+s2], $0x80, v57, vm0, $0x38;
	[tilespmem:$0x18900] =	vst v63  }
0x5f: {  	v62 =	vperm.xlane v17, v14;
	v61 =	vadd.s32 v2, v60;
	s12 =	simm.s32 $0xC900  }
0x60: {  	[tilespmem:s12], [sflag:$0x2] =	stream.indirect_vreg.gather [hbm4b:s4+s2], $0x80, v18, vm0, $0x38;
	[tilespmem:$0x18900] =	vst v63  }
0x61: {  	v63 =	vperm.xlane v17, v0;
	s31 =	simm.s32 $0xD100;
	v18 =	vadd.s32 v2, v62  }
0x62: {  	[tilespmem:s31], [sflag:$0x2] =	stream.indirect_vreg.gather [hbm4b:s4+s2], $0x80, v19, vm0, $0x38;
	[tilespmem:$0x18900] =	vst v63  }
0x63: {  	v24 =	vperm.xlane v17, v15;
	s10 =	simm.s32 $0xD900;
	v19 =	vadd.s32 v2, v63  }
0x64: {  	[tilespmem:s10], [sflag:$0x2] =	stream.indirect_vreg.gather [hbm4b:s4+s2], $0x80, v61, vm0, $0x38;
	[tilespmem:$0x18900] =	vst v63  }
0x65: {  	v17 =	vperm.xlane v17, v16;
	v25 =	vadd.s32 v2, v24;
	s11 =	simm.s32 $0xE100  }
0x66: {  	[tilespmem:s11], [sflag:$0x2] =	stream.indirect_vreg.gather [hbm4b:s4+s2], $0x80, v18, vm0, $0x38;
	[tilespmem:$0x18900] =	vst v63  }
0x67: {  	v17 =	vadd.s32 v2, v17;
	s12 =	simm.s32 $0xE900  }
0x68: {  	[tilespmem:s12], [sflag:$0x2] =	stream.indirect_vreg.gather [hbm4b:s4+s2], $0x80, v19, vm0, $0x38;
	[tilespmem:$0x18900] =	vst v63  }
0x69: {  	s31 =	simm.s32 $0xF100  }
0x6a: {  	[tilespmem:s31], [sflag:$0x2] =	stream.indirect_vreg.gather [hbm4b:s4+s2], $0x80, v25, vm0, $0x38;
	[tilespmem:$0x18900] =	vst v63  }
0x6b: {  	s10 =	simm.s32 $0xF900  }
0x6c: {  	[tilespmem:s10], [sflag:$0x2] =	stream.indirect_vreg.gather [hbm4b:s4+s2], $0x80, v17, vm0, $0x38;
	[tilespmem:$0x18900] =	vst v63  }
0x6d: {  	v17 =	vld [tilespmem:$0x20];
	_ =	sdelay $0x4  }
0x6e: {  	v17 =	vshll.u32 v17, $0xD  }
0x6f: {  	v18 =	vperm.xlane v17, v1;
	_ =	sdelay $0x1  }
0x70: {  	v19 =	vperm.xlane v17, v3;
	v18 =	vadd.s32 v2, v18;
	_ =	sdelay $0x1  }
0x71: {  	v26 =	vperm.xlane v17, v4;
	v19 =	vadd.s32 v2, v19;
	_ =	sdelay $0x1  }
0x72: {  	s11 =	simm.s32 $0x10100;
	v27 =	vperm.xlane v17, v5;
	v20 =	vadd.s32 v2, v26  }
0x73: {  	[tilespmem:s11], [sflag:$0x3] =	stream.indirect_vreg.gather [hbm4b:s4+s2], $0x80, v18, vm0, $0x38;
	[tilespmem:$0x18900] =	vst v63  }
0x74: {  	s12 =	simm.s32 $0x10900;
	v28 =	vperm.xlane v17, v6;
	v18 =	vadd.s32 v2, v27  }
0x75: {  	[tilespmem:s12], [sflag:$0x3] =	stream.indirect_vreg.gather [hbm4b:s4+s2], $0x80, v19, vm0, $0x38;
	[tilespmem:$0x18900] =	vst v63  }
0x76: {  	s31 =	simm.s32 $0x11100;
	v29 =	vperm.xlane v17, v7;
	v19 =	vadd.s32 v2, v28  }
0x77: {  	[tilespmem:s31], [sflag:$0x3] =	stream.indirect_vreg.gather [hbm4b:s4+s2], $0x80, v20, vm0, $0x38;
	[tilespmem:$0x18900] =	vst v63  }
0x78: {  	s5 =	simm.s32 $0x11900;
	v31 =	vperm.xlane v17, v8;
	v30 =	vadd.s32 v2, v29  }
0x79: {  	[tilespmem:s5], [sflag:$0x3] =	stream.indirect_vreg.gather [hbm4b:s4+s2], $0x80, v18, vm0, $0x38;
	[tilespmem:$0x18900] =	vst v63  }
0x7a: {  	v32 =	vperm.xlane v17, v9;
	s11 =	simm.s32 $0x12100;
	v18 =	vadd.s32 v2, v31  }
0x7b: {  	[tilespmem:s11], [sflag:$0x3] =	stream.indirect_vreg.gather [hbm4b:s4+s2], $0x80, v19, vm0, $0x38;
	[tilespmem:$0x18900] =	vst v63  }
0x7c: {  	v33 =	vperm.xlane v17, v10;
	s12 =	simm.s32 $0x12900;
	v19 =	vadd.s32 v2, v32  }
0x7d: {  	[tilespmem:s12], [sflag:$0x3] =	stream.indirect_vreg.gather [hbm4b:s4+s2], $0x80, v30, vm0, $0x38;
	[tilespmem:$0x18900] =	vst v63  }
0x7e: {  	v35 =	vperm.xlane v17, v11;
	v34 =	vadd.s32 v2, v33;
	s31 =	simm.s32 $0x13100  }
0x7f: {  	[tilespmem:s31], [sflag:$0x3] =	stream.indirect_vreg.gather [hbm4b:s4+s2], $0x80, v18, vm0, $0x38;
	[tilespmem:$0x18900] =	vst v63  }
0x80: {  	v36 =	vperm.xlane v17, v12;
	s5 =	simm.s32 $0x13900;
	v18 =	vadd.s32 v2, v35  }
0x81: {  	[tilespmem:s5], [sflag:$0x3] =	stream.indirect_vreg.gather [hbm4b:s4+s2], $0x80, v19, vm0, $0x38;
	[tilespmem:$0x18900] =	vst v63  }
0x82: {  	v37 =	vperm.xlane v17, v13;
	s11 =	simm.s32 $0x14100;
	v19 =	vadd.s32 v2, v36  }
0x83: {  	[tilespmem:s11], [sflag:$0x3] =	stream.indirect_vreg.gather [hbm4b:s4+s2], $0x80, v34, vm0, $0x38;
	[tilespmem:$0x18900] =	vst v63  }
0x84: {  	v39 =	vperm.xlane v17, v14;
	v38 =	vadd.s32 v2, v37;
	s12 =	simm.s32 $0x14900  }
0x85: {  	[tilespmem:s12], [sflag:$0x3] =	stream.indirect_vreg.gather [hbm4b:s4+s2], $0x80, v18, vm0, $0x38;
	[tilespmem:$0x18900] =	vst v63  }
0x86: {  	v40 =	vperm.xlane v17, v0;
	s31 =	simm.s32 $0x15100;
	v18 =	vadd.s32 v2, v39  }
0x87: {  	[tilespmem:s31], [sflag:$0x3] =	stream.indirect_vreg.gather [hbm4b:s4+s2], $0x80, v19, vm0, $0x38;
	[tilespmem:$0x18900] =	vst v63  }
0x88: {  	v41 =	vperm.xlane v17, v15;
	s5 =	simm.s32 $0x15900;
	v19 =	vadd.s32 v2, v40  }
0x89: {  	[tilespmem:s5], [sflag:$0x3] =	stream.indirect_vreg.gather [hbm4b:s4+s2], $0x80, v38, vm0, $0x38;
	[tilespmem:$0x18900] =	vst v63  }
0x8a: {  	v17 =	vperm.xlane v17, v16;
	v42 =	vadd.s32 v2, v41;
	s11 =	simm.s32 $0x16100  }
0x8b: {  	[tilespmem:s11], [sflag:$0x3] =	stream.indirect_vreg.gather [hbm4b:s4+s2], $0x80, v18, vm0, $0x38;
	[tilespmem:$0x18900] =	vst v63  }
0x8c: {  	v17 =	vadd.s32 v2, v17;
	s12 =	simm.s32 $0x16900  }
0x8d: {  	[tilespmem:s12], [sflag:$0x3] =	stream.indirect_vreg.gather [hbm4b:s4+s2], $0x80, v19, vm0, $0x38;
	[tilespmem:$0x18900] =	vst v63  }
0x8e: {  	s31 =	simm.s32 $0x17100  }
0x8f: {  	[tilespmem:s31], [sflag:$0x3] =	stream.indirect_vreg.gather [hbm4b:s4+s2], $0x80, v42, vm0, $0x38;
	[tilespmem:$0x18900] =	vst v63  }
0x90: {  	s5 =	simm.s32 $0x17900  }
0x91: {  	[tilespmem:s5], [sflag:$0x3] =	stream.indirect_vreg.gather [hbm4b:s4+s2], $0x80, v17, vm0, $0x38;
	[tilespmem:$0x18900] =	vst v63  }
0x92: {  	_ =	swait.ge [sflag:s1], $0x8000  }
0x93: {  	[sflag:s1] =	ssyncset.done $0x0  }
0x94: {  	s12 =	simm.s32 $0x100;
	s11 =	rddreg [dreg:$0x16];
	[sflag:s1] =	ssyncadd.s32 $0xFFFF8000  }
0x95: {  	[hbm4b:s11+s6] =	stream.strided.scatter [tilespmem:s12], [sflag:$0x4], $0x8000, s7, s6, $0x38;
	[tilespmem:$0x18900] =	vst v63  }
0x96: {  	_ =	swait.ge [sflag:s3], $0x8000  }
0x97: {  	[sflag:s3] =	ssyncset.done $0x0  }
0x98: {  	[sflag:s3] =	ssyncadd.s32 $0xFFFF8000  }
0x99: {  	v17 =	vld [tilespmem:$0x30];
	_ =	sdelay $0x4  }
0x9a: {  	v17 =	vshll.u32 v17, $0xD  }
0x9b: {  	v18 =	vperm.xlane v17, v1;
	_ =	sdelay $0x1  }
0x9c: {  	v19 =	vperm.xlane v17, v3;
	v18 =	vadd.s32 v2, v18;
	_ =	sdelay $0x1  }
0x9d: {  	v43 =	vperm.xlane v17, v4;
	v19 =	vadd.s32 v2, v19;
	_ =	sdelay $0x1  }
0x9e: {  	v44 =	vperm.xlane v17, v5;
	v20 =	vadd.s32 v2, v43  }
0x9f: {  	[tilespmem:s12], [sflag:$0x1] =	stream.indirect_vreg.gather [hbm4b:s4+s2], $0x80, v18, vm0, $0x38;
	[tilespmem:$0x18900] =	vst v63  }
0xa0: {  	s0 =	simm.s32 $0x900;
	v45 =	vperm.xlane v17, v6;
	v18 =	vadd.s32 v2, v44  }
0xa1: {  	[tilespmem:s0], [sflag:$0x1] =	stream.indirect_vreg.gather [hbm4b:s4+s2], $0x80, v19, vm0, $0x38;
	[tilespmem:$0x18900] =	vst v63  }
0xa2: {  	s24 =	simm.s32 $0x1100;
	v46 =	vperm.xlane v17, v7;
	v19 =	vadd.s32 v2, v45  }
0xa3: {  	[tilespmem:s24], [sflag:$0x1] =	stream.indirect_vreg.gather [hbm4b:s4+s2], $0x80, v20, vm0, $0x38;
	[tilespmem:$0x18900] =	vst v63  }
0xa4: {  	s8 =	simm.s32 $0x1900;
	v48 =	vperm.xlane v17, v8;
	v47 =	vadd.s32 v2, v46  }
0xa5: {  	[tilespmem:s8], [sflag:$0x1] =	stream.indirect_vreg.gather [hbm4b:s4+s2], $0x80, v18, vm0, $0x38;
	[tilespmem:$0x18900] =	vst v63  }
0xa6: {  	s14 =	simm.s32 $0x2100;
	v49 =	vperm.xlane v17, v9;
	v18 =	vadd.s32 v2, v48  }
0xa7: {  	[tilespmem:s14], [sflag:$0x1] =	stream.indirect_vreg.gather [hbm4b:s4+s2], $0x80, v19, vm0, $0x38;
	[tilespmem:$0x18900] =	vst v63  }
0xa8: {  	s15 =	simm.s32 $0x2900;
	v50 =	vperm.xlane v17, v10;
	v19 =	vadd.s32 v2, v49  }
0xa9: {  	[tilespmem:s15], [sflag:$0x1] =	stream.indirect_vreg.gather [hbm4b:s4+s2], $0x80, v47, vm0, $0x38;
	[tilespmem:$0x18900] =	vst v63  }
0xaa: {  	s16 =	simm.s32 $0x3100;
	v52 =	vperm.xlane v17, v11;
	v51 =	vadd.s32 v2, v50  }
0xab: {  	[tilespmem:s16], [sflag:$0x1] =	stream.indirect_vreg.gather [hbm4b:s4+s2], $0x80, v18, vm0, $0x38;
	[tilespmem:$0x18900] =	vst v63  }
0xac: {  	s17 =	simm.s32 $0x3900;
	v53 =	vperm.xlane v17, v12;
	v18 =	vadd.s32 v2, v52  }
0xad: {  	[tilespmem:s17], [sflag:$0x1] =	stream.indirect_vreg.gather [hbm4b:s4+s2], $0x80, v19, vm0, $0x38;
	[tilespmem:$0x18900] =	vst v63  }
0xae: {  	s18 =	simm.s32 $0x4100;
	v54 =	vperm.xlane v17, v13;
	v19 =	vadd.s32 v2, v53  }
0xaf: {  	[tilespmem:s18], [sflag:$0x1] =	stream.indirect_vreg.gather [hbm4b:s4+s2], $0x80, v51, vm0, $0x38;
	[tilespmem:$0x18900] =	vst v63  }
0xb0: {  	s19 =	simm.s32 $0x4900;
	v56 =	vperm.xlane v17, v14;
	v55 =	vadd.s32 v2, v54  }
0xb1: {  	[tilespmem:s19], [sflag:$0x1] =	stream.indirect_vreg.gather [hbm4b:s4+s2], $0x80, v18, vm0, $0x38;
	[tilespmem:$0x18900] =	vst v63  }
0xb2: {  	s20 =	simm.s32 $0x5100;
	v57 =	vperm.xlane v17, v0;
	v18 =	vadd.s32 v2, v56  }
0xb3: {  	[tilespmem:s20], [sflag:$0x1] =	stream.indirect_vreg.gather [hbm4b:s4+s2], $0x80, v19, vm0, $0x38;
	[tilespmem:$0x18900] =	vst v63  }
0xb4: {  	s21 =	simm.s32 $0x5900;
	v58 =	vperm.xlane v17, v15;
	v19 =	vadd.s32 v2, v57  }
0xb5: {  	[tilespmem:s21], [sflag:$0x1] =	stream.indirect_vreg.gather [hbm4b:s4+s2], $0x80, v55, vm0, $0x38;
	[tilespmem:$0x18900] =	vst v63  }
0xb6: {  	s22 =	simm.s32 $0x6100;
	v17 =	vperm.xlane v17, v16;
	v59 =	vadd.s32 v2, v58  }
0xb7: {  	[tilespmem:s22], [sflag:$0x1] =	stream.indirect_vreg.gather [hbm4b:s4+s2], $0x80, v18, vm0, $0x38;
	[tilespmem:$0x18900] =	vst v63  }
0xb8: {  	s10 =	simm.s32 $0x6900;
	v17 =	vadd.s32 v2, v17  }
0xb9: {  	[tilespmem:s10], [sflag:$0x1] =	stream.indirect_vreg.gather [hbm4b:s4+s2], $0x80, v19, vm0, $0x38;
	[tilespmem:$0x18900] =	vst v63  }
0xba: {  	s30 =	simm.s32 $0x7100  }
0xbb: {  	[tilespmem:s30], [sflag:$0x1] =	stream.indirect_vreg.gather [hbm4b:s4+s2], $0x80, v59, vm0, $0x38;
	[tilespmem:$0x18900] =	vst v63  }
0xbc: {  	s23 =	simm.s32 $0x7900  }
0xbd: {  	[tilespmem:s23], [sflag:$0x1] =	stream.indirect_vreg.gather [hbm4b:s4+s2], $0x80, v17, vm0, $0x38;
	[tilespmem:$0x18900] =	vst v63  }
0xbe: {  	_ =	swait.ge [sflag:s13], $0x8000  }
0xbf: {  	[sflag:s13] =	ssyncset.done $0x0  }
0xc0: {  	s15 =	simm.s32 $0x8100;
	s14 =	rddreg [dreg:$0x5];
	[sflag:s13] =	ssyncadd.s32 $0xFFFF8000  }
0xc1: {  	[hbm4b:s14+s6] =	stream.strided.scatter [tilespmem:s15], [sflag:$0x5], $0x8000, s7, s6, $0x38;
	[tilespmem:$0x18900] =	vst v63  }
0xc2: {  	_ =	swait.ge [sflag:s26], $0x8000  }
0xc3: {  	[sflag:s26] =	ssyncset.done $0x0  }
0xc4: {  	[sflag:s26] =	ssyncadd.s32 $0xFFFF8000  }
0xc5: {  	v17 =	vld [tilespmem:$0x40];
	_ =	sdelay $0x4  }
0xc6: {  	v17 =	vshll.u32 v17, $0xD  }
0xc7: {  	v18 =	vperm.xlane v17, v1;
	_ =	sdelay $0x1  }
0xc8: {  	v19 =	vperm.xlane v17, v3;
	v18 =	vadd.s32 v2, v18;
	_ =	sdelay $0x1  }
0xc9: {  	v60 =	vperm.xlane v17, v4;
	v19 =	vadd.s32 v2, v19;
	_ =	sdelay $0x1  }
0xca: {  	v61 =	vperm.xlane v17, v5;
	v20 =	vadd.s32 v2, v60  }
0xcb: {  	[tilespmem:s15], [sflag:$0x2] =	stream.indirect_vreg.gather [hbm4b:s4+s2], $0x80, v18, vm0, $0x38;
	[tilespmem:$0x18900] =	vst v63  }
0xcc: {  	s9 =	simm.s32 $0x8900;
	v62 =	vperm.xlane v17, v6;
	v18 =	vadd.s32 v2, v61  }
0xcd: {  	[tilespmem:s9], [sflag:$0x2] =	stream.indirect_vreg.gather [hbm4b:s4+s2], $0x80, v19, vm0, $0x38;
	[tilespmem:$0x18900] =	vst v63  }
0xce: {  	s11 =	simm.s32 $0x9100;
	v63 =	vperm.xlane v17, v7;
	v19 =	vadd.s32 v2, v62  }
0xcf: {  	[tilespmem:s11], [sflag:$0x2] =	stream.indirect_vreg.gather [hbm4b:s4+s2], $0x80, v20, vm0, $0x38;
	[tilespmem:$0x18900] =	vst v63  }
0xd0: {  	s12 =	simm.s32 $0x9900;
	v25 =	vperm.xlane v17, v8;
	v24 =	vadd.s32 v2, v63  }
0xd1: {  	[tilespmem:s12], [sflag:$0x2] =	stream.indirect_vreg.gather [hbm4b:s4+s2], $0x80, v18, vm0, $0x38;
	[tilespmem:$0x18900] =	vst v63  }
0xd2: {  	s31 =	simm.s32 $0xA100;
	v26 =	vperm.xlane v17, v9;
	v18 =	vadd.s32 v2, v25  }
0xd3: {  	[tilespmem:s31], [sflag:$0x2] =	stream.indirect_vreg.gather [hbm4b:s4+s2], $0x80, v19, vm0, $0x38;
	[tilespmem:$0x18900] =	vst v63  }
0xd4: {  	s25 =	simm.s32 $0xA900;
	v27 =	vperm.xlane v17, v10;
	v19 =	vadd.s32 v2, v26  }
0xd5: {  	[tilespmem:s25], [sflag:$0x2] =	stream.indirect_vreg.gather [hbm4b:s4+s2], $0x80, v24, vm0, $0x38;
	[tilespmem:$0x18900] =	vst v63  }
0xd6: {  	s16 =	simm.s32 $0xB100;
	v29 =	vperm.xlane v17, v11;
	v28 =	vadd.s32 v2, v27  }
0xd7: {  	[tilespmem:s16], [sflag:$0x2] =	stream.indirect_vreg.gather [hbm4b:s4+s2], $0x80, v18, vm0, $0x38;
	[tilespmem:$0x18900] =	vst v63  }
0xd8: {  	s17 =	simm.s32 $0xB900;
	v30 =	vperm.xlane v17, v12;
	v18 =	vadd.s32 v2, v29  }
0xd9: {  	[tilespmem:s17], [sflag:$0x2] =	stream.indirect_vreg.gather [hbm4b:s4+s2], $0x80, v19, vm0, $0x38;
	[tilespmem:$0x18900] =	vst v63  }
0xda: {  	s18 =	simm.s32 $0xC100;
	v31 =	vperm.xlane v17, v13;
	v19 =	vadd.s32 v2, v30  }
0xdb: {  	[tilespmem:s18], [sflag:$0x2] =	stream.indirect_vreg.gather [hbm4b:s4+s2], $0x80, v28, vm0, $0x38;
	[tilespmem:$0x18900] =	vst v63  }
0xdc: {  	s19 =	simm.s32 $0xC900;
	v33 =	vperm.xlane v17, v14;
	v32 =	vadd.s32 v2, v31  }
0xdd: {  	[tilespmem:s19], [sflag:$0x2] =	stream.indirect_vreg.gather [hbm4b:s4+s2], $0x80, v18, vm0, $0x38;
	[tilespmem:$0x18900] =	vst v63  }
0xde: {  	s20 =	simm.s32 $0xD100;
	v34 =	vperm.xlane v17, v0;
	v18 =	vadd.s32 v2, v33  }
0xdf: {  	[tilespmem:s20], [sflag:$0x2] =	stream.indirect_vreg.gather [hbm4b:s4+s2], $0x80, v19, vm0, $0x38;
	[tilespmem:$0x18900] =	vst v63  }
0xe0: {  	s21 =	simm.s32 $0xD900;
	v35 =	vperm.xlane v17, v15;
	v19 =	vadd.s32 v2, v34  }
0xe1: {  	[tilespmem:s21], [sflag:$0x2] =	stream.indirect_vreg.gather [hbm4b:s4+s2], $0x80, v32, vm0, $0x38;
	[tilespmem:$0x18900] =	vst v63  }
0xe2: {  	s22 =	simm.s32 $0xE100;
	v17 =	vperm.xlane v17, v16;
	v36 =	vadd.s32 v2, v35  }
0xe3: {  	[tilespmem:s22], [sflag:$0x2] =	stream.indirect_vreg.gather [hbm4b:s4+s2], $0x80, v18, vm0, $0x38;
	[tilespmem:$0x18900] =	vst v63  }
0xe4: {  	s23 =	simm.s32 $0xE900;
	v17 =	vadd.s32 v2, v17  }
0xe5: {  	[tilespmem:s23], [sflag:$0x2] =	stream.indirect_vreg.gather [hbm4b:s4+s2], $0x80, v19, vm0, $0x38;
	[tilespmem:$0x18900] =	vst v63  }
0xe6: {  	s9 =	simm.s32 $0xF100  }
0xe7: {  	[tilespmem:s9], [sflag:$0x2] =	stream.indirect_vreg.gather [hbm4b:s4+s2], $0x80, v36, vm0, $0x38;
	[tilespmem:$0x18900] =	vst v63  }
0xe8: {  	s24 =	simm.s32 $0xF900  }
0xe9: {  	[tilespmem:s24], [sflag:$0x2] =	stream.indirect_vreg.gather [hbm4b:s4+s2], $0x80, v17, vm0, $0x38;
	[tilespmem:$0x18900] =	vst v63  }
0xea: {  	_ =	swait.ge [sflag:s28], $0x8000  }
0xeb: {  	[sflag:s28] =	ssyncset.done $0x0  }
0xec: {  	s0 =	simm.s32 $0x10100;
	s25 =	rddreg [dreg:$0x6];
	[sflag:s28] =	ssyncadd.s32 $0xFFFF8000  }
0xed: {  	[hbm4b:s25+s6] =	stream.strided.scatter [tilespmem:s0], [sflag:$0x6], $0x8000, s7, s6, $0x38;
	[tilespmem:$0x18900] =	vst v63  }
0xee: {  	_ =	swait.ge [sflag:s29], $0x8000  }
0xef: {  	[sflag:s29] =	ssyncset.done $0x0  }
0xf0: {  	[sflag:s29] =	ssyncadd.s32 $0xFFFF8000  }
0xf1: {  	v17 =	vld [tilespmem:$0x50];
	_ =	sdelay $0x4  }
0xf2: {  	v17 =	vshll.u32 v17, $0xD  }
0xf3: {  	v18 =	vperm.xlane v17, v1;
	_ =	sdelay $0x1  }
0xf4: {  	v19 =	vperm.xlane v17, v3;
	v18 =	vadd.s32 v2, v18;
	_ =	sdelay $0x1  }
0xf5: {  	v37 =	vperm.xlane v17, v4;
	v19 =	vadd.s32 v2, v19;
	_ =	sdelay $0x1  }
0xf6: {  	v38 =	vperm.xlane v17, v5;
	v20 =	vadd.s32 v2, v37  }
0xf7: {  	[tilespmem:s0], [sflag:$0x3] =	stream.indirect_vreg.gather [hbm4b:s4+s2], $0x80, v18, vm0, $0x38;
	[tilespmem:$0x18900] =	vst v63  }
0xf8: {  	s15 =	simm.s32 $0x10900;
	v39 =	vperm.xlane v17, v6;
	v18 =	vadd.s32 v2, v38  }
0xf9: {  	[tilespmem:s15], [sflag:$0x3] =	stream.indirect_vreg.gather [hbm4b:s4+s2], $0x80, v19, vm0, $0x38;
	[tilespmem:$0x18900] =	vst v63  }
0xfa: {  	s16 =	simm.s32 $0x11100;
	v40 =	vperm.xlane v17, v7;
	v19 =	vadd.s32 v2, v39  }
0xfb: {  	[tilespmem:s16], [sflag:$0x3] =	stream.indirect_vreg.gather [hbm4b:s4+s2], $0x80, v20, vm0, $0x38;
	[tilespmem:$0x18900] =	vst v63  }
0xfc: {  	s17 =	simm.s32 $0x11900;
	v42 =	vperm.xlane v17, v8;
	v41 =	vadd.s32 v2, v40  }
0xfd: {  	[tilespmem:s17], [sflag:$0x3] =	stream.indirect_vreg.gather [hbm4b:s4+s2], $0x80, v18, vm0, $0x38;
	[tilespmem:$0x18900] =	vst v63  }
0xfe: {  	s18 =	simm.s32 $0x12100;
	v43 =	vperm.xlane v17, v9;
	v18 =	vadd.s32 v2, v42  }
0xff: {  	[tilespmem:s18], [sflag:$0x3] =	stream.indirect_vreg.gather [hbm4b:s4+s2], $0x80, v19, vm0, $0x38;
	[tilespmem:$0x18900] =	vst v63  }
0x100: {  	s19 =	simm.s32 $0x12900;
	v44 =	vperm.xlane v17, v10;
	v19 =	vadd.s32 v2, v43  }
0x101: {  	[tilespmem:s19], [sflag:$0x3] =	stream.indirect_vreg.gather [hbm4b:s4+s2], $0x80, v41, vm0, $0x38;
	[tilespmem:$0x18900] =	vst v63  }
0x102: {  	s20 =	simm.s32 $0x13100;
	v46 =	vperm.xlane v17, v11;
	v45 =	vadd.s32 v2, v44  }
0x103: {  	[tilespmem:s20], [sflag:$0x3] =	stream.indirect_vreg.gather [hbm4b:s4+s2], $0x80, v18, vm0, $0x38;
	[tilespmem:$0x18900] =	vst v63  }
0x104: {  	s21 =	simm.s32 $0x13900;
	v47 =	vperm.xlane v17, v12;
	v18 =	vadd.s32 v2, v46  }
0x105: {  	[tilespmem:s21], [sflag:$0x3] =	stream.indirect_vreg.gather [hbm4b:s4+s2], $0x80, v19, vm0, $0x38;
	[tilespmem:$0x18900] =	vst v63  }
0x106: {  	s22 =	simm.s32 $0x14100;
	v48 =	vperm.xlane v17, v13;
	v19 =	vadd.s32 v2, v47  }
0x107: {  	[tilespmem:s22], [sflag:$0x3] =	stream.indirect_vreg.gather [hbm4b:s4+s2], $0x80, v45, vm0, $0x38;
	[tilespmem:$0x18900] =	vst v63  }
0x108: {  	s23 =	simm.s32 $0x14900;
	v50 =	vperm.xlane v17, v14;
	v49 =	vadd.s32 v2, v48  }
0x109: {  	[tilespmem:s23], [sflag:$0x3] =	stream.indirect_vreg.gather [hbm4b:s4+s2], $0x80, v18, vm0, $0x38;
	[tilespmem:$0x18900] =	vst v63  }
0x10a: {  	s24 =	simm.s32 $0x15100;
	v51 =	vperm.xlane v17, v0;
	v18 =	vadd.s32 v2, v50  }
0x10b: {  	[tilespmem:s24], [sflag:$0x3] =	stream.indirect_vreg.gather [hbm4b:s4+s2], $0x80, v19, vm0, $0x38;
	[tilespmem:$0x18900] =	vst v63  }
0x10c: {  	s25 =	simm.s32 $0x15900;
	v52 =	vperm.xlane v17, v15;
	v19 =	vadd.s32 v2, v51  }
0x10d: {  	[tilespmem:s25], [sflag:$0x3] =	stream.indirect_vreg.gather [hbm4b:s4+s2], $0x80, v49, vm0, $0x38;
	[tilespmem:$0x18900] =	vst v63  }
0x10e: {  	s5 =	simm.s32 $0x16100;
	v17 =	vperm.xlane v17, v16;
	v53 =	vadd.s32 v2, v52  }
0x10f: {  	[tilespmem:s5], [sflag:$0x3] =	stream.indirect_vreg.gather [hbm4b:s4+s2], $0x80, v18, vm0, $0x38;
	[tilespmem:$0x18900] =	vst v63  }
0x110: {  	s14 =	simm.s32 $0x16900;
	v17 =	vadd.s32 v2, v17  }
0x111: {  	[tilespmem:s14], [sflag:$0x3] =	stream.indirect_vreg.gather [hbm4b:s4+s2], $0x80, v19, vm0, $0x38;
	[tilespmem:$0x18900] =	vst v63  }
0x112: {  	s14 =	simm.s32 $0x17100  }
0x113: {  	[tilespmem:s14], [sflag:$0x3] =	stream.indirect_vreg.gather [hbm4b:s4+s2], $0x80, v53, vm0, $0x38;
	[tilespmem:$0x18900] =	vst v63  }
0x114: {  	s30 =	simm.s32 $0x17900  }
0x115: {  	[tilespmem:s30], [sflag:$0x3] =	stream.indirect_vreg.gather [hbm4b:s4+s2], $0x80, v17, vm0, $0x38;
	[tilespmem:$0x18900] =	vst v63  }
0x116: {  	_ =	swait.ge [sflag:s1], $0x8000  }
0x117: {  	[sflag:s1] =	ssyncset.done $0x0  }
0x118: {  	s0 =	simm.s32 $0x100;
	s30 =	rddreg [dreg:$0x7];
	[sflag:s1] =	ssyncadd.s32 $0xFFFF8000  }
0x119: {  	[hbm4b:s30+s6] =	stream.strided.scatter [tilespmem:s0], [sflag:$0x4], $0x8000, s7, s6, $0x38;
	[tilespmem:$0x18900] =	vst v63  }
0x11a: {  	_ =	swait.ge [sflag:s3], $0x8000  }
0x11b: {  	[sflag:s3] =	ssyncset.done $0x0  }
0x11c: {  	[sflag:s3] =	ssyncadd.s32 $0xFFFF8000  }
0x11d: {  	v17 =	vld [tilespmem:$0x60];
	_ =	sdelay $0x4  }
0x11e: {  	v17 =	vshll.u32 v17, $0xD  }
0x11f: {  	v18 =	vperm.xlane v17, v1;
	_ =	sdelay $0x1  }
0x120: {  	v19 =	vperm.xlane v17, v3;
	v18 =	vadd.s32 v2, v18;
	_ =	sdelay $0x1  }
0x121: {  	v54 =	vperm.xlane v17, v4;
	v19 =	vadd.s32 v2, v19;
	_ =	sdelay $0x1  }
0x122: {  	v55 =	vperm.xlane v17, v5;
	v20 =	vadd.s32 v2, v54  }
0x123: {  	[tilespmem:s0], [sflag:$0x1] =	stream.indirect_vreg.gather [hbm4b:s4+s2], $0x80, v18, vm0, $0x38;
	[tilespmem:$0x18900] =	vst v63  }
0x124: {  	s30 =	simm.s32 $0x900;
	v56 =	vperm.xlane v17, v6;
	v18 =	vadd.s32 v2, v55  }
0x125: {  	[tilespmem:s30], [sflag:$0x1] =	stream.indirect_vreg.gather [hbm4b:s4+s2], $0x80, v19, vm0, $0x38;
	[tilespmem:$0x18900] =	vst v63  }
0x126: {  	v57 =	vperm.xlane v17, v7;
	v19 =	vadd.s32 v2, v56;
	s30 =	simm.s32 $0x1100  }
0x127: {  	[tilespmem:s30], [sflag:$0x1] =	stream.indirect_vreg.gather [hbm4b:s4+s2], $0x80, v20, vm0, $0x38;
	[tilespmem:$0x18900] =	vst v63  }
0x128: {  	s8 =	simm.s32 $0x1900;
	v59 =	vperm.xlane v17, v8;
	v58 =	vadd.s32 v2, v57  }
0x129: {  	[tilespmem:s8], [sflag:$0x1] =	stream.indirect_vreg.gather [hbm4b:s4+s2], $0x80, v18, vm0, $0x38;
	[tilespmem:$0x18900] =	vst v63  }
0x12a: {  	v60 =	vperm.xlane v17, v9;
	v18 =	vadd.s32 v2, v59;
	s8 =	simm.s32 $0x2100  }
0x12b: {  	[tilespmem:s8], [sflag:$0x1] =	stream.indirect_vreg.gather [hbm4b:s4+s2], $0x80, v19, vm0, $0x38;
	[tilespmem:$0x18900] =	vst v63  }
0x12c: {  	v61 =	vperm.xlane v17, v10;
	s30 =	simm.s32 $0x2900;
	v19 =	vadd.s32 v2, v60  }
0x12d: {  	[tilespmem:s30], [sflag:$0x1] =	stream.indirect_vreg.gather [hbm4b:s4+s2], $0x80, v58, vm0, $0x38;
	[tilespmem:$0x18900] =	vst v63  }
0x12e: {  	v63 =	vperm.xlane v17, v11;
	v62 =	vadd.s32 v2, v61;
	s8 =	simm.s32 $0x3100  }
0x12f: {  	[tilespmem:s8], [sflag:$0x1] =	stream.indirect_vreg.gather [hbm4b:s4+s2], $0x80, v18, vm0, $0x38;
	[tilespmem:$0x18900] =	vst v63  }
0x130: {  	v24 =	vperm.xlane v17, v12;
	s30 =	simm.s32 $0x3900;
	v18 =	vadd.s32 v2, v63  }
0x131: {  	[tilespmem:s30], [sflag:$0x1] =	stream.indirect_vreg.gather [hbm4b:s4+s2], $0x80, v19, vm0, $0x38;
	[tilespmem:$0x18900] =	vst v63  }
0x132: {  	v25 =	vperm.xlane v17, v13;
	s8 =	simm.s32 $0x4100;
	v19 =	vadd.s32 v2, v24  }
0x133: {  	[tilespmem:s8], [sflag:$0x1] =	stream.indirect_vreg.gather [hbm4b:s4+s2], $0x80, v62, vm0, $0x38;
	[tilespmem:$0x18900] =	vst v63  }
0x134: {  	v27 =	vperm.xlane v17, v14;
	v26 =	vadd.s32 v2, v25;
	s30 =	simm.s32 $0x4900  }
0x135: {  	[tilespmem:s30], [sflag:$0x1] =	stream.indirect_vreg.gather [hbm4b:s4+s2], $0x80, v18, vm0, $0x38;
	[tilespmem:$0x18900] =	vst v63  }
0x136: {  	v28 =	vperm.xlane v17, v0;
	s8 =	simm.s32 $0x5100;
	v18 =	vadd.s32 v2, v27  }
0x137: {  	[tilespmem:s8], [sflag:$0x1] =	stream.indirect_vreg.gather [hbm4b:s4+s2], $0x80, v19, vm0, $0x38;
	[tilespmem:$0x18900] =	vst v63  }
0x138: {  	v29 =	vperm.xlane v17, v15;
	s30 =	simm.s32 $0x5900;
	v19 =	vadd.s32 v2, v28  }
0x139: {  	[tilespmem:s30], [sflag:$0x1] =	stream.indirect_vreg.gather [hbm4b:s4+s2], $0x80, v26, vm0, $0x38;
	[tilespmem:$0x18900] =	vst v63  }
0x13a: {  	v17 =	vperm.xlane v17, v16;
	v30 =	vadd.s32 v2, v29;
	s8 =	simm.s32 $0x6100  }
0x13b: {  	[tilespmem:s8], [sflag:$0x1] =	stream.indirect_vreg.gather [hbm4b:s4+s2], $0x80, v18, vm0, $0x38;
	[tilespmem:$0x18900] =	vst v63  }
0x13c: {  	v17 =	vadd.s32 v2, v17  }
0x13d: {  	[tilespmem:s10], [sflag:$0x1] =	stream.indirect_vreg.gather [hbm4b:s4+s2], $0x80, v19, vm0, $0x38;
	[tilespmem:$0x18900] =	vst v63  }
0x13e: {  	s10 =	simm.s32 $0x7100  }
0x13f: {  	[tilespmem:s10], [sflag:$0x1] =	stream.indirect_vreg.gather [hbm4b:s4+s2], $0x80, v30, vm0, $0x38;
	[tilespmem:$0x18900] =	vst v63  }
0x140: {  	s30 =	simm.s32 $0x7900  }
0x141: {  	[tilespmem:s30], [sflag:$0x1] =	stream.indirect_vreg.gather [hbm4b:s4+s2], $0x80, v17, vm0, $0x38;
	[tilespmem:$0x18900] =	vst v63  }
0x142: {  	_ =	swait.ge [sflag:s13], $0x8000  }
0x143: {  	[sflag:s13] =	ssyncset.done $0x0  }
0x144: {  	s8 =	simm.s32 $0x8100;
	s0 =	rddreg [dreg:$0x8];
	[sflag:s13] =	ssyncadd.s32 $0xFFFF8000  }
0x145: {  	[hbm4b:s0+s6] =	stream.strided.scatter [tilespmem:s8], [sflag:$0x5], $0x8000, s7, s6, $0x38;
	[tilespmem:$0x18900] =	vst v63  }
0x146: {  	_ =	swait.ge [sflag:s26], $0x8000  }
0x147: {  	[sflag:s26] =	ssyncset.done $0x0  }
0x148: {  	[sflag:s26] =	ssyncadd.s32 $0xFFFF8000  }
0x149: {  	v17 =	vld [tilespmem:$0x70];
	_ =	sdelay $0x4  }
0x14a: {  	v17 =	vshll.u32 v17, $0xD  }
0x14b: {  	v18 =	vperm.xlane v17, v1;
	_ =	sdelay $0x1  }
0x14c: {  	v19 =	vperm.xlane v17, v3;
	v18 =	vadd.s32 v2, v18;
	_ =	sdelay $0x1  }
0x14d: {  	v31 =	vperm.xlane v17, v4;
	v19 =	vadd.s32 v2, v19;
	_ =	sdelay $0x1  }
0x14e: {  	v32 =	vperm.xlane v17, v5;
	v20 =	vadd.s32 v2, v31  }
0x14f: {  	[tilespmem:s8], [sflag:$0x2] =	stream.indirect_vreg.gather [hbm4b:s4+s2], $0x80, v18, vm0, $0x38;
	[tilespmem:$0x18900] =	vst v63  }
0x150: {  	s10 =	simm.s32 $0x8900;
	v33 =	vperm.xlane v17, v6;
	v18 =	vadd.s32 v2, v32  }
0x151: {  	[tilespmem:s10], [sflag:$0x2] =	stream.indirect_vreg.gather [hbm4b:s4+s2], $0x80, v19, vm0, $0x38;
	[tilespmem:$0x18900] =	vst v63  }
0x152: {  	v34 =	vperm.xlane v17, v7;
	v19 =	vadd.s32 v2, v33  }
0x153: {  	[tilespmem:s11], [sflag:$0x2] =	stream.indirect_vreg.gather [hbm4b:s4+s2], $0x80, v20, vm0, $0x38;
	[tilespmem:$0x18900] =	vst v63  }
0x154: {  	v36 =	vperm.xlane v17, v8;
	v35 =	vadd.s32 v2, v34  }
0x155: {  	[tilespmem:s12], [sflag:$0x2] =	stream.indirect_vreg.gather [hbm4b:s4+s2], $0x80, v18, vm0, $0x38;
	[tilespmem:$0x18900] =	vst v63  }
0x156: {  	v37 =	vperm.xlane v17, v9;
	v18 =	vadd.s32 v2, v36  }
0x157: {  	[tilespmem:s31], [sflag:$0x2] =	stream.indirect_vreg.gather [hbm4b:s4+s2], $0x80, v19, vm0, $0x38;
	[tilespmem:$0x18900] =	vst v63  }
0x158: {  	v38 =	vperm.xlane v17, v10;
	v19 =	vadd.s32 v2, v37;
	s31 =	simm.s32 $0xA900  }
0x159: {  	[tilespmem:s31], [sflag:$0x2] =	stream.indirect_vreg.gather [hbm4b:s4+s2], $0x80, v35, vm0, $0x38;
	[tilespmem:$0x18900] =	vst v63  }
0x15a: {  	v40 =	vperm.xlane v17, v11;
	v39 =	vadd.s32 v2, v38;
	s11 =	simm.s32 $0xB100  }
0x15b: {  	[tilespmem:s11], [sflag:$0x2] =	stream.indirect_vreg.gather [hbm4b:s4+s2], $0x80, v18, vm0, $0x38;
	[tilespmem:$0x18900] =	vst v63  }
0x15c: {  	v41 =	vperm.xlane v17, v12;
	s12 =	simm.s32 $0xB900;
	v18 =	vadd.s32 v2, v40  }
0x15d: {  	[tilespmem:s12], [sflag:$0x2] =	stream.indirect_vreg.gather [hbm4b:s4+s2], $0x80, v19, vm0, $0x38;
	[tilespmem:$0x18900] =	vst v63  }
0x15e: {  	s30 =	simm.s32 $0xC100;
	v42 =	vperm.xlane v17, v13;
	v19 =	vadd.s32 v2, v41  }
0x15f: {  	[tilespmem:s30], [sflag:$0x2] =	stream.indirect_vreg.gather [hbm4b:s4+s2], $0x80, v39, vm0, $0x38;
	[tilespmem:$0x18900] =	vst v63  }
0x160: {  	v44 =	vperm.xlane v17, v14;
	v43 =	vadd.s32 v2, v42;
	s10 =	simm.s32 $0xC900  }
0x161: {  	[tilespmem:s10], [sflag:$0x2] =	stream.indirect_vreg.gather [hbm4b:s4+s2], $0x80, v18, vm0, $0x38;
	[tilespmem:$0x18900] =	vst v63  }
0x162: {  	v45 =	vperm.xlane v17, v0;
	s11 =	simm.s32 $0xD100;
	v18 =	vadd.s32 v2, v44  }
0x163: {  	[tilespmem:s11], [sflag:$0x2] =	stream.indirect_vreg.gather [hbm4b:s4+s2], $0x80, v19, vm0, $0x38;
	[tilespmem:$0x18900] =	vst v63  }
0x164: {  	v46 =	vperm.xlane v17, v15;
	s12 =	simm.s32 $0xD900;
	v19 =	vadd.s32 v2, v45  }
0x165: {  	[tilespmem:s12], [sflag:$0x2] =	stream.indirect_vreg.gather [hbm4b:s4+s2], $0x80, v43, vm0, $0x38;
	[tilespmem:$0x18900] =	vst v63  }
0x166: {  	v17 =	vperm.xlane v17, v16;
	v47 =	vadd.s32 v2, v46;
	s30 =	simm.s32 $0xE100  }
0x167: {  	[tilespmem:s30], [sflag:$0x2] =	stream.indirect_vreg.gather [hbm4b:s4+s2], $0x80, v18, vm0, $0x38;
	[tilespmem:$0x18900] =	vst v63  }
0x168: {  	s0 =	simm.s32 $0xE900;
	v17 =	vadd.s32 v2, v17  }
0x169: {  	[tilespmem:s0], [sflag:$0x2] =	stream.indirect_vreg.gather [hbm4b:s4+s2], $0x80, v19, vm0, $0x38;
	[tilespmem:$0x18900] =	vst v63  }
0x16a: {  	_ = 	snop  }
0x16b: {  	[tilespmem:s9], [sflag:$0x2] =	stream.indirect_vreg.gather [hbm4b:s4+s2], $0x80, v47, vm0, $0x38;
	[tilespmem:$0x18900] =	vst v63  }
0x16c: {  	s10 =	simm.s32 $0xF900  }
0x16d: {  	[tilespmem:s10], [sflag:$0x2] =	stream.indirect_vreg.gather [hbm4b:s4+s2], $0x80, v17, vm0, $0x38;
	[tilespmem:$0x18900] =	vst v63  }
0x16e: {  	_ =	swait.ge [sflag:s28], $0x8000  }
0x16f: {  	[sflag:s28] =	ssyncset.done $0x0  }
0x170: {  	s12 =	simm.s32 $0x10100;
	s11 =	rddreg [dreg:$0x9];
	[sflag:s28] =	ssyncadd.s32 $0xFFFF8000  }
0x171: {  	[hbm4b:s11+s6] =	stream.strided.scatter [tilespmem:s12], [sflag:$0x6], $0x8000, s7, s6, $0x38;
	[tilespmem:$0x18900] =	vst v63  }
0x172: {  	_ =	swait.ge [sflag:s29], $0x8000  }
0x173: {  	[sflag:s29] =	ssyncset.done $0x0  }
0x174: {  	[sflag:s29] =	ssyncadd.s32 $0xFFFF8000  }
0x175: {  	v17 =	vld [tilespmem:$0x80];
	_ =	sdelay $0x4  }
0x176: {  	v17 =	vshll.u32 v17, $0xD  }
0x177: {  	v18 =	vperm.xlane v17, v1;
	_ =	sdelay $0x1  }
0x178: {  	v19 =	vperm.xlane v17, v3;
	v18 =	vadd.s32 v2, v18;
	_ =	sdelay $0x1  }
0x179: {  	v48 =	vperm.xlane v17, v4;
	v19 =	vadd.s32 v2, v19;
	_ =	sdelay $0x1  }
0x17a: {  	v49 =	vperm.xlane v17, v5;
	v20 =	vadd.s32 v2, v48  }
0x17b: {  	[tilespmem:s12], [sflag:$0x3] =	stream.indirect_vreg.gather [hbm4b:s4+s2], $0x80, v18, vm0, $0x38;
	[tilespmem:$0x18900] =	vst v63  }
0x17c: {  	v50 =	vperm.xlane v17, v6;
	v18 =	vadd.s32 v2, v49  }
0x17d: {  	[tilespmem:s15], [sflag:$0x3] =	stream.indirect_vreg.gather [hbm4b:s4+s2], $0x80, v19, vm0, $0x38;
	[tilespmem:$0x18900] =	vst v63  }
0x17e: {  	v51 =	vperm.xlane v17, v7;
	v19 =	vadd.s32 v2, v50  }
0x17f: {  	[tilespmem:s16], [sflag:$0x3] =	stream.indirect_vreg.gather [hbm4b:s4+s2], $0x80, v20, vm0, $0x38;
	[tilespmem:$0x18900] =	vst v63  }
0x180: {  	v53 =	vperm.xlane v17, v8;
	v52 =	vadd.s32 v2, v51  }
0x181: {  	[tilespmem:s17], [sflag:$0x3] =	stream.indirect_vreg.gather [hbm4b:s4+s2], $0x80, v18, vm0, $0x38;
	[tilespmem:$0x18900] =	vst v63  }
0x182: {  	v54 =	vperm.xlane v17, v9;
	v18 =	vadd.s32 v2, v53  }
0x183: {  	[tilespmem:s18], [sflag:$0x3] =	stream.indirect_vreg.gather [hbm4b:s4+s2], $0x80, v19, vm0, $0x38;
	[tilespmem:$0x18900] =	vst v63  }
0x184: {  	v55 =	vperm.xlane v17, v10;
	v19 =	vadd.s32 v2, v54  }
0x185: {  	[tilespmem:s19], [sflag:$0x3] =	stream.indirect_vreg.gather [hbm4b:s4+s2], $0x80, v52, vm0, $0x38;
	[tilespmem:$0x18900] =	vst v63  }
0x186: {  	v57 =	vperm.xlane v17, v11;
	v56 =	vadd.s32 v2, v55  }
0x187: {  	[tilespmem:s20], [sflag:$0x3] =	stream.indirect_vreg.gather [hbm4b:s4+s2], $0x80, v18, vm0, $0x38;
	[tilespmem:$0x18900] =	vst v63  }
0x188: {  	v58 =	vperm.xlane v17, v12;
	v18 =	vadd.s32 v2, v57  }
0x189: {  	[tilespmem:s21], [sflag:$0x3] =	stream.indirect_vreg.gather [hbm4b:s4+s2], $0x80, v19, vm0, $0x38;
	[tilespmem:$0x18900] =	vst v63  }
0x18a: {  	v59 =	vperm.xlane v17, v13;
	v19 =	vadd.s32 v2, v58  }
0x18b: {  	[tilespmem:s22], [sflag:$0x3] =	stream.indirect_vreg.gather [hbm4b:s4+s2], $0x80, v56, vm0, $0x38;
	[tilespmem:$0x18900] =	vst v63  }
0x18c: {  	v61 =	vperm.xlane v17, v14;
	v60 =	vadd.s32 v2, v59  }
0x18d: {  	[tilespmem:s23], [sflag:$0x3] =	stream.indirect_vreg.gather [hbm4b:s4+s2], $0x80, v18, vm0, $0x38;
	[tilespmem:$0x18900] =	vst v63  }
0x18e: {  	v62 =	vperm.xlane v17, v0;
	v18 =	vadd.s32 v2, v61  }
0x18f: {  	[tilespmem:s24], [sflag:$0x3] =	stream.indirect_vreg.gather [hbm4b:s4+s2], $0x80, v19, vm0, $0x38;
	[tilespmem:$0x18900] =	vst v63  }
0x190: {  	v63 =	vperm.xlane v17, v15;
	v19 =	vadd.s32 v2, v62  }
0x191: {  	[tilespmem:s25], [sflag:$0x3] =	stream.indirect_vreg.gather [hbm4b:s4+s2], $0x80, v60, vm0, $0x38;
	[tilespmem:$0x18900] =	vst v63  }
0x192: {  	v17 =	vperm.xlane v17, v16;
	v24 =	vadd.s32 v2, v63  }
0x193: {  	[tilespmem:s5], [sflag:$0x3] =	stream.indirect_vreg.gather [hbm4b:s4+s2], $0x80, v18, vm0, $0x38;
	[tilespmem:$0x18900] =	vst v63  }
0x194: {  	v17 =	vadd.s32 v2, v17;
	s18 =	simm.s32 $0x16900  }
0x195: {  	[tilespmem:s18], [sflag:$0x3] =	stream.indirect_vreg.gather [hbm4b:s4+s2], $0x80, v19, vm0, $0x38;
	[tilespmem:$0x18900] =	vst v63  }
0x196: {  	_ = 	snop  }
0x197: {  	[tilespmem:s14], [sflag:$0x3] =	stream.indirect_vreg.gather [hbm4b:s4+s2], $0x80, v24, vm0, $0x38;
	[tilespmem:$0x18900] =	vst v63  }
0x198: {  	s19 =	simm.s32 $0x17900  }
0x199: {  	[tilespmem:s19], [sflag:$0x3] =	stream.indirect_vreg.gather [hbm4b:s4+s2], $0x80, v17, vm0, $0x38;
	[tilespmem:$0x18900] =	vst v63  }
0x19a: {  	_ =	swait.ge [sflag:s1], $0x8000  }
0x19b: {  	[sflag:s1] =	ssyncset.done $0x0  }
0x19c: {  	s21 =	simm.s32 $0x100;
	s20 =	rddreg [dreg:$0xa];
	[sflag:s1] =	ssyncadd.s32 $0xFFFF8000  }
0x19d: {  	[hbm4b:s20+s6] =	stream.strided.scatter [tilespmem:s21], [sflag:$0x4], $0x8000, s7, s6, $0x38;
	[tilespmem:$0x18900] =	vst v63  }
0x19e: {  	_ =	swait.ge [sflag:s3], $0x8000  }
0x19f: {  	[sflag:s3] =	ssyncset.done $0x0  }
0x1a0: {  	[sflag:s3] =	ssyncadd.s32 $0xFFFF8000  }
0x1a1: {  	v17 =	vld [tilespmem:$0x90];
	_ =	sdelay $0x4  }
0x1a2: {  	v17 =	vshll.u32 v17, $0xD  }
0x1a3: {  	v18 =	vperm.xlane v17, v1;
	_ =	sdelay $0x1  }
0x1a4: {  	v19 =	vperm.xlane v17, v3;
	v18 =	vadd.s32 v2, v18;
	_ =	sdelay $0x1  }
0x1a5: {  	v25 =	vperm.xlane v17, v4;
	v19 =	vadd.s32 v2, v19;
	_ =	sdelay $0x1  }
0x1a6: {  	v26 =	vperm.xlane v17, v5;
	v20 =	vadd.s32 v2, v25  }
0x1a7: {  	[tilespmem:s21], [sflag:$0x1] =	stream.indirect_vreg.gather [hbm4b:s4+s2], $0x80, v18, vm0, $0x38;
	[tilespmem:$0x18900] =	vst v63  }
0x1a8: {  	s22 =	simm.s32 $0x900;
	v27 =	vperm.xlane v17, v6;
	v18 =	vadd.s32 v2, v26  }
0x1a9: {  	[tilespmem:s22], [sflag:$0x1] =	stream.indirect_vreg.gather [hbm4b:s4+s2], $0x80, v19, vm0, $0x38;
	[tilespmem:$0x18900] =	vst v63  }
0x1aa: {  	v28 =	vperm.xlane v17, v7;
	v19 =	vadd.s32 v2, v27;
	s22 =	simm.s32 $0x1100  }
0x1ab: {  	[tilespmem:s22], [sflag:$0x1] =	stream.indirect_vreg.gather [hbm4b:s4+s2], $0x80, v20, vm0, $0x38;
	[tilespmem:$0x18900] =	vst v63  }
0x1ac: {  	s9 =	simm.s32 $0x1900;
	v30 =	vperm.xlane v17, v8;
	v29 =	vadd.s32 v2, v28  }
0x1ad: {  	[tilespmem:s9], [sflag:$0x1] =	stream.indirect_vreg.gather [hbm4b:s4+s2], $0x80, v18, vm0, $0x38;
	[tilespmem:$0x18900] =	vst v63  }
0x1ae: {  	s11 =	simm.s32 $0x2100;
	v31 =	vperm.xlane v17, v9;
	v18 =	vadd.s32 v2, v30  }
0x1af: {  	[tilespmem:s11], [sflag:$0x1] =	stream.indirect_vreg.gather [hbm4b:s4+s2], $0x80, v19, vm0, $0x38;
	[tilespmem:$0x18900] =	vst v63  }
0x1b0: {  	s12 =	simm.s32 $0x2900;
	v32 =	vperm.xlane v17, v10;
	v19 =	vadd.s32 v2, v31  }
0x1b1: {  	[tilespmem:s12], [sflag:$0x1] =	stream.indirect_vreg.gather [hbm4b:s4+s2], $0x80, v29, vm0, $0x38;
	[tilespmem:$0x18900] =	vst v63  }
0x1b2: {  	s25 =	simm.s32 $0x3100;
	v34 =	vperm.xlane v17, v11;
	v33 =	vadd.s32 v2, v32  }
0x1b3: {  	[tilespmem:s25], [sflag:$0x1] =	stream.indirect_vreg.gather [hbm4b:s4+s2], $0x80, v18, vm0, $0x38;
	[tilespmem:$0x18900] =	vst v63  }
0x1b4: {  	s15 =	simm.s32 $0x3900;
	v35 =	vperm.xlane v17, v12;
	v18 =	vadd.s32 v2, v34  }
0x1b5: {  	[tilespmem:s15], [sflag:$0x1] =	stream.indirect_vreg.gather [hbm4b:s4+s2], $0x80, v19, vm0, $0x38;
	[tilespmem:$0x18900] =	vst v63  }
0x1b6: {  	s16 =	simm.s32 $0x4100;
	v36 =	vperm.xlane v17, v13;
	v19 =	vadd.s32 v2, v35  }
0x1b7: {  	[tilespmem:s16], [sflag:$0x1] =	stream.indirect_vreg.gather [hbm4b:s4+s2], $0x80, v33, vm0, $0x38;
	[tilespmem:$0x18900] =	vst v63  }
0x1b8: {  	s17 =	simm.s32 $0x4900;
	v38 =	vperm.xlane v17, v14;
	v37 =	vadd.s32 v2, v36  }
0x1b9: {  	[tilespmem:s17], [sflag:$0x1] =	stream.indirect_vreg.gather [hbm4b:s4+s2], $0x80, v18, vm0, $0x38;
	[tilespmem:$0x18900] =	vst v63  }
0x1ba: {  	s18 =	simm.s32 $0x5100;
	v39 =	vperm.xlane v17, v0;
	v18 =	vadd.s32 v2, v38  }
0x1bb: {  	[tilespmem:s18], [sflag:$0x1] =	stream.indirect_vreg.gather [hbm4b:s4+s2], $0x80, v19, vm0, $0x38;
	[tilespmem:$0x18900] =	vst v63  }
0x1bc: {  	s19 =	simm.s32 $0x5900;
	v40 =	vperm.xlane v17, v15;
	v19 =	vadd.s32 v2, v39  }
0x1bd: {  	[tilespmem:s19], [sflag:$0x1] =	stream.indirect_vreg.gather [hbm4b:s4+s2], $0x80, v37, vm0, $0x38;
	[tilespmem:$0x18900] =	vst v63  }
0x1be: {  	s20 =	simm.s32 $0x6100;
	v17 =	vperm.xlane v17, v16;
	v41 =	vadd.s32 v2, v40  }
0x1bf: {  	[tilespmem:s20], [sflag:$0x1] =	stream.indirect_vreg.gather [hbm4b:s4+s2], $0x80, v18, vm0, $0x38;
	[tilespmem:$0x18900] =	vst v63  }
0x1c0: {  	s14 =	simm.s32 $0x6900;
	v17 =	vadd.s32 v2, v17  }
0x1c1: {  	[tilespmem:s14], [sflag:$0x1] =	stream.indirect_vreg.gather [hbm4b:s4+s2], $0x80, v19, vm0, $0x38;
	[tilespmem:$0x18900] =	vst v63  }
0x1c2: {  	s10 =	simm.s32 $0x7100  }
0x1c3: {  	[tilespmem:s10], [sflag:$0x1] =	stream.indirect_vreg.gather [hbm4b:s4+s2], $0x80, v41, vm0, $0x38;
	[tilespmem:$0x18900] =	vst v63  }
0x1c4: {  	s21 =	simm.s32 $0x7900  }
0x1c5: {  	[tilespmem:s21], [sflag:$0x1] =	stream.indirect_vreg.gather [hbm4b:s4+s2], $0x80, v17, vm0, $0x38;
	[tilespmem:$0x18900] =	vst v63  }
0x1c6: {  	_ =	swait.ge [sflag:s13], $0x8000  }
0x1c7: {  	[sflag:s13] =	ssyncset.done $0x0  }
0x1c8: {  	s8 =	simm.s32 $0x8100;
	s24 =	rddreg [dreg:$0xb];
	[sflag:s13] =	ssyncadd.s32 $0xFFFF8000  }
0x1c9: {  	[hbm4b:s24+s6] =	stream.strided.scatter [tilespmem:s8], [sflag:$0x5], $0x8000, s7, s6, $0x38;
	[tilespmem:$0x18900] =	vst v63  }
0x1ca: {  	_ =	swait.ge [sflag:s26], $0x8000  }
0x1cb: {  	[sflag:s26] =	ssyncset.done $0x0  }
0x1cc: {  	[sflag:s26] =	ssyncadd.s32 $0xFFFF8000  }
0x1cd: {  	v17 =	vld [tilespmem:$0xA0];
	_ =	sdelay $0x4  }
0x1ce: {  	v17 =	vshll.u32 v17, $0xD  }
0x1cf: {  	v18 =	vperm.xlane v17, v1;
	_ =	sdelay $0x1  }
0x1d0: {  	v19 =	vperm.xlane v17, v3;
	v18 =	vadd.s32 v2, v18;
	_ =	sdelay $0x1  }
0x1d1: {  	v42 =	vperm.xlane v17, v4;
	v19 =	vadd.s32 v2, v19;
	_ =	sdelay $0x1  }
0x1d2: {  	v43 =	vperm.xlane v17, v5;
	v20 =	vadd.s32 v2, v42  }
0x1d3: {  	[tilespmem:s8], [sflag:$0x2] =	stream.indirect_vreg.gather [hbm4b:s4+s2], $0x80, v18, vm0, $0x38;
	[tilespmem:$0x18900] =	vst v63  }
0x1d4: {  	v44 =	vperm.xlane v17, v6;
	v18 =	vadd.s32 v2, v43;
	s8 =	simm.s32 $0x8900  }
0x1d5: {  	[tilespmem:s8], [sflag:$0x2] =	stream.indirect_vreg.gather [hbm4b:s4+s2], $0x80, v19, vm0, $0x38;
	[tilespmem:$0x18900] =	vst v63  }
0x1d6: {  	s24 =	simm.s32 $0x9100;
	v45 =	vperm.xlane v17, v7;
	v19 =	vadd.s32 v2, v44  }
0x1d7: {  	[tilespmem:s24], [sflag:$0x2] =	stream.indirect_vreg.gather [hbm4b:s4+s2], $0x80, v20, vm0, $0x38;
	[tilespmem:$0x18900] =	vst v63  }
0x1d8: {  	s30 =	simm.s32 $0x9900;
	v47 =	vperm.xlane v17, v8;
	v46 =	vadd.s32 v2, v45  }
0x1d9: {  	[tilespmem:s30], [sflag:$0x2] =	stream.indirect_vreg.gather [hbm4b:s4+s2], $0x80, v18, vm0, $0x38;
	[tilespmem:$0x18900] =	vst v63  }
0x1da: {  	v48 =	vperm.xlane v17, v9;
	s24 =	simm.s32 $0xA100;
	v18 =	vadd.s32 v2, v47  }
0x1db: {  	[tilespmem:s24], [sflag:$0x2] =	stream.indirect_vreg.gather [hbm4b:s4+s2], $0x80, v19, vm0, $0x38;
	[tilespmem:$0x18900] =	vst v63  }
0x1dc: {  	v49 =	vperm.xlane v17, v10;
	v19 =	vadd.s32 v2, v48  }
0x1dd: {  	[tilespmem:s31], [sflag:$0x2] =	stream.indirect_vreg.gather [hbm4b:s4+s2], $0x80, v46, vm0, $0x38;
	[tilespmem:$0x18900] =	vst v63  }
0x1de: {  	v51 =	vperm.xlane v17, v11;
	v50 =	vadd.s32 v2, v49;
	s30 =	simm.s32 $0xB100  }
0x1df: {  	[tilespmem:s30], [sflag:$0x2] =	stream.indirect_vreg.gather [hbm4b:s4+s2], $0x80, v18, vm0, $0x38;
	[tilespmem:$0x18900] =	vst v63  }
0x1e0: {  	v52 =	vperm.xlane v17, v12;
	s24 =	simm.s32 $0xB900;
	v18 =	vadd.s32 v2, v51  }
0x1e1: {  	[tilespmem:s24], [sflag:$0x2] =	stream.indirect_vreg.gather [hbm4b:s4+s2], $0x80, v19, vm0, $0x38;
	[tilespmem:$0x18900] =	vst v63  }
0x1e2: {  	v53 =	vperm.xlane v17, v13;
	s30 =	simm.s32 $0xC100;
	v19 =	vadd.s32 v2, v52  }
0x1e3: {  	[tilespmem:s30], [sflag:$0x2] =	stream.indirect_vreg.gather [hbm4b:s4+s2], $0x80, v50, vm0, $0x38;
	[tilespmem:$0x18900] =	vst v63  }
0x1e4: {  	v55 =	vperm.xlane v17, v14;
	v54 =	vadd.s32 v2, v53;
	s24 =	simm.s32 $0xC900  }
0x1e5: {  	[tilespmem:s24], [sflag:$0x2] =	stream.indirect_vreg.gather [hbm4b:s4+s2], $0x80, v18, vm0, $0x38;
	[tilespmem:$0x18900] =	vst v63  }
0x1e6: {  	v56 =	vperm.xlane v17, v0;
	s30 =	simm.s32 $0xD100;
	v18 =	vadd.s32 v2, v55  }
0x1e7: {  	[tilespmem:s30], [sflag:$0x2] =	stream.indirect_vreg.gather [hbm4b:s4+s2], $0x80, v19, vm0, $0x38;
	[tilespmem:$0x18900] =	vst v63  }
0x1e8: {  	v57 =	vperm.xlane v17, v15;
	s24 =	simm.s32 $0xD900;
	v19 =	vadd.s32 v2, v56  }
0x1e9: {  	[tilespmem:s24], [sflag:$0x2] =	stream.indirect_vreg.gather [hbm4b:s4+s2], $0x80, v54, vm0, $0x38;
	[tilespmem:$0x18900] =	vst v63  }
0x1ea: {  	v17 =	vperm.xlane v17, v16;
	v58 =	vadd.s32 v2, v57;
	s30 =	simm.s32 $0xE100  }
0x1eb: {  	[tilespmem:s30], [sflag:$0x2] =	stream.indirect_vreg.gather [hbm4b:s4+s2], $0x80, v18, vm0, $0x38;
	[tilespmem:$0x18900] =	vst v63  }
0x1ec: {  	v17 =	vadd.s32 v2, v17;
	s8 =	simm.s32 $0xE900  }
0x1ed: {  	[tilespmem:s8], [sflag:$0x2] =	stream.indirect_vreg.gather [hbm4b:s4+s2], $0x80, v19, vm0, $0x38;
	[tilespmem:$0x18900] =	vst v63  }
0x1ee: {  	s24 =	simm.s32 $0xF100  }
0x1ef: {  	[tilespmem:s24], [sflag:$0x2] =	stream.indirect_vreg.gather [hbm4b:s4+s2], $0x80, v58, vm0, $0x38;
	[tilespmem:$0x18900] =	vst v63  }
0x1f0: {  	s30 =	simm.s32 $0xF900  }
0x1f1: {  	[tilespmem:s30], [sflag:$0x2] =	stream.indirect_vreg.gather [hbm4b:s4+s2], $0x80, v17, vm0, $0x38;
	[tilespmem:$0x18900] =	vst v63  }
0x1f2: {  	_ =	swait.ge [sflag:s28], $0x8000  }
0x1f3: {  	[sflag:s28] =	ssyncset.done $0x0  }
0x1f4: {  	s0 =	simm.s32 $0x10100;
	s24 =	rddreg [dreg:$0xc];
	[sflag:s28] =	ssyncadd.s32 $0xFFFF8000  }
0x1f5: {  	[hbm4b:s24+s6] =	stream.strided.scatter [tilespmem:s0], [sflag:$0x6], $0x8000, s7, s6, $0x38;
	[tilespmem:$0x18900] =	vst v63  }
0x1f6: {  	_ =	swait.ge [sflag:s29], $0x8000  }
0x1f7: {  	[sflag:s29] =	ssyncset.done $0x0  }
0x1f8: {  	[sflag:s29] =	ssyncadd.s32 $0xFFFF8000  }
0x1f9: {  	v17 =	vld [tilespmem:$0xB0];
	_ =	sdelay $0x4  }
0x1fa: {  	v17 =	vshll.u32 v17, $0xD  }
0x1fb: {  	v18 =	vperm.xlane v17, v1;
	_ =	sdelay $0x1  }
0x1fc: {  	v19 =	vperm.xlane v17, v3;
	v18 =	vadd.s32 v2, v18;
	_ =	sdelay $0x1  }
0x1fd: {  	v59 =	vperm.xlane v17, v4;
	v19 =	vadd.s32 v2, v19;
	_ =	sdelay $0x1  }
0x1fe: {  	v60 =	vperm.xlane v17, v5;
	v20 =	vadd.s32 v2, v59  }
0x1ff: {  	[tilespmem:s0], [sflag:$0x3] =	stream.indirect_vreg.gather [hbm4b:s4+s2], $0x80, v18, vm0, $0x38;
	[tilespmem:$0x18900] =	vst v63  }
0x200: {  	s24 =	simm.s32 $0x10900;
	v61 =	vperm.xlane v17, v6;
	v18 =	vadd.s32 v2, v60  }
0x201: {  	[tilespmem:s24], [sflag:$0x3] =	stream.indirect_vreg.gather [hbm4b:s4+s2], $0x80, v19, vm0, $0x38;
	[tilespmem:$0x18900] =	vst v63  }
0x202: {  	s8 =	simm.s32 $0x11100;
	v62 =	vperm.xlane v17, v7;
	v19 =	vadd.s32 v2, v61  }
0x203: {  	[tilespmem:s8], [sflag:$0x3] =	stream.indirect_vreg.gather [hbm4b:s4+s2], $0x80, v20, vm0, $0x38;
	[tilespmem:$0x18900] =	vst v63  }
0x204: {  	s30 =	simm.s32 $0x11900;
	v24 =	vperm.xlane v17, v8;
	v63 =	vadd.s32 v2, v62  }
0x205: {  	[tilespmem:s30], [sflag:$0x3] =	stream.indirect_vreg.gather [hbm4b:s4+s2], $0x80, v18, vm0, $0x38;
	[tilespmem:$0x18900] =	vst v63  }
0x206: {  	v25 =	vperm.xlane v17, v9;
	s8 =	simm.s32 $0x12100;
	v18 =	vadd.s32 v2, v24  }
0x207: {  	[tilespmem:s8], [sflag:$0x3] =	stream.indirect_vreg.gather [hbm4b:s4+s2], $0x80, v19, vm0, $0x38;
	[tilespmem:$0x18900] =	vst v63  }
0x208: {  	v26 =	vperm.xlane v17, v10;
	s30 =	simm.s32 $0x12900;
	v19 =	vadd.s32 v2, v25  }
0x209: {  	[tilespmem:s30], [sflag:$0x3] =	stream.indirect_vreg.gather [hbm4b:s4+s2], $0x80, v63, vm0, $0x38;
	[tilespmem:$0x18900] =	vst v63  }
0x20a: {  	v28 =	vperm.xlane v17, v11;
	v27 =	vadd.s32 v2, v26;
	s8 =	simm.s32 $0x13100  }
0x20b: {  	[tilespmem:s8], [sflag:$0x3] =	stream.indirect_vreg.gather [hbm4b:s4+s2], $0x80, v18, vm0, $0x38;
	[tilespmem:$0x18900] =	vst v63  }
0x20c: {  	v29 =	vperm.xlane v17, v12;
	s30 =	simm.s32 $0x13900;
	v18 =	vadd.s32 v2, v28  }
0x20d: {  	[tilespmem:s30], [sflag:$0x3] =	stream.indirect_vreg.gather [hbm4b:s4+s2], $0x80, v19, vm0, $0x38;
	[tilespmem:$0x18900] =	vst v63  }
0x20e: {  	v30 =	vperm.xlane v17, v13;
	s8 =	simm.s32 $0x14100;
	v19 =	vadd.s32 v2, v29  }
0x20f: {  	[tilespmem:s8], [sflag:$0x3] =	stream.indirect_vreg.gather [hbm4b:s4+s2], $0x80, v27, vm0, $0x38;
	[tilespmem:$0x18900] =	vst v63  }
0x210: {  	s23 =	simm.s32 $0x14900;
	v32 =	vperm.xlane v17, v14;
	v31 =	vadd.s32 v2, v30  }
0x211: {  	[tilespmem:s23], [sflag:$0x3] =	stream.indirect_vreg.gather [hbm4b:s4+s2], $0x80, v18, vm0, $0x38;
	[tilespmem:$0x18900] =	vst v63  }
0x212: {  	v33 =	vperm.xlane v17, v0;
	s30 =	simm.s32 $0x15100;
	v18 =	vadd.s32 v2, v32  }
0x213: {  	[tilespmem:s30], [sflag:$0x3] =	stream.indirect_vreg.gather [hbm4b:s4+s2], $0x80, v19, vm0, $0x38;
	[tilespmem:$0x18900] =	vst v63  }
0x214: {  	v34 =	vperm.xlane v17, v15;
	s8 =	simm.s32 $0x15900;
	v19 =	vadd.s32 v2, v33  }
0x215: {  	[tilespmem:s8], [sflag:$0x3] =	stream.indirect_vreg.gather [hbm4b:s4+s2], $0x80, v31, vm0, $0x38;
	[tilespmem:$0x18900] =	vst v63  }
0x216: {  	v17 =	vperm.xlane v17, v16;
	v35 =	vadd.s32 v2, v34;
	s23 =	simm.s32 $0x16100  }
0x217: {  	[tilespmem:s23], [sflag:$0x3] =	stream.indirect_vreg.gather [hbm4b:s4+s2], $0x80, v18, vm0, $0x38;
	[tilespmem:$0x18900] =	vst v63  }
0x218: {  	v17 =	vadd.s32 v2, v17;
	s8 =	simm.s32 $0x16900  }
0x219: {  	[tilespmem:s8], [sflag:$0x3] =	stream.indirect_vreg.gather [hbm4b:s4+s2], $0x80, v19, vm0, $0x38;
	[tilespmem:$0x18900] =	vst v63  }
0x21a: {  	s23 =	simm.s32 $0x17100  }
0x21b: {  	[tilespmem:s23], [sflag:$0x3] =	stream.indirect_vreg.gather [hbm4b:s4+s2], $0x80, v35, vm0, $0x38;
	[tilespmem:$0x18900] =	vst v63  }
0x21c: {  	s30 =	simm.s32 $0x17900  }
0x21d: {  	[tilespmem:s30], [sflag:$0x3] =	stream.indirect_vreg.gather [hbm4b:s4+s2], $0x80, v17, vm0, $0x38;
	[tilespmem:$0x18900] =	vst v63  }
0x21e: {  	_ =	swait.ge [sflag:s1], $0x8000  }
0x21f: {  	[sflag:s1] =	ssyncset.done $0x0  }
0x220: {  	s5 =	simm.s32 $0x100;
	s0 =	rddreg [dreg:$0xd];
	[sflag:s1] =	ssyncadd.s32 $0xFFFF8000  }
0x221: {  	[hbm4b:s0+s6] =	stream.strided.scatter [tilespmem:s5], [sflag:$0x4], $0x8000, s7, s6, $0x38;
	[tilespmem:$0x18900] =	vst v63  }
0x222: {  	_ =	swait.ge [sflag:s3], $0x8000  }
0x223: {  	[sflag:s3] =	ssyncset.done $0x0  }
0x224: {  	[sflag:s3] =	ssyncadd.s32 $0xFFFF8000  }
0x225: {  	v17 =	vld [tilespmem:$0xC0];
	_ =	sdelay $0x4  }
0x226: {  	v17 =	vshll.u32 v17, $0xD  }
0x227: {  	v18 =	vperm.xlane v17, v1;
	_ =	sdelay $0x1  }
0x228: {  	v19 =	vperm.xlane v17, v3;
	v18 =	vadd.s32 v2, v18;
	_ =	sdelay $0x1  }
0x229: {  	v36 =	vperm.xlane v17, v4;
	v19 =	vadd.s32 v2, v19;
	_ =	sdelay $0x1  }
0x22a: {  	v37 =	vperm.xlane v17, v5;
	v20 =	vadd.s32 v2, v36  }
0x22b: {  	[tilespmem:s5], [sflag:$0x1] =	stream.indirect_vreg.gather [hbm4b:s4+s2], $0x80, v18, vm0, $0x38;
	[tilespmem:$0x18900] =	vst v63  }
0x22c: {  	v38 =	vperm.xlane v17, v6;
	v18 =	vadd.s32 v2, v37;
	s5 =	simm.s32 $0x900  }
0x22d: {  	[tilespmem:s5], [sflag:$0x1] =	stream.indirect_vreg.gather [hbm4b:s4+s2], $0x80, v19, vm0, $0x38;
	[tilespmem:$0x18900] =	vst v63  }
0x22e: {  	v39 =	vperm.xlane v17, v7;
	v19 =	vadd.s32 v2, v38  }
0x22f: {  	[tilespmem:s22], [sflag:$0x1] =	stream.indirect_vreg.gather [hbm4b:s4+s2], $0x80, v20, vm0, $0x38;
	[tilespmem:$0x18900] =	vst v63  }
0x230: {  	v41 =	vperm.xlane v17, v8;
	v40 =	vadd.s32 v2, v39  }
0x231: {  	[tilespmem:s9], [sflag:$0x1] =	stream.indirect_vreg.gather [hbm4b:s4+s2], $0x80, v18, vm0, $0x38;
	[tilespmem:$0x18900] =	vst v63  }
0x232: {  	v42 =	vperm.xlane v17, v9;
	v18 =	vadd.s32 v2, v41  }
0x233: {  	[tilespmem:s11], [sflag:$0x1] =	stream.indirect_vreg.gather [hbm4b:s4+s2], $0x80, v19, vm0, $0x38;
	[tilespmem:$0x18900] =	vst v63  }
0x234: {  	v43 =	vperm.xlane v17, v10;
	v19 =	vadd.s32 v2, v42  }
0x235: {  	[tilespmem:s12], [sflag:$0x1] =	stream.indirect_vreg.gather [hbm4b:s4+s2], $0x80, v40, vm0, $0x38;
	[tilespmem:$0x18900] =	vst v63  }
0x236: {  	v45 =	vperm.xlane v17, v11;
	v44 =	vadd.s32 v2, v43  }
0x237: {  	[tilespmem:s25], [sflag:$0x1] =	stream.indirect_vreg.gather [hbm4b:s4+s2], $0x80, v18, vm0, $0x38;
	[tilespmem:$0x18900] =	vst v63  }
0x238: {  	v46 =	vperm.xlane v17, v12;
	v18 =	vadd.s32 v2, v45  }
0x239: {  	[tilespmem:s15], [sflag:$0x1] =	stream.indirect_vreg.gather [hbm4b:s4+s2], $0x80, v19, vm0, $0x38;
	[tilespmem:$0x18900] =	vst v63  }
0x23a: {  	v47 =	vperm.xlane v17, v13;
	v19 =	vadd.s32 v2, v46  }
0x23b: {  	[tilespmem:s16], [sflag:$0x1] =	stream.indirect_vreg.gather [hbm4b:s4+s2], $0x80, v44, vm0, $0x38;
	[tilespmem:$0x18900] =	vst v63  }
0x23c: {  	v49 =	vperm.xlane v17, v14;
	v48 =	vadd.s32 v2, v47  }
0x23d: {  	[tilespmem:s17], [sflag:$0x1] =	stream.indirect_vreg.gather [hbm4b:s4+s2], $0x80, v18, vm0, $0x38;
	[tilespmem:$0x18900] =	vst v63  }
0x23e: {  	v50 =	vperm.xlane v17, v0;
	v18 =	vadd.s32 v2, v49  }
0x23f: {  	[tilespmem:s18], [sflag:$0x1] =	stream.indirect_vreg.gather [hbm4b:s4+s2], $0x80, v19, vm0, $0x38;
	[tilespmem:$0x18900] =	vst v63  }
0x240: {  	v51 =	vperm.xlane v17, v15;
	v19 =	vadd.s32 v2, v50  }
0x241: {  	[tilespmem:s19], [sflag:$0x1] =	stream.indirect_vreg.gather [hbm4b:s4+s2], $0x80, v48, vm0, $0x38;
	[tilespmem:$0x18900] =	vst v63  }
0x242: {  	v17 =	vperm.xlane v17, v16;
	v52 =	vadd.s32 v2, v51  }
0x243: {  	[tilespmem:s20], [sflag:$0x1] =	stream.indirect_vreg.gather [hbm4b:s4+s2], $0x80, v18, vm0, $0x38;
	[tilespmem:$0x18900] =	vst v63  }
0x244: {  	v17 =	vadd.s32 v2, v17  }
0x245: {  	[tilespmem:s14], [sflag:$0x1] =	stream.indirect_vreg.gather [hbm4b:s4+s2], $0x80, v19, vm0, $0x38;
	[tilespmem:$0x18900] =	vst v63  }
0x246: {  	_ = 	snop  }
0x247: {  	[tilespmem:s10], [sflag:$0x1] =	stream.indirect_vreg.gather [hbm4b:s4+s2], $0x80, v52, vm0, $0x38;
	[tilespmem:$0x18900] =	vst v63  }
0x248: {  	_ = 	snop  }
0x249: {  	[tilespmem:s21], [sflag:$0x1] =	stream.indirect_vreg.gather [hbm4b:s4+s2], $0x80, v17, vm0, $0x38;
	[tilespmem:$0x18900] =	vst v63  }
0x24a: {  	_ =	swait.ge [sflag:s13], $0x8000  }
0x24b: {  	[sflag:s13] =	ssyncset.done $0x0  }
0x24c: {  	s0 =	simm.s32 $0x8100;
	s25 =	rddreg [dreg:$0xe];
	[sflag:s13] =	ssyncadd.s32 $0xFFFF8000  }
0x24d: {  	[hbm4b:s25+s6] =	stream.strided.scatter [tilespmem:s0], [sflag:$0x5], $0x8000, s7, s6, $0x38;
	[tilespmem:$0x18900] =	vst v63  }
0x24e: {  	_ =	swait.ge [sflag:s26], $0x8000  }
0x24f: {  	[sflag:s26] =	ssyncset.done $0x0  }
0x250: {  	[sflag:s26] =	ssyncadd.s32 $0xFFFF8000  }
0x251: {  	v17 =	vld [tilespmem:$0xD0];
	_ =	sdelay $0x4  }
0x252: {  	v17 =	vshll.u32 v17, $0xD  }
0x253: {  	v18 =	vperm.xlane v17, v1;
	_ =	sdelay $0x1  }
0x254: {  	v19 =	vperm.xlane v17, v3;
	v18 =	vadd.s32 v2, v18;
	_ =	sdelay $0x1  }
0x255: {  	v53 =	vperm.xlane v17, v4;
	v19 =	vadd.s32 v2, v19;
	_ =	sdelay $0x1  }
0x256: {  	v54 =	vperm.xlane v17, v5;
	v20 =	vadd.s32 v2, v53  }
0x257: {  	[tilespmem:s0], [sflag:$0x2] =	stream.indirect_vreg.gather [hbm4b:s4+s2], $0x80, v18, vm0, $0x38;
	[tilespmem:$0x18900] =	vst v63  }
0x258: {  	s30 =	simm.s32 $0x8900;
	v55 =	vperm.xlane v17, v6;
	v18 =	vadd.s32 v2, v54  }
0x259: {  	[tilespmem:s30], [sflag:$0x2] =	stream.indirect_vreg.gather [hbm4b:s4+s2], $0x80, v19, vm0, $0x38;
	[tilespmem:$0x18900] =	vst v63  }
0x25a: {  	v56 =	vperm.xlane v17, v7;
	v19 =	vadd.s32 v2, v55;
	s30 =	simm.s32 $0x9100  }
0x25b: {  	[tilespmem:s30], [sflag:$0x2] =	stream.indirect_vreg.gather [hbm4b:s4+s2], $0x80, v20, vm0, $0x38;
	[tilespmem:$0x18900] =	vst v63  }
0x25c: {  	v58 =	vperm.xlane v17, v8;
	v57 =	vadd.s32 v2, v56;
	s30 =	simm.s32 $0x9900  }
0x25d: {  	[tilespmem:s30], [sflag:$0x2] =	stream.indirect_vreg.gather [hbm4b:s4+s2], $0x80, v18, vm0, $0x38;
	[tilespmem:$0x18900] =	vst v63  }
0x25e: {  	v59 =	vperm.xlane v17, v9;
	v18 =	vadd.s32 v2, v58;
	s30 =	simm.s32 $0xA100  }
0x25f: {  	[tilespmem:s30], [sflag:$0x2] =	stream.indirect_vreg.gather [hbm4b:s4+s2], $0x80, v19, vm0, $0x38;
	[tilespmem:$0x18900] =	vst v63  }
0x260: {  	s31 =	simm.s32 $0xA900;
	v60 =	vperm.xlane v17, v10;
	v19 =	vadd.s32 v2, v59  }
0x261: {  	[tilespmem:s31], [sflag:$0x2] =	stream.indirect_vreg.gather [hbm4b:s4+s2], $0x80, v57, vm0, $0x38;
	[tilespmem:$0x18900] =	vst v63  }
0x262: {  	v62 =	vperm.xlane v17, v11;
	v61 =	vadd.s32 v2, v60;
	s30 =	simm.s32 $0xB100  }
0x263: {  	[tilespmem:s30], [sflag:$0x2] =	stream.indirect_vreg.gather [hbm4b:s4+s2], $0x80, v18, vm0, $0x38;
	[tilespmem:$0x18900] =	vst v63  }
0x264: {  	v63 =	vperm.xlane v17, v12;
	s31 =	simm.s32 $0xB900;
	v18 =	vadd.s32 v2, v62  }
0x265: {  	[tilespmem:s31], [sflag:$0x2] =	stream.indirect_vreg.gather [hbm4b:s4+s2], $0x80, v19, vm0, $0x38;
	[tilespmem:$0x18900] =	vst v63  }
0x266: {  	v24 =	vperm.xlane v17, v13;
	s30 =	simm.s32 $0xC100;
	v19 =	vadd.s32 v2, v63  }
0x267: {  	[tilespmem:s30], [sflag:$0x2] =	stream.indirect_vreg.gather [hbm4b:s4+s2], $0x80, v61, vm0, $0x38;
	[tilespmem:$0x18900] =	vst v63  }
0x268: {  	v26 =	vperm.xlane v17, v14;
	v25 =	vadd.s32 v2, v24;
	s31 =	simm.s32 $0xC900  }
0x269: {  	[tilespmem:s31], [sflag:$0x2] =	stream.indirect_vreg.gather [hbm4b:s4+s2], $0x80, v18, vm0, $0x38;
	[tilespmem:$0x18900] =	vst v63  }
0x26a: {  	v27 =	vperm.xlane v17, v0;
	s30 =	simm.s32 $0xD100;
	v18 =	vadd.s32 v2, v26  }
0x26b: {  	[tilespmem:s30], [sflag:$0x2] =	stream.indirect_vreg.gather [hbm4b:s4+s2], $0x80, v19, vm0, $0x38;
	[tilespmem:$0x18900] =	vst v63  }
0x26c: {  	v28 =	vperm.xlane v17, v15;
	s31 =	simm.s32 $0xD900;
	v19 =	vadd.s32 v2, v27  }
0x26d: {  	[tilespmem:s31], [sflag:$0x2] =	stream.indirect_vreg.gather [hbm4b:s4+s2], $0x80, v25, vm0, $0x38;
	[tilespmem:$0x18900] =	vst v63  }
0x26e: {  	v17 =	vperm.xlane v17, v16;
	v29 =	vadd.s32 v2, v28;
	s30 =	simm.s32 $0xE100  }
0x26f: {  	[tilespmem:s30], [sflag:$0x2] =	stream.indirect_vreg.gather [hbm4b:s4+s2], $0x80, v18, vm0, $0x38;
	[tilespmem:$0x18900] =	vst v63  }
0x270: {  	v17 =	vadd.s32 v2, v17;
	s31 =	simm.s32 $0xE900  }
0x271: {  	[tilespmem:s31], [sflag:$0x2] =	stream.indirect_vreg.gather [hbm4b:s4+s2], $0x80, v19, vm0, $0x38;
	[tilespmem:$0x18900] =	vst v63  }
0x272: {  	s30 =	simm.s32 $0xF100  }
0x273: {  	[tilespmem:s30], [sflag:$0x2] =	stream.indirect_vreg.gather [hbm4b:s4+s2], $0x80, v29, vm0, $0x38;
	[tilespmem:$0x18900] =	vst v63  }
0x274: {  	s31 =	simm.s32 $0xF900  }
0x275: {  	[tilespmem:s31], [sflag:$0x2] =	stream.indirect_vreg.gather [hbm4b:s4+s2], $0x80, v17, vm0, $0x38;
	[tilespmem:$0x18900] =	vst v63  }
0x276: {  	_ =	swait.ge [sflag:s28], $0x8000  }
0x277: {  	[sflag:s28] =	ssyncset.done $0x0  }
0x278: {  	s31 =	simm.s32 $0x10100;
	s0 =	rddreg [dreg:$0xf];
	[sflag:s28] =	ssyncadd.s32 $0xFFFF8000  }
0x279: {  	[hbm4b:s0+s6] =	stream.strided.scatter [tilespmem:s31], [sflag:$0x6], $0x8000, s7, s6, $0x38;
	[tilespmem:$0x18900] =	vst v63  }
0x27a: {  	_ =	swait.ge [sflag:s29], $0x8000  }
0x27b: {  	[sflag:s29] =	ssyncset.done $0x0  }
0x27c: {  	[sflag:s29] =	ssyncadd.s32 $0xFFFF8000  }
0x27d: {  	v17 =	vld [tilespmem:$0xE0];
	_ =	sdelay $0x4  }
0x27e: {  	v17 =	vshll.u32 v17, $0xD  }
0x27f: {  	v18 =	vperm.xlane v17, v1;
	_ =	sdelay $0x1  }
0x280: {  	v19 =	vperm.xlane v17, v3;
	v18 =	vadd.s32 v2, v18;
	_ =	sdelay $0x1  }
0x281: {  	v30 =	vperm.xlane v17, v4;
	v19 =	vadd.s32 v2, v19;
	_ =	sdelay $0x1  }
0x282: {  	v31 =	vperm.xlane v17, v5;
	v20 =	vadd.s32 v2, v30  }
0x283: {  	[tilespmem:s31], [sflag:$0x3] =	stream.indirect_vreg.gather [hbm4b:s4+s2], $0x80, v18, vm0, $0x38;
	[tilespmem:$0x18900] =	vst v63  }
0x284: {  	v32 =	vperm.xlane v17, v6;
	v18 =	vadd.s32 v2, v31  }
0x285: {  	[tilespmem:s24], [sflag:$0x3] =	stream.indirect_vreg.gather [hbm4b:s4+s2], $0x80, v19, vm0, $0x38;
	[tilespmem:$0x18900] =	vst v63  }
0x286: {  	s30 =	simm.s32 $0x11100;
	v33 =	vperm.xlane v17, v7;
	v19 =	vadd.s32 v2, v32  }
0x287: {  	[tilespmem:s30], [sflag:$0x3] =	stream.indirect_vreg.gather [hbm4b:s4+s2], $0x80, v20, vm0, $0x38;
	[tilespmem:$0x18900] =	vst v63  }
0x288: {  	v35 =	vperm.xlane v17, v8;
	v34 =	vadd.s32 v2, v33;
	s31 =	simm.s32 $0x11900  }
0x289: {  	[tilespmem:s31], [sflag:$0x3] =	stream.indirect_vreg.gather [hbm4b:s4+s2], $0x80, v18, vm0, $0x38;
	[tilespmem:$0x18900] =	vst v63  }
0x28a: {  	v36 =	vperm.xlane v17, v9;
	s30 =	simm.s32 $0x12100;
	v18 =	vadd.s32 v2, v35  }
0x28b: {  	[tilespmem:s30], [sflag:$0x3] =	stream.indirect_vreg.gather [hbm4b:s4+s2], $0x80, v19, vm0, $0x38;
	[tilespmem:$0x18900] =	vst v63  }
0x28c: {  	v37 =	vperm.xlane v17, v10;
	s31 =	simm.s32 $0x12900;
	v19 =	vadd.s32 v2, v36  }
0x28d: {  	[tilespmem:s31], [sflag:$0x3] =	stream.indirect_vreg.gather [hbm4b:s4+s2], $0x80, v34, vm0, $0x38;
	[tilespmem:$0x18900] =	vst v63  }
0x28e: {  	v39 =	vperm.xlane v17, v11;
	v38 =	vadd.s32 v2, v37;
	s30 =	simm.s32 $0x13100  }
0x28f: {  	[tilespmem:s30], [sflag:$0x3] =	stream.indirect_vreg.gather [hbm4b:s4+s2], $0x80, v18, vm0, $0x38;
	[tilespmem:$0x18900] =	vst v63  }
0x290: {  	v40 =	vperm.xlane v17, v12;
	s31 =	simm.s32 $0x13900;
	v18 =	vadd.s32 v2, v39  }
0x291: {  	[tilespmem:s31], [sflag:$0x3] =	stream.indirect_vreg.gather [hbm4b:s4+s2], $0x80, v19, vm0, $0x38;
	[tilespmem:$0x18900] =	vst v63  }
0x292: {  	v41 =	vperm.xlane v17, v13;
	s30 =	simm.s32 $0x14100;
	v19 =	vadd.s32 v2, v40  }
0x293: {  	[tilespmem:s30], [sflag:$0x3] =	stream.indirect_vreg.gather [hbm4b:s4+s2], $0x80, v38, vm0, $0x38;
	[tilespmem:$0x18900] =	vst v63  }
0x294: {  	v43 =	vperm.xlane v17, v14;
	v42 =	vadd.s32 v2, v41;
	s31 =	simm.s32 $0x14900  }
0x295: {  	[tilespmem:s31], [sflag:$0x3] =	stream.indirect_vreg.gather [hbm4b:s4+s2], $0x80, v18, vm0, $0x38;
	[tilespmem:$0x18900] =	vst v63  }
0x296: {  	v44 =	vperm.xlane v17, v0;
	s30 =	simm.s32 $0x15100;
	v18 =	vadd.s32 v2, v43  }
0x297: {  	[tilespmem:s30], [sflag:$0x3] =	stream.indirect_vreg.gather [hbm4b:s4+s2], $0x80, v19, vm0, $0x38;
	[tilespmem:$0x18900] =	vst v63  }
0x298: {  	v45 =	vperm.xlane v17, v15;
	s31 =	simm.s32 $0x15900;
	v19 =	vadd.s32 v2, v44  }
0x299: {  	[tilespmem:s31], [sflag:$0x3] =	stream.indirect_vreg.gather [hbm4b:s4+s2], $0x80, v42, vm0, $0x38;
	[tilespmem:$0x18900] =	vst v63  }
0x29a: {  	v17 =	vperm.xlane v17, v16;
	v46 =	vadd.s32 v2, v45;
	s30 =	simm.s32 $0x16100  }
0x29b: {  	[tilespmem:s30], [sflag:$0x3] =	stream.indirect_vreg.gather [hbm4b:s4+s2], $0x80, v18, vm0, $0x38;
	[tilespmem:$0x18900] =	vst v63  }
0x29c: {  	v17 =	vadd.s32 v2, v17  }
0x29d: {  	[tilespmem:s8], [sflag:$0x3] =	stream.indirect_vreg.gather [hbm4b:s4+s2], $0x80, v19, vm0, $0x38;
	[tilespmem:$0x18900] =	vst v63  }
0x29e: {  	_ = 	snop  }
0x29f: {  	[tilespmem:s23], [sflag:$0x3] =	stream.indirect_vreg.gather [hbm4b:s4+s2], $0x80, v46, vm0, $0x38;
	[tilespmem:$0x18900] =	vst v63  }
0x2a0: {  	s31 =	simm.s32 $0x17900  }
0x2a1: {  	[tilespmem:s31], [sflag:$0x3] =	stream.indirect_vreg.gather [hbm4b:s4+s2], $0x80, v17, vm0, $0x38;
	[tilespmem:$0x18900] =	vst v63  }
0x2a2: {  	_ =	swait.ge [sflag:s1], $0x8000  }
0x2a3: {  	[sflag:s1] =	ssyncset.done $0x0  }
0x2a4: {  	s24 =	simm.s32 $0x100;
	s23 =	rddreg [dreg:$0x10];
	[sflag:s1] =	ssyncadd.s32 $0xFFFF8000  }
0x2a5: {  	[hbm4b:s23+s6] =	stream.strided.scatter [tilespmem:s24], [sflag:$0x4], $0x8000, s7, s6, $0x38;
	[tilespmem:$0x18900] =	vst v63  }
0x2a6: {  	_ =	swait.ge [sflag:s3], $0x8000  }
0x2a7: {  	[sflag:s3] =	ssyncset.done $0x0  }
0x2a8: {  	[sflag:s3] =	ssyncadd.s32 $0xFFFF8000  }
0x2a9: {  	v17 =	vld [tilespmem:$0xF0];
	_ =	sdelay $0x4  }
0x2aa: {  	v17 =	vshll.u32 v17, $0xD  }
0x2ab: {  	v18 =	vperm.xlane v17, v1;
	_ =	sdelay $0x1  }
0x2ac: {  	v19 =	vperm.xlane v17, v3;
	v18 =	vadd.s32 v2, v18;
	_ =	sdelay $0x1  }
0x2ad: {  	v47 =	vperm.xlane v17, v4;
	v19 =	vadd.s32 v2, v19;
	_ =	sdelay $0x1  }
0x2ae: {  	v48 =	vperm.xlane v17, v5;
	v20 =	vadd.s32 v2, v47  }
0x2af: {  	[tilespmem:s24], [sflag:$0x1] =	stream.indirect_vreg.gather [hbm4b:s4+s2], $0x80, v18, vm0, $0x38;
	[tilespmem:$0x18900] =	vst v63  }
0x2b0: {  	s5 =	simm.s32 $0x900;
	v49 =	vperm.xlane v17, v6;
	v18 =	vadd.s32 v2, v48  }
0x2b1: {  	[tilespmem:s5], [sflag:$0x1] =	stream.indirect_vreg.gather [hbm4b:s4+s2], $0x80, v19, vm0, $0x38;
	[tilespmem:$0x18900] =	vst v63  }
0x2b2: {  	s22 =	simm.s32 $0x1100;
	v50 =	vperm.xlane v17, v7;
	v19 =	vadd.s32 v2, v49  }
0x2b3: {  	[tilespmem:s22], [sflag:$0x1] =	stream.indirect_vreg.gather [hbm4b:s4+s2], $0x80, v20, vm0, $0x38;
	[tilespmem:$0x18900] =	vst v63  }
0x2b4: {  	s9 =	simm.s32 $0x1900;
	v52 =	vperm.xlane v17, v8;
	v51 =	vadd.s32 v2, v50  }
0x2b5: {  	[tilespmem:s9], [sflag:$0x1] =	stream.indirect_vreg.gather [hbm4b:s4+s2], $0x80, v18, vm0, $0x38;
	[tilespmem:$0x18900] =	vst v63  }
0x2b6: {  	s11 =	simm.s32 $0x2100;
	v53 =	vperm.xlane v17, v9;
	v18 =	vadd.s32 v2, v52  }
0x2b7: {  	[tilespmem:s11], [sflag:$0x1] =	stream.indirect_vreg.gather [hbm4b:s4+s2], $0x80, v19, vm0, $0x38;
	[tilespmem:$0x18900] =	vst v63  }
0x2b8: {  	s12 =	simm.s32 $0x2900;
	v54 =	vperm.xlane v17, v10;
	v19 =	vadd.s32 v2, v53  }
0x2b9: {  	[tilespmem:s12], [sflag:$0x1] =	stream.indirect_vreg.gather [hbm4b:s4+s2], $0x80, v51, vm0, $0x38;
	[tilespmem:$0x18900] =	vst v63  }
0x2ba: {  	v56 =	vperm.xlane v17, v11;
	v55 =	vadd.s32 v2, v54;
	s12 =	simm.s32 $0x3100  }
0x2bb: {  	[tilespmem:s12], [sflag:$0x1] =	stream.indirect_vreg.gather [hbm4b:s4+s2], $0x80, v18, vm0, $0x38;
	[tilespmem:$0x18900] =	vst v63  }
0x2bc: {  	s15 =	simm.s32 $0x3900;
	v57 =	vperm.xlane v17, v12;
	v18 =	vadd.s32 v2, v56  }
0x2bd: {  	[tilespmem:s15], [sflag:$0x1] =	stream.indirect_vreg.gather [hbm4b:s4+s2], $0x80, v19, vm0, $0x38;
	[tilespmem:$0x18900] =	vst v63  }
0x2be: {  	s16 =	simm.s32 $0x4100;
	v58 =	vperm.xlane v17, v13;
	v19 =	vadd.s32 v2, v57  }
0x2bf: {  	[tilespmem:s16], [sflag:$0x1] =	stream.indirect_vreg.gather [hbm4b:s4+s2], $0x80, v55, vm0, $0x38;
	[tilespmem:$0x18900] =	vst v63  }
0x2c0: {  	s17 =	simm.s32 $0x4900;
	v60 =	vperm.xlane v17, v14;
	v59 =	vadd.s32 v2, v58  }
0x2c1: {  	[tilespmem:s17], [sflag:$0x1] =	stream.indirect_vreg.gather [hbm4b:s4+s2], $0x80, v18, vm0, $0x38;
	[tilespmem:$0x18900] =	vst v63  }
0x2c2: {  	s18 =	simm.s32 $0x5100;
	v61 =	vperm.xlane v17, v0;
	v18 =	vadd.s32 v2, v60  }
0x2c3: {  	[tilespmem:s18], [sflag:$0x1] =	stream.indirect_vreg.gather [hbm4b:s4+s2], $0x80, v19, vm0, $0x38;
	[tilespmem:$0x18900] =	vst v63  }
0x2c4: {  	s19 =	simm.s32 $0x5900;
	v62 =	vperm.xlane v17, v15;
	v19 =	vadd.s32 v2, v61  }
0x2c5: {  	[tilespmem:s19], [sflag:$0x1] =	stream.indirect_vreg.gather [hbm4b:s4+s2], $0x80, v59, vm0, $0x38;
	[tilespmem:$0x18900] =	vst v63  }
0x2c6: {  	s20 =	simm.s32 $0x6100;
	v17 =	vperm.xlane v17, v16;
	v63 =	vadd.s32 v2, v62  }
0x2c7: {  	[tilespmem:s20], [sflag:$0x1] =	stream.indirect_vreg.gather [hbm4b:s4+s2], $0x80, v18, vm0, $0x38;
	[tilespmem:$0x18900] =	vst v63  }
0x2c8: {  	s14 =	simm.s32 $0x6900;
	v17 =	vadd.s32 v2, v17  }
0x2c9: {  	[tilespmem:s14], [sflag:$0x1] =	stream.indirect_vreg.gather [hbm4b:s4+s2], $0x80, v19, vm0, $0x38;
	[tilespmem:$0x18900] =	vst v63  }
0x2ca: {  	s10 =	simm.s32 $0x7100  }
0x2cb: {  	[tilespmem:s10], [sflag:$0x1] =	stream.indirect_vreg.gather [hbm4b:s4+s2], $0x80, v63, vm0, $0x38;
	[tilespmem:$0x18900] =	vst v63  }
0x2cc: {  	s21 =	simm.s32 $0x7900  }
0x2cd: {  	[tilespmem:s21], [sflag:$0x1] =	stream.indirect_vreg.gather [hbm4b:s4+s2], $0x80, v17, vm0, $0x38;
	[tilespmem:$0x18900] =	vst v63  }
0x2ce: {  	_ =	swait.ge [sflag:s13], $0x8000  }
0x2cf: {  	[sflag:s13] =	ssyncset.done $0x0  }
0x2d0: {  	s25 =	simm.s32 $0x8100;
	s22 =	rddreg [dreg:$0x11];
	[sflag:s13] =	ssyncadd.s32 $0xFFFF8000  }
0x2d1: {  	[hbm4b:s22+s6] =	stream.strided.scatter [tilespmem:s25], [sflag:$0x5], $0x8000, s7, s6, $0x38;
	[tilespmem:$0x18900] =	vst v63  }
0x2d2: {  	_ =	swait.ge [sflag:s28], $0x8000  }
0x2d3: {  	[sflag:s28] =	ssyncset.done $0x0  }
0x2d4: {  	s0 =	simm.s32 $0x10100;
	s23 =	rddreg [dreg:$0x12];
	[sflag:s28] =	ssyncadd.s32 $0xFFFF8000  }
0x2d5: {  	[hbm4b:s23+s6] =	stream.strided.scatter [tilespmem:s0], [sflag:$0x6], $0x8000, s7, s6, $0x38;
	[tilespmem:$0x18900] =	vst v63  }
0x2d6: {  	_ =	swait.ge [sflag:s1], $0x8000  }
0x2d7: {  	[sflag:s1] =	ssyncset.done $0x0  }
0x2d8: {  	s31 =	simm.s32 $0x100;
	s24 =	rddreg [dreg:$0x13];
	[sflag:s1] =	ssyncadd.s32 $0xFFFF8000  }
0x2d9: {  	[hbm4b:s24+s6] =	stream.strided.scatter [tilespmem:s31], [sflag:$0x4], $0x8000, s7, s6, $0x38;
	[tilespmem:$0x18900] =	vst v63  }
0x2da: {  	s25 =	rddreg [dreg:$0x17];
	_ =	swait.ge [sflag:s3], $0x8000  }
0x2db: {  	[sflag:s3] =	ssyncset.done $0x0  }
0x2dc: {  	[sflag:s3] =	ssyncadd.s32 $0xFFFF8000  }
0x2dd: {  	_ =	swait.ge [sflag:s26], $0x8000  }
0x2de: {  	[sflag:s26] =	ssyncset.done $0x0  }
0x2df: {  	[sflag:s26] =	ssyncadd.s32 $0xFFFF8000  }
0x2e0: {  	_ =	swait.ge [sflag:s29], $0x8000  }
0x2e1: {  	[sflag:s29] =	ssyncset.done $0x0  }
0x2e2: {  	s31 =	simm.s32 @!p0 $0x0;
	s30 =	rddreg [dreg:$0x14];
	[sflag:s29] =	ssyncadd.s32 $0xFFFF8000  }
0x2e3: {  	[tilespmem:s31], [sflag:$0x7] =	stream.linear.gather @!p0 [hbm4b:s30+s31], $0x8, $0x38;
	[tilespmem:$0x18900] =	vst v63  }
0x2e4: {  	s30 =	simm.s32 @!p0 $0x7  }
0x2e5: {  	_ =	swait.ge @!p0 [sflag:s30], $0x8  }
0x2e6: {  	[sflag:s30] =	ssyncset.done @!p0 $0x0  }
0x2e7: {  	[sflag:s30] =	ssyncadd.s32 @!p0 $0xFFFFFFF8  }
0x2e8: {  	v17 =	vld.msk @!p0 [tilespmem:$0x0], $0x1;
	_ =	sdelay $0x4  }
0x2e9: {  	v18 =	vimm.s32 @!p0 $0x0;
	v19 =	vlaneseq.u32 @!p0;
	v17 =	vshll.u32 @!p0 v17, $0xD  }
0x2ea: {  	v17 =	vperm.xlane @!p0 v17, v18;
	v18 =	vmul.u32 @!p0 $0x200, v19;
	_ =	sdelay $0x1  }
0x2eb: {  	v17 =	vadd.s32 @!p0 v18, v17;
	_ =	sdelay $0x3  }
0x2ec: {  	s10 =	simm.s32 @!p0 $0x18100  }
0x2ed: {  	[tilespmem:s10], [sflag:$0x1] =	stream.indirect_vreg.gather @!p0 [hbm4b:s4+s31], $0x80, v17, vm1, $0x38;
	[tilespmem:$0x18900] =	vst v63  }
0x2ee: {  	s31 =	simm.s32 @!p0 $0x1  }
0x2ef: {  	s12 =	simm.s32 @!p0 $0x200;
	s0 =	sadd.s32 $0xFFFFFFFF, s25;
	_ =	swait.ge @!p0 [sflag:s31], $0x800  }
0x2f0: {  	p1 =	sne.s32 s0, $0x0;
	s11 =	rddreg [dreg:$0x15];
	[sflag:s31] =	ssyncset.done @!p0 $0x0  }
.Ltmp0:
0x2f1: {  	[sflag:s31] =	ssyncadd.s32 @!p0 $0xFFFFF800;
	s31 =	simm.s32 @!p0 $0x80;
	(pc) =	sbr.rel @p1 .LBB2_1-.Ltmp0, $4  }
0x2f2: {  	[hbm4b:s11+s31] =	stream.strided.scatter @!p0 [tilespmem:s10], [sflag:$0x7], $0x800, s12, s31, $0x38;
	[tilespmem:$0x18900] =	vst v63  }
0x2f3: {  	_ =	swait.ge @!p0 [sflag:s30], $0x800  }
0x2f4: {  	[sflag:s30] =	ssyncset.done @!p0 $0x0  }
0x2f5: {  	[sflag:s30] =	ssyncadd.s32 @!p0 $0xFFFFF800  }
0x2f6: {  	_ =	sfence.sel $0x180000  }
0x2f7: {  	[bflag:$0x0] =	sbarrier.arrive $0xFFFF  }
0x2f8: {  	_ =	strace $0x90000047  }
0x2f9: {  	s0 =	stileid.u32;
	[bflag:$0x2] =	sbarrier.arrive $0xFFFF  }
0x2fa: {  	p0 =	sne.s32 s0, $0x0;
	s0 =	rddreg [dreg:$0x3]  }
0x2fb: {  	s0 =	sadd.s32 @!p0 $0x100000, s0  }
0x2fc: {  	[sflag:s0] =	ssyncadd.tile.s32 @!p0 $0x1;
	_ =	shalt  }
.Lfunc_end2:
_tile_overlayer_lowered:
.L_overlay_start_2:
0x2fd: {  	(tag) =	ssettag $0x2  }
0x2fe: {  	s0 =	rddreg [dreg:$0x0];
	s2 =	stileid.u32  }
0x2ff: {  	s1 =	rddreg [dreg:$0x1];
	p0 =	sne.s32 s2, $0x0  }
0x300: {  	s3 =	rddreg [dreg:$0x2];
	[bflag:$0x3] =	sbarrier.arrive $0xFFFF;
	s2 =	simm.s32 @!p0 $0x1C07  }
0x301: {  	[timem:s3], [sflag:s2] =	dma.local @!p0 [hbm:s0], s1  }
0x302: {  	s0 =	simm.s32 @!p0 $0x7  }
0x303: {  	_ =	swait.ge @!p0 [sflag:s0], s1  }
0x304: {  	s1 =	ssub.s32 @!p0 $0x0, s1;
	[sflag:s0] =	ssyncset.done @!p0 $0x0  }
0x305: {  	[sflag:s0] =	ssyncadd.s32 @!p0 s1  }
0x306: {  	[bflag:$0x3] =	sbarrier.arrive $0xFFFF  }
0x307: {  	_ =	shalt  }

</sc_bundles>
